<compile_context>
chip_gen: v7x
topology: tpu7x:2x2x1
jax: 0.10.2.dev20260603
libtpu: 0.0.44.dev20260713+nightly
codegen_flags: <defaults>
</compile_context>

<pallas_src>
import functools

import jax
import jax.numpy as jnp
from jax import lax
from jax.experimental import pallas as pl
from jax.experimental.pallas import tpu as pltpu
from jax.experimental.pallas import tpu_sc as plsc

B, L, D = 4096, 50, 64
N = B * L
NC, NS = 2, 16
NW = NC * NS
PER_W = N // NW
CHUNK = 400
NCHUNK = PER_W // CHUNK

_MESH = plsc.VectorSubcoreMesh(
    core_axis_name="c", subcore_axis_name="s", num_cores=NC, num_subcores=NS
)

_SCRATCH = (
    [pltpu.VMEM((CHUNK,), jnp.int32) for _ in range(NCHUNK)]
    + [
        pltpu.VMEM((2, CHUNK, D), jnp.float32),
        pltpu.VMEM((2, CHUNK, D), jnp.float32),
    ]
    + [pltpu.SemaphoreType.DMA for _ in range(10)]
)


@functools.partial(
    pl.kernel,
    out_type=jax.ShapeDtypeStruct((2 * N, D), jnp.float32),
    mesh=_MESH,
    scratch_types=_SCRATCH,
    compiler_params=pltpu.CompilerParams(use_tc_tiling_on_sc=False),
)
def _dual_gather(idx_hbm, itab_hbm, otab_hbm, out_hbm, *scratch):
    idx_v = scratch[:NCHUNK]
    rows_i, rows_o = scratch[NCHUNK], scratch[NCHUNK + 1]
    sem_idx = scratch[NCHUNK + 2]
    gi = scratch[NCHUNK + 3:NCHUNK + 5]
    go = scratch[NCHUNK + 5:NCHUNK + 7]
    wi = scratch[NCHUNK + 7:NCHUNK + 9]
    wo = scratch[NCHUNK + 9:NCHUNK + 11]
    wid = lax.axis_index("s") * NC + lax.axis_index("c")
    base = wid * PER_W
    row0 = wid * NCHUNK

    idx_cps = [
        pltpu.async_copy(idx_hbm.at[row0 + k], idx_v[k], sem_idx)
        for k in range(NCHUNK)
    ]
    for cp in idx_cps:
        cp.wait()

    gathers = {}
    writebacks = {}

    def start_gather(k, b):
        gathers[k] = (
            pltpu.async_copy(itab_hbm.at[idx_v[k]], rows_i.at[b], gi[b]),
            pltpu.async_copy(otab_hbm.at[idx_v[k]], rows_o.at[b], go[b]),
        )

    def start_writeback(k, b):
        off = base + k * CHUNK
        cp_i, cp_o = gathers[k]
        cp_i.wait()
        w_i = pltpu.async_copy(rows_i.at[b], out_hbm.at[pl.ds(off, CHUNK)],
                               wi[b])
        cp_o.wait()
        w_o = pltpu.async_copy(rows_o.at[b], out_hbm.at[pl.ds(N + off, CHUNK)],
                               wo[b])
        writebacks[k] = (w_i, w_o)

    def wait_writeback(k):
        w_i, w_o = writebacks[k]
        w_i.wait()
        w_o.wait()

    start_gather(0, 0)
    start_gather(1, 1)
    for k in range(NCHUNK):
        b = k % 2
        start_writeback(k, b)
        if k + 2 < NCHUNK:
            wait_writeback(k)
            start_gather(k + 2, b)
    wait_writeback(NCHUNK - 2)
    wait_writeback(NCHUNK - 1)


@jax.jit
def kernel(indices, ivectors, ovectors):
    idx2d = indices.reshape(NW * NCHUNK, CHUNK).astype(jnp.int32)
    out = _dual_gather(idx2d, ivectors, ovectors)
    return out.reshape(2, B, L, D)

# --- scband reference (transcript-rebuilt; emitter-appended) ---
"""Pipeline reference for scband-test-20959440404743 (READ-ONLY COPY).

The authoritative reference and input builder live on the scoring server;
editing this copy changes nothing except your own understanding.
"""

import jax, jax.numpy as jnp
import numpy as np

VOCAB = 1000000
DIM = 64
PAD_IDX = 0

def setup_inputs(seed: int = 0) -> dict:
    key = jax.random.key(seed)
    k1, k2, k3 = jax.random.split(key, 3)
    indices = jax.random.randint(k1, (4096, 50), 0, VOCAB)
    bound = 0.5 / DIM
    ivectors = jax.random.uniform(k2, (VOCAB, DIM), minval=-bound, maxval=bound, dtype=jnp.float32)
    ovectors = jax.random.uniform(k3, (VOCAB, DIM), minval=-bound, maxval=bound, dtype=jnp.float32)
    # padding_idx row is zeroed, matching nn.Embedding(padding_idx=0) semantics
    ivectors = ivectors.at[PAD_IDX].set(0.0)
    ovectors = ovectors.at[PAD_IDX].set(0.0)
    return {"indices": indices, "ivectors": ivectors, "ovectors": ovectors}

def reference(indices, ivectors, ovectors):
    # SGNS-style dual-embedding lookup: gather from both the input-vector and
    # output-vector tables (the two nn.Embedding submodules of Test).
    iv = jnp.take(ivectors, indices, axis=0)  # (B, L, D)
    ov = jnp.take(ovectors, indices, axis=0)  # (B, L, D)
    return jnp.stack([iv, ov], axis=0)  # (2, B, L, D)

if __name__ == "__main__":
    import jax
    _d = setup_inputs()
    print(jax.jit(kernel)(*tuple(_d.values())))

</pallas_src>

<mosaic_0001>
#map = affine_map<(d0, d1) -> (0, 0)>
module attributes {stable_mosaic.version = 14 : i64} {
  func.func @_dual_gather(%arg0: i32, %arg1: i32, %arg2: memref<512x400xi32, #tpu.memory_space<hbm>>, %arg3: memref<1000000x64xf32, #tpu.memory_space<hbm>>, %arg4: memref<1000000x64xf32, #tpu.memory_space<hbm>>, %arg5: memref<409600x64xf32, #tpu.memory_space<hbm>>, %arg6: memref<400xi32, #tpu.memory_space<vmem>>, %arg7: memref<400xi32, #tpu.memory_space<vmem>>, %arg8: memref<400xi32, #tpu.memory_space<vmem>>, %arg9: memref<400xi32, #tpu.memory_space<vmem>>, %arg10: memref<400xi32, #tpu.memory_space<vmem>>, %arg11: memref<400xi32, #tpu.memory_space<vmem>>, %arg12: memref<400xi32, #tpu.memory_space<vmem>>, %arg13: memref<400xi32, #tpu.memory_space<vmem>>, %arg14: memref<400xi32, #tpu.memory_space<vmem>>, %arg15: memref<400xi32, #tpu.memory_space<vmem>>, %arg16: memref<400xi32, #tpu.memory_space<vmem>>, %arg17: memref<400xi32, #tpu.memory_space<vmem>>, %arg18: memref<400xi32, #tpu.memory_space<vmem>>, %arg19: memref<400xi32, #tpu.memory_space<vmem>>, %arg20: memref<400xi32, #tpu.memory_space<vmem>>, %arg21: memref<400xi32, #tpu.memory_space<vmem>>, %arg22: memref<2x400x64xf32, #tpu.memory_space<vmem>>, %arg23: memref<2x400x64xf32, #tpu.memory_space<vmem>>, %arg24: memref<!tpu.dma_semaphore, #tpu.memory_space<semaphore_mem>>, %arg25: memref<!tpu.dma_semaphore, #tpu.memory_space<semaphore_mem>>, %arg26: memref<!tpu.dma_semaphore, #tpu.memory_space<semaphore_mem>>, %arg27: memref<!tpu.dma_semaphore, #tpu.memory_space<semaphore_mem>>, %arg28: memref<!tpu.dma_semaphore, #tpu.memory_space<semaphore_mem>>, %arg29: memref<!tpu.dma_semaphore, #tpu.memory_space<semaphore_mem>>, %arg30: memref<!tpu.dma_semaphore, #tpu.memory_space<semaphore_mem>>, %arg31: memref<!tpu.dma_semaphore, #tpu.memory_space<semaphore_mem>>, %arg32: memref<!tpu.dma_semaphore, #tpu.memory_space<semaphore_mem>>, %arg33: memref<!tpu.dma_semaphore, #tpu.memory_space<semaphore_mem>>) attributes {dimension_semantics = [#tpu.dimension_semantics<core_parallel>, #tpu.dimension_semantics<subcore_parallel>], iteration_bounds = array<i64: 2, 16>, scalar_prefetch = 0 : i64, scratch_operands = 28 : i64, tpu.core_type = #tpu.core_type<sc_vector_subcore>, window_params = [{transform_indices = #map}, {transform_indices = #map}, {transform_indices = #map}, {transform_indices = #map}]} {
    %mul3A = arith.constant 2 : i32
    %mul3A_0 = arith.muli %arg1, %mul3A : i32
    %add3A = arith.addi %mul3A_0, %arg0 : i32
    %mul3A_1 = arith.constant 6400 : i32
    %mul3A_2 = arith.muli %add3A, %mul3A_1 : i32
    %mul3A_3 = arith.constant 16 : i32
    %mul3A_4 = arith.muli %add3A, %mul3A_3 : i32
    %add3A_5 = arith.constant 0 : i32
    %add3A_6 = arith.addi %mul3A_4, %add3A_5 : i32
    %dma_start3A = arith.constant 0 : i32
    %dma_start3A_7 = tpu.memref_slice %arg2[%add3A_6, %dma_start3A] : memref<512x400xi32, #tpu.memory_space<hbm>> -> memref<1x400xi32, #tpu.memory_space<hbm>>
    %dma_start3A_8 = tpu.memref_squeeze %dma_start3A_7 : memref<1x400xi32, #tpu.memory_space<hbm>> -> memref<400xi32, #tpu.memory_space<hbm>>
    %dma_start3A_9 = arith.constant 0 : i32
    %dma_start3A_10 = tpu.memref_slice %arg2[%add3A_6, %dma_start3A_9] : memref<512x400xi32, #tpu.memory_space<hbm>> -> memref<1x400xi32, #tpu.memory_space<hbm>>
    %dma_start3A_11 = tpu.memref_squeeze %dma_start3A_10 : memref<1x400xi32, #tpu.memory_space<hbm>> -> memref<400xi32, #tpu.memory_space<hbm>>
    tpu.enqueue_dma source(%dma_start3A_11 : memref<400xi32, #tpu.memory_space<hbm>>) target(%arg6 : memref<400xi32, #tpu.memory_space<vmem>>) target_semaphore(%arg24 : memref<!tpu.dma_semaphore, #tpu.memory_space<semaphore_mem>>)
    %add3A_12 = arith.constant 1 : i32
    %add3A_13 = arith.addi %mul3A_4, %add3A_12 : i32
    %dma_start3A_14 = arith.constant 0 : i32
    %dma_start3A_15 = tpu.memref_slice %arg2[%add3A_13, %dma_start3A_14] : memref<512x400xi32, #tpu.memory_space<hbm>> -> memref<1x400xi32, #tpu.memory_space<hbm>>
    %dma_start3A_16 = tpu.memref_squeeze %dma_start3A_15 : memref<1x400xi32, #tpu.memory_space<hbm>> -> memref<400xi32, #tpu.memory_space<hbm>>
    %dma_start3A_17 = arith.constant 0 : i32
    %dma_start3A_18 = tpu.memref_slice %arg2[%add3A_13, %dma_start3A_17] : memref<512x400xi32, #tpu.memory_space<hbm>> -> memref<1x400xi32, #tpu.memory_space<hbm>>
    %dma_start3A_19 = tpu.memref_squeeze %dma_start3A_18 : memref<1x400xi32, #tpu.memory_space<hbm>> -> memref<400xi32, #tpu.memory_space<hbm>>
    tpu.enqueue_dma source(%dma_start3A_19 : memref<400xi32, #tpu.memory_space<hbm>>) target(%arg7 : memref<400xi32, #tpu.memory_space<vmem>>) target_semaphore(%arg24 : memref<!tpu.dma_semaphore, #tpu.memory_space<semaphore_mem>>)
    %add3A_20 = arith.constant 2 : i32
    %add3A_21 = arith.addi %mul3A_4, %add3A_20 : i32
    %dma_start3A_22 = arith.constant 0 : i32
    %dma_start3A_23 = tpu.memref_slice %arg2[%add3A_21, %dma_start3A_22] : memref<512x400xi32, #tpu.memory_space<hbm>> -> memref<1x400xi32, #tpu.memory_space<hbm>>
    %dma_start3A_24 = tpu.memref_squeeze %dma_start3A_23 : memref<1x400xi32, #tpu.memory_space<hbm>> -> memref<400xi32, #tpu.memory_space<hbm>>
    %dma_start3A_25 = arith.constant 0 : i32
    %dma_start3A_26 = tpu.memref_slice %arg2[%add3A_21, %dma_start3A_25] : memref<512x400xi32, #tpu.memory_space<hbm>> -> memref<1x400xi32, #tpu.memory_space<hbm>>
    %dma_start3A_27 = tpu.memref_squeeze %dma_start3A_26 : memref<1x400xi32, #tpu.memory_space<hbm>> -> memref<400xi32, #tpu.memory_space<hbm>>
    tpu.enqueue_dma source(%dma_start3A_27 : memref<400xi32, #tpu.memory_space<hbm>>) target(%arg8 : memref<400xi32, #tpu.memory_space<vmem>>) target_semaphore(%arg24 : memref<!tpu.dma_semaphore, #tpu.memory_space<semaphore_mem>>)
    %add3A_28 = arith.constant 3 : i32
    %add3A_29 = arith.addi %mul3A_4, %add3A_28 : i32
    %dma_start3A_30 = arith.constant 0 : i32
    %dma_start3A_31 = tpu.memref_slice %arg2[%add3A_29, %dma_start3A_30] : memref<512x400xi32, #tpu.memory_space<hbm>> -> memref<1x400xi32, #tpu.memory_space<hbm>>
    %dma_start3A_32 = tpu.memref_squeeze %dma_start3A_31 : memref<1x400xi32, #tpu.memory_space<hbm>> -> memref<400xi32, #tpu.memory_space<hbm>>
    %dma_start3A_33 = arith.constant 0 : i32
    %dma_start3A_34 = tpu.memref_slice %arg2[%add3A_29, %dma_start3A_33] : memref<512x400xi32, #tpu.memory_space<hbm>> -> memref<1x400xi32, #tpu.memory_space<hbm>>
    %dma_start3A_35 = tpu.memref_squeeze %dma_start3A_34 : memref<1x400xi32, #tpu.memory_space<hbm>> -> memref<400xi32, #tpu.memory_space<hbm>>
    tpu.enqueue_dma source(%dma_start3A_35 : memref<400xi32, #tpu.memory_space<hbm>>) target(%arg9 : memref<400xi32, #tpu.memory_space<vmem>>) target_semaphore(%arg24 : memref<!tpu.dma_semaphore, #tpu.memory_space<semaphore_mem>>)
    %add3A_36 = arith.constant 4 : i32
    %add3A_37 = arith.addi %mul3A_4, %add3A_36 : i32
    %dma_start3A_38 = arith.constant 0 : i32
    %dma_start3A_39 = tpu.memref_slice %arg2[%add3A_37, %dma_start3A_38] : memref<512x400xi32, #tpu.memory_space<hbm>> -> memref<1x400xi32, #tpu.memory_space<hbm>>
    %dma_start3A_40 = tpu.memref_squeeze %dma_start3A_39 : memref<1x400xi32, #tpu.memory_space<hbm>> -> memref<400xi32, #tpu.memory_space<hbm>>
    %dma_start3A_41 = arith.constant 0 : i32
    %dma_start3A_42 = tpu.memref_slice %arg2[%add3A_37, %dma_start3A_41] : memref<512x400xi32, #tpu.memory_space<hbm>> -> memref<1x400xi32, #tpu.memory_space<hbm>>
    %dma_start3A_43 = tpu.memref_squeeze %dma_start3A_42 : memref<1x400xi32, #tpu.memory_space<hbm>> -> memref<400xi32, #tpu.memory_space<hbm>>
    tpu.enqueue_dma source(%dma_start3A_43 : memref<400xi32, #tpu.memory_space<hbm>>) target(%arg10 : memref<400xi32, #tpu.memory_space<vmem>>) target_semaphore(%arg24 : memref<!tpu.dma_semaphore, #tpu.memory_space<semaphore_mem>>)
    %add3A_44 = arith.constant 5 : i32
    %add3A_45 = arith.addi %mul3A_4, %add3A_44 : i32
    %dma_start3A_46 = arith.constant 0 : i32
    %dma_start3A_47 = tpu.memref_slice %arg2[%add3A_45, %dma_start3A_46] : memref<512x400xi32, #tpu.memory_space<hbm>> -> memref<1x400xi32, #tpu.memory_space<hbm>>
    %dma_start3A_48 = tpu.memref_squeeze %dma_start3A_47 : memref<1x400xi32, #tpu.memory_space<hbm>> -> memref<400xi32, #tpu.memory_space<hbm>>
    %dma_start3A_49 = arith.constant 0 : i32
    %dma_start3A_50 = tpu.memref_slice %arg2[%add3A_45, %dma_start3A_49] : memref<512x400xi32, #tpu.memory_space<hbm>> -> memref<1x400xi32, #tpu.memory_space<hbm>>
    %dma_start3A_51 = tpu.memref_squeeze %dma_start3A_50 : memref<1x400xi32, #tpu.memory_space<hbm>> -> memref<400xi32, #tpu.memory_space<hbm>>
    tpu.enqueue_dma source(%dma_start3A_51 : memref<400xi32, #tpu.memory_space<hbm>>) target(%arg11 : memref<400xi32, #tpu.memory_space<vmem>>) target_semaphore(%arg24 : memref<!tpu.dma_semaphore, #tpu.memory_space<semaphore_mem>>)
    %add3A_52 = arith.constant 6 : i32
    %add3A_53 = arith.addi %mul3A_4, %add3A_52 : i32
    %dma_start3A_54 = arith.constant 0 : i32
    %dma_start3A_55 = tpu.memref_slice %arg2[%add3A_53, %dma_start3A_54] : memref<512x400xi32, #tpu.memory_space<hbm>> -> memref<1x400xi32, #tpu.memory_space<hbm>>
    %dma_start3A_56 = tpu.memref_squeeze %dma_start3A_55 : memref<1x400xi32, #tpu.memory_space<hbm>> -> memref<400xi32, #tpu.memory_space<hbm>>
    %dma_start3A_57 = arith.constant 0 : i32
    %dma_start3A_58 = tpu.memref_slice %arg2[%add3A_53, %dma_start3A_57] : memref<512x400xi32, #tpu.memory_space<hbm>> -> memref<1x400xi32, #tpu.memory_space<hbm>>
    %dma_start3A_59 = tpu.memref_squeeze %dma_start3A_58 : memref<1x400xi32, #tpu.memory_space<hbm>> -> memref<400xi32, #tpu.memory_space<hbm>>
    tpu.enqueue_dma source(%dma_start3A_59 : memref<400xi32, #tpu.memory_space<hbm>>) target(%arg12 : memref<400xi32, #tpu.memory_space<vmem>>) target_semaphore(%arg24 : memref<!tpu.dma_semaphore, #tpu.memory_space<semaphore_mem>>)
    %add3A_60 = arith.constant 7 : i32
    %add3A_61 = arith.addi %mul3A_4, %add3A_60 : i32
    %dma_start3A_62 = arith.constant 0 : i32
    %dma_start3A_63 = tpu.memref_slice %arg2[%add3A_61, %dma_start3A_62] : memref<512x400xi32, #tpu.memory_space<hbm>> -> memref<1x400xi32, #tpu.memory_space<hbm>>
    %dma_start3A_64 = tpu.memref_squeeze %dma_start3A_63 : memref<1x400xi32, #tpu.memory_space<hbm>> -> memref<400xi32, #tpu.memory_space<hbm>>
    %dma_start3A_65 = arith.constant 0 : i32
    %dma_start3A_66 = tpu.memref_slice %arg2[%add3A_61, %dma_start3A_65] : memref<512x400xi32, #tpu.memory_space<hbm>> -> memref<1x400xi32, #tpu.memory_space<hbm>>
    %dma_start3A_67 = tpu.memref_squeeze %dma_start3A_66 : memref<1x400xi32, #tpu.memory_space<hbm>> -> memref<400xi32, #tpu.memory_space<hbm>>
    tpu.enqueue_dma source(%dma_start3A_67 : memref<400xi32, #tpu.memory_space<hbm>>) target(%arg13 : memref<400xi32, #tpu.memory_space<vmem>>) target_semaphore(%arg24 : memref<!tpu.dma_semaphore, #tpu.memory_space<semaphore_mem>>)
    %add3A_68 = arith.constant 8 : i32
    %add3A_69 = arith.addi %mul3A_4, %add3A_68 : i32
    %dma_start3A_70 = arith.constant 0 : i32
    %dma_start3A_71 = tpu.memref_slice %arg2[%add3A_69, %dma_start3A_70] : memref<512x400xi32, #tpu.memory_space<hbm>> -> memref<1x400xi32, #tpu.memory_space<hbm>>
    %dma_start3A_72 = tpu.memref_squeeze %dma_start3A_71 : memref<1x400xi32, #tpu.memory_space<hbm>> -> memref<400xi32, #tpu.memory_space<hbm>>
    %dma_start3A_73 = arith.constant 0 : i32
    %dma_start3A_74 = tpu.memref_slice %arg2[%add3A_69, %dma_start3A_73] : memref<512x400xi32, #tpu.memory_space<hbm>> -> memref<1x400xi32, #tpu.memory_space<hbm>>
    %dma_start3A_75 = tpu.memref_squeeze %dma_start3A_74 : memref<1x400xi32, #tpu.memory_space<hbm>> -> memref<400xi32, #tpu.memory_space<hbm>>
    tpu.enqueue_dma source(%dma_start3A_75 : memref<400xi32, #tpu.memory_space<hbm>>) target(%arg14 : memref<400xi32, #tpu.memory_space<vmem>>) target_semaphore(%arg24 : memref<!tpu.dma_semaphore, #tpu.memory_space<semaphore_mem>>)
    %add3A_76 = arith.constant 9 : i32
    %add3A_77 = arith.addi %mul3A_4, %add3A_76 : i32
    %dma_start3A_78 = arith.constant 0 : i32
    %dma_start3A_79 = tpu.memref_slice %arg2[%add3A_77, %dma_start3A_78] : memref<512x400xi32, #tpu.memory_space<hbm>> -> memref<1x400xi32, #tpu.memory_space<hbm>>
    %dma_start3A_80 = tpu.memref_squeeze %dma_start3A_79 : memref<1x400xi32, #tpu.memory_space<hbm>> -> memref<400xi32, #tpu.memory_space<hbm>>
    %dma_start3A_81 = arith.constant 0 : i32
    %dma_start3A_82 = tpu.memref_slice %arg2[%add3A_77, %dma_start3A_81] : memref<512x400xi32, #tpu.memory_space<hbm>> -> memref<1x400xi32, #tpu.memory_space<hbm>>
    %dma_start3A_83 = tpu.memref_squeeze %dma_start3A_82 : memref<1x400xi32, #tpu.memory_space<hbm>> -> memref<400xi32, #tpu.memory_space<hbm>>
    tpu.enqueue_dma source(%dma_start3A_83 : memref<400xi32, #tpu.memory_space<hbm>>) target(%arg15 : memref<400xi32, #tpu.memory_space<vmem>>) target_semaphore(%arg24 : memref<!tpu.dma_semaphore, #tpu.memory_space<semaphore_mem>>)
    %add3A_84 = arith.constant 10 : i32
    %add3A_85 = arith.addi %mul3A_4, %add3A_84 : i32
    %dma_start3A_86 = arith.constant 0 : i32
    %dma_start3A_87 = tpu.memref_slice %arg2[%add3A_85, %dma_start3A_86] : memref<512x400xi32, #tpu.memory_space<hbm>> -> memref<1x400xi32, #tpu.memory_space<hbm>>
    %dma_start3A_88 = tpu.memref_squeeze %dma_start3A_87 : memref<1x400xi32, #tpu.memory_space<hbm>> -> memref<400xi32, #tpu.memory_space<hbm>>
    %dma_start3A_89 = arith.constant 0 : i32
    %dma_start3A_90 = tpu.memref_slice %arg2[%add3A_85, %dma_start3A_89] : memref<512x400xi32, #tpu.memory_space<hbm>> -> memref<1x400xi32, #tpu.memory_space<hbm>>
    %dma_start3A_91 = tpu.memref_squeeze %dma_start3A_90 : memref<1x400xi32, #tpu.memory_space<hbm>> -> memref<400xi32, #tpu.memory_space<hbm>>
    tpu.enqueue_dma source(%dma_start3A_91 : memref<400xi32, #tpu.memory_space<hbm>>) target(%arg16 : memref<400xi32, #tpu.memory_space<vmem>>) target_semaphore(%arg24 : memref<!tpu.dma_semaphore, #tpu.memory_space<semaphore_mem>>)
    %add3A_92 = arith.constant 11 : i32
    %add3A_93 = arith.addi %mul3A_4, %add3A_92 : i32
    %dma_start3A_94 = arith.constant 0 : i32
    %dma_start3A_95 = tpu.memref_slice %arg2[%add3A_93, %dma_start3A_94] : memref<512x400xi32, #tpu.memory_space<hbm>> -> memref<1x400xi32, #tpu.memory_space<hbm>>
    %dma_start3A_96 = tpu.memref_squeeze %dma_start3A_95 : memref<1x400xi32, #tpu.memory_space<hbm>> -> memref<400xi32, #tpu.memory_space<hbm>>
    %dma_start3A_97 = arith.constant 0 : i32
    %dma_start3A_98 = tpu.memref_slice %arg2[%add3A_93, %dma_start3A_97] : memref<512x400xi32, #tpu.memory_space<hbm>> -> memref<1x400xi32, #tpu.memory_space<hbm>>
    %dma_start3A_99 = tpu.memref_squeeze %dma_start3A_98 : memref<1x400xi32, #tpu.memory_space<hbm>> -> memref<400xi32, #tpu.memory_space<hbm>>
    tpu.enqueue_dma source(%dma_start3A_99 : memref<400xi32, #tpu.memory_space<hbm>>) target(%arg17 : memref<400xi32, #tpu.memory_space<vmem>>) target_semaphore(%arg24 : memref<!tpu.dma_semaphore, #tpu.memory_space<semaphore_mem>>)
    %add3A_100 = arith.constant 12 : i32
    %add3A_101 = arith.addi %mul3A_4, %add3A_100 : i32
    %dma_start3A_102 = arith.constant 0 : i32
    %dma_start3A_103 = tpu.memref_slice %arg2[%add3A_101, %dma_start3A_102] : memref<512x400xi32, #tpu.memory_space<hbm>> -> memref<1x400xi32, #tpu.memory_space<hbm>>
    %dma_start3A_104 = tpu.memref_squeeze %dma_start3A_103 : memref<1x400xi32, #tpu.memory_space<hbm>> -> memref<400xi32, #tpu.memory_space<hbm>>
    %dma_start3A_105 = arith.constant 0 : i32
    %dma_start3A_106 = tpu.memref_slice %arg2[%add3A_101, %dma_start3A_105] : memref<512x400xi32, #tpu.memory_space<hbm>> -> memref<1x400xi32, #tpu.memory_space<hbm>>
    %dma_start3A_107 = tpu.memref_squeeze %dma_start3A_106 : memref<1x400xi32, #tpu.memory_space<hbm>> -> memref<400xi32, #tpu.memory_space<hbm>>
    tpu.enqueue_dma source(%dma_start3A_107 : memref<400xi32, #tpu.memory_space<hbm>>) target(%arg18 : memref<400xi32, #tpu.memory_space<vmem>>) target_semaphore(%arg24 : memref<!tpu.dma_semaphore, #tpu.memory_space<semaphore_mem>>)
    %add3A_108 = arith.constant 13 : i32
    %add3A_109 = arith.addi %mul3A_4, %add3A_108 : i32
    %dma_start3A_110 = arith.constant 0 : i32
    %dma_start3A_111 = tpu.memref_slice %arg2[%add3A_109, %dma_start3A_110] : memref<512x400xi32, #tpu.memory_space<hbm>> -> memref<1x400xi32, #tpu.memory_space<hbm>>
    %dma_start3A_112 = tpu.memref_squeeze %dma_start3A_111 : memref<1x400xi32, #tpu.memory_space<hbm>> -> memref<400xi32, #tpu.memory_space<hbm>>
    %dma_start3A_113 = arith.constant 0 : i32
    %dma_start3A_114 = tpu.memref_slice %arg2[%add3A_109, %dma_start3A_113] : memref<512x400xi32, #tpu.memory_space<hbm>> -> memref<1x400xi32, #tpu.memory_space<hbm>>
    %dma_start3A_115 = tpu.memref_squeeze %dma_start3A_114 : memref<1x400xi32, #tpu.memory_space<hbm>> -> memref<400xi32, #tpu.memory_space<hbm>>
    tpu.enqueue_dma source(%dma_start3A_115 : memref<400xi32, #tpu.memory_space<hbm>>) target(%arg19 : memref<400xi32, #tpu.memory_space<vmem>>) target_semaphore(%arg24 : memref<!tpu.dma_semaphore, #tpu.memory_space<semaphore_mem>>)
    %add3A_116 = arith.constant 14 : i32
    %add3A_117 = arith.addi %mul3A_4, %add3A_116 : i32
    %dma_start3A_118 = arith.constant 0 : i32
    %dma_start3A_119 = tpu.memref_slice %arg2[%add3A_117, %dma_start3A_118] : memref<512x400xi32, #tpu.memory_space<hbm>> -> memref<1x400xi32, #tpu.memory_space<hbm>>
    %dma_start3A_120 = tpu.memref_squeeze %dma_start3A_119 : memref<1x400xi32, #tpu.memory_space<hbm>> -> memref<400xi32, #tpu.memory_space<hbm>>
    %dma_start3A_121 = arith.constant 0 : i32
    %dma_start3A_122 = tpu.memref_slice %arg2[%add3A_117, %dma_start3A_121] : memref<512x400xi32, #tpu.memory_space<hbm>> -> memref<1x400xi32, #tpu.memory_space<hbm>>
    %dma_start3A_123 = tpu.memref_squeeze %dma_start3A_122 : memref<1x400xi32, #tpu.memory_space<hbm>> -> memref<400xi32, #tpu.memory_space<hbm>>
    tpu.enqueue_dma source(%dma_start3A_123 : memref<400xi32, #tpu.memory_space<hbm>>) target(%arg20 : memref<400xi32, #tpu.memory_space<vmem>>) target_semaphore(%arg24 : memref<!tpu.dma_semaphore, #tpu.memory_space<semaphore_mem>>)
    %add3A_124 = arith.constant 15 : i32
    %add3A_125 = arith.addi %mul3A_4, %add3A_124 : i32
    %dma_start3A_126 = arith.constant 0 : i32
    %dma_start3A_127 = tpu.memref_slice %arg2[%add3A_125, %dma_start3A_126] : memref<512x400xi32, #tpu.memory_space<hbm>> -> memref<1x400xi32, #tpu.memory_space<hbm>>
    %dma_start3A_128 = tpu.memref_squeeze %dma_start3A_127 : memref<1x400xi32, #tpu.memory_space<hbm>> -> memref<400xi32, #tpu.memory_space<hbm>>
    %dma_start3A_129 = arith.constant 0 : i32
    %dma_start3A_130 = tpu.memref_slice %arg2[%add3A_125, %dma_start3A_129] : memref<512x400xi32, #tpu.memory_space<hbm>> -> memref<1x400xi32, #tpu.memory_space<hbm>>
    %dma_start3A_131 = tpu.memref_squeeze %dma_start3A_130 : memref<1x400xi32, #tpu.memory_space<hbm>> -> memref<400xi32, #tpu.memory_space<hbm>>
    tpu.enqueue_dma source(%dma_start3A_131 : memref<400xi32, #tpu.memory_space<hbm>>) target(%arg21 : memref<400xi32, #tpu.memory_space<vmem>>) target_semaphore(%arg24 : memref<!tpu.dma_semaphore, #tpu.memory_space<semaphore_mem>>)
    %dma_wait3A = arith.constant 0 : i32
    %dma_wait3A_132 = tpu.memref_slice %arg2[%add3A_6, %dma_wait3A] : memref<512x400xi32, #tpu.memory_space<hbm>> -> memref<1x400xi32, #tpu.memory_space<hbm>>
    %dma_wait3A_133 = tpu.memref_squeeze %dma_wait3A_132 : memref<1x400xi32, #tpu.memory_space<hbm>> -> memref<400xi32, #tpu.memory_space<hbm>>
    %dma_wait3A_134 = arith.constant 0 : i32
    %dma_wait3A_135 = tpu.memref_slice %arg2[%add3A_6, %dma_wait3A_134] : memref<512x400xi32, #tpu.memory_space<hbm>> -> memref<1x400xi32, #tpu.memory_space<hbm>>
    %dma_wait3A_136 = tpu.memref_squeeze %dma_wait3A_135 : memref<1x400xi32, #tpu.memory_space<hbm>> -> memref<400xi32, #tpu.memory_space<hbm>>
    tpu.wait_dma2 semaphore(%arg24 : memref<!tpu.dma_semaphore, #tpu.memory_space<semaphore_mem>>) src(%dma_wait3A_136 : memref<400xi32, #tpu.memory_space<hbm>>) dst(%arg6 : memref<400xi32, #tpu.memory_space<vmem>>)
    %dma_wait3A_137 = arith.constant 0 : i32
    %dma_wait3A_138 = tpu.memref_slice %arg2[%add3A_13, %dma_wait3A_137] : memref<512x400xi32, #tpu.memory_space<hbm>> -> memref<1x400xi32, #tpu.memory_space<hbm>>
    %dma_wait3A_139 = tpu.memref_squeeze %dma_wait3A_138 : memref<1x400xi32, #tpu.memory_space<hbm>> -> memref<400xi32, #tpu.memory_space<hbm>>
    %dma_wait3A_140 = arith.constant 0 : i32
    %dma_wait3A_141 = tpu.memref_slice %arg2[%add3A_13, %dma_wait3A_140] : memref<512x400xi32, #tpu.memory_space<hbm>> -> memref<1x400xi32, #tpu.memory_space<hbm>>
    %dma_wait3A_142 = tpu.memref_squeeze %dma_wait3A_141 : memref<1x400xi32, #tpu.memory_space<hbm>> -> memref<400xi32, #tpu.memory_space<hbm>>
    tpu.wait_dma2 semaphore(%arg24 : memref<!tpu.dma_semaphore, #tpu.memory_space<semaphore_mem>>) src(%dma_wait3A_142 : memref<400xi32, #tpu.memory_space<hbm>>) dst(%arg7 : memref<400xi32, #tpu.memory_space<vmem>>)
    %dma_wait3A_143 = arith.constant 0 : i32
    %dma_wait3A_144 = tpu.memref_slice %arg2[%add3A_21, %dma_wait3A_143] : memref<512x400xi32, #tpu.memory_space<hbm>> -> memref<1x400xi32, #tpu.memory_space<hbm>>
    %dma_wait3A_145 = tpu.memref_squeeze %dma_wait3A_144 : memref<1x400xi32, #tpu.memory_space<hbm>> -> memref<400xi32, #tpu.memory_space<hbm>>
    %dma_wait3A_146 = arith.constant 0 : i32
    %dma_wait3A_147 = tpu.memref_slice %arg2[%add3A_21, %dma_wait3A_146] : memref<512x400xi32, #tpu.memory_space<hbm>> -> memref<1x400xi32, #tpu.memory_space<hbm>>
    %dma_wait3A_148 = tpu.memref_squeeze %dma_wait3A_147 : memref<1x400xi32, #tpu.memory_space<hbm>> -> memref<400xi32, #tpu.memory_space<hbm>>
    tpu.wait_dma2 semaphore(%arg24 : memref<!tpu.dma_semaphore, #tpu.memory_space<semaphore_mem>>) src(%dma_wait3A_148 : memref<400xi32, #tpu.memory_space<hbm>>) dst(%arg8 : memref<400xi32, #tpu.memory_space<vmem>>)
    %dma_wait3A_149 = arith.constant 0 : i32
    %dma_wait3A_150 = tpu.memref_slice %arg2[%add3A_29, %dma_wait3A_149] : memref<512x400xi32, #tpu.memory_space<hbm>> -> memref<1x400xi32, #tpu.memory_space<hbm>>
    %dma_wait3A_151 = tpu.memref_squeeze %dma_wait3A_150 : memref<1x400xi32, #tpu.memory_space<hbm>> -> memref<400xi32, #tpu.memory_space<hbm>>
    %dma_wait3A_152 = arith.constant 0 : i32
    %dma_wait3A_153 = tpu.memref_slice %arg2[%add3A_29, %dma_wait3A_152] : memref<512x400xi32, #tpu.memory_space<hbm>> -> memref<1x400xi32, #tpu.memory_space<hbm>>
    %dma_wait3A_154 = tpu.memref_squeeze %dma_wait3A_153 : memref<1x400xi32, #tpu.memory_space<hbm>> -> memref<400xi32, #tpu.memory_space<hbm>>
    tpu.wait_dma2 semaphore(%arg24 : memref<!tpu.dma_semaphore, #tpu.memory_space<semaphore_mem>>) src(%dma_wait3A_154 : memref<400xi32, #tpu.memory_space<hbm>>) dst(%arg9 : memref<400xi32, #tpu.memory_space<vmem>>)
    %dma_wait3A_155 = arith.constant 0 : i32
    %dma_wait3A_156 = tpu.memref_slice %arg2[%add3A_37, %dma_wait3A_155] : memref<512x400xi32, #tpu.memory_space<hbm>> -> memref<1x400xi32, #tpu.memory_space<hbm>>
    %dma_wait3A_157 = tpu.memref_squeeze %dma_wait3A_156 : memref<1x400xi32, #tpu.memory_space<hbm>> -> memref<400xi32, #tpu.memory_space<hbm>>
    %dma_wait3A_158 = arith.constant 0 : i32
    %dma_wait3A_159 = tpu.memref_slice %arg2[%add3A_37, %dma_wait3A_158] : memref<512x400xi32, #tpu.memory_space<hbm>> -> memref<1x400xi32, #tpu.memory_space<hbm>>
    %dma_wait3A_160 = tpu.memref_squeeze %dma_wait3A_159 : memref<1x400xi32, #tpu.memory_space<hbm>> -> memref<400xi32, #tpu.memory_space<hbm>>
    tpu.wait_dma2 semaphore(%arg24 : memref<!tpu.dma_semaphore, #tpu.memory_space<semaphore_mem>>) src(%dma_wait3A_160 : memref<400xi32, #tpu.memory_space<hbm>>) dst(%arg10 : memref<400xi32, #tpu.memory_space<vmem>>)
    %dma_wait3A_161 = arith.constant 0 : i32
    %dma_wait3A_162 = tpu.memref_slice %arg2[%add3A_45, %dma_wait3A_161] : memref<512x400xi32, #tpu.memory_space<hbm>> -> memref<1x400xi32, #tpu.memory_space<hbm>>
    %dma_wait3A_163 = tpu.memref_squeeze %dma_wait3A_162 : memref<1x400xi32, #tpu.memory_space<hbm>> -> memref<400xi32, #tpu.memory_space<hbm>>
    %dma_wait3A_164 = arith.constant 0 : i32
    %dma_wait3A_165 = tpu.memref_slice %arg2[%add3A_45, %dma_wait3A_164] : memref<512x400xi32, #tpu.memory_space<hbm>> -> memref<1x400xi32, #tpu.memory_space<hbm>>
    %dma_wait3A_166 = tpu.memref_squeeze %dma_wait3A_165 : memref<1x400xi32, #tpu.memory_space<hbm>> -> memref<400xi32, #tpu.memory_space<hbm>>
    tpu.wait_dma2 semaphore(%arg24 : memref<!tpu.dma_semaphore, #tpu.memory_space<semaphore_mem>>) src(%dma_wait3A_166 : memref<400xi32, #tpu.memory_space<hbm>>) dst(%arg11 : memref<400xi32, #tpu.memory_space<vmem>>)
    %dma_wait3A_167 = arith.constant 0 : i32
    %dma_wait3A_168 = tpu.memref_slice %arg2[%add3A_53, %dma_wait3A_167] : memref<512x400xi32, #tpu.memory_space<hbm>> -> memref<1x400xi32, #tpu.memory_space<hbm>>
    %dma_wait3A_169 = tpu.memref_squeeze %dma_wait3A_168 : memref<1x400xi32, #tpu.memory_space<hbm>> -> memref<400xi32, #tpu.memory_space<hbm>>
    %dma_wait3A_170 = arith.constant 0 : i32
    %dma_wait3A_171 = tpu.memref_slice %arg2[%add3A_53, %dma_wait3A_170] : memref<512x400xi32, #tpu.memory_space<hbm>> -> memref<1x400xi32, #tpu.memory_space<hbm>>
    %dma_wait3A_172 = tpu.memref_squeeze %dma_wait3A_171 : memref<1x400xi32, #tpu.memory_space<hbm>> -> memref<400xi32, #tpu.memory_space<hbm>>
    tpu.wait_dma2 semaphore(%arg24 : memref<!tpu.dma_semaphore, #tpu.memory_space<semaphore_mem>>) src(%dma_wait3A_172 : memref<400xi32, #tpu.memory_space<hbm>>) dst(%arg12 : memref<400xi32, #tpu.memory_space<vmem>>)
    %dma_wait3A_173 = arith.constant 0 : i32
    %dma_wait3A_174 = tpu.memref_slice %arg2[%add3A_61, %dma_wait3A_173] : memref<512x400xi32, #tpu.memory_space<hbm>> -> memref<1x400xi32, #tpu.memory_space<hbm>>
    %dma_wait3A_175 = tpu.memref_squeeze %dma_wait3A_174 : memref<1x400xi32, #tpu.memory_space<hbm>> -> memref<400xi32, #tpu.memory_space<hbm>>
    %dma_wait3A_176 = arith.constant 0 : i32
    %dma_wait3A_177 = tpu.memref_slice %arg2[%add3A_61, %dma_wait3A_176] : memref<512x400xi32, #tpu.memory_space<hbm>> -> memref<1x400xi32, #tpu.memory_space<hbm>>
    %dma_wait3A_178 = tpu.memref_squeeze %dma_wait3A_177 : memref<1x400xi32, #tpu.memory_space<hbm>> -> memref<400xi32, #tpu.memory_space<hbm>>
    tpu.wait_dma2 semaphore(%arg24 : memref<!tpu.dma_semaphore, #tpu.memory_space<semaphore_mem>>) src(%dma_wait3A_178 : memref<400xi32, #tpu.memory_space<hbm>>) dst(%arg13 : memref<400xi32, #tpu.memory_space<vmem>>)
    %dma_wait3A_179 = arith.constant 0 : i32
    %dma_wait3A_180 = tpu.memref_slice %arg2[%add3A_69, %dma_wait3A_179] : memref<512x400xi32, #tpu.memory_space<hbm>> -> memref<1x400xi32, #tpu.memory_space<hbm>>
    %dma_wait3A_181 = tpu.memref_squeeze %dma_wait3A_180 : memref<1x400xi32, #tpu.memory_space<hbm>> -> memref<400xi32, #tpu.memory_space<hbm>>
    %dma_wait3A_182 = arith.constant 0 : i32
    %dma_wait3A_183 = tpu.memref_slice %arg2[%add3A_69, %dma_wait3A_182] : memref<512x400xi32, #tpu.memory_space<hbm>> -> memref<1x400xi32, #tpu.memory_space<hbm>>
    %dma_wait3A_184 = tpu.memref_squeeze %dma_wait3A_183 : memref<1x400xi32, #tpu.memory_space<hbm>> -> memref<400xi32, #tpu.memory_space<hbm>>
    tpu.wait_dma2 semaphore(%arg24 : memref<!tpu.dma_semaphore, #tpu.memory_space<semaphore_mem>>) src(%dma_wait3A_184 : memref<400xi32, #tpu.memory_space<hbm>>) dst(%arg14 : memref<400xi32, #tpu.memory_space<vmem>>)
    %dma_wait3A_185 = arith.constant 0 : i32
    %dma_wait3A_186 = tpu.memref_slice %arg2[%add3A_77, %dma_wait3A_185] : memref<512x400xi32, #tpu.memory_space<hbm>> -> memref<1x400xi32, #tpu.memory_space<hbm>>
    %dma_wait3A_187 = tpu.memref_squeeze %dma_wait3A_186 : memref<1x400xi32, #tpu.memory_space<hbm>> -> memref<400xi32, #tpu.memory_space<hbm>>
    %dma_wait3A_188 = arith.constant 0 : i32
    %dma_wait3A_189 = tpu.memref_slice %arg2[%add3A_77, %dma_wait3A_188] : memref<512x400xi32, #tpu.memory_space<hbm>> -> memref<1x400xi32, #tpu.memory_space<hbm>>
    %dma_wait3A_190 = tpu.memref_squeeze %dma_wait3A_189 : memref<1x400xi32, #tpu.memory_space<hbm>> -> memref<400xi32, #tpu.memory_space<hbm>>
    tpu.wait_dma2 semaphore(%arg24 : memref<!tpu.dma_semaphore, #tpu.memory_space<semaphore_mem>>) src(%dma_wait3A_190 : memref<400xi32, #tpu.memory_space<hbm>>) dst(%arg15 : memref<400xi32, #tpu.memory_space<vmem>>)
    %dma_wait3A_191 = arith.constant 0 : i32
    %dma_wait3A_192 = tpu.memref_slice %arg2[%add3A_85, %dma_wait3A_191] : memref<512x400xi32, #tpu.memory_space<hbm>> -> memref<1x400xi32, #tpu.memory_space<hbm>>
    %dma_wait3A_193 = tpu.memref_squeeze %dma_wait3A_192 : memref<1x400xi32, #tpu.memory_space<hbm>> -> memref<400xi32, #tpu.memory_space<hbm>>
    %dma_wait3A_194 = arith.constant 0 : i32
    %dma_wait3A_195 = tpu.memref_slice %arg2[%add3A_85, %dma_wait3A_194] : memref<512x400xi32, #tpu.memory_space<hbm>> -> memref<1x400xi32, #tpu.memory_space<hbm>>
    %dma_wait3A_196 = tpu.memref_squeeze %dma_wait3A_195 : memref<1x400xi32, #tpu.memory_space<hbm>> -> memref<400xi32, #tpu.memory_space<hbm>>
    tpu.wait_dma2 semaphore(%arg24 : memref<!tpu.dma_semaphore, #tpu.memory_space<semaphore_mem>>) src(%dma_wait3A_196 : memref<400xi32, #tpu.memory_space<hbm>>) dst(%arg16 : memref<400xi32, #tpu.memory_space<vmem>>)
    %dma_wait3A_197 = arith.constant 0 : i32
    %dma_wait3A_198 = tpu.memref_slice %arg2[%add3A_93, %dma_wait3A_197] : memref<512x400xi32, #tpu.memory_space<hbm>> -> memref<1x400xi32, #tpu.memory_space<hbm>>
    %dma_wait3A_199 = tpu.memref_squeeze %dma_wait3A_198 : memref<1x400xi32, #tpu.memory_space<hbm>> -> memref<400xi32, #tpu.memory_space<hbm>>
    %dma_wait3A_200 = arith.constant 0 : i32
    %dma_wait3A_201 = tpu.memref_slice %arg2[%add3A_93, %dma_wait3A_200] : memref<512x400xi32, #tpu.memory_space<hbm>> -> memref<1x400xi32, #tpu.memory_space<hbm>>
    %dma_wait3A_202 = tpu.memref_squeeze %dma_wait3A_201 : memref<1x400xi32, #tpu.memory_space<hbm>> -> memref<400xi32, #tpu.memory_space<hbm>>
    tpu.wait_dma2 semaphore(%arg24 : memref<!tpu.dma_semaphore, #tpu.memory_space<semaphore_mem>>) src(%dma_wait3A_202 : memref<400xi32, #tpu.memory_space<hbm>>) dst(%arg17 : memref<400xi32, #tpu.memory_space<vmem>>)
    %dma_wait3A_203 = arith.constant 0 : i32
    %dma_wait3A_204 = tpu.memref_slice %arg2[%add3A_101, %dma_wait3A_203] : memref<512x400xi32, #tpu.memory_space<hbm>> -> memref<1x400xi32, #tpu.memory_space<hbm>>
    %dma_wait3A_205 = tpu.memref_squeeze %dma_wait3A_204 : memref<1x400xi32, #tpu.memory_space<hbm>> -> memref<400xi32, #tpu.memory_space<hbm>>
    %dma_wait3A_206 = arith.constant 0 : i32
    %dma_wait3A_207 = tpu.memref_slice %arg2[%add3A_101, %dma_wait3A_206] : memref<512x400xi32, #tpu.memory_space<hbm>> -> memref<1x400xi32, #tpu.memory_space<hbm>>
    %dma_wait3A_208 = tpu.memref_squeeze %dma_wait3A_207 : memref<1x400xi32, #tpu.memory_space<hbm>> -> memref<400xi32, #tpu.memory_space<hbm>>
    tpu.wait_dma2 semaphore(%arg24 : memref<!tpu.dma_semaphore, #tpu.memory_space<semaphore_mem>>) src(%dma_wait3A_208 : memref<400xi32, #tpu.memory_space<hbm>>) dst(%arg18 : memref<400xi32, #tpu.memory_space<vmem>>)
    %dma_wait3A_209 = arith.constant 0 : i32
    %dma_wait3A_210 = tpu.memref_slice %arg2[%add3A_109, %dma_wait3A_209] : memref<512x400xi32, #tpu.memory_space<hbm>> -> memref<1x400xi32, #tpu.memory_space<hbm>>
    %dma_wait3A_211 = tpu.memref_squeeze %dma_wait3A_210 : memref<1x400xi32, #tpu.memory_space<hbm>> -> memref<400xi32, #tpu.memory_space<hbm>>
    %dma_wait3A_212 = arith.constant 0 : i32
    %dma_wait3A_213 = tpu.memref_slice %arg2[%add3A_109, %dma_wait3A_212] : memref<512x400xi32, #tpu.memory_space<hbm>> -> memref<1x400xi32, #tpu.memory_space<hbm>>
    %dma_wait3A_214 = tpu.memref_squeeze %dma_wait3A_213 : memref<1x400xi32, #tpu.memory_space<hbm>> -> memref<400xi32, #tpu.memory_space<hbm>>
    tpu.wait_dma2 semaphore(%arg24 : memref<!tpu.dma_semaphore, #tpu.memory_space<semaphore_mem>>) src(%dma_wait3A_214 : memref<400xi32, #tpu.memory_space<hbm>>) dst(%arg19 : memref<400xi32, #tpu.memory_space<vmem>>)
    %dma_wait3A_215 = arith.constant 0 : i32
    %dma_wait3A_216 = tpu.memref_slice %arg2[%add3A_117, %dma_wait3A_215] : memref<512x400xi32, #tpu.memory_space<hbm>> -> memref<1x400xi32, #tpu.memory_space<hbm>>
    %dma_wait3A_217 = tpu.memref_squeeze %dma_wait3A_216 : memref<1x400xi32, #tpu.memory_space<hbm>> -> memref<400xi32, #tpu.memory_space<hbm>>
    %dma_wait3A_218 = arith.constant 0 : i32
    %dma_wait3A_219 = tpu.memref_slice %arg2[%add3A_117, %dma_wait3A_218] : memref<512x400xi32, #tpu.memory_space<hbm>> -> memref<1x400xi32, #tpu.memory_space<hbm>>
    %dma_wait3A_220 = tpu.memref_squeeze %dma_wait3A_219 : memref<1x400xi32, #tpu.memory_space<hbm>> -> memref<400xi32, #tpu.memory_space<hbm>>
    tpu.wait_dma2 semaphore(%arg24 : memref<!tpu.dma_semaphore, #tpu.memory_space<semaphore_mem>>) src(%dma_wait3A_220 : memref<400xi32, #tpu.memory_space<hbm>>) dst(%arg20 : memref<400xi32, #tpu.memory_space<vmem>>)
    %dma_wait3A_221 = arith.constant 0 : i32
    %dma_wait3A_222 = tpu.memref_slice %arg2[%add3A_125, %dma_wait3A_221] : memref<512x400xi32, #tpu.memory_space<hbm>> -> memref<1x400xi32, #tpu.memory_space<hbm>>
    %dma_wait3A_223 = tpu.memref_squeeze %dma_wait3A_222 : memref<1x400xi32, #tpu.memory_space<hbm>> -> memref<400xi32, #tpu.memory_space<hbm>>
    %dma_wait3A_224 = arith.constant 0 : i32
    %dma_wait3A_225 = tpu.memref_slice %arg2[%add3A_125, %dma_wait3A_224] : memref<512x400xi32, #tpu.memory_space<hbm>> -> memref<1x400xi32, #tpu.memory_space<hbm>>
    %dma_wait3A_226 = tpu.memref_squeeze %dma_wait3A_225 : memref<1x400xi32, #tpu.memory_space<hbm>> -> memref<400xi32, #tpu.memory_space<hbm>>
    tpu.wait_dma2 semaphore(%arg24 : memref<!tpu.dma_semaphore, #tpu.memory_space<semaphore_mem>>) src(%dma_wait3A_226 : memref<400xi32, #tpu.memory_space<hbm>>) dst(%arg21 : memref<400xi32, #tpu.memory_space<vmem>>)
    %dma_start3A_227 = arith.constant 0 : i32
    %dma_start3A_228 = arith.constant 0 : i32
    %dma_start3A_229 = arith.constant 0 : i32
    %dma_start3A_230 = tpu.memref_slice %arg22[%dma_start3A_227, %dma_start3A_228, %dma_start3A_229] : memref<2x400x64xf32, #tpu.memory_space<vmem>> -> memref<1x400x64xf32, #tpu.memory_space<vmem>>
    %dma_start3A_231 = tpu.memref_squeeze %dma_start3A_230 : memref<1x400x64xf32, #tpu.memory_space<vmem>> -> memref<400x64xf32, #tpu.memory_space<vmem>>
    %dma_start3A_232 = arith.constant 0 : i32
    %dma_start3A_233 = arith.constant 0 : i32
    %dma_start3A_234 = tpu.memref_slice %arg3[%dma_start3A_232, %dma_start3A_233] : memref<1000000x64xf32, #tpu.memory_space<hbm>> -> memref<1000000x64xf32, #tpu.memory_space<hbm>>
    tpu.enqueue_indirect_dma source(%dma_start3A_234 : memref<1000000x64xf32, #tpu.memory_space<hbm>>) target(%dma_start3A_231 : memref<400x64xf32, #tpu.memory_space<vmem>>) offsets(%arg6 : memref<400xi32, #tpu.memory_space<vmem>>) semaphore(%arg25 : memref<!tpu.dma_semaphore, #tpu.memory_space<semaphore_mem>>)
    %dma_start3A_235 = arith.constant 0 : i32
    %dma_start3A_236 = arith.constant 0 : i32
    %dma_start3A_237 = arith.constant 0 : i32
    %dma_start3A_238 = tpu.memref_slice %arg23[%dma_start3A_235, %dma_start3A_236, %dma_start3A_237] : memref<2x400x64xf32, #tpu.memory_space<vmem>> -> memref<1x400x64xf32, #tpu.memory_space<vmem>>
    %dma_start3A_239 = tpu.memref_squeeze %dma_start3A_238 : memref<1x400x64xf32, #tpu.memory_space<vmem>> -> memref<400x64xf32, #tpu.memory_space<vmem>>
    %dma_start3A_240 = arith.constant 0 : i32
    %dma_start3A_241 = arith.constant 0 : i32
    %dma_start3A_242 = tpu.memref_slice %arg4[%dma_start3A_240, %dma_start3A_241] : memref<1000000x64xf32, #tpu.memory_space<hbm>> -> memref<1000000x64xf32, #tpu.memory_space<hbm>>
    tpu.enqueue_indirect_dma source(%dma_start3A_242 : memref<1000000x64xf32, #tpu.memory_space<hbm>>) target(%dma_start3A_239 : memref<400x64xf32, #tpu.memory_space<vmem>>) offsets(%arg6 : memref<400xi32, #tpu.memory_space<vmem>>) semaphore(%arg27 : memref<!tpu.dma_semaphore, #tpu.memory_space<semaphore_mem>>)
    %dma_start3A_243 = arith.constant 1 : i32
    %dma_start3A_244 = arith.constant 0 : i32
    %dma_start3A_245 = arith.constant 0 : i32
    %dma_start3A_246 = tpu.memref_slice %arg22[%dma_start3A_243, %dma_start3A_244, %dma_start3A_245] : memref<2x400x64xf32, #tpu.memory_space<vmem>> -> memref<1x400x64xf32, #tpu.memory_space<vmem>>
    %dma_start3A_247 = tpu.memref_squeeze %dma_start3A_246 : memref<1x400x64xf32, #tpu.memory_space<vmem>> -> memref<400x64xf32, #tpu.memory_space<vmem>>
    %dma_start3A_248 = arith.constant 0 : i32
    %dma_start3A_249 = arith.constant 0 : i32
    %dma_start3A_250 = tpu.memref_slice %arg3[%dma_start3A_248, %dma_start3A_249] : memref<1000000x64xf32, #tpu.memory_space<hbm>> -> memref<1000000x64xf32, #tpu.memory_space<hbm>>
    tpu.enqueue_indirect_dma source(%dma_start3A_250 : memref<1000000x64xf32, #tpu.memory_space<hbm>>) target(%dma_start3A_247 : memref<400x64xf32, #tpu.memory_space<vmem>>) offsets(%arg7 : memref<400xi32, #tpu.memory_space<vmem>>) semaphore(%arg26 : memref<!tpu.dma_semaphore, #tpu.memory_space<semaphore_mem>>)
    %dma_start3A_251 = arith.constant 1 : i32
    %dma_start3A_252 = arith.constant 0 : i32
    %dma_start3A_253 = arith.constant 0 : i32
    %dma_start3A_254 = tpu.memref_slice %arg23[%dma_start3A_251, %dma_start3A_252, %dma_start3A_253] : memref<2x400x64xf32, #tpu.memory_space<vmem>> -> memref<1x400x64xf32, #tpu.memory_space<vmem>>
    %dma_start3A_255 = tpu.memref_squeeze %dma_start3A_254 : memref<1x400x64xf32, #tpu.memory_space<vmem>> -> memref<400x64xf32, #tpu.memory_space<vmem>>
    %dma_start3A_256 = arith.constant 0 : i32
    %dma_start3A_257 = arith.constant 0 : i32
    %dma_start3A_258 = tpu.memref_slice %arg4[%dma_start3A_256, %dma_start3A_257] : memref<1000000x64xf32, #tpu.memory_space<hbm>> -> memref<1000000x64xf32, #tpu.memory_space<hbm>>
    tpu.enqueue_indirect_dma source(%dma_start3A_258 : memref<1000000x64xf32, #tpu.memory_space<hbm>>) target(%dma_start3A_255 : memref<400x64xf32, #tpu.memory_space<vmem>>) offsets(%arg7 : memref<400xi32, #tpu.memory_space<vmem>>) semaphore(%arg28 : memref<!tpu.dma_semaphore, #tpu.memory_space<semaphore_mem>>)
    %add3A_259 = arith.constant 0 : i32
    %add3A_260 = arith.addi %mul3A_2, %add3A_259 : i32
    %dma_wait3A_261 = arith.constant 0 : i32
    %dma_wait3A_262 = arith.constant 0 : i32
    %dma_wait3A_263 = arith.constant 0 : i32
    %dma_wait3A_264 = tpu.memref_slice %arg22[%dma_wait3A_261, %dma_wait3A_262, %dma_wait3A_263] : memref<2x400x64xf32, #tpu.memory_space<vmem>> -> memref<1x400x64xf32, #tpu.memory_space<vmem>>
    %dma_wait3A_265 = tpu.memref_squeeze %dma_wait3A_264 : memref<1x400x64xf32, #tpu.memory_space<vmem>> -> memref<400x64xf32, #tpu.memory_space<vmem>>
    %dma_wait3A_266 = arith.constant 0 : i32
    %dma_wait3A_267 = arith.constant 0 : i32
    %dma_wait3A_268 = tpu.memref_slice %arg3[%dma_wait3A_266, %dma_wait3A_267] : memref<1000000x64xf32, #tpu.memory_space<hbm>> -> memref<1000000x64xf32, #tpu.memory_space<hbm>>
    tpu.wait_indirect_dma semaphore(%arg25 : memref<!tpu.dma_semaphore, #tpu.memory_space<semaphore_mem>>) src(%dma_wait3A_268 : memref<1000000x64xf32, #tpu.memory_space<hbm>>) dst(%dma_wait3A_265 : memref<400x64xf32, #tpu.memory_space<vmem>>)
    %dma_start3A_269 = arith.constant 0 : i32
    %dma_start3A_270 = arith.constant 0 : i32
    %dma_start3A_271 = arith.constant 0 : i32
    %dma_start3A_272 = tpu.memref_slice %arg22[%dma_start3A_269, %dma_start3A_270, %dma_start3A_271] : memref<2x400x64xf32, #tpu.memory_space<vmem>> -> memref<1x400x64xf32, #tpu.memory_space<vmem>>
    %dma_start3A_273 = tpu.memref_squeeze %dma_start3A_272 : memref<1x400x64xf32, #tpu.memory_space<vmem>> -> memref<400x64xf32, #tpu.memory_space<vmem>>
    %dma_start3A_274 = arith.constant 0 : i32
    %dma_start3A_275 = tpu.memref_slice %arg5[%add3A_260, %dma_start3A_274] : memref<409600x64xf32, #tpu.memory_space<hbm>> -> memref<400x64xf32, #tpu.memory_space<hbm>>
    %dma_start3A_276 = arith.constant 0 : i32
    %dma_start3A_277 = tpu.memref_slice %arg5[%add3A_260, %dma_start3A_276] : memref<409600x64xf32, #tpu.memory_space<hbm>> -> memref<400x64xf32, #tpu.memory_space<hbm>>
    %dma_start3A_278 = arith.constant 0 : i32
    %dma_start3A_279 = arith.constant 0 : i32
    %dma_start3A_280 = tpu.memref_slice %arg22[%dma_start3A_269, %dma_start3A_278, %dma_start3A_279] : memref<2x400x64xf32, #tpu.memory_space<vmem>> -> memref<1x400x64xf32, #tpu.memory_space<vmem>>
    %dma_start3A_281 = tpu.memref_squeeze %dma_start3A_280 : memref<1x400x64xf32, #tpu.memory_space<vmem>> -> memref<400x64xf32, #tpu.memory_space<vmem>>
    tpu.enqueue_dma source(%dma_start3A_281 : memref<400x64xf32, #tpu.memory_space<vmem>>) target(%dma_start3A_277 : memref<400x64xf32, #tpu.memory_space<hbm>>) target_semaphore(%arg29 : memref<!tpu.dma_semaphore, #tpu.memory_space<semaphore_mem>>)
    %dma_wait3A_282 = arith.constant 0 : i32
    %dma_wait3A_283 = arith.constant 0 : i32
    %dma_wait3A_284 = arith.constant 0 : i32
    %dma_wait3A_285 = tpu.memref_slice %arg23[%dma_wait3A_282, %dma_wait3A_283, %dma_wait3A_284] : memref<2x400x64xf32, #tpu.memory_space<vmem>> -> memref<1x400x64xf32, #tpu.memory_space<vmem>>
    %dma_wait3A_286 = tpu.memref_squeeze %dma_wait3A_285 : memref<1x400x64xf32, #tpu.memory_space<vmem>> -> memref<400x64xf32, #tpu.memory_space<vmem>>
    %dma_wait3A_287 = arith.constant 0 : i32
    %dma_wait3A_288 = arith.constant 0 : i32
    %dma_wait3A_289 = tpu.memref_slice %arg4[%dma_wait3A_287, %dma_wait3A_288] : memref<1000000x64xf32, #tpu.memory_space<hbm>> -> memref<1000000x64xf32, #tpu.memory_space<hbm>>
    tpu.wait_indirect_dma semaphore(%arg27 : memref<!tpu.dma_semaphore, #tpu.memory_space<semaphore_mem>>) src(%dma_wait3A_289 : memref<1000000x64xf32, #tpu.memory_space<hbm>>) dst(%dma_wait3A_286 : memref<400x64xf32, #tpu.memory_space<vmem>>)
    %add3A_290 = arith.constant 204800 : i32
    %add3A_291 = arith.addi %add3A_290, %add3A_260 : i32
    %dma_start3A_292 = arith.constant 0 : i32
    %dma_start3A_293 = arith.constant 0 : i32
    %dma_start3A_294 = arith.constant 0 : i32
    %dma_start3A_295 = tpu.memref_slice %arg23[%dma_start3A_292, %dma_start3A_293, %dma_start3A_294] : memref<2x400x64xf32, #tpu.memory_space<vmem>> -> memref<1x400x64xf32, #tpu.memory_space<vmem>>
    %dma_start3A_296 = tpu.memref_squeeze %dma_start3A_295 : memref<1x400x64xf32, #tpu.memory_space<vmem>> -> memref<400x64xf32, #tpu.memory_space<vmem>>
    %dma_start3A_297 = arith.constant 0 : i32
    %dma_start3A_298 = tpu.memref_slice %arg5[%add3A_291, %dma_start3A_297] : memref<409600x64xf32, #tpu.memory_space<hbm>> -> memref<400x64xf32, #tpu.memory_space<hbm>>
    %dma_start3A_299 = arith.constant 0 : i32
    %dma_start3A_300 = tpu.memref_slice %arg5[%add3A_291, %dma_start3A_299] : memref<409600x64xf32, #tpu.memory_space<hbm>> -> memref<400x64xf32, #tpu.memory_space<hbm>>
    %dma_start3A_301 = arith.constant 0 : i32
    %dma_start3A_302 = arith.constant 0 : i32
    %dma_start3A_303 = tpu.memref_slice %arg23[%dma_start3A_292, %dma_start3A_301, %dma_start3A_302] : memref<2x400x64xf32, #tpu.memory_space<vmem>> -> memref<1x400x64xf32, #tpu.memory_space<vmem>>
    %dma_start3A_304 = tpu.memref_squeeze %dma_start3A_303 : memref<1x400x64xf32, #tpu.memory_space<vmem>> -> memref<400x64xf32, #tpu.memory_space<vmem>>
    tpu.enqueue_dma source(%dma_start3A_304 : memref<400x64xf32, #tpu.memory_space<vmem>>) target(%dma_start3A_300 : memref<400x64xf32, #tpu.memory_space<hbm>>) target_semaphore(%arg31 : memref<!tpu.dma_semaphore, #tpu.memory_space<semaphore_mem>>)
    %dma_wait3A_305 = arith.constant 0 : i32
    %dma_wait3A_306 = arith.constant 0 : i32
    %dma_wait3A_307 = arith.constant 0 : i32
    %dma_wait3A_308 = tpu.memref_slice %arg22[%dma_wait3A_305, %dma_wait3A_306, %dma_wait3A_307] : memref<2x400x64xf32, #tpu.memory_space<vmem>> -> memref<1x400x64xf32, #tpu.memory_space<vmem>>
    %dma_wait3A_309 = tpu.memref_squeeze %dma_wait3A_308 : memref<1x400x64xf32, #tpu.memory_space<vmem>> -> memref<400x64xf32, #tpu.memory_space<vmem>>
    %dma_wait3A_310 = arith.constant 0 : i32
    %dma_wait3A_311 = tpu.memref_slice %arg5[%add3A_260, %dma_wait3A_310] : memref<409600x64xf32, #tpu.memory_space<hbm>> -> memref<400x64xf32, #tpu.memory_space<hbm>>
    %dma_wait3A_312 = arith.constant 0 : i32
    %dma_wait3A_313 = tpu.memref_slice %arg5[%add3A_260, %dma_wait3A_312] : memref<409600x64xf32, #tpu.memory_space<hbm>> -> memref<400x64xf32, #tpu.memory_space<hbm>>
    %dma_wait3A_314 = arith.constant 0 : i32
    %dma_wait3A_315 = arith.constant 0 : i32
    %dma_wait3A_316 = tpu.memref_slice %arg22[%dma_wait3A_305, %dma_wait3A_314, %dma_wait3A_315] : memref<2x400x64xf32, #tpu.memory_space<vmem>> -> memref<1x400x64xf32, #tpu.memory_space<vmem>>
    %dma_wait3A_317 = tpu.memref_squeeze %dma_wait3A_316 : memref<1x400x64xf32, #tpu.memory_space<vmem>> -> memref<400x64xf32, #tpu.memory_space<vmem>>
    tpu.wait_dma2 semaphore(%arg29 : memref<!tpu.dma_semaphore, #tpu.memory_space<semaphore_mem>>) src(%dma_wait3A_317 : memref<400x64xf32, #tpu.memory_space<vmem>>) dst(%dma_wait3A_313 : memref<400x64xf32, #tpu.memory_space<hbm>>)
    %dma_wait3A_318 = arith.constant 0 : i32
    %dma_wait3A_319 = arith.constant 0 : i32
    %dma_wait3A_320 = arith.constant 0 : i32
    %dma_wait3A_321 = tpu.memref_slice %arg23[%dma_wait3A_318, %dma_wait3A_319, %dma_wait3A_320] : memref<2x400x64xf32, #tpu.memory_space<vmem>> -> memref<1x400x64xf32, #tpu.memory_space<vmem>>
    %dma_wait3A_322 = tpu.memref_squeeze %dma_wait3A_321 : memref<1x400x64xf32, #tpu.memory_space<vmem>> -> memref<400x64xf32, #tpu.memory_space<vmem>>
    %dma_wait3A_323 = arith.constant 0 : i32
    %dma_wait3A_324 = tpu.memref_slice %arg5[%add3A_291, %dma_wait3A_323] : memref<409600x64xf32, #tpu.memory_space<hbm>> -> memref<400x64xf32, #tpu.memory_space<hbm>>
    %dma_wait3A_325 = arith.constant 0 : i32
    %dma_wait3A_326 = tpu.memref_slice %arg5[%add3A_291, %dma_wait3A_325] : memref<409600x64xf32, #tpu.memory_space<hbm>> -> memref<400x64xf32, #tpu.memory_space<hbm>>
    %dma_wait3A_327 = arith.constant 0 : i32
    %dma_wait3A_328 = arith.constant 0 : i32
    %dma_wait3A_329 = tpu.memref_slice %arg23[%dma_wait3A_318, %dma_wait3A_327, %dma_wait3A_328] : memref<2x400x64xf32, #tpu.memory_space<vmem>> -> memref<1x400x64xf32, #tpu.memory_space<vmem>>
    %dma_wait3A_330 = tpu.memref_squeeze %dma_wait3A_329 : memref<1x400x64xf32, #tpu.memory_space<vmem>> -> memref<400x64xf32, #tpu.memory_space<vmem>>
    tpu.wait_dma2 semaphore(%arg31 : memref<!tpu.dma_semaphore, #tpu.memory_space<semaphore_mem>>) src(%dma_wait3A_330 : memref<400x64xf32, #tpu.memory_space<vmem>>) dst(%dma_wait3A_326 : memref<400x64xf32, #tpu.memory_space<hbm>>)
    %dma_start3A_331 = arith.constant 0 : i32
    %dma_start3A_332 = arith.constant 0 : i32
    %dma_start3A_333 = arith.constant 0 : i32
    %dma_start3A_334 = tpu.memref_slice %arg22[%dma_start3A_331, %dma_start3A_332, %dma_start3A_333] : memref<2x400x64xf32, #tpu.memory_space<vmem>> -> memref<1x400x64xf32, #tpu.memory_space<vmem>>
    %dma_start3A_335 = tpu.memref_squeeze %dma_start3A_334 : memref<1x400x64xf32, #tpu.memory_space<vmem>> -> memref<400x64xf32, #tpu.memory_space<vmem>>
    %dma_start3A_336 = arith.constant 0 : i32
    %dma_start3A_337 = arith.constant 0 : i32
    %dma_start3A_338 = tpu.memref_slice %arg3[%dma_start3A_336, %dma_start3A_337] : memref<1000000x64xf32, #tpu.memory_space<hbm>> -> memref<1000000x64xf32, #tpu.memory_space<hbm>>
    tpu.enqueue_indirect_dma source(%dma_start3A_338 : memref<1000000x64xf32, #tpu.memory_space<hbm>>) target(%dma_start3A_335 : memref<400x64xf32, #tpu.memory_space<vmem>>) offsets(%arg8 : memref<400xi32, #tpu.memory_space<vmem>>) semaphore(%arg25 : memref<!tpu.dma_semaphore, #tpu.memory_space<semaphore_mem>>)
    %dma_start3A_339 = arith.constant 0 : i32
    %dma_start3A_340 = arith.constant 0 : i32
    %dma_start3A_341 = arith.constant 0 : i32
    %dma_start3A_342 = tpu.memref_slice %arg23[%dma_start3A_339, %dma_start3A_340, %dma_start3A_341] : memref<2x400x64xf32, #tpu.memory_space<vmem>> -> memref<1x400x64xf32, #tpu.memory_space<vmem>>
    %dma_start3A_343 = tpu.memref_squeeze %dma_start3A_342 : memref<1x400x64xf32, #tpu.memory_space<vmem>> -> memref<400x64xf32, #tpu.memory_space<vmem>>
    %dma_start3A_344 = arith.constant 0 : i32
    %dma_start3A_345 = arith.constant 0 : i32
    %dma_start3A_346 = tpu.memref_slice %arg4[%dma_start3A_344, %dma_start3A_345] : memref<1000000x64xf32, #tpu.memory_space<hbm>> -> memref<1000000x64xf32, #tpu.memory_space<hbm>>
    tpu.enqueue_indirect_dma source(%dma_start3A_346 : memref<1000000x64xf32, #tpu.memory_space<hbm>>) target(%dma_start3A_343 : memref<400x64xf32, #tpu.memory_space<vmem>>) offsets(%arg8 : memref<400xi32, #tpu.memory_space<vmem>>) semaphore(%arg27 : memref<!tpu.dma_semaphore, #tpu.memory_space<semaphore_mem>>)
    %add3A_347 = arith.constant 400 : i32
    %add3A_348 = arith.addi %mul3A_2, %add3A_347 : i32
    %dma_wait3A_349 = arith.constant 1 : i32
    %dma_wait3A_350 = arith.constant 0 : i32
    %dma_wait3A_351 = arith.constant 0 : i32
    %dma_wait3A_352 = tpu.memref_slice %arg22[%dma_wait3A_349, %dma_wait3A_350, %dma_wait3A_351] : memref<2x400x64xf32, #tpu.memory_space<vmem>> -> memref<1x400x64xf32, #tpu.memory_space<vmem>>
    %dma_wait3A_353 = tpu.memref_squeeze %dma_wait3A_352 : memref<1x400x64xf32, #tpu.memory_space<vmem>> -> memref<400x64xf32, #tpu.memory_space<vmem>>
    %dma_wait3A_354 = arith.constant 0 : i32
    %dma_wait3A_355 = arith.constant 0 : i32
    %dma_wait3A_356 = tpu.memref_slice %arg3[%dma_wait3A_354, %dma_wait3A_355] : memref<1000000x64xf32, #tpu.memory_space<hbm>> -> memref<1000000x64xf32, #tpu.memory_space<hbm>>
    tpu.wait_indirect_dma semaphore(%arg26 : memref<!tpu.dma_semaphore, #tpu.memory_space<semaphore_mem>>) src(%dma_wait3A_356 : memref<1000000x64xf32, #tpu.memory_space<hbm>>) dst(%dma_wait3A_353 : memref<400x64xf32, #tpu.memory_space<vmem>>)
    %dma_start3A_357 = arith.constant 1 : i32
    %dma_start3A_358 = arith.constant 0 : i32
    %dma_start3A_359 = arith.constant 0 : i32
    %dma_start3A_360 = tpu.memref_slice %arg22[%dma_start3A_357, %dma_start3A_358, %dma_start3A_359] : memref<2x400x64xf32, #tpu.memory_space<vmem>> -> memref<1x400x64xf32, #tpu.memory_space<vmem>>
    %dma_start3A_361 = tpu.memref_squeeze %dma_start3A_360 : memref<1x400x64xf32, #tpu.memory_space<vmem>> -> memref<400x64xf32, #tpu.memory_space<vmem>>
    %dma_start3A_362 = arith.constant 0 : i32
    %dma_start3A_363 = tpu.memref_slice %arg5[%add3A_348, %dma_start3A_362] : memref<409600x64xf32, #tpu.memory_space<hbm>> -> memref<400x64xf32, #tpu.memory_space<hbm>>
    %dma_start3A_364 = arith.constant 0 : i32
    %dma_start3A_365 = tpu.memref_slice %arg5[%add3A_348, %dma_start3A_364] : memref<409600x64xf32, #tpu.memory_space<hbm>> -> memref<400x64xf32, #tpu.memory_space<hbm>>
    %dma_start3A_366 = arith.constant 0 : i32
    %dma_start3A_367 = arith.constant 0 : i32
    %dma_start3A_368 = tpu.memref_slice %arg22[%dma_start3A_357, %dma_start3A_366, %dma_start3A_367] : memref<2x400x64xf32, #tpu.memory_space<vmem>> -> memref<1x400x64xf32, #tpu.memory_space<vmem>>
    %dma_start3A_369 = tpu.memref_squeeze %dma_start3A_368 : memref<1x400x64xf32, #tpu.memory_space<vmem>> -> memref<400x64xf32, #tpu.memory_space<vmem>>
    tpu.enqueue_dma source(%dma_start3A_369 : memref<400x64xf32, #tpu.memory_space<vmem>>) target(%dma_start3A_365 : memref<400x64xf32, #tpu.memory_space<hbm>>) target_semaphore(%arg30 : memref<!tpu.dma_semaphore, #tpu.memory_space<semaphore_mem>>)
    %dma_wait3A_370 = arith.constant 1 : i32
    %dma_wait3A_371 = arith.constant 0 : i32
    %dma_wait3A_372 = arith.constant 0 : i32
    %dma_wait3A_373 = tpu.memref_slice %arg23[%dma_wait3A_370, %dma_wait3A_371, %dma_wait3A_372] : memref<2x400x64xf32, #tpu.memory_space<vmem>> -> memref<1x400x64xf32, #tpu.memory_space<vmem>>
    %dma_wait3A_374 = tpu.memref_squeeze %dma_wait3A_373 : memref<1x400x64xf32, #tpu.memory_space<vmem>> -> memref<400x64xf32, #tpu.memory_space<vmem>>
    %dma_wait3A_375 = arith.constant 0 : i32
    %dma_wait3A_376 = arith.constant 0 : i32
    %dma_wait3A_377 = tpu.memref_slice %arg4[%dma_wait3A_375, %dma_wait3A_376] : memref<1000000x64xf32, #tpu.memory_space<hbm>> -> memref<1000000x64xf32, #tpu.memory_space<hbm>>
    tpu.wait_indirect_dma semaphore(%arg28 : memref<!tpu.dma_semaphore, #tpu.memory_space<semaphore_mem>>) src(%dma_wait3A_377 : memref<1000000x64xf32, #tpu.memory_space<hbm>>) dst(%dma_wait3A_374 : memref<400x64xf32, #tpu.memory_space<vmem>>)
    %add3A_378 = arith.constant 204800 : i32
    %add3A_379 = arith.addi %add3A_378, %add3A_348 : i32
    %dma_start3A_380 = arith.constant 1 : i32
    %dma_start3A_381 = arith.constant 0 : i32
    %dma_start3A_382 = arith.constant 0 : i32
    %dma_start3A_383 = tpu.memref_slice %arg23[%dma_start3A_380, %dma_start3A_381, %dma_start3A_382] : memref<2x400x64xf32, #tpu.memory_space<vmem>> -> memref<1x400x64xf32, #tpu.memory_space<vmem>>
    %dma_start3A_384 = tpu.memref_squeeze %dma_start3A_383 : memref<1x400x64xf32, #tpu.memory_space<vmem>> -> memref<400x64xf32, #tpu.memory_space<vmem>>
    %dma_start3A_385 = arith.constant 0 : i32
    %dma_start3A_386 = tpu.memref_slice %arg5[%add3A_379, %dma_start3A_385] : memref<409600x64xf32, #tpu.memory_space<hbm>> -> memref<400x64xf32, #tpu.memory_space<hbm>>
    %dma_start3A_387 = arith.constant 0 : i32
    %dma_start3A_388 = tpu.memref_slice %arg5[%add3A_379, %dma_start3A_387] : memref<409600x64xf32, #tpu.memory_space<hbm>> -> memref<400x64xf32, #tpu.memory_space<hbm>>
    %dma_start3A_389 = arith.constant 0 : i32
    %dma_start3A_390 = arith.constant 0 : i32
    %dma_start3A_391 = tpu.memref_slice %arg23[%dma_start3A_380, %dma_start3A_389, %dma_start3A_390] : memref<2x400x64xf32, #tpu.memory_space<vmem>> -> memref<1x400x64xf32, #tpu.memory_space<vmem>>
    %dma_start3A_392 = tpu.memref_squeeze %dma_start3A_391 : memref<1x400x64xf32, #tpu.memory_space<vmem>> -> memref<400x64xf32, #tpu.memory_space<vmem>>
    tpu.enqueue_dma source(%dma_start3A_392 : memref<400x64xf32, #tpu.memory_space<vmem>>) target(%dma_start3A_388 : memref<400x64xf32, #tpu.memory_space<hbm>>) target_semaphore(%arg32 : memref<!tpu.dma_semaphore, #tpu.memory_space<semaphore_mem>>)
    %dma_wait3A_393 = arith.constant 1 : i32
    %dma_wait3A_394 = arith.constant 0 : i32
    %dma_wait3A_395 = arith.constant 0 : i32
    %dma_wait3A_396 = tpu.memref_slice %arg22[%dma_wait3A_393, %dma_wait3A_394, %dma_wait3A_395] : memref<2x400x64xf32, #tpu.memory_space<vmem>> -> memref<1x400x64xf32, #tpu.memory_space<vmem>>
    %dma_wait3A_397 = tpu.memref_squeeze %dma_wait3A_396 : memref<1x400x64xf32, #tpu.memory_space<vmem>> -> memref<400x64xf32, #tpu.memory_space<vmem>>
    %dma_wait3A_398 = arith.constant 0 : i32
    %dma_wait3A_399 = tpu.memref_slice %arg5[%add3A_348, %dma_wait3A_398] : memref<409600x64xf32, #tpu.memory_space<hbm>> -> memref<400x64xf32, #tpu.memory_space<hbm>>
    %dma_wait3A_400 = arith.constant 0 : i32
    %dma_wait3A_401 = tpu.memref_slice %arg5[%add3A_348, %dma_wait3A_400] : memref<409600x64xf32, #tpu.memory_space<hbm>> -> memref<400x64xf32, #tpu.memory_space<hbm>>
    %dma_wait3A_402 = arith.constant 0 : i32
    %dma_wait3A_403 = arith.constant 0 : i32
    %dma_wait3A_404 = tpu.memref_slice %arg22[%dma_wait3A_393, %dma_wait3A_402, %dma_wait3A_403] : memref<2x400x64xf32, #tpu.memory_space<vmem>> -> memref<1x400x64xf32, #tpu.memory_space<vmem>>
    %dma_wait3A_405 = tpu.memref_squeeze %dma_wait3A_404 : memref<1x400x64xf32, #tpu.memory_space<vmem>> -> memref<400x64xf32, #tpu.memory_space<vmem>>
    tpu.wait_dma2 semaphore(%arg30 : memref<!tpu.dma_semaphore, #tpu.memory_space<semaphore_mem>>) src(%dma_wait3A_405 : memref<400x64xf32, #tpu.memory_space<vmem>>) dst(%dma_wait3A_401 : memref<400x64xf32, #tpu.memory_space<hbm>>)
    %dma_wait3A_406 = arith.constant 1 : i32
    %dma_wait3A_407 = arith.constant 0 : i32
    %dma_wait3A_408 = arith.constant 0 : i32
    %dma_wait3A_409 = tpu.memref_slice %arg23[%dma_wait3A_406, %dma_wait3A_407, %dma_wait3A_408] : memref<2x400x64xf32, #tpu.memory_space<vmem>> -> memref<1x400x64xf32, #tpu.memory_space<vmem>>
    %dma_wait3A_410 = tpu.memref_squeeze %dma_wait3A_409 : memref<1x400x64xf32, #tpu.memory_space<vmem>> -> memref<400x64xf32, #tpu.memory_space<vmem>>
    %dma_wait3A_411 = arith.constant 0 : i32
    %dma_wait3A_412 = tpu.memref_slice %arg5[%add3A_379, %dma_wait3A_411] : memref<409600x64xf32, #tpu.memory_space<hbm>> -> memref<400x64xf32, #tpu.memory_space<hbm>>
    %dma_wait3A_413 = arith.constant 0 : i32
    %dma_wait3A_414 = tpu.memref_slice %arg5[%add3A_379, %dma_wait3A_413] : memref<409600x64xf32, #tpu.memory_space<hbm>> -> memref<400x64xf32, #tpu.memory_space<hbm>>
    %dma_wait3A_415 = arith.constant 0 : i32
    %dma_wait3A_416 = arith.constant 0 : i32
    %dma_wait3A_417 = tpu.memref_slice %arg23[%dma_wait3A_406, %dma_wait3A_415, %dma_wait3A_416] : memref<2x400x64xf32, #tpu.memory_space<vmem>> -> memref<1x400x64xf32, #tpu.memory_space<vmem>>
    %dma_wait3A_418 = tpu.memref_squeeze %dma_wait3A_417 : memref<1x400x64xf32, #tpu.memory_space<vmem>> -> memref<400x64xf32, #tpu.memory_space<vmem>>
    tpu.wait_dma2 semaphore(%arg32 : memref<!tpu.dma_semaphore, #tpu.memory_space<semaphore_mem>>) src(%dma_wait3A_418 : memref<400x64xf32, #tpu.memory_space<vmem>>) dst(%dma_wait3A_414 : memref<400x64xf32, #tpu.memory_space<hbm>>)
    %dma_start3A_419 = arith.constant 1 : i32
    %dma_start3A_420 = arith.constant 0 : i32
    %dma_start3A_421 = arith.constant 0 : i32
    %dma_start3A_422 = tpu.memref_slice %arg22[%dma_start3A_419, %dma_start3A_420, %dma_start3A_421] : memref<2x400x64xf32, #tpu.memory_space<vmem>> -> memref<1x400x64xf32, #tpu.memory_space<vmem>>
    %dma_start3A_423 = tpu.memref_squeeze %dma_start3A_422 : memref<1x400x64xf32, #tpu.memory_space<vmem>> -> memref<400x64xf32, #tpu.memory_space<vmem>>
    %dma_start3A_424 = arith.constant 0 : i32
    %dma_start3A_425 = arith.constant 0 : i32
    %dma_start3A_426 = tpu.memref_slice %arg3[%dma_start3A_424, %dma_start3A_425] : memref<1000000x64xf32, #tpu.memory_space<hbm>> -> memref<1000000x64xf32, #tpu.memory_space<hbm>>
    tpu.enqueue_indirect_dma source(%dma_start3A_426 : memref<1000000x64xf32, #tpu.memory_space<hbm>>) target(%dma_start3A_423 : memref<400x64xf32, #tpu.memory_space<vmem>>) offsets(%arg9 : memref<400xi32, #tpu.memory_space<vmem>>) semaphore(%arg26 : memref<!tpu.dma_semaphore, #tpu.memory_space<semaphore_mem>>)
    %dma_start3A_427 = arith.constant 1 : i32
    %dma_start3A_428 = arith.constant 0 : i32
    %dma_start3A_429 = arith.constant 0 : i32
    %dma_start3A_430 = tpu.memref_slice %arg23[%dma_start3A_427, %dma_start3A_428, %dma_start3A_429] : memref<2x400x64xf32, #tpu.memory_space<vmem>> -> memref<1x400x64xf32, #tpu.memory_space<vmem>>
    %dma_start3A_431 = tpu.memref_squeeze %dma_start3A_430 : memref<1x400x64xf32, #tpu.memory_space<vmem>> -> memref<400x64xf32, #tpu.memory_space<vmem>>
    %dma_start3A_432 = arith.constant 0 : i32
    %dma_start3A_433 = arith.constant 0 : i32
    %dma_start3A_434 = tpu.memref_slice %arg4[%dma_start3A_432, %dma_start3A_433] : memref<1000000x64xf32, #tpu.memory_space<hbm>> -> memref<1000000x64xf32, #tpu.memory_space<hbm>>
    tpu.enqueue_indirect_dma source(%dma_start3A_434 : memref<1000000x64xf32, #tpu.memory_space<hbm>>) target(%dma_start3A_431 : memref<400x64xf32, #tpu.memory_space<vmem>>) offsets(%arg9 : memref<400xi32, #tpu.memory_space<vmem>>) semaphore(%arg28 : memref<!tpu.dma_semaphore, #tpu.memory_space<semaphore_mem>>)
    %add3A_435 = arith.constant 800 : i32
    %add3A_436 = arith.addi %mul3A_2, %add3A_435 : i32
    %dma_wait3A_437 = arith.constant 0 : i32
    %dma_wait3A_438 = arith.constant 0 : i32
    %dma_wait3A_439 = arith.constant 0 : i32
    %dma_wait3A_440 = tpu.memref_slice %arg22[%dma_wait3A_437, %dma_wait3A_438, %dma_wait3A_439] : memref<2x400x64xf32, #tpu.memory_space<vmem>> -> memref<1x400x64xf32, #tpu.memory_space<vmem>>
    %dma_wait3A_441 = tpu.memref_squeeze %dma_wait3A_440 : memref<1x400x64xf32, #tpu.memory_space<vmem>> -> memref<400x64xf32, #tpu.memory_space<vmem>>
    %dma_wait3A_442 = arith.constant 0 : i32
    %dma_wait3A_443 = arith.constant 0 : i32
    %dma_wait3A_444 = tpu.memref_slice %arg3[%dma_wait3A_442, %dma_wait3A_443] : memref<1000000x64xf32, #tpu.memory_space<hbm>> -> memref<1000000x64xf32, #tpu.memory_space<hbm>>
    tpu.wait_indirect_dma semaphore(%arg25 : memref<!tpu.dma_semaphore, #tpu.memory_space<semaphore_mem>>) src(%dma_wait3A_444 : memref<1000000x64xf32, #tpu.memory_space<hbm>>) dst(%dma_wait3A_441 : memref<400x64xf32, #tpu.memory_space<vmem>>)
    %dma_start3A_445 = arith.constant 0 : i32
    %dma_start3A_446 = arith.constant 0 : i32
    %dma_start3A_447 = arith.constant 0 : i32
    %dma_start3A_448 = tpu.memref_slice %arg22[%dma_start3A_445, %dma_start3A_446, %dma_start3A_447] : memref<2x400x64xf32, #tpu.memory_space<vmem>> -> memref<1x400x64xf32, #tpu.memory_space<vmem>>
    %dma_start3A_449 = tpu.memref_squeeze %dma_start3A_448 : memref<1x400x64xf32, #tpu.memory_space<vmem>> -> memref<400x64xf32, #tpu.memory_space<vmem>>
    %dma_start3A_450 = arith.constant 0 : i32
    %dma_start3A_451 = tpu.memref_slice %arg5[%add3A_436, %dma_start3A_450] : memref<409600x64xf32, #tpu.memory_space<hbm>> -> memref<400x64xf32, #tpu.memory_space<hbm>>
    %dma_start3A_452 = arith.constant 0 : i32
    %dma_start3A_453 = tpu.memref_slice %arg5[%add3A_436, %dma_start3A_452] : memref<409600x64xf32, #tpu.memory_space<hbm>> -> memref<400x64xf32, #tpu.memory_space<hbm>>
    %dma_start3A_454 = arith.constant 0 : i32
    %dma_start3A_455 = arith.constant 0 : i32
    %dma_start3A_456 = tpu.memref_slice %arg22[%dma_start3A_445, %dma_start3A_454, %dma_start3A_455] : memref<2x400x64xf32, #tpu.memory_space<vmem>> -> memref<1x400x64xf32, #tpu.memory_space<vmem>>
    %dma_start3A_457 = tpu.memref_squeeze %dma_start3A_456 : memref<1x400x64xf32, #tpu.memory_space<vmem>> -> memref<400x64xf32, #tpu.memory_space<vmem>>
    tpu.enqueue_dma source(%dma_start3A_457 : memref<400x64xf32, #tpu.memory_space<vmem>>) target(%dma_start3A_453 : memref<400x64xf32, #tpu.memory_space<hbm>>) target_semaphore(%arg29 : memref<!tpu.dma_semaphore, #tpu.memory_space<semaphore_mem>>)
    %dma_wait3A_458 = arith.constant 0 : i32
    %dma_wait3A_459 = arith.constant 0 : i32
    %dma_wait3A_460 = arith.constant 0 : i32
    %dma_wait3A_461 = tpu.memref_slice %arg23[%dma_wait3A_458, %dma_wait3A_459, %dma_wait3A_460] : memref<2x400x64xf32, #tpu.memory_space<vmem>> -> memref<1x400x64xf32, #tpu.memory_space<vmem>>
    %dma_wait3A_462 = tpu.memref_squeeze %dma_wait3A_461 : memref<1x400x64xf32, #tpu.memory_space<vmem>> -> memref<400x64xf32, #tpu.memory_space<vmem>>
    %dma_wait3A_463 = arith.constant 0 : i32
    %dma_wait3A_464 = arith.constant 0 : i32
    %dma_wait3A_465 = tpu.memref_slice %arg4[%dma_wait3A_463, %dma_wait3A_464] : memref<1000000x64xf32, #tpu.memory_space<hbm>> -> memref<1000000x64xf32, #tpu.memory_space<hbm>>
    tpu.wait_indirect_dma semaphore(%arg27 : memref<!tpu.dma_semaphore, #tpu.memory_space<semaphore_mem>>) src(%dma_wait3A_465 : memref<1000000x64xf32, #tpu.memory_space<hbm>>) dst(%dma_wait3A_462 : memref<400x64xf32, #tpu.memory_space<vmem>>)
    %add3A_466 = arith.constant 204800 : i32
    %add3A_467 = arith.addi %add3A_466, %add3A_436 : i32
    %dma_start3A_468 = arith.constant 0 : i32
    %dma_start3A_469 = arith.constant 0 : i32
    %dma_start3A_470 = arith.constant 0 : i32
    %dma_start3A_471 = tpu.memref_slice %arg23[%dma_start3A_468, %dma_start3A_469, %dma_start3A_470] : memref<2x400x64xf32, #tpu.memory_space<vmem>> -> memref<1x400x64xf32, #tpu.memory_space<vmem>>
    %dma_start3A_472 = tpu.memref_squeeze %dma_start3A_471 : memref<1x400x64xf32, #tpu.memory_space<vmem>> -> memref<400x64xf32, #tpu.memory_space<vmem>>
    %dma_start3A_473 = arith.constant 0 : i32
    %dma_start3A_474 = tpu.memref_slice %arg5[%add3A_467, %dma_start3A_473] : memref<409600x64xf32, #tpu.memory_space<hbm>> -> memref<400x64xf32, #tpu.memory_space<hbm>>
    %dma_start3A_475 = arith.constant 0 : i32
    %dma_start3A_476 = tpu.memref_slice %arg5[%add3A_467, %dma_start3A_475] : memref<409600x64xf32, #tpu.memory_space<hbm>> -> memref<400x64xf32, #tpu.memory_space<hbm>>
    %dma_start3A_477 = arith.constant 0 : i32
    %dma_start3A_478 = arith.constant 0 : i32
    %dma_start3A_479 = tpu.memref_slice %arg23[%dma_start3A_468, %dma_start3A_477, %dma_start3A_478] : memref<2x400x64xf32, #tpu.memory_space<vmem>> -> memref<1x400x64xf32, #tpu.memory_space<vmem>>
    %dma_start3A_480 = tpu.memref_squeeze %dma_start3A_479 : memref<1x400x64xf32, #tpu.memory_space<vmem>> -> memref<400x64xf32, #tpu.memory_space<vmem>>
    tpu.enqueue_dma source(%dma_start3A_480 : memref<400x64xf32, #tpu.memory_space<vmem>>) target(%dma_start3A_476 : memref<400x64xf32, #tpu.memory_space<hbm>>) target_semaphore(%arg31 : memref<!tpu.dma_semaphore, #tpu.memory_space<semaphore_mem>>)
    %dma_wait3A_481 = arith.constant 0 : i32
    %dma_wait3A_482 = arith.constant 0 : i32
    %dma_wait3A_483 = arith.constant 0 : i32
    %dma_wait3A_484 = tpu.memref_slice %arg22[%dma_wait3A_481, %dma_wait3A_482, %dma_wait3A_483] : memref<2x400x64xf32, #tpu.memory_space<vmem>> -> memref<1x400x64xf32, #tpu.memory_space<vmem>>
    %dma_wait3A_485 = tpu.memref_squeeze %dma_wait3A_484 : memref<1x400x64xf32, #tpu.memory_space<vmem>> -> memref<400x64xf32, #tpu.memory_space<vmem>>
    %dma_wait3A_486 = arith.constant 0 : i32
    %dma_wait3A_487 = tpu.memref_slice %arg5[%add3A_436, %dma_wait3A_486] : memref<409600x64xf32, #tpu.memory_space<hbm>> -> memref<400x64xf32, #tpu.memory_space<hbm>>
    %dma_wait3A_488 = arith.constant 0 : i32
    %dma_wait3A_489 = tpu.memref_slice %arg5[%add3A_436, %dma_wait3A_488] : memref<409600x64xf32, #tpu.memory_space<hbm>> -> memref<400x64xf32, #tpu.memory_space<hbm>>
    %dma_wait3A_490 = arith.constant 0 : i32
    %dma_wait3A_491 = arith.constant 0 : i32
    %dma_wait3A_492 = tpu.memref_slice %arg22[%dma_wait3A_481, %dma_wait3A_490, %dma_wait3A_491] : memref<2x400x64xf32, #tpu.memory_space<vmem>> -> memref<1x400x64xf32, #tpu.memory_space<vmem>>
    %dma_wait3A_493 = tpu.memref_squeeze %dma_wait3A_492 : memref<1x400x64xf32, #tpu.memory_space<vmem>> -> memref<400x64xf32, #tpu.memory_space<vmem>>
    tpu.wait_dma2 semaphore(%arg29 : memref<!tpu.dma_semaphore, #tpu.memory_space<semaphore_mem>>) src(%dma_wait3A_493 : memref<400x64xf32, #tpu.memory_space<vmem>>) dst(%dma_wait3A_489 : memref<400x64xf32, #tpu.memory_space<hbm>>)
    %dma_wait3A_494 = arith.constant 0 : i32
    %dma_wait3A_495 = arith.constant 0 : i32
    %dma_wait3A_496 = arith.constant 0 : i32
    %dma_wait3A_497 = tpu.memref_slice %arg23[%dma_wait3A_494, %dma_wait3A_495, %dma_wait3A_496] : memref<2x400x64xf32, #tpu.memory_space<vmem>> -> memref<1x400x64xf32, #tpu.memory_space<vmem>>
    %dma_wait3A_498 = tpu.memref_squeeze %dma_wait3A_497 : memref<1x400x64xf32, #tpu.memory_space<vmem>> -> memref<400x64xf32, #tpu.memory_space<vmem>>
    %dma_wait3A_499 = arith.constant 0 : i32
    %dma_wait3A_500 = tpu.memref_slice %arg5[%add3A_467, %dma_wait3A_499] : memref<409600x64xf32, #tpu.memory_space<hbm>> -> memref<400x64xf32, #tpu.memory_space<hbm>>
    %dma_wait3A_501 = arith.constant 0 : i32
    %dma_wait3A_502 = tpu.memref_slice %arg5[%add3A_467, %dma_wait3A_501] : memref<409600x64xf32, #tpu.memory_space<hbm>> -> memref<400x64xf32, #tpu.memory_space<hbm>>
    %dma_wait3A_503 = arith.constant 0 : i32
    %dma_wait3A_504 = arith.constant 0 : i32
    %dma_wait3A_505 = tpu.memref_slice %arg23[%dma_wait3A_494, %dma_wait3A_503, %dma_wait3A_504] : memref<2x400x64xf32, #tpu.memory_space<vmem>> -> memref<1x400x64xf32, #tpu.memory_space<vmem>>
    %dma_wait3A_506 = tpu.memref_squeeze %dma_wait3A_505 : memref<1x400x64xf32, #tpu.memory_space<vmem>> -> memref<400x64xf32, #tpu.memory_space<vmem>>
    tpu.wait_dma2 semaphore(%arg31 : memref<!tpu.dma_semaphore, #tpu.memory_space<semaphore_mem>>) src(%dma_wait3A_506 : memref<400x64xf32, #tpu.memory_space<vmem>>) dst(%dma_wait3A_502 : memref<400x64xf32, #tpu.memory_space<hbm>>)
    %dma_start3A_507 = arith.constant 0 : i32
    %dma_start3A_508 = arith.constant 0 : i32
    %dma_start3A_509 = arith.constant 0 : i32
    %dma_start3A_510 = tpu.memref_slice %arg22[%dma_start3A_507, %dma_start3A_508, %dma_start3A_509] : memref<2x400x64xf32, #tpu.memory_space<vmem>> -> memref<1x400x64xf32, #tpu.memory_space<vmem>>
    %dma_start3A_511 = tpu.memref_squeeze %dma_start3A_510 : memref<1x400x64xf32, #tpu.memory_space<vmem>> -> memref<400x64xf32, #tpu.memory_space<vmem>>
    %dma_start3A_512 = arith.constant 0 : i32
    %dma_start3A_513 = arith.constant 0 : i32
    %dma_start3A_514 = tpu.memref_slice %arg3[%dma_start3A_512, %dma_start3A_513] : memref<1000000x64xf32, #tpu.memory_space<hbm>> -> memref<1000000x64xf32, #tpu.memory_space<hbm>>
    tpu.enqueue_indirect_dma source(%dma_start3A_514 : memref<1000000x64xf32, #tpu.memory_space<hbm>>) target(%dma_start3A_511 : memref<400x64xf32, #tpu.memory_space<vmem>>) offsets(%arg10 : memref<400xi32, #tpu.memory_space<vmem>>) semaphore(%arg25 : memref<!tpu.dma_semaphore, #tpu.memory_space<semaphore_mem>>)
    %dma_start3A_515 = arith.constant 0 : i32
    %dma_start3A_516 = arith.constant 0 : i32
    %dma_start3A_517 = arith.constant 0 : i32
    %dma_start3A_518 = tpu.memref_slice %arg23[%dma_start3A_515, %dma_start3A_516, %dma_start3A_517] : memref<2x400x64xf32, #tpu.memory_space<vmem>> -> memref<1x400x64xf32, #tpu.memory_space<vmem>>
    %dma_start3A_519 = tpu.memref_squeeze %dma_start3A_518 : memref<1x400x64xf32, #tpu.memory_space<vmem>> -> memref<400x64xf32, #tpu.memory_space<vmem>>
    %dma_start3A_520 = arith.constant 0 : i32
    %dma_start3A_521 = arith.constant 0 : i32
    %dma_start3A_522 = tpu.memref_slice %arg4[%dma_start3A_520, %dma_start3A_521] : memref<1000000x64xf32, #tpu.memory_space<hbm>> -> memref<1000000x64xf32, #tpu.memory_space<hbm>>
    tpu.enqueue_indirect_dma source(%dma_start3A_522 : memref<1000000x64xf32, #tpu.memory_space<hbm>>) target(%dma_start3A_519 : memref<400x64xf32, #tpu.memory_space<vmem>>) offsets(%arg10 : memref<400xi32, #tpu.memory_space<vmem>>) semaphore(%arg27 : memref<!tpu.dma_semaphore, #tpu.memory_space<semaphore_mem>>)
    %add3A_523 = arith.constant 1200 : i32
    %add3A_524 = arith.addi %mul3A_2, %add3A_523 : i32
    %dma_wait3A_525 = arith.constant 1 : i32
    %dma_wait3A_526 = arith.constant 0 : i32
    %dma_wait3A_527 = arith.constant 0 : i32
    %dma_wait3A_528 = tpu.memref_slice %arg22[%dma_wait3A_525, %dma_wait3A_526, %dma_wait3A_527] : memref<2x400x64xf32, #tpu.memory_space<vmem>> -> memref<1x400x64xf32, #tpu.memory_space<vmem>>
    %dma_wait3A_529 = tpu.memref_squeeze %dma_wait3A_528 : memref<1x400x64xf32, #tpu.memory_space<vmem>> -> memref<400x64xf32, #tpu.memory_space<vmem>>
    %dma_wait3A_530 = arith.constant 0 : i32
    %dma_wait3A_531 = arith.constant 0 : i32
    %dma_wait3A_532 = tpu.memref_slice %arg3[%dma_wait3A_530, %dma_wait3A_531] : memref<1000000x64xf32, #tpu.memory_space<hbm>> -> memref<1000000x64xf32, #tpu.memory_space<hbm>>
    tpu.wait_indirect_dma semaphore(%arg26 : memref<!tpu.dma_semaphore, #tpu.memory_space<semaphore_mem>>) src(%dma_wait3A_532 : memref<1000000x64xf32, #tpu.memory_space<hbm>>) dst(%dma_wait3A_529 : memref<400x64xf32, #tpu.memory_space<vmem>>)
    %dma_start3A_533 = arith.constant 1 : i32
    %dma_start3A_534 = arith.constant 0 : i32
    %dma_start3A_535 = arith.constant 0 : i32
    %dma_start3A_536 = tpu.memref_slice %arg22[%dma_start3A_533, %dma_start3A_534, %dma_start3A_535] : memref<2x400x64xf32, #tpu.memory_space<vmem>> -> memref<1x400x64xf32, #tpu.memory_space<vmem>>
    %dma_start3A_537 = tpu.memref_squeeze %dma_start3A_536 : memref<1x400x64xf32, #tpu.memory_space<vmem>> -> memref<400x64xf32, #tpu.memory_space<vmem>>
    %dma_start3A_538 = arith.constant 0 : i32
    %dma_start3A_539 = tpu.memref_slice %arg5[%add3A_524, %dma_start3A_538] : memref<409600x64xf32, #tpu.memory_space<hbm>> -> memref<400x64xf32, #tpu.memory_space<hbm>>
    %dma_start3A_540 = arith.constant 0 : i32
    %dma_start3A_541 = tpu.memref_slice %arg5[%add3A_524, %dma_start3A_540] : memref<409600x64xf32, #tpu.memory_space<hbm>> -> memref<400x64xf32, #tpu.memory_space<hbm>>
    %dma_start3A_542 = arith.constant 0 : i32
    %dma_start3A_543 = arith.constant 0 : i32
    %dma_start3A_544 = tpu.memref_slice %arg22[%dma_start3A_533, %dma_start3A_542, %dma_start3A_543] : memref<2x400x64xf32, #tpu.memory_space<vmem>> -> memref<1x400x64xf32, #tpu.memory_space<vmem>>
    %dma_start3A_545 = tpu.memref_squeeze %dma_start3A_544 : memref<1x400x64xf32, #tpu.memory_space<vmem>> -> memref<400x64xf32, #tpu.memory_space<vmem>>
    tpu.enqueue_dma source(%dma_start3A_545 : memref<400x64xf32, #tpu.memory_space<vmem>>) target(%dma_start3A_541 : memref<400x64xf32, #tpu.memory_space<hbm>>) target_semaphore(%arg30 : memref<!tpu.dma_semaphore, #tpu.memory_space<semaphore_mem>>)
    %dma_wait3A_546 = arith.constant 1 : i32
    %dma_wait3A_547 = arith.constant 0 : i32
    %dma_wait3A_548 = arith.constant 0 : i32
    %dma_wait3A_549 = tpu.memref_slice %arg23[%dma_wait3A_546, %dma_wait3A_547, %dma_wait3A_548] : memref<2x400x64xf32, #tpu.memory_space<vmem>> -> memref<1x400x64xf32, #tpu.memory_space<vmem>>
    %dma_wait3A_550 = tpu.memref_squeeze %dma_wait3A_549 : memref<1x400x64xf32, #tpu.memory_space<vmem>> -> memref<400x64xf32, #tpu.memory_space<vmem>>
    %dma_wait3A_551 = arith.constant 0 : i32
    %dma_wait3A_552 = arith.constant 0 : i32
    %dma_wait3A_553 = tpu.memref_slice %arg4[%dma_wait3A_551, %dma_wait3A_552] : memref<1000000x64xf32, #tpu.memory_space<hbm>> -> memref<1000000x64xf32, #tpu.memory_space<hbm>>
    tpu.wait_indirect_dma semaphore(%arg28 : memref<!tpu.dma_semaphore, #tpu.memory_space<semaphore_mem>>) src(%dma_wait3A_553 : memref<1000000x64xf32, #tpu.memory_space<hbm>>) dst(%dma_wait3A_550 : memref<400x64xf32, #tpu.memory_space<vmem>>)
    %add3A_554 = arith.constant 204800 : i32
    %add3A_555 = arith.addi %add3A_554, %add3A_524 : i32
    %dma_start3A_556 = arith.constant 1 : i32
    %dma_start3A_557 = arith.constant 0 : i32
    %dma_start3A_558 = arith.constant 0 : i32
    %dma_start3A_559 = tpu.memref_slice %arg23[%dma_start3A_556, %dma_start3A_557, %dma_start3A_558] : memref<2x400x64xf32, #tpu.memory_space<vmem>> -> memref<1x400x64xf32, #tpu.memory_space<vmem>>
    %dma_start3A_560 = tpu.memref_squeeze %dma_start3A_559 : memref<1x400x64xf32, #tpu.memory_space<vmem>> -> memref<400x64xf32, #tpu.memory_space<vmem>>
    %dma_start3A_561 = arith.constant 0 : i32
    %dma_start3A_562 = tpu.memref_slice %arg5[%add3A_555, %dma_start3A_561] : memref<409600x64xf32, #tpu.memory_space<hbm>> -> memref<400x64xf32, #tpu.memory_space<hbm>>
    %dma_start3A_563 = arith.constant 0 : i32
    %dma_start3A_564 = tpu.memref_slice %arg5[%add3A_555, %dma_start3A_563] : memref<409600x64xf32, #tpu.memory_space<hbm>> -> memref<400x64xf32, #tpu.memory_space<hbm>>
    %dma_start3A_565 = arith.constant 0 : i32
    %dma_start3A_566 = arith.constant 0 : i32
    %dma_start3A_567 = tpu.memref_slice %arg23[%dma_start3A_556, %dma_start3A_565, %dma_start3A_566] : memref<2x400x64xf32, #tpu.memory_space<vmem>> -> memref<1x400x64xf32, #tpu.memory_space<vmem>>
    %dma_start3A_568 = tpu.memref_squeeze %dma_start3A_567 : memref<1x400x64xf32, #tpu.memory_space<vmem>> -> memref<400x64xf32, #tpu.memory_space<vmem>>
    tpu.enqueue_dma source(%dma_start3A_568 : memref<400x64xf32, #tpu.memory_space<vmem>>) target(%dma_start3A_564 : memref<400x64xf32, #tpu.memory_space<hbm>>) target_semaphore(%arg32 : memref<!tpu.dma_semaphore, #tpu.memory_space<semaphore_mem>>)
    %dma_wait3A_569 = arith.constant 1 : i32
    %dma_wait3A_570 = arith.constant 0 : i32
    %dma_wait3A_571 = arith.constant 0 : i32
    %dma_wait3A_572 = tpu.memref_slice %arg22[%dma_wait3A_569, %dma_wait3A_570, %dma_wait3A_571] : memref<2x400x64xf32, #tpu.memory_space<vmem>> -> memref<1x400x64xf32, #tpu.memory_space<vmem>>
    %dma_wait3A_573 = tpu.memref_squeeze %dma_wait3A_572 : memref<1x400x64xf32, #tpu.memory_space<vmem>> -> memref<400x64xf32, #tpu.memory_space<vmem>>
    %dma_wait3A_574 = arith.constant 0 : i32
    %dma_wait3A_575 = tpu.memref_slice %arg5[%add3A_524, %dma_wait3A_574] : memref<409600x64xf32, #tpu.memory_space<hbm>> -> memref<400x64xf32, #tpu.memory_space<hbm>>
    %dma_wait3A_576 = arith.constant 0 : i32
    %dma_wait3A_577 = tpu.memref_slice %arg5[%add3A_524, %dma_wait3A_576] : memref<409600x64xf32, #tpu.memory_space<hbm>> -> memref<400x64xf32, #tpu.memory_space<hbm>>
    %dma_wait3A_578 = arith.constant 0 : i32
    %dma_wait3A_579 = arith.constant 0 : i32
    %dma_wait3A_580 = tpu.memref_slice %arg22[%dma_wait3A_569, %dma_wait3A_578, %dma_wait3A_579] : memref<2x400x64xf32, #tpu.memory_space<vmem>> -> memref<1x400x64xf32, #tpu.memory_space<vmem>>
    %dma_wait3A_581 = tpu.memref_squeeze %dma_wait3A_580 : memref<1x400x64xf32, #tpu.memory_space<vmem>> -> memref<400x64xf32, #tpu.memory_space<vmem>>
    tpu.wait_dma2 semaphore(%arg30 : memref<!tpu.dma_semaphore, #tpu.memory_space<semaphore_mem>>) src(%dma_wait3A_581 : memref<400x64xf32, #tpu.memory_space<vmem>>) dst(%dma_wait3A_577 : memref<400x64xf32, #tpu.memory_space<hbm>>)
    %dma_wait3A_582 = arith.constant 1 : i32
    %dma_wait3A_583 = arith.constant 0 : i32
    %dma_wait3A_584 = arith.constant 0 : i32
    %dma_wait3A_585 = tpu.memref_slice %arg23[%dma_wait3A_582, %dma_wait3A_583, %dma_wait3A_584] : memref<2x400x64xf32, #tpu.memory_space<vmem>> -> memref<1x400x64xf32, #tpu.memory_space<vmem>>
    %dma_wait3A_586 = tpu.memref_squeeze %dma_wait3A_585 : memref<1x400x64xf32, #tpu.memory_space<vmem>> -> memref<400x64xf32, #tpu.memory_space<vmem>>
    %dma_wait3A_587 = arith.constant 0 : i32
    %dma_wait3A_588 = tpu.memref_slice %arg5[%add3A_555, %dma_wait3A_587] : memref<409600x64xf32, #tpu.memory_space<hbm>> -> memref<400x64xf32, #tpu.memory_space<hbm>>
    %dma_wait3A_589 = arith.constant 0 : i32
    %dma_wait3A_590 = tpu.memref_slice %arg5[%add3A_555, %dma_wait3A_589] : memref<409600x64xf32, #tpu.memory_space<hbm>> -> memref<400x64xf32, #tpu.memory_space<hbm>>
    %dma_wait3A_591 = arith.constant 0 : i32
    %dma_wait3A_592 = arith.constant 0 : i32
    %dma_wait3A_593 = tpu.memref_slice %arg23[%dma_wait3A_582, %dma_wait3A_591, %dma_wait3A_592] : memref<2x400x64xf32, #tpu.memory_space<vmem>> -> memref<1x400x64xf32, #tpu.memory_space<vmem>>
    %dma_wait3A_594 = tpu.memref_squeeze %dma_wait3A_593 : memref<1x400x64xf32, #tpu.memory_space<vmem>> -> memref<400x64xf32, #tpu.memory_space<vmem>>
    tpu.wait_dma2 semaphore(%arg32 : memref<!tpu.dma_semaphore, #tpu.memory_space<semaphore_mem>>) src(%dma_wait3A_594 : memref<400x64xf32, #tpu.memory_space<vmem>>) dst(%dma_wait3A_590 : memref<400x64xf32, #tpu.memory_space<hbm>>)
    %dma_start3A_595 = arith.constant 1 : i32
    %dma_start3A_596 = arith.constant 0 : i32
    %dma_start3A_597 = arith.constant 0 : i32
    %dma_start3A_598 = tpu.memref_slice %arg22[%dma_start3A_595, %dma_start3A_596, %dma_start3A_597] : memref<2x400x64xf32, #tpu.memory_space<vmem>> -> memref<1x400x64xf32, #tpu.memory_space<vmem>>
    %dma_start3A_599 = tpu.memref_squeeze %dma_start3A_598 : memref<1x400x64xf32, #tpu.memory_space<vmem>> -> memref<400x64xf32, #tpu.memory_space<vmem>>
    %dma_start3A_600 = arith.constant 0 : i32
    %dma_start3A_601 = arith.constant 0 : i32
    %dma_start3A_602 = tpu.memref_slice %arg3[%dma_start3A_600, %dma_start3A_601] : memref<1000000x64xf32, #tpu.memory_space<hbm>> -> memref<1000000x64xf32, #tpu.memory_space<hbm>>
    tpu.enqueue_indirect_dma source(%dma_start3A_602 : memref<1000000x64xf32, #tpu.memory_space<hbm>>) target(%dma_start3A_599 : memref<400x64xf32, #tpu.memory_space<vmem>>) offsets(%arg11 : memref<400xi32, #tpu.memory_space<vmem>>) semaphore(%arg26 : memref<!tpu.dma_semaphore, #tpu.memory_space<semaphore_mem>>)
    %dma_start3A_603 = arith.constant 1 : i32
    %dma_start3A_604 = arith.constant 0 : i32
    %dma_start3A_605 = arith.constant 0 : i32
    %dma_start3A_606 = tpu.memref_slice %arg23[%dma_start3A_603, %dma_start3A_604, %dma_start3A_605] : memref<2x400x64xf32, #tpu.memory_space<vmem>> -> memref<1x400x64xf32, #tpu.memory_space<vmem>>
    %dma_start3A_607 = tpu.memref_squeeze %dma_start3A_606 : memref<1x400x64xf32, #tpu.memory_space<vmem>> -> memref<400x64xf32, #tpu.memory_space<vmem>>
    %dma_start3A_608 = arith.constant 0 : i32
    %dma_start3A_609 = arith.constant 0 : i32
    %dma_start3A_610 = tpu.memref_slice %arg4[%dma_start3A_608, %dma_start3A_609] : memref<1000000x64xf32, #tpu.memory_space<hbm>> -> memref<1000000x64xf32, #tpu.memory_space<hbm>>
    tpu.enqueue_indirect_dma source(%dma_start3A_610 : memref<1000000x64xf32, #tpu.memory_space<hbm>>) target(%dma_start3A_607 : memref<400x64xf32, #tpu.memory_space<vmem>>) offsets(%arg11 : memref<400xi32, #tpu.memory_space<vmem>>) semaphore(%arg28 : memref<!tpu.dma_semaphore, #tpu.memory_space<semaphore_mem>>)
    %add3A_611 = arith.constant 1600 : i32
    %add3A_612 = arith.addi %mul3A_2, %add3A_611 : i32
    %dma_wait3A_613 = arith.constant 0 : i32
    %dma_wait3A_614 = arith.constant 0 : i32
    %dma_wait3A_615 = arith.constant 0 : i32
    %dma_wait3A_616 = tpu.memref_slice %arg22[%dma_wait3A_613, %dma_wait3A_614, %dma_wait3A_615] : memref<2x400x64xf32, #tpu.memory_space<vmem>> -> memref<1x400x64xf32, #tpu.memory_space<vmem>>
    %dma_wait3A_617 = tpu.memref_squeeze %dma_wait3A_616 : memref<1x400x64xf32, #tpu.memory_space<vmem>> -> memref<400x64xf32, #tpu.memory_space<vmem>>
    %dma_wait3A_618 = arith.constant 0 : i32
    %dma_wait3A_619 = arith.constant 0 : i32
    %dma_wait3A_620 = tpu.memref_slice %arg3[%dma_wait3A_618, %dma_wait3A_619] : memref<1000000x64xf32, #tpu.memory_space<hbm>> -> memref<1000000x64xf32, #tpu.memory_space<hbm>>
    tpu.wait_indirect_dma semaphore(%arg25 : memref<!tpu.dma_semaphore, #tpu.memory_space<semaphore_mem>>) src(%dma_wait3A_620 : memref<1000000x64xf32, #tpu.memory_space<hbm>>) dst(%dma_wait3A_617 : memref<400x64xf32, #tpu.memory_space<vmem>>)
    %dma_start3A_621 = arith.constant 0 : i32
    %dma_start3A_622 = arith.constant 0 : i32
    %dma_start3A_623 = arith.constant 0 : i32
    %dma_start3A_624 = tpu.memref_slice %arg22[%dma_start3A_621, %dma_start3A_622, %dma_start3A_623] : memref<2x400x64xf32, #tpu.memory_space<vmem>> -> memref<1x400x64xf32, #tpu.memory_space<vmem>>
    %dma_start3A_625 = tpu.memref_squeeze %dma_start3A_624 : memref<1x400x64xf32, #tpu.memory_space<vmem>> -> memref<400x64xf32, #tpu.memory_space<vmem>>
    %dma_start3A_626 = arith.constant 0 : i32
    %dma_start3A_627 = tpu.memref_slice %arg5[%add3A_612, %dma_start3A_626] : memref<409600x64xf32, #tpu.memory_space<hbm>> -> memref<400x64xf32, #tpu.memory_space<hbm>>
    %dma_start3A_628 = arith.constant 0 : i32
    %dma_start3A_629 = tpu.memref_slice %arg5[%add3A_612, %dma_start3A_628] : memref<409600x64xf32, #tpu.memory_space<hbm>> -> memref<400x64xf32, #tpu.memory_space<hbm>>
    %dma_start3A_630 = arith.constant 0 : i32
    %dma_start3A_631 = arith.constant 0 : i32
    %dma_start3A_632 = tpu.memref_slice %arg22[%dma_start3A_621, %dma_start3A_630, %dma_start3A_631] : memref<2x400x64xf32, #tpu.memory_space<vmem>> -> memref<1x400x64xf32, #tpu.memory_space<vmem>>
    %dma_start3A_633 = tpu.memref_squeeze %dma_start3A_632 : memref<1x400x64xf32, #tpu.memory_space<vmem>> -> memref<400x64xf32, #tpu.memory_space<vmem>>
    tpu.enqueue_dma source(%dma_start3A_633 : memref<400x64xf32, #tpu.memory_space<vmem>>) target(%dma_start3A_629 : memref<400x64xf32, #tpu.memory_space<hbm>>) target_semaphore(%arg29 : memref<!tpu.dma_semaphore, #tpu.memory_space<semaphore_mem>>)
    %dma_wait3A_634 = arith.constant 0 : i32
    %dma_wait3A_635 = arith.constant 0 : i32
    %dma_wait3A_636 = arith.constant 0 : i32
    %dma_wait3A_637 = tpu.memref_slice %arg23[%dma_wait3A_634, %dma_wait3A_635, %dma_wait3A_636] : memref<2x400x64xf32, #tpu.memory_space<vmem>> -> memref<1x400x64xf32, #tpu.memory_space<vmem>>
    %dma_wait3A_638 = tpu.memref_squeeze %dma_wait3A_637 : memref<1x400x64xf32, #tpu.memory_space<vmem>> -> memref<400x64xf32, #tpu.memory_space<vmem>>
    %dma_wait3A_639 = arith.constant 0 : i32
    %dma_wait3A_640 = arith.constant 0 : i32
    %dma_wait3A_641 = tpu.memref_slice %arg4[%dma_wait3A_639, %dma_wait3A_640] : memref<1000000x64xf32, #tpu.memory_space<hbm>> -> memref<1000000x64xf32, #tpu.memory_space<hbm>>
    tpu.wait_indirect_dma semaphore(%arg27 : memref<!tpu.dma_semaphore, #tpu.memory_space<semaphore_mem>>) src(%dma_wait3A_641 : memref<1000000x64xf32, #tpu.memory_space<hbm>>) dst(%dma_wait3A_638 : memref<400x64xf32, #tpu.memory_space<vmem>>)
    %add3A_642 = arith.constant 204800 : i32
    %add3A_643 = arith.addi %add3A_642, %add3A_612 : i32
    %dma_start3A_644 = arith.constant 0 : i32
    %dma_start3A_645 = arith.constant 0 : i32
    %dma_start3A_646 = arith.constant 0 : i32
    %dma_start3A_647 = tpu.memref_slice %arg23[%dma_start3A_644, %dma_start3A_645, %dma_start3A_646] : memref<2x400x64xf32, #tpu.memory_space<vmem>> -> memref<1x400x64xf32, #tpu.memory_space<vmem>>
    %dma_start3A_648 = tpu.memref_squeeze %dma_start3A_647 : memref<1x400x64xf32, #tpu.memory_space<vmem>> -> memref<400x64xf32, #tpu.memory_space<vmem>>
    %dma_start3A_649 = arith.constant 0 : i32
    %dma_start3A_650 = tpu.memref_slice %arg5[%add3A_643, %dma_start3A_649] : memref<409600x64xf32, #tpu.memory_space<hbm>> -> memref<400x64xf32, #tpu.memory_space<hbm>>
    %dma_start3A_651 = arith.constant 0 : i32
    %dma_start3A_652 = tpu.memref_slice %arg5[%add3A_643, %dma_start3A_651] : memref<409600x64xf32, #tpu.memory_space<hbm>> -> memref<400x64xf32, #tpu.memory_space<hbm>>
    %dma_start3A_653 = arith.constant 0 : i32
    %dma_start3A_654 = arith.constant 0 : i32
    %dma_start3A_655 = tpu.memref_slice %arg23[%dma_start3A_644, %dma_start3A_653, %dma_start3A_654] : memref<2x400x64xf32, #tpu.memory_space<vmem>> -> memref<1x400x64xf32, #tpu.memory_space<vmem>>
    %dma_start3A_656 = tpu.memref_squeeze %dma_start3A_655 : memref<1x400x64xf32, #tpu.memory_space<vmem>> -> memref<400x64xf32, #tpu.memory_space<vmem>>
    tpu.enqueue_dma source(%dma_start3A_656 : memref<400x64xf32, #tpu.memory_space<vmem>>) target(%dma_start3A_652 : memref<400x64xf32, #tpu.memory_space<hbm>>) target_semaphore(%arg31 : memref<!tpu.dma_semaphore, #tpu.memory_space<semaphore_mem>>)
    %dma_wait3A_657 = arith.constant 0 : i32
    %dma_wait3A_658 = arith.constant 0 : i32
    %dma_wait3A_659 = arith.constant 0 : i32
    %dma_wait3A_660 = tpu.memref_slice %arg22[%dma_wait3A_657, %dma_wait3A_658, %dma_wait3A_659] : memref<2x400x64xf32, #tpu.memory_space<vmem>> -> memref<1x400x64xf32, #tpu.memory_space<vmem>>
    %dma_wait3A_661 = tpu.memref_squeeze %dma_wait3A_660 : memref<1x400x64xf32, #tpu.memory_space<vmem>> -> memref<400x64xf32, #tpu.memory_space<vmem>>
    %dma_wait3A_662 = arith.constant 0 : i32
    %dma_wait3A_663 = tpu.memref_slice %arg5[%add3A_612, %dma_wait3A_662] : memref<409600x64xf32, #tpu.memory_space<hbm>> -> memref<400x64xf32, #tpu.memory_space<hbm>>
    %dma_wait3A_664 = arith.constant 0 : i32
    %dma_wait3A_665 = tpu.memref_slice %arg5[%add3A_612, %dma_wait3A_664] : memref<409600x64xf32, #tpu.memory_space<hbm>> -> memref<400x64xf32, #tpu.memory_space<hbm>>
    %dma_wait3A_666 = arith.constant 0 : i32
    %dma_wait3A_667 = arith.constant 0 : i32
    %dma_wait3A_668 = tpu.memref_slice %arg22[%dma_wait3A_657, %dma_wait3A_666, %dma_wait3A_667] : memref<2x400x64xf32, #tpu.memory_space<vmem>> -> memref<1x400x64xf32, #tpu.memory_space<vmem>>
    %dma_wait3A_669 = tpu.memref_squeeze %dma_wait3A_668 : memref<1x400x64xf32, #tpu.memory_space<vmem>> -> memref<400x64xf32, #tpu.memory_space<vmem>>
    tpu.wait_dma2 semaphore(%arg29 : memref<!tpu.dma_semaphore, #tpu.memory_space<semaphore_mem>>) src(%dma_wait3A_669 : memref<400x64xf32, #tpu.memory_space<vmem>>) dst(%dma_wait3A_665 : memref<400x64xf32, #tpu.memory_space<hbm>>)
    %dma_wait3A_670 = arith.constant 0 : i32
    %dma_wait3A_671 = arith.constant 0 : i32
    %dma_wait3A_672 = arith.constant 0 : i32
    %dma_wait3A_673 = tpu.memref_slice %arg23[%dma_wait3A_670, %dma_wait3A_671, %dma_wait3A_672] : memref<2x400x64xf32, #tpu.memory_space<vmem>> -> memref<1x400x64xf32, #tpu.memory_space<vmem>>
    %dma_wait3A_674 = tpu.memref_squeeze %dma_wait3A_673 : memref<1x400x64xf32, #tpu.memory_space<vmem>> -> memref<400x64xf32, #tpu.memory_space<vmem>>
    %dma_wait3A_675 = arith.constant 0 : i32
    %dma_wait3A_676 = tpu.memref_slice %arg5[%add3A_643, %dma_wait3A_675] : memref<409600x64xf32, #tpu.memory_space<hbm>> -> memref<400x64xf32, #tpu.memory_space<hbm>>
    %dma_wait3A_677 = arith.constant 0 : i32
    %dma_wait3A_678 = tpu.memref_slice %arg5[%add3A_643, %dma_wait3A_677] : memref<409600x64xf32, #tpu.memory_space<hbm>> -> memref<400x64xf32, #tpu.memory_space<hbm>>
    %dma_wait3A_679 = arith.constant 0 : i32
    %dma_wait3A_680 = arith.constant 0 : i32
    %dma_wait3A_681 = tpu.memref_slice %arg23[%dma_wait3A_670, %dma_wait3A_679, %dma_wait3A_680] : memref<2x400x64xf32, #tpu.memory_space<vmem>> -> memref<1x400x64xf32, #tpu.memory_space<vmem>>
    %dma_wait3A_682 = tpu.memref_squeeze %dma_wait3A_681 : memref<1x400x64xf32, #tpu.memory_space<vmem>> -> memref<400x64xf32, #tpu.memory_space<vmem>>
    tpu.wait_dma2 semaphore(%arg31 : memref<!tpu.dma_semaphore, #tpu.memory_space<semaphore_mem>>) src(%dma_wait3A_682 : memref<400x64xf32, #tpu.memory_space<vmem>>) dst(%dma_wait3A_678 : memref<400x64xf32, #tpu.memory_space<hbm>>)
    %dma_start3A_683 = arith.constant 0 : i32
    %dma_start3A_684 = arith.constant 0 : i32
    %dma_start3A_685 = arith.constant 0 : i32
    %dma_start3A_686 = tpu.memref_slice %arg22[%dma_start3A_683, %dma_start3A_684, %dma_start3A_685] : memref<2x400x64xf32, #tpu.memory_space<vmem>> -> memref<1x400x64xf32, #tpu.memory_space<vmem>>
    %dma_start3A_687 = tpu.memref_squeeze %dma_start3A_686 : memref<1x400x64xf32, #tpu.memory_space<vmem>> -> memref<400x64xf32, #tpu.memory_space<vmem>>
    %dma_start3A_688 = arith.constant 0 : i32
    %dma_start3A_689 = arith.constant 0 : i32
    %dma_start3A_690 = tpu.memref_slice %arg3[%dma_start3A_688, %dma_start3A_689] : memref<1000000x64xf32, #tpu.memory_space<hbm>> -> memref<1000000x64xf32, #tpu.memory_space<hbm>>
    tpu.enqueue_indirect_dma source(%dma_start3A_690 : memref<1000000x64xf32, #tpu.memory_space<hbm>>) target(%dma_start3A_687 : memref<400x64xf32, #tpu.memory_space<vmem>>) offsets(%arg12 : memref<400xi32, #tpu.memory_space<vmem>>) semaphore(%arg25 : memref<!tpu.dma_semaphore, #tpu.memory_space<semaphore_mem>>)
    %dma_start3A_691 = arith.constant 0 : i32
    %dma_start3A_692 = arith.constant 0 : i32
    %dma_start3A_693 = arith.constant 0 : i32
    %dma_start3A_694 = tpu.memref_slice %arg23[%dma_start3A_691, %dma_start3A_692, %dma_start3A_693] : memref<2x400x64xf32, #tpu.memory_space<vmem>> -> memref<1x400x64xf32, #tpu.memory_space<vmem>>
    %dma_start3A_695 = tpu.memref_squeeze %dma_start3A_694 : memref<1x400x64xf32, #tpu.memory_space<vmem>> -> memref<400x64xf32, #tpu.memory_space<vmem>>
    %dma_start3A_696 = arith.constant 0 : i32
    %dma_start3A_697 = arith.constant 0 : i32
    %dma_start3A_698 = tpu.memref_slice %arg4[%dma_start3A_696, %dma_start3A_697] : memref<1000000x64xf32, #tpu.memory_space<hbm>> -> memref<1000000x64xf32, #tpu.memory_space<hbm>>
    tpu.enqueue_indirect_dma source(%dma_start3A_698 : memref<1000000x64xf32, #tpu.memory_space<hbm>>) target(%dma_start3A_695 : memref<400x64xf32, #tpu.memory_space<vmem>>) offsets(%arg12 : memref<400xi32, #tpu.memory_space<vmem>>) semaphore(%arg27 : memref<!tpu.dma_semaphore, #tpu.memory_space<semaphore_mem>>)
    %add3A_699 = arith.constant 2000 : i32
    %add3A_700 = arith.addi %mul3A_2, %add3A_699 : i32
    %dma_wait3A_701 = arith.constant 1 : i32
    %dma_wait3A_702 = arith.constant 0 : i32
    %dma_wait3A_703 = arith.constant 0 : i32
    %dma_wait3A_704 = tpu.memref_slice %arg22[%dma_wait3A_701, %dma_wait3A_702, %dma_wait3A_703] : memref<2x400x64xf32, #tpu.memory_space<vmem>> -> memref<1x400x64xf32, #tpu.memory_space<vmem>>
    %dma_wait3A_705 = tpu.memref_squeeze %dma_wait3A_704 : memref<1x400x64xf32, #tpu.memory_space<vmem>> -> memref<400x64xf32, #tpu.memory_space<vmem>>
    %dma_wait3A_706 = arith.constant 0 : i32
    %dma_wait3A_707 = arith.constant 0 : i32
    %dma_wait3A_708 = tpu.memref_slice %arg3[%dma_wait3A_706, %dma_wait3A_707] : memref<1000000x64xf32, #tpu.memory_space<hbm>> -> memref<1000000x64xf32, #tpu.memory_space<hbm>>
    tpu.wait_indirect_dma semaphore(%arg26 : memref<!tpu.dma_semaphore, #tpu.memory_space<semaphore_mem>>) src(%dma_wait3A_708 : memref<1000000x64xf32, #tpu.memory_space<hbm>>) dst(%dma_wait3A_705 : memref<400x64xf32, #tpu.memory_space<vmem>>)
    %dma_start3A_709 = arith.constant 1 : i32
    %dma_start3A_710 = arith.constant 0 : i32
    %dma_start3A_711 = arith.constant 0 : i32
    %dma_start3A_712 = tpu.memref_slice %arg22[%dma_start3A_709, %dma_start3A_710, %dma_start3A_711] : memref<2x400x64xf32, #tpu.memory_space<vmem>> -> memref<1x400x64xf32, #tpu.memory_space<vmem>>
    %dma_start3A_713 = tpu.memref_squeeze %dma_start3A_712 : memref<1x400x64xf32, #tpu.memory_space<vmem>> -> memref<400x64xf32, #tpu.memory_space<vmem>>
    %dma_start3A_714 = arith.constant 0 : i32
    %dma_start3A_715 = tpu.memref_slice %arg5[%add3A_700, %dma_start3A_714] : memref<409600x64xf32, #tpu.memory_space<hbm>> -> memref<400x64xf32, #tpu.memory_space<hbm>>
    %dma_start3A_716 = arith.constant 0 : i32
    %dma_start3A_717 = tpu.memref_slice %arg5[%add3A_700, %dma_start3A_716] : memref<409600x64xf32, #tpu.memory_space<hbm>> -> memref<400x64xf32, #tpu.memory_space<hbm>>
    %dma_start3A_718 = arith.constant 0 : i32
    %dma_start3A_719 = arith.constant 0 : i32
    %dma_start3A_720 = tpu.memref_slice %arg22[%dma_start3A_709, %dma_start3A_718, %dma_start3A_719] : memref<2x400x64xf32, #tpu.memory_space<vmem>> -> memref<1x400x64xf32, #tpu.memory_space<vmem>>
    %dma_start3A_721 = tpu.memref_squeeze %dma_start3A_720 : memref<1x400x64xf32, #tpu.memory_space<vmem>> -> memref<400x64xf32, #tpu.memory_space<vmem>>
    tpu.enqueue_dma source(%dma_start3A_721 : memref<400x64xf32, #tpu.memory_space<vmem>>) target(%dma_start3A_717 : memref<400x64xf32, #tpu.memory_space<hbm>>) target_semaphore(%arg30 : memref<!tpu.dma_semaphore, #tpu.memory_space<semaphore_mem>>)
    %dma_wait3A_722 = arith.constant 1 : i32
    %dma_wait3A_723 = arith.constant 0 : i32
    %dma_wait3A_724 = arith.constant 0 : i32
    %dma_wait3A_725 = tpu.memref_slice %arg23[%dma_wait3A_722, %dma_wait3A_723, %dma_wait3A_724] : memref<2x400x64xf32, #tpu.memory_space<vmem>> -> memref<1x400x64xf32, #tpu.memory_space<vmem>>
    %dma_wait3A_726 = tpu.memref_squeeze %dma_wait3A_725 : memref<1x400x64xf32, #tpu.memory_space<vmem>> -> memref<400x64xf32, #tpu.memory_space<vmem>>
    %dma_wait3A_727 = arith.constant 0 : i32
    %dma_wait3A_728 = arith.constant 0 : i32
    %dma_wait3A_729 = tpu.memref_slice %arg4[%dma_wait3A_727, %dma_wait3A_728] : memref<1000000x64xf32, #tpu.memory_space<hbm>> -> memref<1000000x64xf32, #tpu.memory_space<hbm>>
    tpu.wait_indirect_dma semaphore(%arg28 : memref<!tpu.dma_semaphore, #tpu.memory_space<semaphore_mem>>) src(%dma_wait3A_729 : memref<1000000x64xf32, #tpu.memory_space<hbm>>) dst(%dma_wait3A_726 : memref<400x64xf32, #tpu.memory_space<vmem>>)
    %add3A_730 = arith.constant 204800 : i32
    %add3A_731 = arith.addi %add3A_730, %add3A_700 : i32
    %dma_start3A_732 = arith.constant 1 : i32
    %dma_start3A_733 = arith.constant 0 : i32
    %dma_start3A_734 = arith.constant 0 : i32
    %dma_start3A_735 = tpu.memref_slice %arg23[%dma_start3A_732, %dma_start3A_733, %dma_start3A_734] : memref<2x400x64xf32, #tpu.memory_space<vmem>> -> memref<1x400x64xf32, #tpu.memory_space<vmem>>
    %dma_start3A_736 = tpu.memref_squeeze %dma_start3A_735 : memref<1x400x64xf32, #tpu.memory_space<vmem>> -> memref<400x64xf32, #tpu.memory_space<vmem>>
    %dma_start3A_737 = arith.constant 0 : i32
    %dma_start3A_738 = tpu.memref_slice %arg5[%add3A_731, %dma_start3A_737] : memref<409600x64xf32, #tpu.memory_space<hbm>> -> memref<400x64xf32, #tpu.memory_space<hbm>>
    %dma_start3A_739 = arith.constant 0 : i32
    %dma_start3A_740 = tpu.memref_slice %arg5[%add3A_731, %dma_start3A_739] : memref<409600x64xf32, #tpu.memory_space<hbm>> -> memref<400x64xf32, #tpu.memory_space<hbm>>
    %dma_start3A_741 = arith.constant 0 : i32
    %dma_start3A_742 = arith.constant 0 : i32
    %dma_start3A_743 = tpu.memref_slice %arg23[%dma_start3A_732, %dma_start3A_741, %dma_start3A_742] : memref<2x400x64xf32, #tpu.memory_space<vmem>> -> memref<1x400x64xf32, #tpu.memory_space<vmem>>
    %dma_start3A_744 = tpu.memref_squeeze %dma_start3A_743 : memref<1x400x64xf32, #tpu.memory_space<vmem>> -> memref<400x64xf32, #tpu.memory_space<vmem>>
    tpu.enqueue_dma source(%dma_start3A_744 : memref<400x64xf32, #tpu.memory_space<vmem>>) target(%dma_start3A_740 : memref<400x64xf32, #tpu.memory_space<hbm>>) target_semaphore(%arg32 : memref<!tpu.dma_semaphore, #tpu.memory_space<semaphore_mem>>)
    %dma_wait3A_745 = arith.constant 1 : i32
    %dma_wait3A_746 = arith.constant 0 : i32
    %dma_wait3A_747 = arith.constant 0 : i32
    %dma_wait3A_748 = tpu.memref_slice %arg22[%dma_wait3A_745, %dma_wait3A_746, %dma_wait3A_747] : memref<2x400x64xf32, #tpu.memory_space<vmem>> -> memref<1x400x64xf32, #tpu.memory_space<vmem>>
    %dma_wait3A_749 = tpu.memref_squeeze %dma_wait3A_748 : memref<1x400x64xf32, #tpu.memory_space<vmem>> -> memref<400x64xf32, #tpu.memory_space<vmem>>
    %dma_wait3A_750 = arith.constant 0 : i32
    %dma_wait3A_751 = tpu.memref_slice %arg5[%add3A_700, %dma_wait3A_750] : memref<409600x64xf32, #tpu.memory_space<hbm>> -> memref<400x64xf32, #tpu.memory_space<hbm>>
    %dma_wait3A_752 = arith.constant 0 : i32
    %dma_wait3A_753 = tpu.memref_slice %arg5[%add3A_700, %dma_wait3A_752] : memref<409600x64xf32, #tpu.memory_space<hbm>> -> memref<400x64xf32, #tpu.memory_space<hbm>>
    %dma_wait3A_754 = arith.constant 0 : i32
    %dma_wait3A_755 = arith.constant 0 : i32
    %dma_wait3A_756 = tpu.memref_slice %arg22[%dma_wait3A_745, %dma_wait3A_754, %dma_wait3A_755] : memref<2x400x64xf32, #tpu.memory_space<vmem>> -> memref<1x400x64xf32, #tpu.memory_space<vmem>>
    %dma_wait3A_757 = tpu.memref_squeeze %dma_wait3A_756 : memref<1x400x64xf32, #tpu.memory_space<vmem>> -> memref<400x64xf32, #tpu.memory_space<vmem>>
    tpu.wait_dma2 semaphore(%arg30 : memref<!tpu.dma_semaphore, #tpu.memory_space<semaphore_mem>>) src(%dma_wait3A_757 : memref<400x64xf32, #tpu.memory_space<vmem>>) dst(%dma_wait3A_753 : memref<400x64xf32, #tpu.memory_space<hbm>>)
    %dma_wait3A_758 = arith.constant 1 : i32
    %dma_wait3A_759 = arith.constant 0 : i32
    %dma_wait3A_760 = arith.constant 0 : i32
    %dma_wait3A_761 = tpu.memref_slice %arg23[%dma_wait3A_758, %dma_wait3A_759, %dma_wait3A_760] : memref<2x400x64xf32, #tpu.memory_space<vmem>> -> memref<1x400x64xf32, #tpu.memory_space<vmem>>
    %dma_wait3A_762 = tpu.memref_squeeze %dma_wait3A_761 : memref<1x400x64xf32, #tpu.memory_space<vmem>> -> memref<400x64xf32, #tpu.memory_space<vmem>>
    %dma_wait3A_763 = arith.constant 0 : i32
    %dma_wait3A_764 = tpu.memref_slice %arg5[%add3A_731, %dma_wait3A_763] : memref<409600x64xf32, #tpu.memory_space<hbm>> -> memref<400x64xf32, #tpu.memory_space<hbm>>
    %dma_wait3A_765 = arith.constant 0 : i32
    %dma_wait3A_766 = tpu.memref_slice %arg5[%add3A_731, %dma_wait3A_765] : memref<409600x64xf32, #tpu.memory_space<hbm>> -> memref<400x64xf32, #tpu.memory_space<hbm>>
    %dma_wait3A_767 = arith.constant 0 : i32
    %dma_wait3A_768 = arith.constant 0 : i32
    %dma_wait3A_769 = tpu.memref_slice %arg23[%dma_wait3A_758, %dma_wait3A_767, %dma_wait3A_768] : memref<2x400x64xf32, #tpu.memory_space<vmem>> -> memref<1x400x64xf32, #tpu.memory_space<vmem>>
    %dma_wait3A_770 = tpu.memref_squeeze %dma_wait3A_769 : memref<1x400x64xf32, #tpu.memory_space<vmem>> -> memref<400x64xf32, #tpu.memory_space<vmem>>
    tpu.wait_dma2 semaphore(%arg32 : memref<!tpu.dma_semaphore, #tpu.memory_space<semaphore_mem>>) src(%dma_wait3A_770 : memref<400x64xf32, #tpu.memory_space<vmem>>) dst(%dma_wait3A_766 : memref<400x64xf32, #tpu.memory_space<hbm>>)
    %dma_start3A_771 = arith.constant 1 : i32
    %dma_start3A_772 = arith.constant 0 : i32
    %dma_start3A_773 = arith.constant 0 : i32
    %dma_start3A_774 = tpu.memref_slice %arg22[%dma_start3A_771, %dma_start3A_772, %dma_start3A_773] : memref<2x400x64xf32, #tpu.memory_space<vmem>> -> memref<1x400x64xf32, #tpu.memory_space<vmem>>
    %dma_start3A_775 = tpu.memref_squeeze %dma_start3A_774 : memref<1x400x64xf32, #tpu.memory_space<vmem>> -> memref<400x64xf32, #tpu.memory_space<vmem>>
    %dma_start3A_776 = arith.constant 0 : i32
    %dma_start3A_777 = arith.constant 0 : i32
    %dma_start3A_778 = tpu.memref_slice %arg3[%dma_start3A_776, %dma_start3A_777] : memref<1000000x64xf32, #tpu.memory_space<hbm>> -> memref<1000000x64xf32, #tpu.memory_space<hbm>>
    tpu.enqueue_indirect_dma source(%dma_start3A_778 : memref<1000000x64xf32, #tpu.memory_space<hbm>>) target(%dma_start3A_775 : memref<400x64xf32, #tpu.memory_space<vmem>>) offsets(%arg13 : memref<400xi32, #tpu.memory_space<vmem>>) semaphore(%arg26 : memref<!tpu.dma_semaphore, #tpu.memory_space<semaphore_mem>>)
    %dma_start3A_779 = arith.constant 1 : i32
    %dma_start3A_780 = arith.constant 0 : i32
    %dma_start3A_781 = arith.constant 0 : i32
    %dma_start3A_782 = tpu.memref_slice %arg23[%dma_start3A_779, %dma_start3A_780, %dma_start3A_781] : memref<2x400x64xf32, #tpu.memory_space<vmem>> -> memref<1x400x64xf32, #tpu.memory_space<vmem>>
    %dma_start3A_783 = tpu.memref_squeeze %dma_start3A_782 : memref<1x400x64xf32, #tpu.memory_space<vmem>> -> memref<400x64xf32, #tpu.memory_space<vmem>>
    %dma_start3A_784 = arith.constant 0 : i32
    %dma_start3A_785 = arith.constant 0 : i32
    %dma_start3A_786 = tpu.memref_slice %arg4[%dma_start3A_784, %dma_start3A_785] : memref<1000000x64xf32, #tpu.memory_space<hbm>> -> memref<1000000x64xf32, #tpu.memory_space<hbm>>
    tpu.enqueue_indirect_dma source(%dma_start3A_786 : memref<1000000x64xf32, #tpu.memory_space<hbm>>) target(%dma_start3A_783 : memref<400x64xf32, #tpu.memory_space<vmem>>) offsets(%arg13 : memref<400xi32, #tpu.memory_space<vmem>>) semaphore(%arg28 : memref<!tpu.dma_semaphore, #tpu.memory_space<semaphore_mem>>)
    %add3A_787 = arith.constant 2400 : i32
    %add3A_788 = arith.addi %mul3A_2, %add3A_787 : i32
    %dma_wait3A_789 = arith.constant 0 : i32
    %dma_wait3A_790 = arith.constant 0 : i32
    %dma_wait3A_791 = arith.constant 0 : i32
    %dma_wait3A_792 = tpu.memref_slice %arg22[%dma_wait3A_789, %dma_wait3A_790, %dma_wait3A_791] : memref<2x400x64xf32, #tpu.memory_space<vmem>> -> memref<1x400x64xf32, #tpu.memory_space<vmem>>
    %dma_wait3A_793 = tpu.memref_squeeze %dma_wait3A_792 : memref<1x400x64xf32, #tpu.memory_space<vmem>> -> memref<400x64xf32, #tpu.memory_space<vmem>>
    %dma_wait3A_794 = arith.constant 0 : i32
    %dma_wait3A_795 = arith.constant 0 : i32
    %dma_wait3A_796 = tpu.memref_slice %arg3[%dma_wait3A_794, %dma_wait3A_795] : memref<1000000x64xf32, #tpu.memory_space<hbm>> -> memref<1000000x64xf32, #tpu.memory_space<hbm>>
    tpu.wait_indirect_dma semaphore(%arg25 : memref<!tpu.dma_semaphore, #tpu.memory_space<semaphore_mem>>) src(%dma_wait3A_796 : memref<1000000x64xf32, #tpu.memory_space<hbm>>) dst(%dma_wait3A_793 : memref<400x64xf32, #tpu.memory_space<vmem>>)
    %dma_start3A_797 = arith.constant 0 : i32
    %dma_start3A_798 = arith.constant 0 : i32
    %dma_start3A_799 = arith.constant 0 : i32
    %dma_start3A_800 = tpu.memref_slice %arg22[%dma_start3A_797, %dma_start3A_798, %dma_start3A_799] : memref<2x400x64xf32, #tpu.memory_space<vmem>> -> memref<1x400x64xf32, #tpu.memory_space<vmem>>
    %dma_start3A_801 = tpu.memref_squeeze %dma_start3A_800 : memref<1x400x64xf32, #tpu.memory_space<vmem>> -> memref<400x64xf32, #tpu.memory_space<vmem>>
    %dma_start3A_802 = arith.constant 0 : i32
    %dma_start3A_803 = tpu.memref_slice %arg5[%add3A_788, %dma_start3A_802] : memref<409600x64xf32, #tpu.memory_space<hbm>> -> memref<400x64xf32, #tpu.memory_space<hbm>>
    %dma_start3A_804 = arith.constant 0 : i32
    %dma_start3A_805 = tpu.memref_slice %arg5[%add3A_788, %dma_start3A_804] : memref<409600x64xf32, #tpu.memory_space<hbm>> -> memref<400x64xf32, #tpu.memory_space<hbm>>
    %dma_start3A_806 = arith.constant 0 : i32
    %dma_start3A_807 = arith.constant 0 : i32
    %dma_start3A_808 = tpu.memref_slice %arg22[%dma_start3A_797, %dma_start3A_806, %dma_start3A_807] : memref<2x400x64xf32, #tpu.memory_space<vmem>> -> memref<1x400x64xf32, #tpu.memory_space<vmem>>
    %dma_start3A_809 = tpu.memref_squeeze %dma_start3A_808 : memref<1x400x64xf32, #tpu.memory_space<vmem>> -> memref<400x64xf32, #tpu.memory_space<vmem>>
    tpu.enqueue_dma source(%dma_start3A_809 : memref<400x64xf32, #tpu.memory_space<vmem>>) target(%dma_start3A_805 : memref<400x64xf32, #tpu.memory_space<hbm>>) target_semaphore(%arg29 : memref<!tpu.dma_semaphore, #tpu.memory_space<semaphore_mem>>)
    %dma_wait3A_810 = arith.constant 0 : i32
    %dma_wait3A_811 = arith.constant 0 : i32
    %dma_wait3A_812 = arith.constant 0 : i32
    %dma_wait3A_813 = tpu.memref_slice %arg23[%dma_wait3A_810, %dma_wait3A_811, %dma_wait3A_812] : memref<2x400x64xf32, #tpu.memory_space<vmem>> -> memref<1x400x64xf32, #tpu.memory_space<vmem>>
    %dma_wait3A_814 = tpu.memref_squeeze %dma_wait3A_813 : memref<1x400x64xf32, #tpu.memory_space<vmem>> -> memref<400x64xf32, #tpu.memory_space<vmem>>
    %dma_wait3A_815 = arith.constant 0 : i32
    %dma_wait3A_816 = arith.constant 0 : i32
    %dma_wait3A_817 = tpu.memref_slice %arg4[%dma_wait3A_815, %dma_wait3A_816] : memref<1000000x64xf32, #tpu.memory_space<hbm>> -> memref<1000000x64xf32, #tpu.memory_space<hbm>>
    tpu.wait_indirect_dma semaphore(%arg27 : memref<!tpu.dma_semaphore, #tpu.memory_space<semaphore_mem>>) src(%dma_wait3A_817 : memref<1000000x64xf32, #tpu.memory_space<hbm>>) dst(%dma_wait3A_814 : memref<400x64xf32, #tpu.memory_space<vmem>>)
    %add3A_818 = arith.constant 204800 : i32
    %add3A_819 = arith.addi %add3A_818, %add3A_788 : i32
    %dma_start3A_820 = arith.constant 0 : i32
    %dma_start3A_821 = arith.constant 0 : i32
    %dma_start3A_822 = arith.constant 0 : i32
    %dma_start3A_823 = tpu.memref_slice %arg23[%dma_start3A_820, %dma_start3A_821, %dma_start3A_822] : memref<2x400x64xf32, #tpu.memory_space<vmem>> -> memref<1x400x64xf32, #tpu.memory_space<vmem>>
    %dma_start3A_824 = tpu.memref_squeeze %dma_start3A_823 : memref<1x400x64xf32, #tpu.memory_space<vmem>> -> memref<400x64xf32, #tpu.memory_space<vmem>>
    %dma_start3A_825 = arith.constant 0 : i32
    %dma_start3A_826 = tpu.memref_slice %arg5[%add3A_819, %dma_start3A_825] : memref<409600x64xf32, #tpu.memory_space<hbm>> -> memref<400x64xf32, #tpu.memory_space<hbm>>
    %dma_start3A_827 = arith.constant 0 : i32
    %dma_start3A_828 = tpu.memref_slice %arg5[%add3A_819, %dma_start3A_827] : memref<409600x64xf32, #tpu.memory_space<hbm>> -> memref<400x64xf32, #tpu.memory_space<hbm>>
    %dma_start3A_829 = arith.constant 0 : i32
    %dma_start3A_830 = arith.constant 0 : i32
    %dma_start3A_831 = tpu.memref_slice %arg23[%dma_start3A_820, %dma_start3A_829, %dma_start3A_830] : memref<2x400x64xf32, #tpu.memory_space<vmem>> -> memref<1x400x64xf32, #tpu.memory_space<vmem>>
    %dma_start3A_832 = tpu.memref_squeeze %dma_start3A_831 : memref<1x400x64xf32, #tpu.memory_space<vmem>> -> memref<400x64xf32, #tpu.memory_space<vmem>>
    tpu.enqueue_dma source(%dma_start3A_832 : memref<400x64xf32, #tpu.memory_space<vmem>>) target(%dma_start3A_828 : memref<400x64xf32, #tpu.memory_space<hbm>>) target_semaphore(%arg31 : memref<!tpu.dma_semaphore, #tpu.memory_space<semaphore_mem>>)
    %dma_wait3A_833 = arith.constant 0 : i32
    %dma_wait3A_834 = arith.constant 0 : i32
    %dma_wait3A_835 = arith.constant 0 : i32
    %dma_wait3A_836 = tpu.memref_slice %arg22[%dma_wait3A_833, %dma_wait3A_834, %dma_wait3A_835] : memref<2x400x64xf32, #tpu.memory_space<vmem>> -> memref<1x400x64xf32, #tpu.memory_space<vmem>>
    %dma_wait3A_837 = tpu.memref_squeeze %dma_wait3A_836 : memref<1x400x64xf32, #tpu.memory_space<vmem>> -> memref<400x64xf32, #tpu.memory_space<vmem>>
    %dma_wait3A_838 = arith.constant 0 : i32
    %dma_wait3A_839 = tpu.memref_slice %arg5[%add3A_788, %dma_wait3A_838] : memref<409600x64xf32, #tpu.memory_space<hbm>> -> memref<400x64xf32, #tpu.memory_space<hbm>>
    %dma_wait3A_840 = arith.constant 0 : i32
    %dma_wait3A_841 = tpu.memref_slice %arg5[%add3A_788, %dma_wait3A_840] : memref<409600x64xf32, #tpu.memory_space<hbm>> -> memref<400x64xf32, #tpu.memory_space<hbm>>
    %dma_wait3A_842 = arith.constant 0 : i32
    %dma_wait3A_843 = arith.constant 0 : i32
    %dma_wait3A_844 = tpu.memref_slice %arg22[%dma_wait3A_833, %dma_wait3A_842, %dma_wait3A_843] : memref<2x400x64xf32, #tpu.memory_space<vmem>> -> memref<1x400x64xf32, #tpu.memory_space<vmem>>
    %dma_wait3A_845 = tpu.memref_squeeze %dma_wait3A_844 : memref<1x400x64xf32, #tpu.memory_space<vmem>> -> memref<400x64xf32, #tpu.memory_space<vmem>>
    tpu.wait_dma2 semaphore(%arg29 : memref<!tpu.dma_semaphore, #tpu.memory_space<semaphore_mem>>) src(%dma_wait3A_845 : memref<400x64xf32, #tpu.memory_space<vmem>>) dst(%dma_wait3A_841 : memref<400x64xf32, #tpu.memory_space<hbm>>)
    %dma_wait3A_846 = arith.constant 0 : i32
    %dma_wait3A_847 = arith.constant 0 : i32
    %dma_wait3A_848 = arith.constant 0 : i32
    %dma_wait3A_849 = tpu.memref_slice %arg23[%dma_wait3A_846, %dma_wait3A_847, %dma_wait3A_848] : memref<2x400x64xf32, #tpu.memory_space<vmem>> -> memref<1x400x64xf32, #tpu.memory_space<vmem>>
    %dma_wait3A_850 = tpu.memref_squeeze %dma_wait3A_849 : memref<1x400x64xf32, #tpu.memory_space<vmem>> -> memref<400x64xf32, #tpu.memory_space<vmem>>
    %dma_wait3A_851 = arith.constant 0 : i32
    %dma_wait3A_852 = tpu.memref_slice %arg5[%add3A_819, %dma_wait3A_851] : memref<409600x64xf32, #tpu.memory_space<hbm>> -> memref<400x64xf32, #tpu.memory_space<hbm>>
    %dma_wait3A_853 = arith.constant 0 : i32
    %dma_wait3A_854 = tpu.memref_slice %arg5[%add3A_819, %dma_wait3A_853] : memref<409600x64xf32, #tpu.memory_space<hbm>> -> memref<400x64xf32, #tpu.memory_space<hbm>>
    %dma_wait3A_855 = arith.constant 0 : i32
    %dma_wait3A_856 = arith.constant 0 : i32
    %dma_wait3A_857 = tpu.memref_slice %arg23[%dma_wait3A_846, %dma_wait3A_855, %dma_wait3A_856] : memref<2x400x64xf32, #tpu.memory_space<vmem>> -> memref<1x400x64xf32, #tpu.memory_space<vmem>>
    %dma_wait3A_858 = tpu.memref_squeeze %dma_wait3A_857 : memref<1x400x64xf32, #tpu.memory_space<vmem>> -> memref<400x64xf32, #tpu.memory_space<vmem>>
    tpu.wait_dma2 semaphore(%arg31 : memref<!tpu.dma_semaphore, #tpu.memory_space<semaphore_mem>>) src(%dma_wait3A_858 : memref<400x64xf32, #tpu.memory_space<vmem>>) dst(%dma_wait3A_854 : memref<400x64xf32, #tpu.memory_space<hbm>>)
    %dma_start3A_859 = arith.constant 0 : i32
    %dma_start3A_860 = arith.constant 0 : i32
    %dma_start3A_861 = arith.constant 0 : i32
    %dma_start3A_862 = tpu.memref_slice %arg22[%dma_start3A_859, %dma_start3A_860, %dma_start3A_861] : memref<2x400x64xf32, #tpu.memory_space<vmem>> -> memref<1x400x64xf32, #tpu.memory_space<vmem>>
    %dma_start3A_863 = tpu.memref_squeeze %dma_start3A_862 : memref<1x400x64xf32, #tpu.memory_space<vmem>> -> memref<400x64xf32, #tpu.memory_space<vmem>>
    %dma_start3A_864 = arith.constant 0 : i32
    %dma_start3A_865 = arith.constant 0 : i32
    %dma_start3A_866 = tpu.memref_slice %arg3[%dma_start3A_864, %dma_start3A_865] : memref<1000000x64xf32, #tpu.memory_space<hbm>> -> memref<1000000x64xf32, #tpu.memory_space<hbm>>
    tpu.enqueue_indirect_dma source(%dma_start3A_866 : memref<1000000x64xf32, #tpu.memory_space<hbm>>) target(%dma_start3A_863 : memref<400x64xf32, #tpu.memory_space<vmem>>) offsets(%arg14 : memref<400xi32, #tpu.memory_space<vmem>>) semaphore(%arg25 : memref<!tpu.dma_semaphore, #tpu.memory_space<semaphore_mem>>)
    %dma_start3A_867 = arith.constant 0 : i32
    %dma_start3A_868 = arith.constant 0 : i32
    %dma_start3A_869 = arith.constant 0 : i32
    %dma_start3A_870 = tpu.memref_slice %arg23[%dma_start3A_867, %dma_start3A_868, %dma_start3A_869] : memref<2x400x64xf32, #tpu.memory_space<vmem>> -> memref<1x400x64xf32, #tpu.memory_space<vmem>>
    %dma_start3A_871 = tpu.memref_squeeze %dma_start3A_870 : memref<1x400x64xf32, #tpu.memory_space<vmem>> -> memref<400x64xf32, #tpu.memory_space<vmem>>
    %dma_start3A_872 = arith.constant 0 : i32
    %dma_start3A_873 = arith.constant 0 : i32
    %dma_start3A_874 = tpu.memref_slice %arg4[%dma_start3A_872, %dma_start3A_873] : memref<1000000x64xf32, #tpu.memory_space<hbm>> -> memref<1000000x64xf32, #tpu.memory_space<hbm>>
    tpu.enqueue_indirect_dma source(%dma_start3A_874 : memref<1000000x64xf32, #tpu.memory_space<hbm>>) target(%dma_start3A_871 : memref<400x64xf32, #tpu.memory_space<vmem>>) offsets(%arg14 : memref<400xi32, #tpu.memory_space<vmem>>) semaphore(%arg27 : memref<!tpu.dma_semaphore, #tpu.memory_space<semaphore_mem>>)
    %add3A_875 = arith.constant 2800 : i32
    %add3A_876 = arith.addi %mul3A_2, %add3A_875 : i32
    %dma_wait3A_877 = arith.constant 1 : i32
    %dma_wait3A_878 = arith.constant 0 : i32
    %dma_wait3A_879 = arith.constant 0 : i32
    %dma_wait3A_880 = tpu.memref_slice %arg22[%dma_wait3A_877, %dma_wait3A_878, %dma_wait3A_879] : memref<2x400x64xf32, #tpu.memory_space<vmem>> -> memref<1x400x64xf32, #tpu.memory_space<vmem>>
    %dma_wait3A_881 = tpu.memref_squeeze %dma_wait3A_880 : memref<1x400x64xf32, #tpu.memory_space<vmem>> -> memref<400x64xf32, #tpu.memory_space<vmem>>
    %dma_wait3A_882 = arith.constant 0 : i32
    %dma_wait3A_883 = arith.constant 0 : i32
    %dma_wait3A_884 = tpu.memref_slice %arg3[%dma_wait3A_882, %dma_wait3A_883] : memref<1000000x64xf32, #tpu.memory_space<hbm>> -> memref<1000000x64xf32, #tpu.memory_space<hbm>>
    tpu.wait_indirect_dma semaphore(%arg26 : memref<!tpu.dma_semaphore, #tpu.memory_space<semaphore_mem>>) src(%dma_wait3A_884 : memref<1000000x64xf32, #tpu.memory_space<hbm>>) dst(%dma_wait3A_881 : memref<400x64xf32, #tpu.memory_space<vmem>>)
    %dma_start3A_885 = arith.constant 1 : i32
    %dma_start3A_886 = arith.constant 0 : i32
    %dma_start3A_887 = arith.constant 0 : i32
    %dma_start3A_888 = tpu.memref_slice %arg22[%dma_start3A_885, %dma_start3A_886, %dma_start3A_887] : memref<2x400x64xf32, #tpu.memory_space<vmem>> -> memref<1x400x64xf32, #tpu.memory_space<vmem>>
    %dma_start3A_889 = tpu.memref_squeeze %dma_start3A_888 : memref<1x400x64xf32, #tpu.memory_space<vmem>> -> memref<400x64xf32, #tpu.memory_space<vmem>>
    %dma_start3A_890 = arith.constant 0 : i32
    %dma_start3A_891 = tpu.memref_slice %arg5[%add3A_876, %dma_start3A_890] : memref<409600x64xf32, #tpu.memory_space<hbm>> -> memref<400x64xf32, #tpu.memory_space<hbm>>
    %dma_start3A_892 = arith.constant 0 : i32
    %dma_start3A_893 = tpu.memref_slice %arg5[%add3A_876, %dma_start3A_892] : memref<409600x64xf32, #tpu.memory_space<hbm>> -> memref<400x64xf32, #tpu.memory_space<hbm>>
    %dma_start3A_894 = arith.constant 0 : i32
    %dma_start3A_895 = arith.constant 0 : i32
    %dma_start3A_896 = tpu.memref_slice %arg22[%dma_start3A_885, %dma_start3A_894, %dma_start3A_895] : memref<2x400x64xf32, #tpu.memory_space<vmem>> -> memref<1x400x64xf32, #tpu.memory_space<vmem>>
    %dma_start3A_897 = tpu.memref_squeeze %dma_start3A_896 : memref<1x400x64xf32, #tpu.memory_space<vmem>> -> memref<400x64xf32, #tpu.memory_space<vmem>>
    tpu.enqueue_dma source(%dma_start3A_897 : memref<400x64xf32, #tpu.memory_space<vmem>>) target(%dma_start3A_893 : memref<400x64xf32, #tpu.memory_space<hbm>>) target_semaphore(%arg30 : memref<!tpu.dma_semaphore, #tpu.memory_space<semaphore_mem>>)
    %dma_wait3A_898 = arith.constant 1 : i32
    %dma_wait3A_899 = arith.constant 0 : i32
    %dma_wait3A_900 = arith.constant 0 : i32
    %dma_wait3A_901 = tpu.memref_slice %arg23[%dma_wait3A_898, %dma_wait3A_899, %dma_wait3A_900] : memref<2x400x64xf32, #tpu.memory_space<vmem>> -> memref<1x400x64xf32, #tpu.memory_space<vmem>>
    %dma_wait3A_902 = tpu.memref_squeeze %dma_wait3A_901 : memref<1x400x64xf32, #tpu.memory_space<vmem>> -> memref<400x64xf32, #tpu.memory_space<vmem>>
    %dma_wait3A_903 = arith.constant 0 : i32
    %dma_wait3A_904 = arith.constant 0 : i32
    %dma_wait3A_905 = tpu.memref_slice %arg4[%dma_wait3A_903, %dma_wait3A_904] : memref<1000000x64xf32, #tpu.memory_space<hbm>> -> memref<1000000x64xf32, #tpu.memory_space<hbm>>
    tpu.wait_indirect_dma semaphore(%arg28 : memref<!tpu.dma_semaphore, #tpu.memory_space<semaphore_mem>>) src(%dma_wait3A_905 : memref<1000000x64xf32, #tpu.memory_space<hbm>>) dst(%dma_wait3A_902 : memref<400x64xf32, #tpu.memory_space<vmem>>)
    %add3A_906 = arith.constant 204800 : i32
    %add3A_907 = arith.addi %add3A_906, %add3A_876 : i32
    %dma_start3A_908 = arith.constant 1 : i32
    %dma_start3A_909 = arith.constant 0 : i32
    %dma_start3A_910 = arith.constant 0 : i32
    %dma_start3A_911 = tpu.memref_slice %arg23[%dma_start3A_908, %dma_start3A_909, %dma_start3A_910] : memref<2x400x64xf32, #tpu.memory_space<vmem>> -> memref<1x400x64xf32, #tpu.memory_space<vmem>>
    %dma_start3A_912 = tpu.memref_squeeze %dma_start3A_911 : memref<1x400x64xf32, #tpu.memory_space<vmem>> -> memref<400x64xf32, #tpu.memory_space<vmem>>
    %dma_start3A_913 = arith.constant 0 : i32
    %dma_start3A_914 = tpu.memref_slice %arg5[%add3A_907, %dma_start3A_913] : memref<409600x64xf32, #tpu.memory_space<hbm>> -> memref<400x64xf32, #tpu.memory_space<hbm>>
    %dma_start3A_915 = arith.constant 0 : i32
    %dma_start3A_916 = tpu.memref_slice %arg5[%add3A_907, %dma_start3A_915] : memref<409600x64xf32, #tpu.memory_space<hbm>> -> memref<400x64xf32, #tpu.memory_space<hbm>>
    %dma_start3A_917 = arith.constant 0 : i32
    %dma_start3A_918 = arith.constant 0 : i32
    %dma_start3A_919 = tpu.memref_slice %arg23[%dma_start3A_908, %dma_start3A_917, %dma_start3A_918] : memref<2x400x64xf32, #tpu.memory_space<vmem>> -> memref<1x400x64xf32, #tpu.memory_space<vmem>>
    %dma_start3A_920 = tpu.memref_squeeze %dma_start3A_919 : memref<1x400x64xf32, #tpu.memory_space<vmem>> -> memref<400x64xf32, #tpu.memory_space<vmem>>
    tpu.enqueue_dma source(%dma_start3A_920 : memref<400x64xf32, #tpu.memory_space<vmem>>) target(%dma_start3A_916 : memref<400x64xf32, #tpu.memory_space<hbm>>) target_semaphore(%arg32 : memref<!tpu.dma_semaphore, #tpu.memory_space<semaphore_mem>>)
    %dma_wait3A_921 = arith.constant 1 : i32
    %dma_wait3A_922 = arith.constant 0 : i32
    %dma_wait3A_923 = arith.constant 0 : i32
    %dma_wait3A_924 = tpu.memref_slice %arg22[%dma_wait3A_921, %dma_wait3A_922, %dma_wait3A_923] : memref<2x400x64xf32, #tpu.memory_space<vmem>> -> memref<1x400x64xf32, #tpu.memory_space<vmem>>
    %dma_wait3A_925 = tpu.memref_squeeze %dma_wait3A_924 : memref<1x400x64xf32, #tpu.memory_space<vmem>> -> memref<400x64xf32, #tpu.memory_space<vmem>>
    %dma_wait3A_926 = arith.constant 0 : i32
    %dma_wait3A_927 = tpu.memref_slice %arg5[%add3A_876, %dma_wait3A_926] : memref<409600x64xf32, #tpu.memory_space<hbm>> -> memref<400x64xf32, #tpu.memory_space<hbm>>
    %dma_wait3A_928 = arith.constant 0 : i32
    %dma_wait3A_929 = tpu.memref_slice %arg5[%add3A_876, %dma_wait3A_928] : memref<409600x64xf32, #tpu.memory_space<hbm>> -> memref<400x64xf32, #tpu.memory_space<hbm>>
    %dma_wait3A_930 = arith.constant 0 : i32
    %dma_wait3A_931 = arith.constant 0 : i32
    %dma_wait3A_932 = tpu.memref_slice %arg22[%dma_wait3A_921, %dma_wait3A_930, %dma_wait3A_931] : memref<2x400x64xf32, #tpu.memory_space<vmem>> -> memref<1x400x64xf32, #tpu.memory_space<vmem>>
    %dma_wait3A_933 = tpu.memref_squeeze %dma_wait3A_932 : memref<1x400x64xf32, #tpu.memory_space<vmem>> -> memref<400x64xf32, #tpu.memory_space<vmem>>
    tpu.wait_dma2 semaphore(%arg30 : memref<!tpu.dma_semaphore, #tpu.memory_space<semaphore_mem>>) src(%dma_wait3A_933 : memref<400x64xf32, #tpu.memory_space<vmem>>) dst(%dma_wait3A_929 : memref<400x64xf32, #tpu.memory_space<hbm>>)
    %dma_wait3A_934 = arith.constant 1 : i32
    %dma_wait3A_935 = arith.constant 0 : i32
    %dma_wait3A_936 = arith.constant 0 : i32
    %dma_wait3A_937 = tpu.memref_slice %arg23[%dma_wait3A_934, %dma_wait3A_935, %dma_wait3A_936] : memref<2x400x64xf32, #tpu.memory_space<vmem>> -> memref<1x400x64xf32, #tpu.memory_space<vmem>>
    %dma_wait3A_938 = tpu.memref_squeeze %dma_wait3A_937 : memref<1x400x64xf32, #tpu.memory_space<vmem>> -> memref<400x64xf32, #tpu.memory_space<vmem>>
    %dma_wait3A_939 = arith.constant 0 : i32
    %dma_wait3A_940 = tpu.memref_slice %arg5[%add3A_907, %dma_wait3A_939] : memref<409600x64xf32, #tpu.memory_space<hbm>> -> memref<400x64xf32, #tpu.memory_space<hbm>>
    %dma_wait3A_941 = arith.constant 0 : i32
    %dma_wait3A_942 = tpu.memref_slice %arg5[%add3A_907, %dma_wait3A_941] : memref<409600x64xf32, #tpu.memory_space<hbm>> -> memref<400x64xf32, #tpu.memory_space<hbm>>
    %dma_wait3A_943 = arith.constant 0 : i32
    %dma_wait3A_944 = arith.constant 0 : i32
    %dma_wait3A_945 = tpu.memref_slice %arg23[%dma_wait3A_934, %dma_wait3A_943, %dma_wait3A_944] : memref<2x400x64xf32, #tpu.memory_space<vmem>> -> memref<1x400x64xf32, #tpu.memory_space<vmem>>
    %dma_wait3A_946 = tpu.memref_squeeze %dma_wait3A_945 : memref<1x400x64xf32, #tpu.memory_space<vmem>> -> memref<400x64xf32, #tpu.memory_space<vmem>>
    tpu.wait_dma2 semaphore(%arg32 : memref<!tpu.dma_semaphore, #tpu.memory_space<semaphore_mem>>) src(%dma_wait3A_946 : memref<400x64xf32, #tpu.memory_space<vmem>>) dst(%dma_wait3A_942 : memref<400x64xf32, #tpu.memory_space<hbm>>)
    %dma_start3A_947 = arith.constant 1 : i32
    %dma_start3A_948 = arith.constant 0 : i32
    %dma_start3A_949 = arith.constant 0 : i32
    %dma_start3A_950 = tpu.memref_slice %arg22[%dma_start3A_947, %dma_start3A_948, %dma_start3A_949] : memref<2x400x64xf32, #tpu.memory_space<vmem>> -> memref<1x400x64xf32, #tpu.memory_space<vmem>>
    %dma_start3A_951 = tpu.memref_squeeze %dma_start3A_950 : memref<1x400x64xf32, #tpu.memory_space<vmem>> -> memref<400x64xf32, #tpu.memory_space<vmem>>
    %dma_start3A_952 = arith.constant 0 : i32
    %dma_start3A_953 = arith.constant 0 : i32
    %dma_start3A_954 = tpu.memref_slice %arg3[%dma_start3A_952, %dma_start3A_953] : memref<1000000x64xf32, #tpu.memory_space<hbm>> -> memref<1000000x64xf32, #tpu.memory_space<hbm>>
    tpu.enqueue_indirect_dma source(%dma_start3A_954 : memref<1000000x64xf32, #tpu.memory_space<hbm>>) target(%dma_start3A_951 : memref<400x64xf32, #tpu.memory_space<vmem>>) offsets(%arg15 : memref<400xi32, #tpu.memory_space<vmem>>) semaphore(%arg26 : memref<!tpu.dma_semaphore, #tpu.memory_space<semaphore_mem>>)
    %dma_start3A_955 = arith.constant 1 : i32
    %dma_start3A_956 = arith.constant 0 : i32
    %dma_start3A_957 = arith.constant 0 : i32
    %dma_start3A_958 = tpu.memref_slice %arg23[%dma_start3A_955, %dma_start3A_956, %dma_start3A_957] : memref<2x400x64xf32, #tpu.memory_space<vmem>> -> memref<1x400x64xf32, #tpu.memory_space<vmem>>
    %dma_start3A_959 = tpu.memref_squeeze %dma_start3A_958 : memref<1x400x64xf32, #tpu.memory_space<vmem>> -> memref<400x64xf32, #tpu.memory_space<vmem>>
    %dma_start3A_960 = arith.constant 0 : i32
    %dma_start3A_961 = arith.constant 0 : i32
    %dma_start3A_962 = tpu.memref_slice %arg4[%dma_start3A_960, %dma_start3A_961] : memref<1000000x64xf32, #tpu.memory_space<hbm>> -> memref<1000000x64xf32, #tpu.memory_space<hbm>>
    tpu.enqueue_indirect_dma source(%dma_start3A_962 : memref<1000000x64xf32, #tpu.memory_space<hbm>>) target(%dma_start3A_959 : memref<400x64xf32, #tpu.memory_space<vmem>>) offsets(%arg15 : memref<400xi32, #tpu.memory_space<vmem>>) semaphore(%arg28 : memref<!tpu.dma_semaphore, #tpu.memory_space<semaphore_mem>>)
    %add3A_963 = arith.constant 3200 : i32
    %add3A_964 = arith.addi %mul3A_2, %add3A_963 : i32
    %dma_wait3A_965 = arith.constant 0 : i32
    %dma_wait3A_966 = arith.constant 0 : i32
    %dma_wait3A_967 = arith.constant 0 : i32
    %dma_wait3A_968 = tpu.memref_slice %arg22[%dma_wait3A_965, %dma_wait3A_966, %dma_wait3A_967] : memref<2x400x64xf32, #tpu.memory_space<vmem>> -> memref<1x400x64xf32, #tpu.memory_space<vmem>>
    %dma_wait3A_969 = tpu.memref_squeeze %dma_wait3A_968 : memref<1x400x64xf32, #tpu.memory_space<vmem>> -> memref<400x64xf32, #tpu.memory_space<vmem>>
    %dma_wait3A_970 = arith.constant 0 : i32
    %dma_wait3A_971 = arith.constant 0 : i32
    %dma_wait3A_972 = tpu.memref_slice %arg3[%dma_wait3A_970, %dma_wait3A_971] : memref<1000000x64xf32, #tpu.memory_space<hbm>> -> memref<1000000x64xf32, #tpu.memory_space<hbm>>
    tpu.wait_indirect_dma semaphore(%arg25 : memref<!tpu.dma_semaphore, #tpu.memory_space<semaphore_mem>>) src(%dma_wait3A_972 : memref<1000000x64xf32, #tpu.memory_space<hbm>>) dst(%dma_wait3A_969 : memref<400x64xf32, #tpu.memory_space<vmem>>)
    %dma_start3A_973 = arith.constant 0 : i32
    %dma_start3A_974 = arith.constant 0 : i32
    %dma_start3A_975 = arith.constant 0 : i32
    %dma_start3A_976 = tpu.memref_slice %arg22[%dma_start3A_973, %dma_start3A_974, %dma_start3A_975] : memref<2x400x64xf32, #tpu.memory_space<vmem>> -> memref<1x400x64xf32, #tpu.memory_space<vmem>>
    %dma_start3A_977 = tpu.memref_squeeze %dma_start3A_976 : memref<1x400x64xf32, #tpu.memory_space<vmem>> -> memref<400x64xf32, #tpu.memory_space<vmem>>
    %dma_start3A_978 = arith.constant 0 : i32
    %dma_start3A_979 = tpu.memref_slice %arg5[%add3A_964, %dma_start3A_978] : memref<409600x64xf32, #tpu.memory_space<hbm>> -> memref<400x64xf32, #tpu.memory_space<hbm>>
    %dma_start3A_980 = arith.constant 0 : i32
    %dma_start3A_981 = tpu.memref_slice %arg5[%add3A_964, %dma_start3A_980] : memref<409600x64xf32, #tpu.memory_space<hbm>> -> memref<400x64xf32, #tpu.memory_space<hbm>>
    %dma_start3A_982 = arith.constant 0 : i32
    %dma_start3A_983 = arith.constant 0 : i32
    %dma_start3A_984 = tpu.memref_slice %arg22[%dma_start3A_973, %dma_start3A_982, %dma_start3A_983] : memref<2x400x64xf32, #tpu.memory_space<vmem>> -> memref<1x400x64xf32, #tpu.memory_space<vmem>>
    %dma_start3A_985 = tpu.memref_squeeze %dma_start3A_984 : memref<1x400x64xf32, #tpu.memory_space<vmem>> -> memref<400x64xf32, #tpu.memory_space<vmem>>
    tpu.enqueue_dma source(%dma_start3A_985 : memref<400x64xf32, #tpu.memory_space<vmem>>) target(%dma_start3A_981 : memref<400x64xf32, #tpu.memory_space<hbm>>) target_semaphore(%arg29 : memref<!tpu.dma_semaphore, #tpu.memory_space<semaphore_mem>>)
    %dma_wait3A_986 = arith.constant 0 : i32
    %dma_wait3A_987 = arith.constant 0 : i32
    %dma_wait3A_988 = arith.constant 0 : i32
    %dma_wait3A_989 = tpu.memref_slice %arg23[%dma_wait3A_986, %dma_wait3A_987, %dma_wait3A_988] : memref<2x400x64xf32, #tpu.memory_space<vmem>> -> memref<1x400x64xf32, #tpu.memory_space<vmem>>
    %dma_wait3A_990 = tpu.memref_squeeze %dma_wait3A_989 : memref<1x400x64xf32, #tpu.memory_space<vmem>> -> memref<400x64xf32, #tpu.memory_space<vmem>>
    %dma_wait3A_991 = arith.constant 0 : i32
    %dma_wait3A_992 = arith.constant 0 : i32
    %dma_wait3A_993 = tpu.memref_slice %arg4[%dma_wait3A_991, %dma_wait3A_992] : memref<1000000x64xf32, #tpu.memory_space<hbm>> -> memref<1000000x64xf32, #tpu.memory_space<hbm>>
    tpu.wait_indirect_dma semaphore(%arg27 : memref<!tpu.dma_semaphore, #tpu.memory_space<semaphore_mem>>) src(%dma_wait3A_993 : memref<1000000x64xf32, #tpu.memory_space<hbm>>) dst(%dma_wait3A_990 : memref<400x64xf32, #tpu.memory_space<vmem>>)
    %add3A_994 = arith.constant 204800 : i32
    %add3A_995 = arith.addi %add3A_994, %add3A_964 : i32
    %dma_start3A_996 = arith.constant 0 : i32
    %dma_start3A_997 = arith.constant 0 : i32
    %dma_start3A_998 = arith.constant 0 : i32
    %dma_start3A_999 = tpu.memref_slice %arg23[%dma_start3A_996, %dma_start3A_997, %dma_start3A_998] : memref<2x400x64xf32, #tpu.memory_space<vmem>> -> memref<1x400x64xf32, #tpu.memory_space<vmem>>
    %dma_start3A_1000 = tpu.memref_squeeze %dma_start3A_999 : memref<1x400x64xf32, #tpu.memory_space<vmem>> -> memref<400x64xf32, #tpu.memory_space<vmem>>
    %dma_start3A_1001 = arith.constant 0 : i32
    %dma_start3A_1002 = tpu.memref_slice %arg5[%add3A_995, %dma_start3A_1001] : memref<409600x64xf32, #tpu.memory_space<hbm>> -> memref<400x64xf32, #tpu.memory_space<hbm>>
    %dma_start3A_1003 = arith.constant 0 : i32
    %dma_start3A_1004 = tpu.memref_slice %arg5[%add3A_995, %dma_start3A_1003] : memref<409600x64xf32, #tpu.memory_space<hbm>> -> memref<400x64xf32, #tpu.memory_space<hbm>>
    %dma_start3A_1005 = arith.constant 0 : i32
    %dma_start3A_1006 = arith.constant 0 : i32
    %dma_start3A_1007 = tpu.memref_slice %arg23[%dma_start3A_996, %dma_start3A_1005, %dma_start3A_1006] : memref<2x400x64xf32, #tpu.memory_space<vmem>> -> memref<1x400x64xf32, #tpu.memory_space<vmem>>
    %dma_start3A_1008 = tpu.memref_squeeze %dma_start3A_1007 : memref<1x400x64xf32, #tpu.memory_space<vmem>> -> memref<400x64xf32, #tpu.memory_space<vmem>>
    tpu.enqueue_dma source(%dma_start3A_1008 : memref<400x64xf32, #tpu.memory_space<vmem>>) target(%dma_start3A_1004 : memref<400x64xf32, #tpu.memory_space<hbm>>) target_semaphore(%arg31 : memref<!tpu.dma_semaphore, #tpu.memory_space<semaphore_mem>>)
    %dma_wait3A_1009 = arith.constant 0 : i32
    %dma_wait3A_1010 = arith.constant 0 : i32
    %dma_wait3A_1011 = arith.constant 0 : i32
    %dma_wait3A_1012 = tpu.memref_slice %arg22[%dma_wait3A_1009, %dma_wait3A_1010, %dma_wait3A_1011] : memref<2x400x64xf32, #tpu.memory_space<vmem>> -> memref<1x400x64xf32, #tpu.memory_space<vmem>>
    %dma_wait3A_1013 = tpu.memref_squeeze %dma_wait3A_1012 : memref<1x400x64xf32, #tpu.memory_space<vmem>> -> memref<400x64xf32, #tpu.memory_space<vmem>>
    %dma_wait3A_1014 = arith.constant 0 : i32
    %dma_wait3A_1015 = tpu.memref_slice %arg5[%add3A_964, %dma_wait3A_1014] : memref<409600x64xf32, #tpu.memory_space<hbm>> -> memref<400x64xf32, #tpu.memory_space<hbm>>
    %dma_wait3A_1016 = arith.constant 0 : i32
    %dma_wait3A_1017 = tpu.memref_slice %arg5[%add3A_964, %dma_wait3A_1016] : memref<409600x64xf32, #tpu.memory_space<hbm>> -> memref<400x64xf32, #tpu.memory_space<hbm>>
    %dma_wait3A_1018 = arith.constant 0 : i32
    %dma_wait3A_1019 = arith.constant 0 : i32
    %dma_wait3A_1020 = tpu.memref_slice %arg22[%dma_wait3A_1009, %dma_wait3A_1018, %dma_wait3A_1019] : memref<2x400x64xf32, #tpu.memory_space<vmem>> -> memref<1x400x64xf32, #tpu.memory_space<vmem>>
    %dma_wait3A_1021 = tpu.memref_squeeze %dma_wait3A_1020 : memref<1x400x64xf32, #tpu.memory_space<vmem>> -> memref<400x64xf32, #tpu.memory_space<vmem>>
    tpu.wait_dma2 semaphore(%arg29 : memref<!tpu.dma_semaphore, #tpu.memory_space<semaphore_mem>>) src(%dma_wait3A_1021 : memref<400x64xf32, #tpu.memory_space<vmem>>) dst(%dma_wait3A_1017 : memref<400x64xf32, #tpu.memory_space<hbm>>)
    %dma_wait3A_1022 = arith.constant 0 : i32
    %dma_wait3A_1023 = arith.constant 0 : i32
    %dma_wait3A_1024 = arith.constant 0 : i32
    %dma_wait3A_1025 = tpu.memref_slice %arg23[%dma_wait3A_1022, %dma_wait3A_1023, %dma_wait3A_1024] : memref<2x400x64xf32, #tpu.memory_space<vmem>> -> memref<1x400x64xf32, #tpu.memory_space<vmem>>
    %dma_wait3A_1026 = tpu.memref_squeeze %dma_wait3A_1025 : memref<1x400x64xf32, #tpu.memory_space<vmem>> -> memref<400x64xf32, #tpu.memory_space<vmem>>
    %dma_wait3A_1027 = arith.constant 0 : i32
    %dma_wait3A_1028 = tpu.memref_slice %arg5[%add3A_995, %dma_wait3A_1027] : memref<409600x64xf32, #tpu.memory_space<hbm>> -> memref<400x64xf32, #tpu.memory_space<hbm>>
    %dma_wait3A_1029 = arith.constant 0 : i32
    %dma_wait3A_1030 = tpu.memref_slice %arg5[%add3A_995, %dma_wait3A_1029] : memref<409600x64xf32, #tpu.memory_space<hbm>> -> memref<400x64xf32, #tpu.memory_space<hbm>>
    %dma_wait3A_1031 = arith.constant 0 : i32
    %dma_wait3A_1032 = arith.constant 0 : i32
    %dma_wait3A_1033 = tpu.memref_slice %arg23[%dma_wait3A_1022, %dma_wait3A_1031, %dma_wait3A_1032] : memref<2x400x64xf32, #tpu.memory_space<vmem>> -> memref<1x400x64xf32, #tpu.memory_space<vmem>>
    %dma_wait3A_1034 = tpu.memref_squeeze %dma_wait3A_1033 : memref<1x400x64xf32, #tpu.memory_space<vmem>> -> memref<400x64xf32, #tpu.memory_space<vmem>>
    tpu.wait_dma2 semaphore(%arg31 : memref<!tpu.dma_semaphore, #tpu.memory_space<semaphore_mem>>) src(%dma_wait3A_1034 : memref<400x64xf32, #tpu.memory_space<vmem>>) dst(%dma_wait3A_1030 : memref<400x64xf32, #tpu.memory_space<hbm>>)
    %dma_start3A_1035 = arith.constant 0 : i32
    %dma_start3A_1036 = arith.constant 0 : i32
    %dma_start3A_1037 = arith.constant 0 : i32
    %dma_start3A_1038 = tpu.memref_slice %arg22[%dma_start3A_1035, %dma_start3A_1036, %dma_start3A_1037] : memref<2x400x64xf32, #tpu.memory_space<vmem>> -> memref<1x400x64xf32, #tpu.memory_space<vmem>>
    %dma_start3A_1039 = tpu.memref_squeeze %dma_start3A_1038 : memref<1x400x64xf32, #tpu.memory_space<vmem>> -> memref<400x64xf32, #tpu.memory_space<vmem>>
    %dma_start3A_1040 = arith.constant 0 : i32
    %dma_start3A_1041 = arith.constant 0 : i32
    %dma_start3A_1042 = tpu.memref_slice %arg3[%dma_start3A_1040, %dma_start3A_1041] : memref<1000000x64xf32, #tpu.memory_space<hbm>> -> memref<1000000x64xf32, #tpu.memory_space<hbm>>
    tpu.enqueue_indirect_dma source(%dma_start3A_1042 : memref<1000000x64xf32, #tpu.memory_space<hbm>>) target(%dma_start3A_1039 : memref<400x64xf32, #tpu.memory_space<vmem>>) offsets(%arg16 : memref<400xi32, #tpu.memory_space<vmem>>) semaphore(%arg25 : memref<!tpu.dma_semaphore, #tpu.memory_space<semaphore_mem>>)
    %dma_start3A_1043 = arith.constant 0 : i32
    %dma_start3A_1044 = arith.constant 0 : i32
    %dma_start3A_1045 = arith.constant 0 : i32
    %dma_start3A_1046 = tpu.memref_slice %arg23[%dma_start3A_1043, %dma_start3A_1044, %dma_start3A_1045] : memref<2x400x64xf32, #tpu.memory_space<vmem>> -> memref<1x400x64xf32, #tpu.memory_space<vmem>>
    %dma_start3A_1047 = tpu.memref_squeeze %dma_start3A_1046 : memref<1x400x64xf32, #tpu.memory_space<vmem>> -> memref<400x64xf32, #tpu.memory_space<vmem>>
    %dma_start3A_1048 = arith.constant 0 : i32
    %dma_start3A_1049 = arith.constant 0 : i32
    %dma_start3A_1050 = tpu.memref_slice %arg4[%dma_start3A_1048, %dma_start3A_1049] : memref<1000000x64xf32, #tpu.memory_space<hbm>> -> memref<1000000x64xf32, #tpu.memory_space<hbm>>
    tpu.enqueue_indirect_dma source(%dma_start3A_1050 : memref<1000000x64xf32, #tpu.memory_space<hbm>>) target(%dma_start3A_1047 : memref<400x64xf32, #tpu.memory_space<vmem>>) offsets(%arg16 : memref<400xi32, #tpu.memory_space<vmem>>) semaphore(%arg27 : memref<!tpu.dma_semaphore, #tpu.memory_space<semaphore_mem>>)
    %add3A_1051 = arith.constant 3600 : i32
    %add3A_1052 = arith.addi %mul3A_2, %add3A_1051 : i32
    %dma_wait3A_1053 = arith.constant 1 : i32
    %dma_wait3A_1054 = arith.constant 0 : i32
    %dma_wait3A_1055 = arith.constant 0 : i32
    %dma_wait3A_1056 = tpu.memref_slice %arg22[%dma_wait3A_1053, %dma_wait3A_1054, %dma_wait3A_1055] : memref<2x400x64xf32, #tpu.memory_space<vmem>> -> memref<1x400x64xf32, #tpu.memory_space<vmem>>
    %dma_wait3A_1057 = tpu.memref_squeeze %dma_wait3A_1056 : memref<1x400x64xf32, #tpu.memory_space<vmem>> -> memref<400x64xf32, #tpu.memory_space<vmem>>
    %dma_wait3A_1058 = arith.constant 0 : i32
    %dma_wait3A_1059 = arith.constant 0 : i32
    %dma_wait3A_1060 = tpu.memref_slice %arg3[%dma_wait3A_1058, %dma_wait3A_1059] : memref<1000000x64xf32, #tpu.memory_space<hbm>> -> memref<1000000x64xf32, #tpu.memory_space<hbm>>
    tpu.wait_indirect_dma semaphore(%arg26 : memref<!tpu.dma_semaphore, #tpu.memory_space<semaphore_mem>>) src(%dma_wait3A_1060 : memref<1000000x64xf32, #tpu.memory_space<hbm>>) dst(%dma_wait3A_1057 : memref<400x64xf32, #tpu.memory_space<vmem>>)
    %dma_start3A_1061 = arith.constant 1 : i32
    %dma_start3A_1062 = arith.constant 0 : i32
    %dma_start3A_1063 = arith.constant 0 : i32
    %dma_start3A_1064 = tpu.memref_slice %arg22[%dma_start3A_1061, %dma_start3A_1062, %dma_start3A_1063] : memref<2x400x64xf32, #tpu.memory_space<vmem>> -> memref<1x400x64xf32, #tpu.memory_space<vmem>>
    %dma_start3A_1065 = tpu.memref_squeeze %dma_start3A_1064 : memref<1x400x64xf32, #tpu.memory_space<vmem>> -> memref<400x64xf32, #tpu.memory_space<vmem>>
    %dma_start3A_1066 = arith.constant 0 : i32
    %dma_start3A_1067 = tpu.memref_slice %arg5[%add3A_1052, %dma_start3A_1066] : memref<409600x64xf32, #tpu.memory_space<hbm>> -> memref<400x64xf32, #tpu.memory_space<hbm>>
    %dma_start3A_1068 = arith.constant 0 : i32
    %dma_start3A_1069 = tpu.memref_slice %arg5[%add3A_1052, %dma_start3A_1068] : memref<409600x64xf32, #tpu.memory_space<hbm>> -> memref<400x64xf32, #tpu.memory_space<hbm>>
    %dma_start3A_1070 = arith.constant 0 : i32
    %dma_start3A_1071 = arith.constant 0 : i32
    %dma_start3A_1072 = tpu.memref_slice %arg22[%dma_start3A_1061, %dma_start3A_1070, %dma_start3A_1071] : memref<2x400x64xf32, #tpu.memory_space<vmem>> -> memref<1x400x64xf32, #tpu.memory_space<vmem>>
    %dma_start3A_1073 = tpu.memref_squeeze %dma_start3A_1072 : memref<1x400x64xf32, #tpu.memory_space<vmem>> -> memref<400x64xf32, #tpu.memory_space<vmem>>
    tpu.enqueue_dma source(%dma_start3A_1073 : memref<400x64xf32, #tpu.memory_space<vmem>>) target(%dma_start3A_1069 : memref<400x64xf32, #tpu.memory_space<hbm>>) target_semaphore(%arg30 : memref<!tpu.dma_semaphore, #tpu.memory_space<semaphore_mem>>)
    %dma_wait3A_1074 = arith.constant 1 : i32
    %dma_wait3A_1075 = arith.constant 0 : i32
    %dma_wait3A_1076 = arith.constant 0 : i32
    %dma_wait3A_1077 = tpu.memref_slice %arg23[%dma_wait3A_1074, %dma_wait3A_1075, %dma_wait3A_1076] : memref<2x400x64xf32, #tpu.memory_space<vmem>> -> memref<1x400x64xf32, #tpu.memory_space<vmem>>
    %dma_wait3A_1078 = tpu.memref_squeeze %dma_wait3A_1077 : memref<1x400x64xf32, #tpu.memory_space<vmem>> -> memref<400x64xf32, #tpu.memory_space<vmem>>
    %dma_wait3A_1079 = arith.constant 0 : i32
    %dma_wait3A_1080 = arith.constant 0 : i32
    %dma_wait3A_1081 = tpu.memref_slice %arg4[%dma_wait3A_1079, %dma_wait3A_1080] : memref<1000000x64xf32, #tpu.memory_space<hbm>> -> memref<1000000x64xf32, #tpu.memory_space<hbm>>
    tpu.wait_indirect_dma semaphore(%arg28 : memref<!tpu.dma_semaphore, #tpu.memory_space<semaphore_mem>>) src(%dma_wait3A_1081 : memref<1000000x64xf32, #tpu.memory_space<hbm>>) dst(%dma_wait3A_1078 : memref<400x64xf32, #tpu.memory_space<vmem>>)
    %add3A_1082 = arith.constant 204800 : i32
    %add3A_1083 = arith.addi %add3A_1082, %add3A_1052 : i32
    %dma_start3A_1084 = arith.constant 1 : i32
    %dma_start3A_1085 = arith.constant 0 : i32
    %dma_start3A_1086 = arith.constant 0 : i32
    %dma_start3A_1087 = tpu.memref_slice %arg23[%dma_start3A_1084, %dma_start3A_1085, %dma_start3A_1086] : memref<2x400x64xf32, #tpu.memory_space<vmem>> -> memref<1x400x64xf32, #tpu.memory_space<vmem>>
    %dma_start3A_1088 = tpu.memref_squeeze %dma_start3A_1087 : memref<1x400x64xf32, #tpu.memory_space<vmem>> -> memref<400x64xf32, #tpu.memory_space<vmem>>
    %dma_start3A_1089 = arith.constant 0 : i32
    %dma_start3A_1090 = tpu.memref_slice %arg5[%add3A_1083, %dma_start3A_1089] : memref<409600x64xf32, #tpu.memory_space<hbm>> -> memref<400x64xf32, #tpu.memory_space<hbm>>
    %dma_start3A_1091 = arith.constant 0 : i32
    %dma_start3A_1092 = tpu.memref_slice %arg5[%add3A_1083, %dma_start3A_1091] : memref<409600x64xf32, #tpu.memory_space<hbm>> -> memref<400x64xf32, #tpu.memory_space<hbm>>
    %dma_start3A_1093 = arith.constant 0 : i32
    %dma_start3A_1094 = arith.constant 0 : i32
    %dma_start3A_1095 = tpu.memref_slice %arg23[%dma_start3A_1084, %dma_start3A_1093, %dma_start3A_1094] : memref<2x400x64xf32, #tpu.memory_space<vmem>> -> memref<1x400x64xf32, #tpu.memory_space<vmem>>
    %dma_start3A_1096 = tpu.memref_squeeze %dma_start3A_1095 : memref<1x400x64xf32, #tpu.memory_space<vmem>> -> memref<400x64xf32, #tpu.memory_space<vmem>>
    tpu.enqueue_dma source(%dma_start3A_1096 : memref<400x64xf32, #tpu.memory_space<vmem>>) target(%dma_start3A_1092 : memref<400x64xf32, #tpu.memory_space<hbm>>) target_semaphore(%arg32 : memref<!tpu.dma_semaphore, #tpu.memory_space<semaphore_mem>>)
    %dma_wait3A_1097 = arith.constant 1 : i32
    %dma_wait3A_1098 = arith.constant 0 : i32
    %dma_wait3A_1099 = arith.constant 0 : i32
    %dma_wait3A_1100 = tpu.memref_slice %arg22[%dma_wait3A_1097, %dma_wait3A_1098, %dma_wait3A_1099] : memref<2x400x64xf32, #tpu.memory_space<vmem>> -> memref<1x400x64xf32, #tpu.memory_space<vmem>>
    %dma_wait3A_1101 = tpu.memref_squeeze %dma_wait3A_1100 : memref<1x400x64xf32, #tpu.memory_space<vmem>> -> memref<400x64xf32, #tpu.memory_space<vmem>>
    %dma_wait3A_1102 = arith.constant 0 : i32
    %dma_wait3A_1103 = tpu.memref_slice %arg5[%add3A_1052, %dma_wait3A_1102] : memref<409600x64xf32, #tpu.memory_space<hbm>> -> memref<400x64xf32, #tpu.memory_space<hbm>>
    %dma_wait3A_1104 = arith.constant 0 : i32
    %dma_wait3A_1105 = tpu.memref_slice %arg5[%add3A_1052, %dma_wait3A_1104] : memref<409600x64xf32, #tpu.memory_space<hbm>> -> memref<400x64xf32, #tpu.memory_space<hbm>>
    %dma_wait3A_1106 = arith.constant 0 : i32
    %dma_wait3A_1107 = arith.constant 0 : i32
    %dma_wait3A_1108 = tpu.memref_slice %arg22[%dma_wait3A_1097, %dma_wait3A_1106, %dma_wait3A_1107] : memref<2x400x64xf32, #tpu.memory_space<vmem>> -> memref<1x400x64xf32, #tpu.memory_space<vmem>>
    %dma_wait3A_1109 = tpu.memref_squeeze %dma_wait3A_1108 : memref<1x400x64xf32, #tpu.memory_space<vmem>> -> memref<400x64xf32, #tpu.memory_space<vmem>>
    tpu.wait_dma2 semaphore(%arg30 : memref<!tpu.dma_semaphore, #tpu.memory_space<semaphore_mem>>) src(%dma_wait3A_1109 : memref<400x64xf32, #tpu.memory_space<vmem>>) dst(%dma_wait3A_1105 : memref<400x64xf32, #tpu.memory_space<hbm>>)
    %dma_wait3A_1110 = arith.constant 1 : i32
    %dma_wait3A_1111 = arith.constant 0 : i32
    %dma_wait3A_1112 = arith.constant 0 : i32
    %dma_wait3A_1113 = tpu.memref_slice %arg23[%dma_wait3A_1110, %dma_wait3A_1111, %dma_wait3A_1112] : memref<2x400x64xf32, #tpu.memory_space<vmem>> -> memref<1x400x64xf32, #tpu.memory_space<vmem>>
    %dma_wait3A_1114 = tpu.memref_squeeze %dma_wait3A_1113 : memref<1x400x64xf32, #tpu.memory_space<vmem>> -> memref<400x64xf32, #tpu.memory_space<vmem>>
    %dma_wait3A_1115 = arith.constant 0 : i32
    %dma_wait3A_1116 = tpu.memref_slice %arg5[%add3A_1083, %dma_wait3A_1115] : memref<409600x64xf32, #tpu.memory_space<hbm>> -> memref<400x64xf32, #tpu.memory_space<hbm>>
    %dma_wait3A_1117 = arith.constant 0 : i32
    %dma_wait3A_1118 = tpu.memref_slice %arg5[%add3A_1083, %dma_wait3A_1117] : memref<409600x64xf32, #tpu.memory_space<hbm>> -> memref<400x64xf32, #tpu.memory_space<hbm>>
    %dma_wait3A_1119 = arith.constant 0 : i32
    %dma_wait3A_1120 = arith.constant 0 : i32
    %dma_wait3A_1121 = tpu.memref_slice %arg23[%dma_wait3A_1110, %dma_wait3A_1119, %dma_wait3A_1120] : memref<2x400x64xf32, #tpu.memory_space<vmem>> -> memref<1x400x64xf32, #tpu.memory_space<vmem>>
    %dma_wait3A_1122 = tpu.memref_squeeze %dma_wait3A_1121 : memref<1x400x64xf32, #tpu.memory_space<vmem>> -> memref<400x64xf32, #tpu.memory_space<vmem>>
    tpu.wait_dma2 semaphore(%arg32 : memref<!tpu.dma_semaphore, #tpu.memory_space<semaphore_mem>>) src(%dma_wait3A_1122 : memref<400x64xf32, #tpu.memory_space<vmem>>) dst(%dma_wait3A_1118 : memref<400x64xf32, #tpu.memory_space<hbm>>)
    %dma_start3A_1123 = arith.constant 1 : i32
    %dma_start3A_1124 = arith.constant 0 : i32
    %dma_start3A_1125 = arith.constant 0 : i32
    %dma_start3A_1126 = tpu.memref_slice %arg22[%dma_start3A_1123, %dma_start3A_1124, %dma_start3A_1125] : memref<2x400x64xf32, #tpu.memory_space<vmem>> -> memref<1x400x64xf32, #tpu.memory_space<vmem>>
    %dma_start3A_1127 = tpu.memref_squeeze %dma_start3A_1126 : memref<1x400x64xf32, #tpu.memory_space<vmem>> -> memref<400x64xf32, #tpu.memory_space<vmem>>
    %dma_start3A_1128 = arith.constant 0 : i32
    %dma_start3A_1129 = arith.constant 0 : i32
    %dma_start3A_1130 = tpu.memref_slice %arg3[%dma_start3A_1128, %dma_start3A_1129] : memref<1000000x64xf32, #tpu.memory_space<hbm>> -> memref<1000000x64xf32, #tpu.memory_space<hbm>>
    tpu.enqueue_indirect_dma source(%dma_start3A_1130 : memref<1000000x64xf32, #tpu.memory_space<hbm>>) target(%dma_start3A_1127 : memref<400x64xf32, #tpu.memory_space<vmem>>) offsets(%arg17 : memref<400xi32, #tpu.memory_space<vmem>>) semaphore(%arg26 : memref<!tpu.dma_semaphore, #tpu.memory_space<semaphore_mem>>)
    %dma_start3A_1131 = arith.constant 1 : i32
    %dma_start3A_1132 = arith.constant 0 : i32
    %dma_start3A_1133 = arith.constant 0 : i32
    %dma_start3A_1134 = tpu.memref_slice %arg23[%dma_start3A_1131, %dma_start3A_1132, %dma_start3A_1133] : memref<2x400x64xf32, #tpu.memory_space<vmem>> -> memref<1x400x64xf32, #tpu.memory_space<vmem>>
    %dma_start3A_1135 = tpu.memref_squeeze %dma_start3A_1134 : memref<1x400x64xf32, #tpu.memory_space<vmem>> -> memref<400x64xf32, #tpu.memory_space<vmem>>
    %dma_start3A_1136 = arith.constant 0 : i32
    %dma_start3A_1137 = arith.constant 0 : i32
    %dma_start3A_1138 = tpu.memref_slice %arg4[%dma_start3A_1136, %dma_start3A_1137] : memref<1000000x64xf32, #tpu.memory_space<hbm>> -> memref<1000000x64xf32, #tpu.memory_space<hbm>>
    tpu.enqueue_indirect_dma source(%dma_start3A_1138 : memref<1000000x64xf32, #tpu.memory_space<hbm>>) target(%dma_start3A_1135 : memref<400x64xf32, #tpu.memory_space<vmem>>) offsets(%arg17 : memref<400xi32, #tpu.memory_space<vmem>>) semaphore(%arg28 : memref<!tpu.dma_semaphore, #tpu.memory_space<semaphore_mem>>)
    %add3A_1139 = arith.constant 4000 : i32
    %add3A_1140 = arith.addi %mul3A_2, %add3A_1139 : i32
    %dma_wait3A_1141 = arith.constant 0 : i32
    %dma_wait3A_1142 = arith.constant 0 : i32
    %dma_wait3A_1143 = arith.constant 0 : i32
    %dma_wait3A_1144 = tpu.memref_slice %arg22[%dma_wait3A_1141, %dma_wait3A_1142, %dma_wait3A_1143] : memref<2x400x64xf32, #tpu.memory_space<vmem>> -> memref<1x400x64xf32, #tpu.memory_space<vmem>>
    %dma_wait3A_1145 = tpu.memref_squeeze %dma_wait3A_1144 : memref<1x400x64xf32, #tpu.memory_space<vmem>> -> memref<400x64xf32, #tpu.memory_space<vmem>>
    %dma_wait3A_1146 = arith.constant 0 : i32
    %dma_wait3A_1147 = arith.constant 0 : i32
    %dma_wait3A_1148 = tpu.memref_slice %arg3[%dma_wait3A_1146, %dma_wait3A_1147] : memref<1000000x64xf32, #tpu.memory_space<hbm>> -> memref<1000000x64xf32, #tpu.memory_space<hbm>>
    tpu.wait_indirect_dma semaphore(%arg25 : memref<!tpu.dma_semaphore, #tpu.memory_space<semaphore_mem>>) src(%dma_wait3A_1148 : memref<1000000x64xf32, #tpu.memory_space<hbm>>) dst(%dma_wait3A_1145 : memref<400x64xf32, #tpu.memory_space<vmem>>)
    %dma_start3A_1149 = arith.constant 0 : i32
    %dma_start3A_1150 = arith.constant 0 : i32
    %dma_start3A_1151 = arith.constant 0 : i32
    %dma_start3A_1152 = tpu.memref_slice %arg22[%dma_start3A_1149, %dma_start3A_1150, %dma_start3A_1151] : memref<2x400x64xf32, #tpu.memory_space<vmem>> -> memref<1x400x64xf32, #tpu.memory_space<vmem>>
    %dma_start3A_1153 = tpu.memref_squeeze %dma_start3A_1152 : memref<1x400x64xf32, #tpu.memory_space<vmem>> -> memref<400x64xf32, #tpu.memory_space<vmem>>
    %dma_start3A_1154 = arith.constant 0 : i32
    %dma_start3A_1155 = tpu.memref_slice %arg5[%add3A_1140, %dma_start3A_1154] : memref<409600x64xf32, #tpu.memory_space<hbm>> -> memref<400x64xf32, #tpu.memory_space<hbm>>
    %dma_start3A_1156 = arith.constant 0 : i32
    %dma_start3A_1157 = tpu.memref_slice %arg5[%add3A_1140, %dma_start3A_1156] : memref<409600x64xf32, #tpu.memory_space<hbm>> -> memref<400x64xf32, #tpu.memory_space<hbm>>
    %dma_start3A_1158 = arith.constant 0 : i32
    %dma_start3A_1159 = arith.constant 0 : i32
    %dma_start3A_1160 = tpu.memref_slice %arg22[%dma_start3A_1149, %dma_start3A_1158, %dma_start3A_1159] : memref<2x400x64xf32, #tpu.memory_space<vmem>> -> memref<1x400x64xf32, #tpu.memory_space<vmem>>
    %dma_start3A_1161 = tpu.memref_squeeze %dma_start3A_1160 : memref<1x400x64xf32, #tpu.memory_space<vmem>> -> memref<400x64xf32, #tpu.memory_space<vmem>>
    tpu.enqueue_dma source(%dma_start3A_1161 : memref<400x64xf32, #tpu.memory_space<vmem>>) target(%dma_start3A_1157 : memref<400x64xf32, #tpu.memory_space<hbm>>) target_semaphore(%arg29 : memref<!tpu.dma_semaphore, #tpu.memory_space<semaphore_mem>>)
    %dma_wait3A_1162 = arith.constant 0 : i32
    %dma_wait3A_1163 = arith.constant 0 : i32
    %dma_wait3A_1164 = arith.constant 0 : i32
    %dma_wait3A_1165 = tpu.memref_slice %arg23[%dma_wait3A_1162, %dma_wait3A_1163, %dma_wait3A_1164] : memref<2x400x64xf32, #tpu.memory_space<vmem>> -> memref<1x400x64xf32, #tpu.memory_space<vmem>>
    %dma_wait3A_1166 = tpu.memref_squeeze %dma_wait3A_1165 : memref<1x400x64xf32, #tpu.memory_space<vmem>> -> memref<400x64xf32, #tpu.memory_space<vmem>>
    %dma_wait3A_1167 = arith.constant 0 : i32
    %dma_wait3A_1168 = arith.constant 0 : i32
    %dma_wait3A_1169 = tpu.memref_slice %arg4[%dma_wait3A_1167, %dma_wait3A_1168] : memref<1000000x64xf32, #tpu.memory_space<hbm>> -> memref<1000000x64xf32, #tpu.memory_space<hbm>>
    tpu.wait_indirect_dma semaphore(%arg27 : memref<!tpu.dma_semaphore, #tpu.memory_space<semaphore_mem>>) src(%dma_wait3A_1169 : memref<1000000x64xf32, #tpu.memory_space<hbm>>) dst(%dma_wait3A_1166 : memref<400x64xf32, #tpu.memory_space<vmem>>)
    %add3A_1170 = arith.constant 204800 : i32
    %add3A_1171 = arith.addi %add3A_1170, %add3A_1140 : i32
    %dma_start3A_1172 = arith.constant 0 : i32
    %dma_start3A_1173 = arith.constant 0 : i32
    %dma_start3A_1174 = arith.constant 0 : i32
    %dma_start3A_1175 = tpu.memref_slice %arg23[%dma_start3A_1172, %dma_start3A_1173, %dma_start3A_1174] : memref<2x400x64xf32, #tpu.memory_space<vmem>> -> memref<1x400x64xf32, #tpu.memory_space<vmem>>
    %dma_start3A_1176 = tpu.memref_squeeze %dma_start3A_1175 : memref<1x400x64xf32, #tpu.memory_space<vmem>> -> memref<400x64xf32, #tpu.memory_space<vmem>>
    %dma_start3A_1177 = arith.constant 0 : i32
    %dma_start3A_1178 = tpu.memref_slice %arg5[%add3A_1171, %dma_start3A_1177] : memref<409600x64xf32, #tpu.memory_space<hbm>> -> memref<400x64xf32, #tpu.memory_space<hbm>>
    %dma_start3A_1179 = arith.constant 0 : i32
    %dma_start3A_1180 = tpu.memref_slice %arg5[%add3A_1171, %dma_start3A_1179] : memref<409600x64xf32, #tpu.memory_space<hbm>> -> memref<400x64xf32, #tpu.memory_space<hbm>>
    %dma_start3A_1181 = arith.constant 0 : i32
    %dma_start3A_1182 = arith.constant 0 : i32
    %dma_start3A_1183 = tpu.memref_slice %arg23[%dma_start3A_1172, %dma_start3A_1181, %dma_start3A_1182] : memref<2x400x64xf32, #tpu.memory_space<vmem>> -> memref<1x400x64xf32, #tpu.memory_space<vmem>>
    %dma_start3A_1184 = tpu.memref_squeeze %dma_start3A_1183 : memref<1x400x64xf32, #tpu.memory_space<vmem>> -> memref<400x64xf32, #tpu.memory_space<vmem>>
    tpu.enqueue_dma source(%dma_start3A_1184 : memref<400x64xf32, #tpu.memory_space<vmem>>) target(%dma_start3A_1180 : memref<400x64xf32, #tpu.memory_space<hbm>>) target_semaphore(%arg31 : memref<!tpu.dma_semaphore, #tpu.memory_space<semaphore_mem>>)
    %dma_wait3A_1185 = arith.constant 0 : i32
    %dma_wait3A_1186 = arith.constant 0 : i32
    %dma_wait3A_1187 = arith.constant 0 : i32
    %dma_wait3A_1188 = tpu.memref_slice %arg22[%dma_wait3A_1185, %dma_wait3A_1186, %dma_wait3A_1187] : memref<2x400x64xf32, #tpu.memory_space<vmem>> -> memref<1x400x64xf32, #tpu.memory_space<vmem>>
    %dma_wait3A_1189 = tpu.memref_squeeze %dma_wait3A_1188 : memref<1x400x64xf32, #tpu.memory_space<vmem>> -> memref<400x64xf32, #tpu.memory_space<vmem>>
    %dma_wait3A_1190 = arith.constant 0 : i32
    %dma_wait3A_1191 = tpu.memref_slice %arg5[%add3A_1140, %dma_wait3A_1190] : memref<409600x64xf32, #tpu.memory_space<hbm>> -> memref<400x64xf32, #tpu.memory_space<hbm>>
    %dma_wait3A_1192 = arith.constant 0 : i32
    %dma_wait3A_1193 = tpu.memref_slice %arg5[%add3A_1140, %dma_wait3A_1192] : memref<409600x64xf32, #tpu.memory_space<hbm>> -> memref<400x64xf32, #tpu.memory_space<hbm>>
    %dma_wait3A_1194 = arith.constant 0 : i32
    %dma_wait3A_1195 = arith.constant 0 : i32
    %dma_wait3A_1196 = tpu.memref_slice %arg22[%dma_wait3A_1185, %dma_wait3A_1194, %dma_wait3A_1195] : memref<2x400x64xf32, #tpu.memory_space<vmem>> -> memref<1x400x64xf32, #tpu.memory_space<vmem>>
    %dma_wait3A_1197 = tpu.memref_squeeze %dma_wait3A_1196 : memref<1x400x64xf32, #tpu.memory_space<vmem>> -> memref<400x64xf32, #tpu.memory_space<vmem>>
    tpu.wait_dma2 semaphore(%arg29 : memref<!tpu.dma_semaphore, #tpu.memory_space<semaphore_mem>>) src(%dma_wait3A_1197 : memref<400x64xf32, #tpu.memory_space<vmem>>) dst(%dma_wait3A_1193 : memref<400x64xf32, #tpu.memory_space<hbm>>)
    %dma_wait3A_1198 = arith.constant 0 : i32
    %dma_wait3A_1199 = arith.constant 0 : i32
    %dma_wait3A_1200 = arith.constant 0 : i32
    %dma_wait3A_1201 = tpu.memref_slice %arg23[%dma_wait3A_1198, %dma_wait3A_1199, %dma_wait3A_1200] : memref<2x400x64xf32, #tpu.memory_space<vmem>> -> memref<1x400x64xf32, #tpu.memory_space<vmem>>
    %dma_wait3A_1202 = tpu.memref_squeeze %dma_wait3A_1201 : memref<1x400x64xf32, #tpu.memory_space<vmem>> -> memref<400x64xf32, #tpu.memory_space<vmem>>
    %dma_wait3A_1203 = arith.constant 0 : i32
    %dma_wait3A_1204 = tpu.memref_slice %arg5[%add3A_1171, %dma_wait3A_1203] : memref<409600x64xf32, #tpu.memory_space<hbm>> -> memref<400x64xf32, #tpu.memory_space<hbm>>
    %dma_wait3A_1205 = arith.constant 0 : i32
    %dma_wait3A_1206 = tpu.memref_slice %arg5[%add3A_1171, %dma_wait3A_1205] : memref<409600x64xf32, #tpu.memory_space<hbm>> -> memref<400x64xf32, #tpu.memory_space<hbm>>
    %dma_wait3A_1207 = arith.constant 0 : i32
    %dma_wait3A_1208 = arith.constant 0 : i32
    %dma_wait3A_1209 = tpu.memref_slice %arg23[%dma_wait3A_1198, %dma_wait3A_1207, %dma_wait3A_1208] : memref<2x400x64xf32, #tpu.memory_space<vmem>> -> memref<1x400x64xf32, #tpu.memory_space<vmem>>
    %dma_wait3A_1210 = tpu.memref_squeeze %dma_wait3A_1209 : memref<1x400x64xf32, #tpu.memory_space<vmem>> -> memref<400x64xf32, #tpu.memory_space<vmem>>
    tpu.wait_dma2 semaphore(%arg31 : memref<!tpu.dma_semaphore, #tpu.memory_space<semaphore_mem>>) src(%dma_wait3A_1210 : memref<400x64xf32, #tpu.memory_space<vmem>>) dst(%dma_wait3A_1206 : memref<400x64xf32, #tpu.memory_space<hbm>>)
    %dma_start3A_1211 = arith.constant 0 : i32
    %dma_start3A_1212 = arith.constant 0 : i32
    %dma_start3A_1213 = arith.constant 0 : i32
    %dma_start3A_1214 = tpu.memref_slice %arg22[%dma_start3A_1211, %dma_start3A_1212, %dma_start3A_1213] : memref<2x400x64xf32, #tpu.memory_space<vmem>> -> memref<1x400x64xf32, #tpu.memory_space<vmem>>
    %dma_start3A_1215 = tpu.memref_squeeze %dma_start3A_1214 : memref<1x400x64xf32, #tpu.memory_space<vmem>> -> memref<400x64xf32, #tpu.memory_space<vmem>>
    %dma_start3A_1216 = arith.constant 0 : i32
    %dma_start3A_1217 = arith.constant 0 : i32
    %dma_start3A_1218 = tpu.memref_slice %arg3[%dma_start3A_1216, %dma_start3A_1217] : memref<1000000x64xf32, #tpu.memory_space<hbm>> -> memref<1000000x64xf32, #tpu.memory_space<hbm>>
    tpu.enqueue_indirect_dma source(%dma_start3A_1218 : memref<1000000x64xf32, #tpu.memory_space<hbm>>) target(%dma_start3A_1215 : memref<400x64xf32, #tpu.memory_space<vmem>>) offsets(%arg18 : memref<400xi32, #tpu.memory_space<vmem>>) semaphore(%arg25 : memref<!tpu.dma_semaphore, #tpu.memory_space<semaphore_mem>>)
    %dma_start3A_1219 = arith.constant 0 : i32
    %dma_start3A_1220 = arith.constant 0 : i32
    %dma_start3A_1221 = arith.constant 0 : i32
    %dma_start3A_1222 = tpu.memref_slice %arg23[%dma_start3A_1219, %dma_start3A_1220, %dma_start3A_1221] : memref<2x400x64xf32, #tpu.memory_space<vmem>> -> memref<1x400x64xf32, #tpu.memory_space<vmem>>
    %dma_start3A_1223 = tpu.memref_squeeze %dma_start3A_1222 : memref<1x400x64xf32, #tpu.memory_space<vmem>> -> memref<400x64xf32, #tpu.memory_space<vmem>>
    %dma_start3A_1224 = arith.constant 0 : i32
    %dma_start3A_1225 = arith.constant 0 : i32
    %dma_start3A_1226 = tpu.memref_slice %arg4[%dma_start3A_1224, %dma_start3A_1225] : memref<1000000x64xf32, #tpu.memory_space<hbm>> -> memref<1000000x64xf32, #tpu.memory_space<hbm>>
    tpu.enqueue_indirect_dma source(%dma_start3A_1226 : memref<1000000x64xf32, #tpu.memory_space<hbm>>) target(%dma_start3A_1223 : memref<400x64xf32, #tpu.memory_space<vmem>>) offsets(%arg18 : memref<400xi32, #tpu.memory_space<vmem>>) semaphore(%arg27 : memref<!tpu.dma_semaphore, #tpu.memory_space<semaphore_mem>>)
    %add3A_1227 = arith.constant 4400 : i32
    %add3A_1228 = arith.addi %mul3A_2, %add3A_1227 : i32
    %dma_wait3A_1229 = arith.constant 1 : i32
    %dma_wait3A_1230 = arith.constant 0 : i32
    %dma_wait3A_1231 = arith.constant 0 : i32
    %dma_wait3A_1232 = tpu.memref_slice %arg22[%dma_wait3A_1229, %dma_wait3A_1230, %dma_wait3A_1231] : memref<2x400x64xf32, #tpu.memory_space<vmem>> -> memref<1x400x64xf32, #tpu.memory_space<vmem>>
    %dma_wait3A_1233 = tpu.memref_squeeze %dma_wait3A_1232 : memref<1x400x64xf32, #tpu.memory_space<vmem>> -> memref<400x64xf32, #tpu.memory_space<vmem>>
    %dma_wait3A_1234 = arith.constant 0 : i32
    %dma_wait3A_1235 = arith.constant 0 : i32
    %dma_wait3A_1236 = tpu.memref_slice %arg3[%dma_wait3A_1234, %dma_wait3A_1235] : memref<1000000x64xf32, #tpu.memory_space<hbm>> -> memref<1000000x64xf32, #tpu.memory_space<hbm>>
    tpu.wait_indirect_dma semaphore(%arg26 : memref<!tpu.dma_semaphore, #tpu.memory_space<semaphore_mem>>) src(%dma_wait3A_1236 : memref<1000000x64xf32, #tpu.memory_space<hbm>>) dst(%dma_wait3A_1233 : memref<400x64xf32, #tpu.memory_space<vmem>>)
    %dma_start3A_1237 = arith.constant 1 : i32
    %dma_start3A_1238 = arith.constant 0 : i32
    %dma_start3A_1239 = arith.constant 0 : i32
    %dma_start3A_1240 = tpu.memref_slice %arg22[%dma_start3A_1237, %dma_start3A_1238, %dma_start3A_1239] : memref<2x400x64xf32, #tpu.memory_space<vmem>> -> memref<1x400x64xf32, #tpu.memory_space<vmem>>
    %dma_start3A_1241 = tpu.memref_squeeze %dma_start3A_1240 : memref<1x400x64xf32, #tpu.memory_space<vmem>> -> memref<400x64xf32, #tpu.memory_space<vmem>>
    %dma_start3A_1242 = arith.constant 0 : i32
    %dma_start3A_1243 = tpu.memref_slice %arg5[%add3A_1228, %dma_start3A_1242] : memref<409600x64xf32, #tpu.memory_space<hbm>> -> memref<400x64xf32, #tpu.memory_space<hbm>>
    %dma_start3A_1244 = arith.constant 0 : i32
    %dma_start3A_1245 = tpu.memref_slice %arg5[%add3A_1228, %dma_start3A_1244] : memref<409600x64xf32, #tpu.memory_space<hbm>> -> memref<400x64xf32, #tpu.memory_space<hbm>>
    %dma_start3A_1246 = arith.constant 0 : i32
    %dma_start3A_1247 = arith.constant 0 : i32
    %dma_start3A_1248 = tpu.memref_slice %arg22[%dma_start3A_1237, %dma_start3A_1246, %dma_start3A_1247] : memref<2x400x64xf32, #tpu.memory_space<vmem>> -> memref<1x400x64xf32, #tpu.memory_space<vmem>>
    %dma_start3A_1249 = tpu.memref_squeeze %dma_start3A_1248 : memref<1x400x64xf32, #tpu.memory_space<vmem>> -> memref<400x64xf32, #tpu.memory_space<vmem>>
    tpu.enqueue_dma source(%dma_start3A_1249 : memref<400x64xf32, #tpu.memory_space<vmem>>) target(%dma_start3A_1245 : memref<400x64xf32, #tpu.memory_space<hbm>>) target_semaphore(%arg30 : memref<!tpu.dma_semaphore, #tpu.memory_space<semaphore_mem>>)
    %dma_wait3A_1250 = arith.constant 1 : i32
    %dma_wait3A_1251 = arith.constant 0 : i32
    %dma_wait3A_1252 = arith.constant 0 : i32
    %dma_wait3A_1253 = tpu.memref_slice %arg23[%dma_wait3A_1250, %dma_wait3A_1251, %dma_wait3A_1252] : memref<2x400x64xf32, #tpu.memory_space<vmem>> -> memref<1x400x64xf32, #tpu.memory_space<vmem>>
    %dma_wait3A_1254 = tpu.memref_squeeze %dma_wait3A_1253 : memref<1x400x64xf32, #tpu.memory_space<vmem>> -> memref<400x64xf32, #tpu.memory_space<vmem>>
    %dma_wait3A_1255 = arith.constant 0 : i32
    %dma_wait3A_1256 = arith.constant 0 : i32
    %dma_wait3A_1257 = tpu.memref_slice %arg4[%dma_wait3A_1255, %dma_wait3A_1256] : memref<1000000x64xf32, #tpu.memory_space<hbm>> -> memref<1000000x64xf32, #tpu.memory_space<hbm>>
    tpu.wait_indirect_dma semaphore(%arg28 : memref<!tpu.dma_semaphore, #tpu.memory_space<semaphore_mem>>) src(%dma_wait3A_1257 : memref<1000000x64xf32, #tpu.memory_space<hbm>>) dst(%dma_wait3A_1254 : memref<400x64xf32, #tpu.memory_space<vmem>>)
    %add3A_1258 = arith.constant 204800 : i32
    %add3A_1259 = arith.addi %add3A_1258, %add3A_1228 : i32
    %dma_start3A_1260 = arith.constant 1 : i32
    %dma_start3A_1261 = arith.constant 0 : i32
    %dma_start3A_1262 = arith.constant 0 : i32
    %dma_start3A_1263 = tpu.memref_slice %arg23[%dma_start3A_1260, %dma_start3A_1261, %dma_start3A_1262] : memref<2x400x64xf32, #tpu.memory_space<vmem>> -> memref<1x400x64xf32, #tpu.memory_space<vmem>>
    %dma_start3A_1264 = tpu.memref_squeeze %dma_start3A_1263 : memref<1x400x64xf32, #tpu.memory_space<vmem>> -> memref<400x64xf32, #tpu.memory_space<vmem>>
    %dma_start3A_1265 = arith.constant 0 : i32
    %dma_start3A_1266 = tpu.memref_slice %arg5[%add3A_1259, %dma_start3A_1265] : memref<409600x64xf32, #tpu.memory_space<hbm>> -> memref<400x64xf32, #tpu.memory_space<hbm>>
    %dma_start3A_1267 = arith.constant 0 : i32
    %dma_start3A_1268 = tpu.memref_slice %arg5[%add3A_1259, %dma_start3A_1267] : memref<409600x64xf32, #tpu.memory_space<hbm>> -> memref<400x64xf32, #tpu.memory_space<hbm>>
    %dma_start3A_1269 = arith.constant 0 : i32
    %dma_start3A_1270 = arith.constant 0 : i32
    %dma_start3A_1271 = tpu.memref_slice %arg23[%dma_start3A_1260, %dma_start3A_1269, %dma_start3A_1270] : memref<2x400x64xf32, #tpu.memory_space<vmem>> -> memref<1x400x64xf32, #tpu.memory_space<vmem>>
    %dma_start3A_1272 = tpu.memref_squeeze %dma_start3A_1271 : memref<1x400x64xf32, #tpu.memory_space<vmem>> -> memref<400x64xf32, #tpu.memory_space<vmem>>
    tpu.enqueue_dma source(%dma_start3A_1272 : memref<400x64xf32, #tpu.memory_space<vmem>>) target(%dma_start3A_1268 : memref<400x64xf32, #tpu.memory_space<hbm>>) target_semaphore(%arg32 : memref<!tpu.dma_semaphore, #tpu.memory_space<semaphore_mem>>)
    %dma_wait3A_1273 = arith.constant 1 : i32
    %dma_wait3A_1274 = arith.constant 0 : i32
    %dma_wait3A_1275 = arith.constant 0 : i32
    %dma_wait3A_1276 = tpu.memref_slice %arg22[%dma_wait3A_1273, %dma_wait3A_1274, %dma_wait3A_1275] : memref<2x400x64xf32, #tpu.memory_space<vmem>> -> memref<1x400x64xf32, #tpu.memory_space<vmem>>
    %dma_wait3A_1277 = tpu.memref_squeeze %dma_wait3A_1276 : memref<1x400x64xf32, #tpu.memory_space<vmem>> -> memref<400x64xf32, #tpu.memory_space<vmem>>
    %dma_wait3A_1278 = arith.constant 0 : i32
    %dma_wait3A_1279 = tpu.memref_slice %arg5[%add3A_1228, %dma_wait3A_1278] : memref<409600x64xf32, #tpu.memory_space<hbm>> -> memref<400x64xf32, #tpu.memory_space<hbm>>
    %dma_wait3A_1280 = arith.constant 0 : i32
    %dma_wait3A_1281 = tpu.memref_slice %arg5[%add3A_1228, %dma_wait3A_1280] : memref<409600x64xf32, #tpu.memory_space<hbm>> -> memref<400x64xf32, #tpu.memory_space<hbm>>
    %dma_wait3A_1282 = arith.constant 0 : i32
    %dma_wait3A_1283 = arith.constant 0 : i32
    %dma_wait3A_1284 = tpu.memref_slice %arg22[%dma_wait3A_1273, %dma_wait3A_1282, %dma_wait3A_1283] : memref<2x400x64xf32, #tpu.memory_space<vmem>> -> memref<1x400x64xf32, #tpu.memory_space<vmem>>
    %dma_wait3A_1285 = tpu.memref_squeeze %dma_wait3A_1284 : memref<1x400x64xf32, #tpu.memory_space<vmem>> -> memref<400x64xf32, #tpu.memory_space<vmem>>
    tpu.wait_dma2 semaphore(%arg30 : memref<!tpu.dma_semaphore, #tpu.memory_space<semaphore_mem>>) src(%dma_wait3A_1285 : memref<400x64xf32, #tpu.memory_space<vmem>>) dst(%dma_wait3A_1281 : memref<400x64xf32, #tpu.memory_space<hbm>>)
    %dma_wait3A_1286 = arith.constant 1 : i32
    %dma_wait3A_1287 = arith.constant 0 : i32
    %dma_wait3A_1288 = arith.constant 0 : i32
    %dma_wait3A_1289 = tpu.memref_slice %arg23[%dma_wait3A_1286, %dma_wait3A_1287, %dma_wait3A_1288] : memref<2x400x64xf32, #tpu.memory_space<vmem>> -> memref<1x400x64xf32, #tpu.memory_space<vmem>>
    %dma_wait3A_1290 = tpu.memref_squeeze %dma_wait3A_1289 : memref<1x400x64xf32, #tpu.memory_space<vmem>> -> memref<400x64xf32, #tpu.memory_space<vmem>>
    %dma_wait3A_1291 = arith.constant 0 : i32
    %dma_wait3A_1292 = tpu.memref_slice %arg5[%add3A_1259, %dma_wait3A_1291] : memref<409600x64xf32, #tpu.memory_space<hbm>> -> memref<400x64xf32, #tpu.memory_space<hbm>>
    %dma_wait3A_1293 = arith.constant 0 : i32
    %dma_wait3A_1294 = tpu.memref_slice %arg5[%add3A_1259, %dma_wait3A_1293] : memref<409600x64xf32, #tpu.memory_space<hbm>> -> memref<400x64xf32, #tpu.memory_space<hbm>>
    %dma_wait3A_1295 = arith.constant 0 : i32
    %dma_wait3A_1296 = arith.constant 0 : i32
    %dma_wait3A_1297 = tpu.memref_slice %arg23[%dma_wait3A_1286, %dma_wait3A_1295, %dma_wait3A_1296] : memref<2x400x64xf32, #tpu.memory_space<vmem>> -> memref<1x400x64xf32, #tpu.memory_space<vmem>>
    %dma_wait3A_1298 = tpu.memref_squeeze %dma_wait3A_1297 : memref<1x400x64xf32, #tpu.memory_space<vmem>> -> memref<400x64xf32, #tpu.memory_space<vmem>>
    tpu.wait_dma2 semaphore(%arg32 : memref<!tpu.dma_semaphore, #tpu.memory_space<semaphore_mem>>) src(%dma_wait3A_1298 : memref<400x64xf32, #tpu.memory_space<vmem>>) dst(%dma_wait3A_1294 : memref<400x64xf32, #tpu.memory_space<hbm>>)
    %dma_start3A_1299 = arith.constant 1 : i32
    %dma_start3A_1300 = arith.constant 0 : i32
    %dma_start3A_1301 = arith.constant 0 : i32
    %dma_start3A_1302 = tpu.memref_slice %arg22[%dma_start3A_1299, %dma_start3A_1300, %dma_start3A_1301] : memref<2x400x64xf32, #tpu.memory_space<vmem>> -> memref<1x400x64xf32, #tpu.memory_space<vmem>>
    %dma_start3A_1303 = tpu.memref_squeeze %dma_start3A_1302 : memref<1x400x64xf32, #tpu.memory_space<vmem>> -> memref<400x64xf32, #tpu.memory_space<vmem>>
    %dma_start3A_1304 = arith.constant 0 : i32
    %dma_start3A_1305 = arith.constant 0 : i32
    %dma_start3A_1306 = tpu.memref_slice %arg3[%dma_start3A_1304, %dma_start3A_1305] : memref<1000000x64xf32, #tpu.memory_space<hbm>> -> memref<1000000x64xf32, #tpu.memory_space<hbm>>
    tpu.enqueue_indirect_dma source(%dma_start3A_1306 : memref<1000000x64xf32, #tpu.memory_space<hbm>>) target(%dma_start3A_1303 : memref<400x64xf32, #tpu.memory_space<vmem>>) offsets(%arg19 : memref<400xi32, #tpu.memory_space<vmem>>) semaphore(%arg26 : memref<!tpu.dma_semaphore, #tpu.memory_space<semaphore_mem>>)
    %dma_start3A_1307 = arith.constant 1 : i32
    %dma_start3A_1308 = arith.constant 0 : i32
    %dma_start3A_1309 = arith.constant 0 : i32
    %dma_start3A_1310 = tpu.memref_slice %arg23[%dma_start3A_1307, %dma_start3A_1308, %dma_start3A_1309] : memref<2x400x64xf32, #tpu.memory_space<vmem>> -> memref<1x400x64xf32, #tpu.memory_space<vmem>>
    %dma_start3A_1311 = tpu.memref_squeeze %dma_start3A_1310 : memref<1x400x64xf32, #tpu.memory_space<vmem>> -> memref<400x64xf32, #tpu.memory_space<vmem>>
    %dma_start3A_1312 = arith.constant 0 : i32
    %dma_start3A_1313 = arith.constant 0 : i32
    %dma_start3A_1314 = tpu.memref_slice %arg4[%dma_start3A_1312, %dma_start3A_1313] : memref<1000000x64xf32, #tpu.memory_space<hbm>> -> memref<1000000x64xf32, #tpu.memory_space<hbm>>
    tpu.enqueue_indirect_dma source(%dma_start3A_1314 : memref<1000000x64xf32, #tpu.memory_space<hbm>>) target(%dma_start3A_1311 : memref<400x64xf32, #tpu.memory_space<vmem>>) offsets(%arg19 : memref<400xi32, #tpu.memory_space<vmem>>) semaphore(%arg28 : memref<!tpu.dma_semaphore, #tpu.memory_space<semaphore_mem>>)
    %add3A_1315 = arith.constant 4800 : i32
    %add3A_1316 = arith.addi %mul3A_2, %add3A_1315 : i32
    %dma_wait3A_1317 = arith.constant 0 : i32
    %dma_wait3A_1318 = arith.constant 0 : i32
    %dma_wait3A_1319 = arith.constant 0 : i32
    %dma_wait3A_1320 = tpu.memref_slice %arg22[%dma_wait3A_1317, %dma_wait3A_1318, %dma_wait3A_1319] : memref<2x400x64xf32, #tpu.memory_space<vmem>> -> memref<1x400x64xf32, #tpu.memory_space<vmem>>
    %dma_wait3A_1321 = tpu.memref_squeeze %dma_wait3A_1320 : memref<1x400x64xf32, #tpu.memory_space<vmem>> -> memref<400x64xf32, #tpu.memory_space<vmem>>
    %dma_wait3A_1322 = arith.constant 0 : i32
    %dma_wait3A_1323 = arith.constant 0 : i32
    %dma_wait3A_1324 = tpu.memref_slice %arg3[%dma_wait3A_1322, %dma_wait3A_1323] : memref<1000000x64xf32, #tpu.memory_space<hbm>> -> memref<1000000x64xf32, #tpu.memory_space<hbm>>
    tpu.wait_indirect_dma semaphore(%arg25 : memref<!tpu.dma_semaphore, #tpu.memory_space<semaphore_mem>>) src(%dma_wait3A_1324 : memref<1000000x64xf32, #tpu.memory_space<hbm>>) dst(%dma_wait3A_1321 : memref<400x64xf32, #tpu.memory_space<vmem>>)
    %dma_start3A_1325 = arith.constant 0 : i32
    %dma_start3A_1326 = arith.constant 0 : i32
    %dma_start3A_1327 = arith.constant 0 : i32
    %dma_start3A_1328 = tpu.memref_slice %arg22[%dma_start3A_1325, %dma_start3A_1326, %dma_start3A_1327] : memref<2x400x64xf32, #tpu.memory_space<vmem>> -> memref<1x400x64xf32, #tpu.memory_space<vmem>>
    %dma_start3A_1329 = tpu.memref_squeeze %dma_start3A_1328 : memref<1x400x64xf32, #tpu.memory_space<vmem>> -> memref<400x64xf32, #tpu.memory_space<vmem>>
    %dma_start3A_1330 = arith.constant 0 : i32
    %dma_start3A_1331 = tpu.memref_slice %arg5[%add3A_1316, %dma_start3A_1330] : memref<409600x64xf32, #tpu.memory_space<hbm>> -> memref<400x64xf32, #tpu.memory_space<hbm>>
    %dma_start3A_1332 = arith.constant 0 : i32
    %dma_start3A_1333 = tpu.memref_slice %arg5[%add3A_1316, %dma_start3A_1332] : memref<409600x64xf32, #tpu.memory_space<hbm>> -> memref<400x64xf32, #tpu.memory_space<hbm>>
    %dma_start3A_1334 = arith.constant 0 : i32
    %dma_start3A_1335 = arith.constant 0 : i32
    %dma_start3A_1336 = tpu.memref_slice %arg22[%dma_start3A_1325, %dma_start3A_1334, %dma_start3A_1335] : memref<2x400x64xf32, #tpu.memory_space<vmem>> -> memref<1x400x64xf32, #tpu.memory_space<vmem>>
    %dma_start3A_1337 = tpu.memref_squeeze %dma_start3A_1336 : memref<1x400x64xf32, #tpu.memory_space<vmem>> -> memref<400x64xf32, #tpu.memory_space<vmem>>
    tpu.enqueue_dma source(%dma_start3A_1337 : memref<400x64xf32, #tpu.memory_space<vmem>>) target(%dma_start3A_1333 : memref<400x64xf32, #tpu.memory_space<hbm>>) target_semaphore(%arg29 : memref<!tpu.dma_semaphore, #tpu.memory_space<semaphore_mem>>)
    %dma_wait3A_1338 = arith.constant 0 : i32
    %dma_wait3A_1339 = arith.constant 0 : i32
    %dma_wait3A_1340 = arith.constant 0 : i32
    %dma_wait3A_1341 = tpu.memref_slice %arg23[%dma_wait3A_1338, %dma_wait3A_1339, %dma_wait3A_1340] : memref<2x400x64xf32, #tpu.memory_space<vmem>> -> memref<1x400x64xf32, #tpu.memory_space<vmem>>
    %dma_wait3A_1342 = tpu.memref_squeeze %dma_wait3A_1341 : memref<1x400x64xf32, #tpu.memory_space<vmem>> -> memref<400x64xf32, #tpu.memory_space<vmem>>
    %dma_wait3A_1343 = arith.constant 0 : i32
    %dma_wait3A_1344 = arith.constant 0 : i32
    %dma_wait3A_1345 = tpu.memref_slice %arg4[%dma_wait3A_1343, %dma_wait3A_1344] : memref<1000000x64xf32, #tpu.memory_space<hbm>> -> memref<1000000x64xf32, #tpu.memory_space<hbm>>
    tpu.wait_indirect_dma semaphore(%arg27 : memref<!tpu.dma_semaphore, #tpu.memory_space<semaphore_mem>>) src(%dma_wait3A_1345 : memref<1000000x64xf32, #tpu.memory_space<hbm>>) dst(%dma_wait3A_1342 : memref<400x64xf32, #tpu.memory_space<vmem>>)
    %add3A_1346 = arith.constant 204800 : i32
    %add3A_1347 = arith.addi %add3A_1346, %add3A_1316 : i32
    %dma_start3A_1348 = arith.constant 0 : i32
    %dma_start3A_1349 = arith.constant 0 : i32
    %dma_start3A_1350 = arith.constant 0 : i32
    %dma_start3A_1351 = tpu.memref_slice %arg23[%dma_start3A_1348, %dma_start3A_1349, %dma_start3A_1350] : memref<2x400x64xf32, #tpu.memory_space<vmem>> -> memref<1x400x64xf32, #tpu.memory_space<vmem>>
    %dma_start3A_1352 = tpu.memref_squeeze %dma_start3A_1351 : memref<1x400x64xf32, #tpu.memory_space<vmem>> -> memref<400x64xf32, #tpu.memory_space<vmem>>
    %dma_start3A_1353 = arith.constant 0 : i32
    %dma_start3A_1354 = tpu.memref_slice %arg5[%add3A_1347, %dma_start3A_1353] : memref<409600x64xf32, #tpu.memory_space<hbm>> -> memref<400x64xf32, #tpu.memory_space<hbm>>
    %dma_start3A_1355 = arith.constant 0 : i32
    %dma_start3A_1356 = tpu.memref_slice %arg5[%add3A_1347, %dma_start3A_1355] : memref<409600x64xf32, #tpu.memory_space<hbm>> -> memref<400x64xf32, #tpu.memory_space<hbm>>
    %dma_start3A_1357 = arith.constant 0 : i32
    %dma_start3A_1358 = arith.constant 0 : i32
    %dma_start3A_1359 = tpu.memref_slice %arg23[%dma_start3A_1348, %dma_start3A_1357, %dma_start3A_1358] : memref<2x400x64xf32, #tpu.memory_space<vmem>> -> memref<1x400x64xf32, #tpu.memory_space<vmem>>
    %dma_start3A_1360 = tpu.memref_squeeze %dma_start3A_1359 : memref<1x400x64xf32, #tpu.memory_space<vmem>> -> memref<400x64xf32, #tpu.memory_space<vmem>>
    tpu.enqueue_dma source(%dma_start3A_1360 : memref<400x64xf32, #tpu.memory_space<vmem>>) target(%dma_start3A_1356 : memref<400x64xf32, #tpu.memory_space<hbm>>) target_semaphore(%arg31 : memref<!tpu.dma_semaphore, #tpu.memory_space<semaphore_mem>>)
    %dma_wait3A_1361 = arith.constant 0 : i32
    %dma_wait3A_1362 = arith.constant 0 : i32
    %dma_wait3A_1363 = arith.constant 0 : i32
    %dma_wait3A_1364 = tpu.memref_slice %arg22[%dma_wait3A_1361, %dma_wait3A_1362, %dma_wait3A_1363] : memref<2x400x64xf32, #tpu.memory_space<vmem>> -> memref<1x400x64xf32, #tpu.memory_space<vmem>>
    %dma_wait3A_1365 = tpu.memref_squeeze %dma_wait3A_1364 : memref<1x400x64xf32, #tpu.memory_space<vmem>> -> memref<400x64xf32, #tpu.memory_space<vmem>>
    %dma_wait3A_1366 = arith.constant 0 : i32
    %dma_wait3A_1367 = tpu.memref_slice %arg5[%add3A_1316, %dma_wait3A_1366] : memref<409600x64xf32, #tpu.memory_space<hbm>> -> memref<400x64xf32, #tpu.memory_space<hbm>>
    %dma_wait3A_1368 = arith.constant 0 : i32
    %dma_wait3A_1369 = tpu.memref_slice %arg5[%add3A_1316, %dma_wait3A_1368] : memref<409600x64xf32, #tpu.memory_space<hbm>> -> memref<400x64xf32, #tpu.memory_space<hbm>>
    %dma_wait3A_1370 = arith.constant 0 : i32
    %dma_wait3A_1371 = arith.constant 0 : i32
    %dma_wait3A_1372 = tpu.memref_slice %arg22[%dma_wait3A_1361, %dma_wait3A_1370, %dma_wait3A_1371] : memref<2x400x64xf32, #tpu.memory_space<vmem>> -> memref<1x400x64xf32, #tpu.memory_space<vmem>>
    %dma_wait3A_1373 = tpu.memref_squeeze %dma_wait3A_1372 : memref<1x400x64xf32, #tpu.memory_space<vmem>> -> memref<400x64xf32, #tpu.memory_space<vmem>>
    tpu.wait_dma2 semaphore(%arg29 : memref<!tpu.dma_semaphore, #tpu.memory_space<semaphore_mem>>) src(%dma_wait3A_1373 : memref<400x64xf32, #tpu.memory_space<vmem>>) dst(%dma_wait3A_1369 : memref<400x64xf32, #tpu.memory_space<hbm>>)
    %dma_wait3A_1374 = arith.constant 0 : i32
    %dma_wait3A_1375 = arith.constant 0 : i32
    %dma_wait3A_1376 = arith.constant 0 : i32
    %dma_wait3A_1377 = tpu.memref_slice %arg23[%dma_wait3A_1374, %dma_wait3A_1375, %dma_wait3A_1376] : memref<2x400x64xf32, #tpu.memory_space<vmem>> -> memref<1x400x64xf32, #tpu.memory_space<vmem>>
    %dma_wait3A_1378 = tpu.memref_squeeze %dma_wait3A_1377 : memref<1x400x64xf32, #tpu.memory_space<vmem>> -> memref<400x64xf32, #tpu.memory_space<vmem>>
    %dma_wait3A_1379 = arith.constant 0 : i32
    %dma_wait3A_1380 = tpu.memref_slice %arg5[%add3A_1347, %dma_wait3A_1379] : memref<409600x64xf32, #tpu.memory_space<hbm>> -> memref<400x64xf32, #tpu.memory_space<hbm>>
    %dma_wait3A_1381 = arith.constant 0 : i32
    %dma_wait3A_1382 = tpu.memref_slice %arg5[%add3A_1347, %dma_wait3A_1381] : memref<409600x64xf32, #tpu.memory_space<hbm>> -> memref<400x64xf32, #tpu.memory_space<hbm>>
    %dma_wait3A_1383 = arith.constant 0 : i32
    %dma_wait3A_1384 = arith.constant 0 : i32
    %dma_wait3A_1385 = tpu.memref_slice %arg23[%dma_wait3A_1374, %dma_wait3A_1383, %dma_wait3A_1384] : memref<2x400x64xf32, #tpu.memory_space<vmem>> -> memref<1x400x64xf32, #tpu.memory_space<vmem>>
    %dma_wait3A_1386 = tpu.memref_squeeze %dma_wait3A_1385 : memref<1x400x64xf32, #tpu.memory_space<vmem>> -> memref<400x64xf32, #tpu.memory_space<vmem>>
    tpu.wait_dma2 semaphore(%arg31 : memref<!tpu.dma_semaphore, #tpu.memory_space<semaphore_mem>>) src(%dma_wait3A_1386 : memref<400x64xf32, #tpu.memory_space<vmem>>) dst(%dma_wait3A_1382 : memref<400x64xf32, #tpu.memory_space<hbm>>)
    %dma_start3A_1387 = arith.constant 0 : i32
    %dma_start3A_1388 = arith.constant 0 : i32
    %dma_start3A_1389 = arith.constant 0 : i32
    %dma_start3A_1390 = tpu.memref_slice %arg22[%dma_start3A_1387, %dma_start3A_1388, %dma_start3A_1389] : memref<2x400x64xf32, #tpu.memory_space<vmem>> -> memref<1x400x64xf32, #tpu.memory_space<vmem>>
    %dma_start3A_1391 = tpu.memref_squeeze %dma_start3A_1390 : memref<1x400x64xf32, #tpu.memory_space<vmem>> -> memref<400x64xf32, #tpu.memory_space<vmem>>
    %dma_start3A_1392 = arith.constant 0 : i32
    %dma_start3A_1393 = arith.constant 0 : i32
    %dma_start3A_1394 = tpu.memref_slice %arg3[%dma_start3A_1392, %dma_start3A_1393] : memref<1000000x64xf32, #tpu.memory_space<hbm>> -> memref<1000000x64xf32, #tpu.memory_space<hbm>>
    tpu.enqueue_indirect_dma source(%dma_start3A_1394 : memref<1000000x64xf32, #tpu.memory_space<hbm>>) target(%dma_start3A_1391 : memref<400x64xf32, #tpu.memory_space<vmem>>) offsets(%arg20 : memref<400xi32, #tpu.memory_space<vmem>>) semaphore(%arg25 : memref<!tpu.dma_semaphore, #tpu.memory_space<semaphore_mem>>)
    %dma_start3A_1395 = arith.constant 0 : i32
    %dma_start3A_1396 = arith.constant 0 : i32
    %dma_start3A_1397 = arith.constant 0 : i32
    %dma_start3A_1398 = tpu.memref_slice %arg23[%dma_start3A_1395, %dma_start3A_1396, %dma_start3A_1397] : memref<2x400x64xf32, #tpu.memory_space<vmem>> -> memref<1x400x64xf32, #tpu.memory_space<vmem>>
    %dma_start3A_1399 = tpu.memref_squeeze %dma_start3A_1398 : memref<1x400x64xf32, #tpu.memory_space<vmem>> -> memref<400x64xf32, #tpu.memory_space<vmem>>
    %dma_start3A_1400 = arith.constant 0 : i32
    %dma_start3A_1401 = arith.constant 0 : i32
    %dma_start3A_1402 = tpu.memref_slice %arg4[%dma_start3A_1400, %dma_start3A_1401] : memref<1000000x64xf32, #tpu.memory_space<hbm>> -> memref<1000000x64xf32, #tpu.memory_space<hbm>>
    tpu.enqueue_indirect_dma source(%dma_start3A_1402 : memref<1000000x64xf32, #tpu.memory_space<hbm>>) target(%dma_start3A_1399 : memref<400x64xf32, #tpu.memory_space<vmem>>) offsets(%arg20 : memref<400xi32, #tpu.memory_space<vmem>>) semaphore(%arg27 : memref<!tpu.dma_semaphore, #tpu.memory_space<semaphore_mem>>)
    %add3A_1403 = arith.constant 5200 : i32
    %add3A_1404 = arith.addi %mul3A_2, %add3A_1403 : i32
    %dma_wait3A_1405 = arith.constant 1 : i32
    %dma_wait3A_1406 = arith.constant 0 : i32
    %dma_wait3A_1407 = arith.constant 0 : i32
    %dma_wait3A_1408 = tpu.memref_slice %arg22[%dma_wait3A_1405, %dma_wait3A_1406, %dma_wait3A_1407] : memref<2x400x64xf32, #tpu.memory_space<vmem>> -> memref<1x400x64xf32, #tpu.memory_space<vmem>>
    %dma_wait3A_1409 = tpu.memref_squeeze %dma_wait3A_1408 : memref<1x400x64xf32, #tpu.memory_space<vmem>> -> memref<400x64xf32, #tpu.memory_space<vmem>>
    %dma_wait3A_1410 = arith.constant 0 : i32
    %dma_wait3A_1411 = arith.constant 0 : i32
    %dma_wait3A_1412 = tpu.memref_slice %arg3[%dma_wait3A_1410, %dma_wait3A_1411] : memref<1000000x64xf32, #tpu.memory_space<hbm>> -> memref<1000000x64xf32, #tpu.memory_space<hbm>>
    tpu.wait_indirect_dma semaphore(%arg26 : memref<!tpu.dma_semaphore, #tpu.memory_space<semaphore_mem>>) src(%dma_wait3A_1412 : memref<1000000x64xf32, #tpu.memory_space<hbm>>) dst(%dma_wait3A_1409 : memref<400x64xf32, #tpu.memory_space<vmem>>)
    %dma_start3A_1413 = arith.constant 1 : i32
    %dma_start3A_1414 = arith.constant 0 : i32
    %dma_start3A_1415 = arith.constant 0 : i32
    %dma_start3A_1416 = tpu.memref_slice %arg22[%dma_start3A_1413, %dma_start3A_1414, %dma_start3A_1415] : memref<2x400x64xf32, #tpu.memory_space<vmem>> -> memref<1x400x64xf32, #tpu.memory_space<vmem>>
    %dma_start3A_1417 = tpu.memref_squeeze %dma_start3A_1416 : memref<1x400x64xf32, #tpu.memory_space<vmem>> -> memref<400x64xf32, #tpu.memory_space<vmem>>
    %dma_start3A_1418 = arith.constant 0 : i32
    %dma_start3A_1419 = tpu.memref_slice %arg5[%add3A_1404, %dma_start3A_1418] : memref<409600x64xf32, #tpu.memory_space<hbm>> -> memref<400x64xf32, #tpu.memory_space<hbm>>
    %dma_start3A_1420 = arith.constant 0 : i32
    %dma_start3A_1421 = tpu.memref_slice %arg5[%add3A_1404, %dma_start3A_1420] : memref<409600x64xf32, #tpu.memory_space<hbm>> -> memref<400x64xf32, #tpu.memory_space<hbm>>
    %dma_start3A_1422 = arith.constant 0 : i32
    %dma_start3A_1423 = arith.constant 0 : i32
    %dma_start3A_1424 = tpu.memref_slice %arg22[%dma_start3A_1413, %dma_start3A_1422, %dma_start3A_1423] : memref<2x400x64xf32, #tpu.memory_space<vmem>> -> memref<1x400x64xf32, #tpu.memory_space<vmem>>
    %dma_start3A_1425 = tpu.memref_squeeze %dma_start3A_1424 : memref<1x400x64xf32, #tpu.memory_space<vmem>> -> memref<400x64xf32, #tpu.memory_space<vmem>>
    tpu.enqueue_dma source(%dma_start3A_1425 : memref<400x64xf32, #tpu.memory_space<vmem>>) target(%dma_start3A_1421 : memref<400x64xf32, #tpu.memory_space<hbm>>) target_semaphore(%arg30 : memref<!tpu.dma_semaphore, #tpu.memory_space<semaphore_mem>>)
    %dma_wait3A_1426 = arith.constant 1 : i32
    %dma_wait3A_1427 = arith.constant 0 : i32
    %dma_wait3A_1428 = arith.constant 0 : i32
    %dma_wait3A_1429 = tpu.memref_slice %arg23[%dma_wait3A_1426, %dma_wait3A_1427, %dma_wait3A_1428] : memref<2x400x64xf32, #tpu.memory_space<vmem>> -> memref<1x400x64xf32, #tpu.memory_space<vmem>>
    %dma_wait3A_1430 = tpu.memref_squeeze %dma_wait3A_1429 : memref<1x400x64xf32, #tpu.memory_space<vmem>> -> memref<400x64xf32, #tpu.memory_space<vmem>>
    %dma_wait3A_1431 = arith.constant 0 : i32
    %dma_wait3A_1432 = arith.constant 0 : i32
    %dma_wait3A_1433 = tpu.memref_slice %arg4[%dma_wait3A_1431, %dma_wait3A_1432] : memref<1000000x64xf32, #tpu.memory_space<hbm>> -> memref<1000000x64xf32, #tpu.memory_space<hbm>>
    tpu.wait_indirect_dma semaphore(%arg28 : memref<!tpu.dma_semaphore, #tpu.memory_space<semaphore_mem>>) src(%dma_wait3A_1433 : memref<1000000x64xf32, #tpu.memory_space<hbm>>) dst(%dma_wait3A_1430 : memref<400x64xf32, #tpu.memory_space<vmem>>)
    %add3A_1434 = arith.constant 204800 : i32
    %add3A_1435 = arith.addi %add3A_1434, %add3A_1404 : i32
    %dma_start3A_1436 = arith.constant 1 : i32
    %dma_start3A_1437 = arith.constant 0 : i32
    %dma_start3A_1438 = arith.constant 0 : i32
    %dma_start3A_1439 = tpu.memref_slice %arg23[%dma_start3A_1436, %dma_start3A_1437, %dma_start3A_1438] : memref<2x400x64xf32, #tpu.memory_space<vmem>> -> memref<1x400x64xf32, #tpu.memory_space<vmem>>
    %dma_start3A_1440 = tpu.memref_squeeze %dma_start3A_1439 : memref<1x400x64xf32, #tpu.memory_space<vmem>> -> memref<400x64xf32, #tpu.memory_space<vmem>>
    %dma_start3A_1441 = arith.constant 0 : i32
    %dma_start3A_1442 = tpu.memref_slice %arg5[%add3A_1435, %dma_start3A_1441] : memref<409600x64xf32, #tpu.memory_space<hbm>> -> memref<400x64xf32, #tpu.memory_space<hbm>>
    %dma_start3A_1443 = arith.constant 0 : i32
    %dma_start3A_1444 = tpu.memref_slice %arg5[%add3A_1435, %dma_start3A_1443] : memref<409600x64xf32, #tpu.memory_space<hbm>> -> memref<400x64xf32, #tpu.memory_space<hbm>>
    %dma_start3A_1445 = arith.constant 0 : i32
    %dma_start3A_1446 = arith.constant 0 : i32
    %dma_start3A_1447 = tpu.memref_slice %arg23[%dma_start3A_1436, %dma_start3A_1445, %dma_start3A_1446] : memref<2x400x64xf32, #tpu.memory_space<vmem>> -> memref<1x400x64xf32, #tpu.memory_space<vmem>>
    %dma_start3A_1448 = tpu.memref_squeeze %dma_start3A_1447 : memref<1x400x64xf32, #tpu.memory_space<vmem>> -> memref<400x64xf32, #tpu.memory_space<vmem>>
    tpu.enqueue_dma source(%dma_start3A_1448 : memref<400x64xf32, #tpu.memory_space<vmem>>) target(%dma_start3A_1444 : memref<400x64xf32, #tpu.memory_space<hbm>>) target_semaphore(%arg32 : memref<!tpu.dma_semaphore, #tpu.memory_space<semaphore_mem>>)
    %dma_wait3A_1449 = arith.constant 1 : i32
    %dma_wait3A_1450 = arith.constant 0 : i32
    %dma_wait3A_1451 = arith.constant 0 : i32
    %dma_wait3A_1452 = tpu.memref_slice %arg22[%dma_wait3A_1449, %dma_wait3A_1450, %dma_wait3A_1451] : memref<2x400x64xf32, #tpu.memory_space<vmem>> -> memref<1x400x64xf32, #tpu.memory_space<vmem>>
    %dma_wait3A_1453 = tpu.memref_squeeze %dma_wait3A_1452 : memref<1x400x64xf32, #tpu.memory_space<vmem>> -> memref<400x64xf32, #tpu.memory_space<vmem>>
    %dma_wait3A_1454 = arith.constant 0 : i32
    %dma_wait3A_1455 = tpu.memref_slice %arg5[%add3A_1404, %dma_wait3A_1454] : memref<409600x64xf32, #tpu.memory_space<hbm>> -> memref<400x64xf32, #tpu.memory_space<hbm>>
    %dma_wait3A_1456 = arith.constant 0 : i32
    %dma_wait3A_1457 = tpu.memref_slice %arg5[%add3A_1404, %dma_wait3A_1456] : memref<409600x64xf32, #tpu.memory_space<hbm>> -> memref<400x64xf32, #tpu.memory_space<hbm>>
    %dma_wait3A_1458 = arith.constant 0 : i32
    %dma_wait3A_1459 = arith.constant 0 : i32
    %dma_wait3A_1460 = tpu.memref_slice %arg22[%dma_wait3A_1449, %dma_wait3A_1458, %dma_wait3A_1459] : memref<2x400x64xf32, #tpu.memory_space<vmem>> -> memref<1x400x64xf32, #tpu.memory_space<vmem>>
    %dma_wait3A_1461 = tpu.memref_squeeze %dma_wait3A_1460 : memref<1x400x64xf32, #tpu.memory_space<vmem>> -> memref<400x64xf32, #tpu.memory_space<vmem>>
    tpu.wait_dma2 semaphore(%arg30 : memref<!tpu.dma_semaphore, #tpu.memory_space<semaphore_mem>>) src(%dma_wait3A_1461 : memref<400x64xf32, #tpu.memory_space<vmem>>) dst(%dma_wait3A_1457 : memref<400x64xf32, #tpu.memory_space<hbm>>)
    %dma_wait3A_1462 = arith.constant 1 : i32
    %dma_wait3A_1463 = arith.constant 0 : i32
    %dma_wait3A_1464 = arith.constant 0 : i32
    %dma_wait3A_1465 = tpu.memref_slice %arg23[%dma_wait3A_1462, %dma_wait3A_1463, %dma_wait3A_1464] : memref<2x400x64xf32, #tpu.memory_space<vmem>> -> memref<1x400x64xf32, #tpu.memory_space<vmem>>
    %dma_wait3A_1466 = tpu.memref_squeeze %dma_wait3A_1465 : memref<1x400x64xf32, #tpu.memory_space<vmem>> -> memref<400x64xf32, #tpu.memory_space<vmem>>
    %dma_wait3A_1467 = arith.constant 0 : i32
    %dma_wait3A_1468 = tpu.memref_slice %arg5[%add3A_1435, %dma_wait3A_1467] : memref<409600x64xf32, #tpu.memory_space<hbm>> -> memref<400x64xf32, #tpu.memory_space<hbm>>
    %dma_wait3A_1469 = arith.constant 0 : i32
    %dma_wait3A_1470 = tpu.memref_slice %arg5[%add3A_1435, %dma_wait3A_1469] : memref<409600x64xf32, #tpu.memory_space<hbm>> -> memref<400x64xf32, #tpu.memory_space<hbm>>
    %dma_wait3A_1471 = arith.constant 0 : i32
    %dma_wait3A_1472 = arith.constant 0 : i32
    %dma_wait3A_1473 = tpu.memref_slice %arg23[%dma_wait3A_1462, %dma_wait3A_1471, %dma_wait3A_1472] : memref<2x400x64xf32, #tpu.memory_space<vmem>> -> memref<1x400x64xf32, #tpu.memory_space<vmem>>
    %dma_wait3A_1474 = tpu.memref_squeeze %dma_wait3A_1473 : memref<1x400x64xf32, #tpu.memory_space<vmem>> -> memref<400x64xf32, #tpu.memory_space<vmem>>
    tpu.wait_dma2 semaphore(%arg32 : memref<!tpu.dma_semaphore, #tpu.memory_space<semaphore_mem>>) src(%dma_wait3A_1474 : memref<400x64xf32, #tpu.memory_space<vmem>>) dst(%dma_wait3A_1470 : memref<400x64xf32, #tpu.memory_space<hbm>>)
    %dma_start3A_1475 = arith.constant 1 : i32
    %dma_start3A_1476 = arith.constant 0 : i32
    %dma_start3A_1477 = arith.constant 0 : i32
    %dma_start3A_1478 = tpu.memref_slice %arg22[%dma_start3A_1475, %dma_start3A_1476, %dma_start3A_1477] : memref<2x400x64xf32, #tpu.memory_space<vmem>> -> memref<1x400x64xf32, #tpu.memory_space<vmem>>
    %dma_start3A_1479 = tpu.memref_squeeze %dma_start3A_1478 : memref<1x400x64xf32, #tpu.memory_space<vmem>> -> memref<400x64xf32, #tpu.memory_space<vmem>>
    %dma_start3A_1480 = arith.constant 0 : i32
    %dma_start3A_1481 = arith.constant 0 : i32
    %dma_start3A_1482 = tpu.memref_slice %arg3[%dma_start3A_1480, %dma_start3A_1481] : memref<1000000x64xf32, #tpu.memory_space<hbm>> -> memref<1000000x64xf32, #tpu.memory_space<hbm>>
    tpu.enqueue_indirect_dma source(%dma_start3A_1482 : memref<1000000x64xf32, #tpu.memory_space<hbm>>) target(%dma_start3A_1479 : memref<400x64xf32, #tpu.memory_space<vmem>>) offsets(%arg21 : memref<400xi32, #tpu.memory_space<vmem>>) semaphore(%arg26 : memref<!tpu.dma_semaphore, #tpu.memory_space<semaphore_mem>>)
    %dma_start3A_1483 = arith.constant 1 : i32
    %dma_start3A_1484 = arith.constant 0 : i32
    %dma_start3A_1485 = arith.constant 0 : i32
    %dma_start3A_1486 = tpu.memref_slice %arg23[%dma_start3A_1483, %dma_start3A_1484, %dma_start3A_1485] : memref<2x400x64xf32, #tpu.memory_space<vmem>> -> memref<1x400x64xf32, #tpu.memory_space<vmem>>
    %dma_start3A_1487 = tpu.memref_squeeze %dma_start3A_1486 : memref<1x400x64xf32, #tpu.memory_space<vmem>> -> memref<400x64xf32, #tpu.memory_space<vmem>>
    %dma_start3A_1488 = arith.constant 0 : i32
    %dma_start3A_1489 = arith.constant 0 : i32
    %dma_start3A_1490 = tpu.memref_slice %arg4[%dma_start3A_1488, %dma_start3A_1489] : memref<1000000x64xf32, #tpu.memory_space<hbm>> -> memref<1000000x64xf32, #tpu.memory_space<hbm>>
    tpu.enqueue_indirect_dma source(%dma_start3A_1490 : memref<1000000x64xf32, #tpu.memory_space<hbm>>) target(%dma_start3A_1487 : memref<400x64xf32, #tpu.memory_space<vmem>>) offsets(%arg21 : memref<400xi32, #tpu.memory_space<vmem>>) semaphore(%arg28 : memref<!tpu.dma_semaphore, #tpu.memory_space<semaphore_mem>>)
    %add3A_1491 = arith.constant 5600 : i32
    %add3A_1492 = arith.addi %mul3A_2, %add3A_1491 : i32
    %dma_wait3A_1493 = arith.constant 0 : i32
    %dma_wait3A_1494 = arith.constant 0 : i32
    %dma_wait3A_1495 = arith.constant 0 : i32
    %dma_wait3A_1496 = tpu.memref_slice %arg22[%dma_wait3A_1493, %dma_wait3A_1494, %dma_wait3A_1495] : memref<2x400x64xf32, #tpu.memory_space<vmem>> -> memref<1x400x64xf32, #tpu.memory_space<vmem>>
    %dma_wait3A_1497 = tpu.memref_squeeze %dma_wait3A_1496 : memref<1x400x64xf32, #tpu.memory_space<vmem>> -> memref<400x64xf32, #tpu.memory_space<vmem>>
    %dma_wait3A_1498 = arith.constant 0 : i32
    %dma_wait3A_1499 = arith.constant 0 : i32
    %dma_wait3A_1500 = tpu.memref_slice %arg3[%dma_wait3A_1498, %dma_wait3A_1499] : memref<1000000x64xf32, #tpu.memory_space<hbm>> -> memref<1000000x64xf32, #tpu.memory_space<hbm>>
    tpu.wait_indirect_dma semaphore(%arg25 : memref<!tpu.dma_semaphore, #tpu.memory_space<semaphore_mem>>) src(%dma_wait3A_1500 : memref<1000000x64xf32, #tpu.memory_space<hbm>>) dst(%dma_wait3A_1497 : memref<400x64xf32, #tpu.memory_space<vmem>>)
    %dma_start3A_1501 = arith.constant 0 : i32
    %dma_start3A_1502 = arith.constant 0 : i32
    %dma_start3A_1503 = arith.constant 0 : i32
    %dma_start3A_1504 = tpu.memref_slice %arg22[%dma_start3A_1501, %dma_start3A_1502, %dma_start3A_1503] : memref<2x400x64xf32, #tpu.memory_space<vmem>> -> memref<1x400x64xf32, #tpu.memory_space<vmem>>
    %dma_start3A_1505 = tpu.memref_squeeze %dma_start3A_1504 : memref<1x400x64xf32, #tpu.memory_space<vmem>> -> memref<400x64xf32, #tpu.memory_space<vmem>>
    %dma_start3A_1506 = arith.constant 0 : i32
    %dma_start3A_1507 = tpu.memref_slice %arg5[%add3A_1492, %dma_start3A_1506] : memref<409600x64xf32, #tpu.memory_space<hbm>> -> memref<400x64xf32, #tpu.memory_space<hbm>>
    %dma_start3A_1508 = arith.constant 0 : i32
    %dma_start3A_1509 = tpu.memref_slice %arg5[%add3A_1492, %dma_start3A_1508] : memref<409600x64xf32, #tpu.memory_space<hbm>> -> memref<400x64xf32, #tpu.memory_space<hbm>>
    %dma_start3A_1510 = arith.constant 0 : i32
    %dma_start3A_1511 = arith.constant 0 : i32
    %dma_start3A_1512 = tpu.memref_slice %arg22[%dma_start3A_1501, %dma_start3A_1510, %dma_start3A_1511] : memref<2x400x64xf32, #tpu.memory_space<vmem>> -> memref<1x400x64xf32, #tpu.memory_space<vmem>>
    %dma_start3A_1513 = tpu.memref_squeeze %dma_start3A_1512 : memref<1x400x64xf32, #tpu.memory_space<vmem>> -> memref<400x64xf32, #tpu.memory_space<vmem>>
    tpu.enqueue_dma source(%dma_start3A_1513 : memref<400x64xf32, #tpu.memory_space<vmem>>) target(%dma_start3A_1509 : memref<400x64xf32, #tpu.memory_space<hbm>>) target_semaphore(%arg29 : memref<!tpu.dma_semaphore, #tpu.memory_space<semaphore_mem>>)
    %dma_wait3A_1514 = arith.constant 0 : i32
    %dma_wait3A_1515 = arith.constant 0 : i32
    %dma_wait3A_1516 = arith.constant 0 : i32
    %dma_wait3A_1517 = tpu.memref_slice %arg23[%dma_wait3A_1514, %dma_wait3A_1515, %dma_wait3A_1516] : memref<2x400x64xf32, #tpu.memory_space<vmem>> -> memref<1x400x64xf32, #tpu.memory_space<vmem>>
    %dma_wait3A_1518 = tpu.memref_squeeze %dma_wait3A_1517 : memref<1x400x64xf32, #tpu.memory_space<vmem>> -> memref<400x64xf32, #tpu.memory_space<vmem>>
    %dma_wait3A_1519 = arith.constant 0 : i32
    %dma_wait3A_1520 = arith.constant 0 : i32
    %dma_wait3A_1521 = tpu.memref_slice %arg4[%dma_wait3A_1519, %dma_wait3A_1520] : memref<1000000x64xf32, #tpu.memory_space<hbm>> -> memref<1000000x64xf32, #tpu.memory_space<hbm>>
    tpu.wait_indirect_dma semaphore(%arg27 : memref<!tpu.dma_semaphore, #tpu.memory_space<semaphore_mem>>) src(%dma_wait3A_1521 : memref<1000000x64xf32, #tpu.memory_space<hbm>>) dst(%dma_wait3A_1518 : memref<400x64xf32, #tpu.memory_space<vmem>>)
    %add3A_1522 = arith.constant 204800 : i32
    %add3A_1523 = arith.addi %add3A_1522, %add3A_1492 : i32
    %dma_start3A_1524 = arith.constant 0 : i32
    %dma_start3A_1525 = arith.constant 0 : i32
    %dma_start3A_1526 = arith.constant 0 : i32
    %dma_start3A_1527 = tpu.memref_slice %arg23[%dma_start3A_1524, %dma_start3A_1525, %dma_start3A_1526] : memref<2x400x64xf32, #tpu.memory_space<vmem>> -> memref<1x400x64xf32, #tpu.memory_space<vmem>>
    %dma_start3A_1528 = tpu.memref_squeeze %dma_start3A_1527 : memref<1x400x64xf32, #tpu.memory_space<vmem>> -> memref<400x64xf32, #tpu.memory_space<vmem>>
    %dma_start3A_1529 = arith.constant 0 : i32
    %dma_start3A_1530 = tpu.memref_slice %arg5[%add3A_1523, %dma_start3A_1529] : memref<409600x64xf32, #tpu.memory_space<hbm>> -> memref<400x64xf32, #tpu.memory_space<hbm>>
    %dma_start3A_1531 = arith.constant 0 : i32
    %dma_start3A_1532 = tpu.memref_slice %arg5[%add3A_1523, %dma_start3A_1531] : memref<409600x64xf32, #tpu.memory_space<hbm>> -> memref<400x64xf32, #tpu.memory_space<hbm>>
    %dma_start3A_1533 = arith.constant 0 : i32
    %dma_start3A_1534 = arith.constant 0 : i32
    %dma_start3A_1535 = tpu.memref_slice %arg23[%dma_start3A_1524, %dma_start3A_1533, %dma_start3A_1534] : memref<2x400x64xf32, #tpu.memory_space<vmem>> -> memref<1x400x64xf32, #tpu.memory_space<vmem>>
    %dma_start3A_1536 = tpu.memref_squeeze %dma_start3A_1535 : memref<1x400x64xf32, #tpu.memory_space<vmem>> -> memref<400x64xf32, #tpu.memory_space<vmem>>
    tpu.enqueue_dma source(%dma_start3A_1536 : memref<400x64xf32, #tpu.memory_space<vmem>>) target(%dma_start3A_1532 : memref<400x64xf32, #tpu.memory_space<hbm>>) target_semaphore(%arg31 : memref<!tpu.dma_semaphore, #tpu.memory_space<semaphore_mem>>)
    %add3A_1537 = arith.constant 6000 : i32
    %add3A_1538 = arith.addi %mul3A_2, %add3A_1537 : i32
    %dma_wait3A_1539 = arith.constant 1 : i32
    %dma_wait3A_1540 = arith.constant 0 : i32
    %dma_wait3A_1541 = arith.constant 0 : i32
    %dma_wait3A_1542 = tpu.memref_slice %arg22[%dma_wait3A_1539, %dma_wait3A_1540, %dma_wait3A_1541] : memref<2x400x64xf32, #tpu.memory_space<vmem>> -> memref<1x400x64xf32, #tpu.memory_space<vmem>>
    %dma_wait3A_1543 = tpu.memref_squeeze %dma_wait3A_1542 : memref<1x400x64xf32, #tpu.memory_space<vmem>> -> memref<400x64xf32, #tpu.memory_space<vmem>>
    %dma_wait3A_1544 = arith.constant 0 : i32
    %dma_wait3A_1545 = arith.constant 0 : i32
    %dma_wait3A_1546 = tpu.memref_slice %arg3[%dma_wait3A_1544, %dma_wait3A_1545] : memref<1000000x64xf32, #tpu.memory_space<hbm>> -> memref<1000000x64xf32, #tpu.memory_space<hbm>>
    tpu.wait_indirect_dma semaphore(%arg26 : memref<!tpu.dma_semaphore, #tpu.memory_space<semaphore_mem>>) src(%dma_wait3A_1546 : memref<1000000x64xf32, #tpu.memory_space<hbm>>) dst(%dma_wait3A_1543 : memref<400x64xf32, #tpu.memory_space<vmem>>)
    %dma_start3A_1547 = arith.constant 1 : i32
    %dma_start3A_1548 = arith.constant 0 : i32
    %dma_start3A_1549 = arith.constant 0 : i32
    %dma_start3A_1550 = tpu.memref_slice %arg22[%dma_start3A_1547, %dma_start3A_1548, %dma_start3A_1549] : memref<2x400x64xf32, #tpu.memory_space<vmem>> -> memref<1x400x64xf32, #tpu.memory_space<vmem>>
    %dma_start3A_1551 = tpu.memref_squeeze %dma_start3A_1550 : memref<1x400x64xf32, #tpu.memory_space<vmem>> -> memref<400x64xf32, #tpu.memory_space<vmem>>
    %dma_start3A_1552 = arith.constant 0 : i32
    %dma_start3A_1553 = tpu.memref_slice %arg5[%add3A_1538, %dma_start3A_1552] : memref<409600x64xf32, #tpu.memory_space<hbm>> -> memref<400x64xf32, #tpu.memory_space<hbm>>
    %dma_start3A_1554 = arith.constant 0 : i32
    %dma_start3A_1555 = tpu.memref_slice %arg5[%add3A_1538, %dma_start3A_1554] : memref<409600x64xf32, #tpu.memory_space<hbm>> -> memref<400x64xf32, #tpu.memory_space<hbm>>
    %dma_start3A_1556 = arith.constant 0 : i32
    %dma_start3A_1557 = arith.constant 0 : i32
    %dma_start3A_1558 = tpu.memref_slice %arg22[%dma_start3A_1547, %dma_start3A_1556, %dma_start3A_1557] : memref<2x400x64xf32, #tpu.memory_space<vmem>> -> memref<1x400x64xf32, #tpu.memory_space<vmem>>
    %dma_start3A_1559 = tpu.memref_squeeze %dma_start3A_1558 : memref<1x400x64xf32, #tpu.memory_space<vmem>> -> memref<400x64xf32, #tpu.memory_space<vmem>>
    tpu.enqueue_dma source(%dma_start3A_1559 : memref<400x64xf32, #tpu.memory_space<vmem>>) target(%dma_start3A_1555 : memref<400x64xf32, #tpu.memory_space<hbm>>) target_semaphore(%arg30 : memref<!tpu.dma_semaphore, #tpu.memory_space<semaphore_mem>>)
    %dma_wait3A_1560 = arith.constant 1 : i32
    %dma_wait3A_1561 = arith.constant 0 : i32
    %dma_wait3A_1562 = arith.constant 0 : i32
    %dma_wait3A_1563 = tpu.memref_slice %arg23[%dma_wait3A_1560, %dma_wait3A_1561, %dma_wait3A_1562] : memref<2x400x64xf32, #tpu.memory_space<vmem>> -> memref<1x400x64xf32, #tpu.memory_space<vmem>>
    %dma_wait3A_1564 = tpu.memref_squeeze %dma_wait3A_1563 : memref<1x400x64xf32, #tpu.memory_space<vmem>> -> memref<400x64xf32, #tpu.memory_space<vmem>>
    %dma_wait3A_1565 = arith.constant 0 : i32
    %dma_wait3A_1566 = arith.constant 0 : i32
    %dma_wait3A_1567 = tpu.memref_slice %arg4[%dma_wait3A_1565, %dma_wait3A_1566] : memref<1000000x64xf32, #tpu.memory_space<hbm>> -> memref<1000000x64xf32, #tpu.memory_space<hbm>>
    tpu.wait_indirect_dma semaphore(%arg28 : memref<!tpu.dma_semaphore, #tpu.memory_space<semaphore_mem>>) src(%dma_wait3A_1567 : memref<1000000x64xf32, #tpu.memory_space<hbm>>) dst(%dma_wait3A_1564 : memref<400x64xf32, #tpu.memory_space<vmem>>)
    %add3A_1568 = arith.constant 204800 : i32
    %add3A_1569 = arith.addi %add3A_1568, %add3A_1538 : i32
    %dma_start3A_1570 = arith.constant 1 : i32
    %dma_start3A_1571 = arith.constant 0 : i32
    %dma_start3A_1572 = arith.constant 0 : i32
    %dma_start3A_1573 = tpu.memref_slice %arg23[%dma_start3A_1570, %dma_start3A_1571, %dma_start3A_1572] : memref<2x400x64xf32, #tpu.memory_space<vmem>> -> memref<1x400x64xf32, #tpu.memory_space<vmem>>
    %dma_start3A_1574 = tpu.memref_squeeze %dma_start3A_1573 : memref<1x400x64xf32, #tpu.memory_space<vmem>> -> memref<400x64xf32, #tpu.memory_space<vmem>>
    %dma_start3A_1575 = arith.constant 0 : i32
    %dma_start3A_1576 = tpu.memref_slice %arg5[%add3A_1569, %dma_start3A_1575] : memref<409600x64xf32, #tpu.memory_space<hbm>> -> memref<400x64xf32, #tpu.memory_space<hbm>>
    %dma_start3A_1577 = arith.constant 0 : i32
    %dma_start3A_1578 = tpu.memref_slice %arg5[%add3A_1569, %dma_start3A_1577] : memref<409600x64xf32, #tpu.memory_space<hbm>> -> memref<400x64xf32, #tpu.memory_space<hbm>>
    %dma_start3A_1579 = arith.constant 0 : i32
    %dma_start3A_1580 = arith.constant 0 : i32
    %dma_start3A_1581 = tpu.memref_slice %arg23[%dma_start3A_1570, %dma_start3A_1579, %dma_start3A_1580] : memref<2x400x64xf32, #tpu.memory_space<vmem>> -> memref<1x400x64xf32, #tpu.memory_space<vmem>>
    %dma_start3A_1582 = tpu.memref_squeeze %dma_start3A_1581 : memref<1x400x64xf32, #tpu.memory_space<vmem>> -> memref<400x64xf32, #tpu.memory_space<vmem>>
    tpu.enqueue_dma source(%dma_start3A_1582 : memref<400x64xf32, #tpu.memory_space<vmem>>) target(%dma_start3A_1578 : memref<400x64xf32, #tpu.memory_space<hbm>>) target_semaphore(%arg32 : memref<!tpu.dma_semaphore, #tpu.memory_space<semaphore_mem>>)
    %dma_wait3A_1583 = arith.constant 0 : i32
    %dma_wait3A_1584 = arith.constant 0 : i32
    %dma_wait3A_1585 = arith.constant 0 : i32
    %dma_wait3A_1586 = tpu.memref_slice %arg22[%dma_wait3A_1583, %dma_wait3A_1584, %dma_wait3A_1585] : memref<2x400x64xf32, #tpu.memory_space<vmem>> -> memref<1x400x64xf32, #tpu.memory_space<vmem>>
    %dma_wait3A_1587 = tpu.memref_squeeze %dma_wait3A_1586 : memref<1x400x64xf32, #tpu.memory_space<vmem>> -> memref<400x64xf32, #tpu.memory_space<vmem>>
    %dma_wait3A_1588 = arith.constant 0 : i32
    %dma_wait3A_1589 = tpu.memref_slice %arg5[%add3A_1492, %dma_wait3A_1588] : memref<409600x64xf32, #tpu.memory_space<hbm>> -> memref<400x64xf32, #tpu.memory_space<hbm>>
    %dma_wait3A_1590 = arith.constant 0 : i32
    %dma_wait3A_1591 = tpu.memref_slice %arg5[%add3A_1492, %dma_wait3A_1590] : memref<409600x64xf32, #tpu.memory_space<hbm>> -> memref<400x64xf32, #tpu.memory_space<hbm>>
    %dma_wait3A_1592 = arith.constant 0 : i32
    %dma_wait3A_1593 = arith.constant 0 : i32
    %dma_wait3A_1594 = tpu.memref_slice %arg22[%dma_wait3A_1583, %dma_wait3A_1592, %dma_wait3A_1593] : memref<2x400x64xf32, #tpu.memory_space<vmem>> -> memref<1x400x64xf32, #tpu.memory_space<vmem>>
    %dma_wait3A_1595 = tpu.memref_squeeze %dma_wait3A_1594 : memref<1x400x64xf32, #tpu.memory_space<vmem>> -> memref<400x64xf32, #tpu.memory_space<vmem>>
    tpu.wait_dma2 semaphore(%arg29 : memref<!tpu.dma_semaphore, #tpu.memory_space<semaphore_mem>>) src(%dma_wait3A_1595 : memref<400x64xf32, #tpu.memory_space<vmem>>) dst(%dma_wait3A_1591 : memref<400x64xf32, #tpu.memory_space<hbm>>)
    %dma_wait3A_1596 = arith.constant 0 : i32
    %dma_wait3A_1597 = arith.constant 0 : i32
    %dma_wait3A_1598 = arith.constant 0 : i32
    %dma_wait3A_1599 = tpu.memref_slice %arg23[%dma_wait3A_1596, %dma_wait3A_1597, %dma_wait3A_1598] : memref<2x400x64xf32, #tpu.memory_space<vmem>> -> memref<1x400x64xf32, #tpu.memory_space<vmem>>
    %dma_wait3A_1600 = tpu.memref_squeeze %dma_wait3A_1599 : memref<1x400x64xf32, #tpu.memory_space<vmem>> -> memref<400x64xf32, #tpu.memory_space<vmem>>
    %dma_wait3A_1601 = arith.constant 0 : i32
    %dma_wait3A_1602 = tpu.memref_slice %arg5[%add3A_1523, %dma_wait3A_1601] : memref<409600x64xf32, #tpu.memory_space<hbm>> -> memref<400x64xf32, #tpu.memory_space<hbm>>
    %dma_wait3A_1603 = arith.constant 0 : i32
    %dma_wait3A_1604 = tpu.memref_slice %arg5[%add3A_1523, %dma_wait3A_1603] : memref<409600x64xf32, #tpu.memory_space<hbm>> -> memref<400x64xf32, #tpu.memory_space<hbm>>
    %dma_wait3A_1605 = arith.constant 0 : i32
    %dma_wait3A_1606 = arith.constant 0 : i32
    %dma_wait3A_1607 = tpu.memref_slice %arg23[%dma_wait3A_1596, %dma_wait3A_1605, %dma_wait3A_1606] : memref<2x400x64xf32, #tpu.memory_space<vmem>> -> memref<1x400x64xf32, #tpu.memory_space<vmem>>
    %dma_wait3A_1608 = tpu.memref_squeeze %dma_wait3A_1607 : memref<1x400x64xf32, #tpu.memory_space<vmem>> -> memref<400x64xf32, #tpu.memory_space<vmem>>
    tpu.wait_dma2 semaphore(%arg31 : memref<!tpu.dma_semaphore, #tpu.memory_space<semaphore_mem>>) src(%dma_wait3A_1608 : memref<400x64xf32, #tpu.memory_space<vmem>>) dst(%dma_wait3A_1604 : memref<400x64xf32, #tpu.memory_space<hbm>>)
    %dma_wait3A_1609 = arith.constant 1 : i32
    %dma_wait3A_1610 = arith.constant 0 : i32
    %dma_wait3A_1611 = arith.constant 0 : i32
    %dma_wait3A_1612 = tpu.memref_slice %arg22[%dma_wait3A_1609, %dma_wait3A_1610, %dma_wait3A_1611] : memref<2x400x64xf32, #tpu.memory_space<vmem>> -> memref<1x400x64xf32, #tpu.memory_space<vmem>>
    %dma_wait3A_1613 = tpu.memref_squeeze %dma_wait3A_1612 : memref<1x400x64xf32, #tpu.memory_space<vmem>> -> memref<400x64xf32, #tpu.memory_space<vmem>>
    %dma_wait3A_1614 = arith.constant 0 : i32
    %dma_wait3A_1615 = tpu.memref_slice %arg5[%add3A_1538, %dma_wait3A_1614] : memref<409600x64xf32, #tpu.memory_space<hbm>> -> memref<400x64xf32, #tpu.memory_space<hbm>>
    %dma_wait3A_1616 = arith.constant 0 : i32
    %dma_wait3A_1617 = tpu.memref_slice %arg5[%add3A_1538, %dma_wait3A_1616] : memref<409600x64xf32, #tpu.memory_space<hbm>> -> memref<400x64xf32, #tpu.memory_space<hbm>>
    %dma_wait3A_1618 = arith.constant 0 : i32
    %dma_wait3A_1619 = arith.constant 0 : i32
    %dma_wait3A_1620 = tpu.memref_slice %arg22[%dma_wait3A_1609, %dma_wait3A_1618, %dma_wait3A_1619] : memref<2x400x64xf32, #tpu.memory_space<vmem>> -> memref<1x400x64xf32, #tpu.memory_space<vmem>>
    %dma_wait3A_1621 = tpu.memref_squeeze %dma_wait3A_1620 : memref<1x400x64xf32, #tpu.memory_space<vmem>> -> memref<400x64xf32, #tpu.memory_space<vmem>>
    tpu.wait_dma2 semaphore(%arg30 : memref<!tpu.dma_semaphore, #tpu.memory_space<semaphore_mem>>) src(%dma_wait3A_1621 : memref<400x64xf32, #tpu.memory_space<vmem>>) dst(%dma_wait3A_1617 : memref<400x64xf32, #tpu.memory_space<hbm>>)
    %dma_wait3A_1622 = arith.constant 1 : i32
    %dma_wait3A_1623 = arith.constant 0 : i32
    %dma_wait3A_1624 = arith.constant 0 : i32
    %dma_wait3A_1625 = tpu.memref_slice %arg23[%dma_wait3A_1622, %dma_wait3A_1623, %dma_wait3A_1624] : memref<2x400x64xf32, #tpu.memory_space<vmem>> -> memref<1x400x64xf32, #tpu.memory_space<vmem>>
    %dma_wait3A_1626 = tpu.memref_squeeze %dma_wait3A_1625 : memref<1x400x64xf32, #tpu.memory_space<vmem>> -> memref<400x64xf32, #tpu.memory_space<vmem>>
    %dma_wait3A_1627 = arith.constant 0 : i32
    %dma_wait3A_1628 = tpu.memref_slice %arg5[%add3A_1569, %dma_wait3A_1627] : memref<409600x64xf32, #tpu.memory_space<hbm>> -> memref<400x64xf32, #tpu.memory_space<hbm>>
    %dma_wait3A_1629 = arith.constant 0 : i32
    %dma_wait3A_1630 = tpu.memref_slice %arg5[%add3A_1569, %dma_wait3A_1629] : memref<409600x64xf32, #tpu.memory_space<hbm>> -> memref<400x64xf32, #tpu.memory_space<hbm>>
    %dma_wait3A_1631 = arith.constant 0 : i32
    %dma_wait3A_1632 = arith.constant 0 : i32
    %dma_wait3A_1633 = tpu.memref_slice %arg23[%dma_wait3A_1622, %dma_wait3A_1631, %dma_wait3A_1632] : memref<2x400x64xf32, #tpu.memory_space<vmem>> -> memref<1x400x64xf32, #tpu.memory_space<vmem>>
    %dma_wait3A_1634 = tpu.memref_squeeze %dma_wait3A_1633 : memref<1x400x64xf32, #tpu.memory_space<vmem>> -> memref<400x64xf32, #tpu.memory_space<vmem>>
    tpu.wait_dma2 semaphore(%arg32 : memref<!tpu.dma_semaphore, #tpu.memory_space<semaphore_mem>>) src(%dma_wait3A_1634 : memref<400x64xf32, #tpu.memory_space<vmem>>) dst(%dma_wait3A_1630 : memref<400x64xf32, #tpu.memory_space<hbm>>)
    return
  }
}

</mosaic_0001>

<sc_bundles>
// kernel: kernel.3.cloned.1.call-start
scs
__scs_entry_jumppad:
0x0: {  	(pc) =	sbr.rel $0x88, $3  }
0x1: {  	(tag) =	ssettag $0x0;
	lr =	simm.s32 $0x1  }
0x2: {  	[smem:$0x3F9E] =	sst lr;
	_ =	strace $0xD0000000  }
0x3: {  	_ = 	snop  }
0x4: {  	_ = 	snop  }
0x5: {  	_ = 	snop  }
0x6: {  	_ = 	snop  }
0x7: {  	_ = 	snop  }
__scs_overlays_trampoline_lowered:
0x8: {  	[smem:$0x3FAD] =	sst s0  }
0x9: {  	[smem:$0x3FAE] =	sst s1  }
0xa: {  	[smem:$0x3FAF] =	sst s2  }
0xb: {  	[smem:$0x3FB0] =	sst s3  }
0xc: {  	[smem:$0x3FB1] =	sst s4  }
0xd: {  	[smem:$0x3FB2] =	sst s5  }
0xe: {  	[smem:$0x3FB3] =	sst s6  }
0xf: {  	[smem:$0x3FB4] =	sst s7  }
0x10: {  	[smem:$0x3FB5] =	sst s8  }
0x11: {  	[smem:$0x3FB6] =	sst s9;
	s0 =	simm.s32 @!p0 $0x0  }
0x12: {  	s1 =	sld [smem:$0x3F9C];
	s0 =	simm.s32 @p0 $0x1  }
0x13: {  	[smem:$0x3FB7] =	sst s0;
	s0 =	simm.s32 @!p1 $0x0  }
0x14: {  	s2 =	sld [smem:$0x3F9B];
	s0 =	simm.s32 @p1 $0x1  }
0x15: {  	[smem:$0x3FB8] =	sst s0;
	s0 =	simm.s32 @!p2 $0x0  }
0x16: {  	s3 =	sld [smem:$0x3FDB];
	s0 =	simm.s32 @p2 $0x1  }
0x17: {  	s4 =	simm.s32 $0x1BF5;
	[smem:$0x3FBA] =	sst s0  }
0x18: {  	s0 =	sld [smem:$0x3F9D];
	_ =	swait.ge [sflag:s4], $0x0  }
0x19: {  	s7 =	sld [smem:$0x3F9E]  }
0x1a: {  	s8 =	sadd.s32 $0xFFFFE003, lr  }
0x1b: {  	s9 =	sadd.s32 $0xFFFFFEF7, lr;
	s5 =	simm.s32 $0xFFFFFFFF;
	p2 =	slt.u32 s8, $0xFFFFF086  }
0x1c: {  	p1 =	slt.u32 s9, $0xF7A;
	s5 =	simm.s32 @!p2 $0x0  }
0x1d: {  	s5 =	simm.s32 @p1 $0x1;
	p0 =	seq.s32 s7, s2  }
0x1e: {  	s7 =	smul.u32 @!p0 $0xF7A, s2;
	p2 =	seq.s32 @!p0 s5, $0x0  }
0x1f: {  	s9 =	smul.u32 $0xF7A, s1;
	s8 =	simm.s32 @!p0 $0x1BF5;
	p2 =	por !p2, p0  }
0x20: {  	[sflag:s8] =	ssyncset.s32 @!p0 $0xFFFFF086;
	s6 =	sadd.s32 @!p0 s3, s7;
	s7 =	simm.s32 @!p0 $0x108  }
0x21: {  	s3 =	sadd.s32 s3, s9;
	s6 =	sadd.s32 @!p0 $0x88, s6;
	s7 =	simm.s32 @p2 $0x1082  }
0x22: {  	[simem:s7], [sflag:s8] =	dma.local @!p0 [hbm:s6], $0xF7A  }
0x23: {  	s9 =	sor.u32 $0xD0000000, s2;
	s6 =	simm.s32 $0x108;
	_ =	swait.ge @!p0 [sflag:s8], $0x0  }
0x24: {  	s3 =	sadd.s32 $0x88, s3;
	s6 =	simm.s32 @!p1 $0x1082;
	[sflag:s4] =	ssyncset.s32 $0xFFFFF086  }
0x25: {  	[simem:s6], [sflag:s4] =	dma.local [hbm:s3], $0xF7A  }
0x26: {  	[smem:$0x3F9E] =	sst s1;
	(tag) =	ssettag s2;
	_ =	strace s9  }
0x27: {  	s1 =	sld [smem:$0x3FAE]  }
0x28: {  	s2 =	sld [smem:$0x3FAF]  }
0x29: {  	s4 =	sld [smem:$0x3FB1]  }
0x2a: {  	p0 =	seq.s32 s5, $0x0;
	s5 =	sld [smem:$0x3FB2]  }
0x2b: {  	s6 =	sld [smem:$0x3FB3]  }
0x2c: {  	s7 =	sld [smem:$0x3FB4]  }
0x2d: {  	s3 =	simm.s32 $0x108;
	s8 =	sld [smem:$0x3FB5]  }
0x2e: {  	s3 =	simm.s32 @!p0 $0x1082;
	s9 =	sld [smem:$0x3FB6]  }
0x2f: {  	lr =	sadd.s32 s0, s3;
	s0 =	sld [smem:$0x3FAD]  }
0x30: {  	s3 =	sld [smem:$0x3FB0]  }
0x31: {  	[smem:$0x3FB9] =	sst s10  }
0x32: {  	s10 =	sld [smem:$0x3FB7];
	_ =	sdelay $0x3  }
0x33: {  	p0 =	seq.s32 s10, $0x1;
	s10 =	sld [smem:$0x3FB9];
	_ =	sdelay $0x3  }
0x34: {  	[smem:$0x3FB9] =	sst s10  }
0x35: {  	s10 =	sld [smem:$0x3FB8];
	_ =	sdelay $0x3  }
0x36: {  	p1 =	seq.s32 s10, $0x1;
	s10 =	sld [smem:$0x3FB9];
	_ =	sdelay $0x3  }
0x37: {  	[smem:$0x3FB9] =	sst s10  }
0x38: {  	s10 =	sld [smem:$0x3FBA]  }
0x39: {  	_ = 	snop;
	(pc) =	sbr.ind lr, $3  }
0x3a: {  	_ = 	snop  }
0x3b: {  	_ = 	snop  }
0x3c: {  	p2 =	seq.s32 s10, $0x1;
	s10 =	sld [smem:$0x3FB9]  }
0x3d: {  	_ =	shalt  }
0x3e: {  	_ =	shalt  }
0x3f: {  	_ =	shalt  }
0x40: {  	_ =	shalt  }
0x41: {  	_ =	shalt  }
0x42: {  	_ =	shalt  }
0x43: {  	_ =	shalt  }
0x44: {  	_ =	shalt  }
0x45: {  	_ =	shalt  }
0x46: {  	_ =	shalt  }
0x47: {  	_ =	shalt  }
0x48: {  	_ =	shalt  }
0x49: {  	_ =	shalt  }
0x4a: {  	_ =	shalt  }
0x4b: {  	_ =	shalt  }
0x4c: {  	_ =	shalt  }
0x4d: {  	_ =	shalt  }
0x4e: {  	_ =	shalt  }
0x4f: {  	_ =	shalt  }
0x50: {  	_ =	shalt  }
0x51: {  	_ =	shalt  }
0x52: {  	_ =	shalt  }
0x53: {  	_ =	shalt  }
0x54: {  	_ =	shalt  }
0x55: {  	_ =	shalt  }
0x56: {  	_ =	shalt  }
0x57: {  	_ =	shalt  }
0x58: {  	_ =	shalt  }
0x59: {  	_ =	shalt  }
0x5a: {  	_ =	shalt  }
0x5b: {  	_ =	shalt  }
0x5c: {  	_ =	shalt  }
0x5d: {  	_ =	shalt  }
0x5e: {  	_ =	shalt  }
0x5f: {  	_ =	shalt  }
0x60: {  	_ =	shalt  }
0x61: {  	_ =	shalt  }
0x62: {  	_ =	shalt  }
0x63: {  	_ =	shalt  }
0x64: {  	_ =	shalt  }
0x65: {  	_ =	shalt  }
0x66: {  	_ =	shalt  }
0x67: {  	_ =	shalt  }
0x68: {  	_ =	shalt  }
0x69: {  	_ =	shalt  }
0x6a: {  	_ =	shalt  }
0x6b: {  	_ =	shalt  }
0x6c: {  	_ =	shalt  }
0x6d: {  	_ =	shalt  }
0x6e: {  	_ =	shalt  }
0x6f: {  	_ =	shalt  }
0x70: {  	_ =	shalt  }
0x71: {  	_ =	shalt  }
0x72: {  	_ =	shalt  }
0x73: {  	_ =	shalt  }
0x74: {  	_ =	shalt  }
0x75: {  	_ =	shalt  }
0x76: {  	_ =	shalt  }
0x77: {  	_ =	shalt  }
0x78: {  	_ =	shalt  }
0x79: {  	_ =	shalt  }
0x7a: {  	_ =	shalt  }
0x7b: {  	_ =	shalt  }
0x7c: {  	_ =	shalt  }
0x7d: {  	_ =	shalt  }
0x7e: {  	_ =	shalt  }
0x7f: {  	_ =	shalt  }
0x80: {  	_ =	shalt  }
0x81: {  	_ =	shalt  }
0x82: {  	_ =	shalt  }
0x83: {  	_ =	shalt  }
0x84: {  	_ =	shalt  }
0x85: {  	_ =	shalt  }
0x86: {  	_ =	shalt  }
0x87: {  	_ =	shalt  }
.Lfunc_end0:
.L_simem_size_0:
called_computation.1_lowered:
.L_overlay_start_0:
0x88: {  	s2 =	sld [smem:$0x3FD9]  }
0x89: {  	s3 =	sld [smem:$0x3FFE];
	_ =	sdelay $0x1  }
0x8a: {  	s1 =	srdreg.scid  }
0x8b: {  	s0 =	sand.u32 $0x1, s1  }
0x8c: {  	s17 =	sshll.u32 s0, $0xA;
	s2 =	sadd.s32 s3, s2  }
0x8d: {  	s2 =	sadd.s32 s2, s17  }
0x8e: {  	[smem:$0x3FC5] =	sst s2  }
0x8f: {  	_ = 	snop  }
0x90: {  	s2 =	sld [smem:$0x3FD0];
	(tm) =	ssettm $0x1  }
0x91: {  	s18 =	sld [smem:$0x3FFB];
	_ =	sdelay $0x3  }
0x92: {  	_ =	strace s18  }
0x93: {  	s3 =	sld [smem:$0x3FFC];
	_ =	sdelay $0x3  }
0x94: {  	_ =	strace s3  }
0x95: {  	s3 =	sld [smem:$0x3FFD];
	_ =	sdelay $0x3  }
0x96: {  	_ =	strace s3  }
0x97: {  	_ =	strace $0x8FFFFFFF  }
0x98: {  	s19 =	sld [smem:$0x3FDB];
	_ =	sdelay $0x1  }
0x99: {  	s4 =	simm.s32 $_scs_section_size  }
0x9a: {  	s5 =	simm.s32 $_size__tile_overlayer_lowered;
	s6 =	simm.s32 $_tile_overlayer_lowered  }
0x9b: {  	s22 =	simm.s32 $0x1BFF;
	s21 =	sshll.u32 s6, $0x1;
	s3 =	sadd.s32 s4, s19  }
0x9c: {  	s7 =	simm.s32 $0x0;
	s20 =	sshll.u32 s5, $0x1;
	s5 =	sadd.s32 s21, s3  }
0x9d: {  	[timem:s7], [sflag:s22] =	dma.local [hbm:s5], s20  }
0x9e: {  	_ =	swait.ge [sflag:s22], s20  }
0x9f: {  	s4 =	ssub.s32 $0x0, s20;
	[sflag:s22] =	ssyncset.done $0x0  }
0xa0: {  	[sflag:s22] =	ssyncadd.s32 s4;
	_ =	sdelay $0x1  }
0xa1: {  	s23 =	simm.s32 $0x1B8B  }
0xa2: {  	_ =	swait.ge [sflag:s23], $0x1  }
0xa3: {  	[sflag:s23] =	ssyncset.done $0x0  }
0xa4: {  	s25 =	simm.s32 $0x1B8E;
	s24 =	sld [smem:$0x3FFE];
	[sflag:s23] =	ssyncadd.s32 $0xFFFFFFFF  }
0xa5: {  	s26 =	simm.s32 $execute0_lowered;
	[smem:$0x3FD2] =	sst s25  }
0xa6: {  	s5 =	sshll.u32 s26, $0x1;
	_ =	strace $0x80000046;
	[dreg:$0x1] =	wrdreg $0xFFFFFFFF  }
0xa7: {  	s28 =	simm.s32 $_size_execute0_lowered;
	s3 =	sadd.s32 s3, s5;
	[dreg:$0x0] =	wrdreg $0x0  }
0xa8: {  	s5 =	sshll.u32 s28, $0x1;
	[dreg:$0x2] =	wrdreg s3  }
0xa9: {  	[dreg:$0x3] =	wrdreg s5  }
0xaa: {  	[dreg:$0x4] =	wrdreg $0xC0  }
0xab: {  	_ =	task [dreg:s7], $0x5FFFF  }
0xac: {  	[dreg:$0x1] =	wrdreg $0xFFFFFFFF  }
0xad: {  	[dreg:$0x0] =	wrdreg $0x60  }
0xae: {  	[dreg:$0x2] =	wrdreg s24  }
0xaf: {  	[dreg:$0x3] =	wrdreg s2  }
0xb0: {  	[dreg:$0x4] =	wrdreg $0x9  }
0xb1: {  	_ =	task.clear_ibuf [dreg:s7], $0x5FFFF;
	_ =	strace $0x90000046  }
0xb2: {  	s29 =	simm.s32 $0x9;
	_ =	strace $0x80000048  }
0xb3: {  	_ =	swait.ge [sflag:s29], $0x1  }
0xb4: {  	[sflag:s29] =	ssyncadd.s32 $0xFFFFFFFF  }
0xb5: {  	_ =	strace $0x90000048  }
0xb6: {  	_ =	sfence  }
0xb7: {  	s30 =	sld [smem:$0x0];
	_ =	sdelay $0x2  }
0xb8: {  	s31 =	sshll.u32 s1, $0xD;
	s1 =	sshrl.u32 s1, $0x2  }
0xb9: {  	s3 =	sand.u32 $0x4000, s31;
	s1 =	sadd.s32 s1, s30  }
0xba: {  	s0 =	sor.u32 s3, s0;
	s1 =	sshll.u32 s1, $0x11  }
0xbb: {  	s0 =	sor.u32 s1, s0  }
0xbc: {  	s0 =	sadd.s32 $0x8F2B, s0  }
0xbd: {  	[sflag:s0] =	ssyncadd.remote.s32 $0x1  }
0xbe: {  	_ =	sfence.sel $0xFFFF  }
0xbf: {  	[dreg:$0x0] =	wrdreg $0xFFFFFFFF;
	(pc) =	sbr.abs _section_cstart, $3  }
0xc0: {  	[dreg:$0x1] =	wrdreg $0xFFFFFFFF  }
0xc1: {  	_ =	task.clear_ibuf [dreg:s7], $0x2FFFF;
	_ =	strace $0x9FFFFFFF  }
0xc2: {  	(tm) =	ssettm $0x7FFFFFFF  }
0xc3: {  	_ =	shalt  }
tec
execute0_lowered:
.L_overlay_start_1:
0x0: {  	(tag) =	ssettag $0x1  }
0x1: {  	s0 =	srdreg.scid;
	s2 =	stileid.u32  }
0x2: {  	s1 =	sand.u32 $0x1, s0;
	s2 =	sshll.u32 s2, $0x1  }
0x3: {  	s3 =	sor.u32 s1, s2  }
0x4: {  	s5 =	smul.u32 $0x1900, s3  }
0x5: {  	s4 =	rddreg [dreg:$0x1];
	s6 =	smul.u32 $0x320, s3  }
0x6: {  	s0 =	rddreg [dreg:$0x0];
	s2 =	simm.s32 $0x0;
	s20 =	smul.u32 $0x64000, s3  }
0x7: {  	s7 =	sadd.s32 $0xA00, s0;
	[smem:$0x7FF] =	sst s2;
	s3 =	smul.u32 $0xC800, s3  }
0x8: {  	_ =	strace $0x80000047;
	s5 =	sshrl.u32 s5, $0x3;
	s6 =	sadd.s32 s7, s6  }
0x9: {  	s3 =	sadd.s32 s4, s3;
	s5 =	sadd.s32 s7, s5;
	[dreg:$0x3] =	wrdreg s6  }
0xa: {  	[dreg:$0x13] =	wrdreg s3;
	s7 =	sadd.s32 $0x32, s5  }
0xb: {  	s8 =	sadd.s32 $0x64, s5;
	[dreg:$0x4] =	wrdreg s7  }
0xc: {  	s9 =	sadd.s32 $0x96, s5;
	[dreg:$0x5] =	wrdreg s8  }
0xd: {  	s10 =	sadd.s32 $0xC8, s5;
	[dreg:$0x6] =	wrdreg s9  }
0xe: {  	s11 =	sadd.s32 $0xFA, s5;
	[dreg:$0x7] =	wrdreg s10  }
0xf: {  	s12 =	sadd.s32 $0x12C, s5;
	[dreg:$0x8] =	wrdreg s11  }
0x10: {  	s13 =	sadd.s32 $0x15E, s5;
	[dreg:$0x9] =	wrdreg s12  }
0x11: {  	s14 =	sadd.s32 $0x190, s5;
	[dreg:$0xa] =	wrdreg s13  }
0x12: {  	s15 =	sadd.s32 $0x1C2, s5;
	[dreg:$0xb] =	wrdreg s14  }
0x13: {  	s16 =	sadd.s32 $0x1F4, s5;
	[dreg:$0xc] =	wrdreg s15  }
0x14: {  	s17 =	sadd.s32 $0x226, s5;
	[dreg:$0xd] =	wrdreg s16  }
0x15: {  	s18 =	sadd.s32 $0x258, s5;
	[dreg:$0xe] =	wrdreg s17  }
0x16: {  	s19 =	sadd.s32 $0x28A, s5;
	[dreg:$0xf] =	wrdreg s18  }
0x17: {  	s22 =	sshrl.u32 s20, $0x3;
	s21 =	sadd.s32 $0x2BC, s5;
	[dreg:$0x10] =	wrdreg s19  }
0x18: {  	s4 =	sadd.s32 s4, s22;
	s5 =	sadd.s32 $0x2EE, s5;
	[dreg:$0x11] =	wrdreg s21  }
0x19: {  	s23 =	sadd.s32 $0x190000, s4;
	[dreg:$0x12] =	wrdreg s5  }
0x1a: {  	s24 =	sadd.s32 $0xC80, s4;
	[dreg:$0x14] =	wrdreg s23  }
0x1b: {  	s25 =	sadd.s32 $0x190C80, s4;
	[dreg:$0x15] =	wrdreg s24  }
0x1c: {  	s26 =	sadd.s32 $0x1900, s4;
	[dreg:$0x16] =	wrdreg s25  }
0x1d: {  	s28 =	sadd.s32 $0x191900, s4;
	[dreg:$0x17] =	wrdreg s26  }
0x1e: {  	s29 =	sadd.s32 $0x2580, s4;
	[dreg:$0x18] =	wrdreg s28  }
0x1f: {  	s30 =	sadd.s32 $0x192580, s4;
	[dreg:$0x19] =	wrdreg s29  }
0x20: {  	s31 =	sadd.s32 $0x3200, s4;
	[dreg:$0x1a] =	wrdreg s30  }
0x21: {  	s6 =	sadd.s32 $0x3E80, s4;
	[dreg:$0x1b] =	wrdreg s31  }
0x22: {  	s20 =	sadd.s32 $0x9600, s4;
	[dreg:$0x1d] =	wrdreg s6  }
0x23: {  	s22 =	sadd.s32 $0xA280, s4;
	[smem:$0x7F6] =	sst s20  }
0x24: {  	s5 =	sadd.s32 $0x193200, s4;
	[smem:$0x7F8] =	sst s22  }
0x25: {  	s7 =	sadd.s32 $0x193E80, s4;
	[dreg:$0x1c] =	wrdreg s5  }
0x26: {  	s8 =	sadd.s32 $0x4B00, s4;
	[dreg:$0x1e] =	wrdreg s7  }
0x27: {  	s9 =	sadd.s32 $0x194B00, s4;
	[dreg:$0x1f] =	wrdreg s8  }
0x28: {  	s10 =	sadd.s32 $0x5780, s4;
	[smem:$0x7EB] =	sst s9  }
0x29: {  	s11 =	sadd.s32 $0x195780, s4;
	[smem:$0x7EC] =	sst s10  }
0x2a: {  	s12 =	sadd.s32 $0x6400, s4;
	[smem:$0x7ED] =	sst s11  }
0x2b: {  	s13 =	sadd.s32 $0x196400, s4;
	[smem:$0x7EE] =	sst s12  }
0x2c: {  	s14 =	sadd.s32 $0x7080, s4;
	[smem:$0x7EF] =	sst s13  }
0x2d: {  	s15 =	sadd.s32 $0x197080, s4;
	[smem:$0x7F0] =	sst s14  }
0x2e: {  	s16 =	sadd.s32 $0x7D00, s4;
	[smem:$0x7F1] =	sst s15  }
0x2f: {  	p0 =	por $0x0, $0x0;
	s17 =	sadd.s32 $0x197D00, s4;
	[smem:$0x7F2] =	sst s16  }
0x30: {  	s18 =	sadd.s32 $0x8980, s4;
	s19 =	sadd.s32 $0x198980, s4;
	[smem:$0x7F3] =	sst s17  }
0x31: {  	s1 =	ssub.s32 $0x2, s1;
	s21 =	sadd.s32 $0x199600, s4;
	[smem:$0x7F4] =	sst s18  }
0x32: {  	s3 =	sadd.s32 $0x16E4000, s0;
	s23 =	sadd.s32 $0x19A280, s4;
	[smem:$0x7F5] =	sst s19  }
0x33: {  	s24 =	sadd.s32 $0xAF00, s4;
	s25 =	sadd.s32 $0x19AF00, s4;
	[smem:$0x7F7] =	sst s21  }
0x34: {  	s26 =	sadd.s32 $0xBB80, s4;
	s29 =	sadd.s32 $0x19BB80, s4;
	[smem:$0x7F9] =	sst s23  }
0x35: {  	s28 =	sshrl.u32 s1, $0x1;
	s4 =	sadd.s32 $0xF42E00, s0;
	[smem:$0x7FA] =	sst s24  }
0x36: {  	s20 =	simm.s32 $0x320;
	[smem:$0x7FB] =	sst s25;
	s30 =	ssub.s32 s1, s28  }
0x37: {  	s0 =	simm.s32 $0x1;
	[smem:$0x7FC] =	sst s26;
	s31 =	smax.u32 s30, $0x1  }
0x38: {  	s6 =	simm.s32 $0x14500;
	[smem:$0x7FD] =	sst s29;
	p1 =	sne.s32 s31, $0x1  }
.Ltmp0:
0x39: {  	s7 =	simm.s32 $0x190;
	s14 =	simm.s32 $0x1900;
	(pc) =	sbr.rel @!p1 .LBB2_4-.Ltmp0, $4  }
0x3a: {  	s12 =	simm.s32 $0xE100;
	s11 =	simm.s32 $0x7D00;
	s18 =	simm.s32 $0x2  }
0x3b: {  	s17 =	simm.s32 $0x4;
	s10 =	simm.s32 $0x6;
	s8 =	simm.s32 $0x8  }
0x3c: {  	s15 =	simm.s32 $0x3;
	s13 =	simm.s32 $0x5;
	s9 =	simm.s32 $0x7  }
0x3d: {  	s5 =	simm.s32 $0x9;
	s19 =	rddreg [dreg:$0x3];
	s21 =	sadd.s32 $0xFFFFFFFF, s31  }
0x3e: {  	[tilespmem:s2], [sflag:$0x1] =	stream.linear.gather [hbm4b:s19+s2], $0x190, $0x38;
	[tilespmem:$0x1A900] =	vst v63  }
0x3f: {  	s16 =	rddreg [dreg:$0x4]  }
0x40: {  	[tilespmem:s7], [sflag:$0x1] =	stream.linear.gather [hbm4b:s16+s2], $0x190, $0x38;
	[tilespmem:$0x1A900] =	vst v63  }
0x41: {  	s1 =	rddreg [dreg:$0x5]  }
0x42: {  	[tilespmem:s20], [sflag:$0x1] =	stream.linear.gather [hbm4b:s1+s2], $0x190, $0x38;
	[tilespmem:$0x1A900] =	vst v63  }
0x43: {  	s22 =	rddreg [dreg:$0x6];
	s23 =	simm.s32 $0x4B0  }
0x44: {  	[tilespmem:s23], [sflag:$0x1] =	stream.linear.gather [hbm4b:s22+s2], $0x190, $0x38;
	[tilespmem:$0x1A900] =	vst v63  }
0x45: {  	s24 =	rddreg [dreg:$0x7];
	s1 =	simm.s32 $0x640  }
0x46: {  	[tilespmem:s1], [sflag:$0x1] =	stream.linear.gather [hbm4b:s24+s2], $0x190, $0x38;
	[tilespmem:$0x1A900] =	vst v63  }
0x47: {  	s25 =	rddreg [dreg:$0x8];
	s24 =	simm.s32 $0x7D0  }
0x48: {  	[tilespmem:s24], [sflag:$0x1] =	stream.linear.gather [hbm4b:s25+s2], $0x190, $0x38;
	[tilespmem:$0x1A900] =	vst v63  }
0x49: {  	s26 =	rddreg [dreg:$0x9];
	s22 =	simm.s32 $0x960  }
0x4a: {  	[tilespmem:s22], [sflag:$0x1] =	stream.linear.gather [hbm4b:s26+s2], $0x190, $0x38;
	[tilespmem:$0x1A900] =	vst v63  }
0x4b: {  	s28 =	rddreg [dreg:$0xa];
	s31 =	simm.s32 $0xAF0  }
0x4c: {  	[tilespmem:s31], [sflag:$0x1] =	stream.linear.gather [hbm4b:s28+s2], $0x190, $0x38;
	[tilespmem:$0x1A900] =	vst v63  }
0x4d: {  	s29 =	rddreg [dreg:$0xb];
	s30 =	simm.s32 $0xC80  }
0x4e: {  	[tilespmem:s30], [sflag:$0x1] =	stream.linear.gather [hbm4b:s29+s2], $0x190, $0x38;
	[tilespmem:$0x1A900] =	vst v63  }
0x4f: {  	s25 =	rddreg [dreg:$0xc];
	s29 =	simm.s32 $0xE10  }
0x50: {  	[tilespmem:s29], [sflag:$0x1] =	stream.linear.gather [hbm4b:s25+s2], $0x190, $0x38;
	[tilespmem:$0x1A900] =	vst v63  }
0x51: {  	s26 =	rddreg [dreg:$0xd];
	s28 =	simm.s32 $0xFA0  }
0x52: {  	[tilespmem:s28], [sflag:$0x1] =	stream.linear.gather [hbm4b:s26+s2], $0x190, $0x38;
	[tilespmem:$0x1A900] =	vst v63  }
0x53: {  	s25 =	rddreg [dreg:$0xe];
	s26 =	simm.s32 $0x1130  }
0x54: {  	[tilespmem:s26], [sflag:$0x1] =	stream.linear.gather [hbm4b:s25+s2], $0x190, $0x38;
	[tilespmem:$0x1A900] =	vst v63  }
0x55: {  	s19 =	rddreg [dreg:$0xf];
	s25 =	simm.s32 $0x12C0  }
0x56: {  	[tilespmem:s25], [sflag:$0x1] =	stream.linear.gather [hbm4b:s19+s2], $0x190, $0x38;
	[tilespmem:$0x1A900] =	vst v63  }
0x57: {  	s16 =	rddreg [dreg:$0x10];
	s25 =	simm.s32 $0x1450  }
0x58: {  	[tilespmem:s25], [sflag:$0x1] =	stream.linear.gather [hbm4b:s16+s2], $0x190, $0x38;
	[tilespmem:$0x1A900] =	vst v63  }
0x59: {  	s19 =	rddreg [dreg:$0x11];
	s25 =	simm.s32 $0x15E0  }
0x5a: {  	[tilespmem:s25], [sflag:$0x1] =	stream.linear.gather [hbm4b:s19+s2], $0x190, $0x38;
	[tilespmem:$0x1A900] =	vst v63  }
0x5b: {  	s16 =	rddreg [dreg:$0x12];
	s19 =	simm.s32 $0x1770  }
0x5c: {  	[tilespmem:s19], [sflag:$0x1] =	stream.linear.gather [hbm4b:s16+s2], $0x190, $0x38;
	[tilespmem:$0x1A900] =	vst v63  }
0x5d: {  	_ =	swait.ge [sflag:s0], $0x190  }
0x5e: {  	[sflag:s0] =	ssyncset.done $0x0  }
0x5f: {  	[sflag:s0] =	ssyncadd.s32 $0xFFFFFE70  }
0x60: {  	_ =	swait.ge [sflag:s0], $0x190  }
0x61: {  	[sflag:s0] =	ssyncset.done $0x0  }
0x62: {  	[sflag:s0] =	ssyncadd.s32 $0xFFFFFE70  }
0x63: {  	_ =	swait.ge [sflag:s0], $0x190  }
0x64: {  	[sflag:s0] =	ssyncset.done $0x0  }
0x65: {  	[sflag:s0] =	ssyncadd.s32 $0xFFFFFE70  }
0x66: {  	_ =	swait.ge [sflag:s0], $0x190  }
0x67: {  	[sflag:s0] =	ssyncset.done $0x0  }
0x68: {  	[sflag:s0] =	ssyncadd.s32 $0xFFFFFE70  }
0x69: {  	_ =	swait.ge [sflag:s0], $0x190  }
0x6a: {  	[sflag:s0] =	ssyncset.done $0x0  }
0x6b: {  	[sflag:s0] =	ssyncadd.s32 $0xFFFFFE70  }
0x6c: {  	_ =	swait.ge [sflag:s0], $0x190  }
0x6d: {  	[sflag:s0] =	ssyncset.done $0x0  }
0x6e: {  	[sflag:s0] =	ssyncadd.s32 $0xFFFFFE70  }
0x6f: {  	_ =	swait.ge [sflag:s0], $0x190  }
0x70: {  	[sflag:s0] =	ssyncset.done $0x0  }
0x71: {  	[sflag:s0] =	ssyncadd.s32 $0xFFFFFE70  }
0x72: {  	_ =	swait.ge [sflag:s0], $0x190  }
0x73: {  	[sflag:s0] =	ssyncset.done $0x0  }
0x74: {  	[sflag:s0] =	ssyncadd.s32 $0xFFFFFE70  }
0x75: {  	_ =	swait.ge [sflag:s0], $0x190  }
0x76: {  	[sflag:s0] =	ssyncset.done $0x0  }
0x77: {  	[sflag:s0] =	ssyncadd.s32 $0xFFFFFE70  }
0x78: {  	_ =	swait.ge [sflag:s0], $0x190  }
0x79: {  	[sflag:s0] =	ssyncset.done $0x0  }
0x7a: {  	[sflag:s0] =	ssyncadd.s32 $0xFFFFFE70  }
0x7b: {  	_ =	swait.ge [sflag:s0], $0x190  }
0x7c: {  	[sflag:s0] =	ssyncset.done $0x0  }
0x7d: {  	[sflag:s0] =	ssyncadd.s32 $0xFFFFFE70  }
0x7e: {  	_ =	swait.ge [sflag:s0], $0x190  }
0x7f: {  	[sflag:s0] =	ssyncset.done $0x0  }
0x80: {  	[sflag:s0] =	ssyncadd.s32 $0xFFFFFE70  }
0x81: {  	_ =	swait.ge [sflag:s0], $0x190  }
0x82: {  	[sflag:s0] =	ssyncset.done $0x0  }
0x83: {  	[sflag:s0] =	ssyncadd.s32 $0xFFFFFE70  }
0x84: {  	_ =	swait.ge [sflag:s0], $0x190  }
0x85: {  	[sflag:s0] =	ssyncset.done $0x0  }
0x86: {  	[sflag:s0] =	ssyncadd.s32 $0xFFFFFE70  }
0x87: {  	_ =	swait.ge [sflag:s0], $0x190  }
0x88: {  	[sflag:s0] =	ssyncset.done $0x0  }
0x89: {  	[sflag:s0] =	ssyncadd.s32 $0xFFFFFE70  }
0x8a: {  	_ =	swait.ge [sflag:s0], $0x190  }
0x8b: {  	[sflag:s0] =	ssyncset.done $0x0  }
0x8c: {  	[sflag:s0] =	ssyncadd.s32 $0xFFFFFE70  }
0x8d: {  	[tilespmem:s14], [sflag:$0x2] =	stream.indirect.gather [hbm4b:s3+s7], $0x40, s2, s7, $0xb8;
	[tilespmem:$0x1A900] =	vst v63  }
0x8e: {  	_ = 	snop  }
0x8f: {  	[tilespmem:s12], [sflag:$0x4] =	stream.indirect.gather [hbm4b:s4+s7], $0x40, s2, s7, $0xb8;
	[tilespmem:$0x1A900] =	vst v63  }
0x90: {  	_ = 	snop  }
0x91: {  	[tilespmem:s11], [sflag:$0x3] =	stream.indirect.gather [hbm4b:s3+s7], $0x40, s7, s7, $0xb8;
	[tilespmem:$0x1A900] =	vst v63  }
0x92: {  	_ = 	snop  }
0x93: {  	[tilespmem:s6], [sflag:$0x5] =	stream.indirect.gather [hbm4b:s4+s7], $0x40, s7, s7, $0xb8;
	[tilespmem:$0x1A900] =	vst v63  }
0x94: {  	_ =	swait.ge [sflag:s18], $0x6400  }
0x95: {  	[sflag:s18] =	ssyncset.done $0x0  }
0x96: {  	s25 =	rddreg [dreg:$0x13];
	[sflag:s18] =	ssyncadd.s32 $0xFFFF9C00  }
0x97: {  	[hbm4b:s25+s2] =	stream.linear.scatter [tilespmem:s14], [sflag:$0x6], $0x6400, $0x38;
	[tilespmem:$0x1A900] =	vst v63  }
0x98: {  	_ =	swait.ge [sflag:s17], $0x6400  }
0x99: {  	[sflag:s17] =	ssyncset.done $0x0  }
0x9a: {  	s25 =	rddreg [dreg:$0x14];
	[sflag:s17] =	ssyncadd.s32 $0xFFFF9C00  }
0x9b: {  	[hbm4b:s25+s2] =	stream.linear.scatter [tilespmem:s12], [sflag:$0x8], $0x6400, $0x38;
	[tilespmem:$0x1A900] =	vst v63  }
0x9c: {  	_ =	swait.ge [sflag:s10], $0x6400  }
0x9d: {  	[sflag:s10] =	ssyncset.done $0x0  }
0x9e: {  	[sflag:s10] =	ssyncadd.s32 $0xFFFF9C00  }
0x9f: {  	_ =	swait.ge [sflag:s8], $0x6400  }
0xa0: {  	[sflag:s8] =	ssyncset.done $0x0  }
0xa1: {  	[sflag:s8] =	ssyncadd.s32 $0xFFFF9C00  }
0xa2: {  	[tilespmem:s14], [sflag:$0x2] =	stream.indirect.gather [hbm4b:s3+s7], $0x40, s20, s7, $0xb8;
	[tilespmem:$0x1A900] =	vst v63  }
0xa3: {  	_ = 	snop  }
0xa4: {  	[tilespmem:s12], [sflag:$0x4] =	stream.indirect.gather [hbm4b:s4+s7], $0x40, s20, s7, $0xb8;
	[tilespmem:$0x1A900] =	vst v63  }
0xa5: {  	_ =	swait.ge [sflag:s15], $0x6400  }
0xa6: {  	[sflag:s15] =	ssyncset.done $0x0  }
0xa7: {  	s25 =	rddreg [dreg:$0x15];
	[sflag:s15] =	ssyncadd.s32 $0xFFFF9C00  }
0xa8: {  	[hbm4b:s25+s2] =	stream.linear.scatter [tilespmem:s11], [sflag:$0x7], $0x6400, $0x38;
	[tilespmem:$0x1A900] =	vst v63  }
0xa9: {  	_ =	swait.ge [sflag:s13], $0x6400  }
0xaa: {  	[sflag:s13] =	ssyncset.done $0x0  }
0xab: {  	s25 =	rddreg [dreg:$0x16];
	[sflag:s13] =	ssyncadd.s32 $0xFFFF9C00  }
0xac: {  	[hbm4b:s25+s2] =	stream.linear.scatter [tilespmem:s6], [sflag:$0x9], $0x6400, $0x38;
	[tilespmem:$0x1A900] =	vst v63  }
0xad: {  	_ =	swait.ge [sflag:s9], $0x6400  }
0xae: {  	[sflag:s9] =	ssyncset.done $0x0  }
0xaf: {  	[sflag:s9] =	ssyncadd.s32 $0xFFFF9C00  }
0xb0: {  	_ =	swait.ge [sflag:s5], $0x6400  }
0xb1: {  	[sflag:s5] =	ssyncset.done $0x0  }
0xb2: {  	[sflag:s5] =	ssyncadd.s32 $0xFFFF9C00  }
0xb3: {  	[tilespmem:s11], [sflag:$0x3] =	stream.indirect.gather [hbm4b:s3+s7], $0x40, s23, s7, $0xb8;
	[tilespmem:$0x1A900] =	vst v63  }
0xb4: {  	_ = 	snop  }
0xb5: {  	[tilespmem:s6], [sflag:$0x5] =	stream.indirect.gather [hbm4b:s4+s7], $0x40, s23, s7, $0xb8;
	[tilespmem:$0x1A900] =	vst v63  }
0xb6: {  	_ =	swait.ge [sflag:s18], $0x6400  }
0xb7: {  	[sflag:s18] =	ssyncset.done $0x0  }
0xb8: {  	s23 =	rddreg [dreg:$0x17];
	[sflag:s18] =	ssyncadd.s32 $0xFFFF9C00  }
0xb9: {  	[hbm4b:s23+s2] =	stream.linear.scatter [tilespmem:s14], [sflag:$0x6], $0x6400, $0x38;
	[tilespmem:$0x1A900] =	vst v63  }
0xba: {  	_ =	swait.ge [sflag:s17], $0x6400  }
0xbb: {  	[sflag:s17] =	ssyncset.done $0x0  }
0xbc: {  	s25 =	rddreg [dreg:$0x18];
	[sflag:s17] =	ssyncadd.s32 $0xFFFF9C00  }
0xbd: {  	[hbm4b:s25+s2] =	stream.linear.scatter [tilespmem:s12], [sflag:$0x8], $0x6400, $0x38;
	[tilespmem:$0x1A900] =	vst v63  }
0xbe: {  	_ =	swait.ge [sflag:s10], $0x6400  }
0xbf: {  	[sflag:s10] =	ssyncset.done $0x0  }
0xc0: {  	[sflag:s10] =	ssyncadd.s32 $0xFFFF9C00  }
0xc1: {  	_ =	swait.ge [sflag:s8], $0x6400  }
0xc2: {  	[sflag:s8] =	ssyncset.done $0x0  }
0xc3: {  	[sflag:s8] =	ssyncadd.s32 $0xFFFF9C00  }
0xc4: {  	[tilespmem:s14], [sflag:$0x2] =	stream.indirect.gather [hbm4b:s3+s7], $0x40, s1, s7, $0xb8;
	[tilespmem:$0x1A900] =	vst v63  }
0xc5: {  	_ = 	snop  }
0xc6: {  	[tilespmem:s12], [sflag:$0x4] =	stream.indirect.gather [hbm4b:s4+s7], $0x40, s1, s7, $0xb8;
	[tilespmem:$0x1A900] =	vst v63  }
0xc7: {  	_ =	swait.ge [sflag:s15], $0x6400  }
0xc8: {  	[sflag:s15] =	ssyncset.done $0x0  }
0xc9: {  	s1 =	rddreg [dreg:$0x19];
	[sflag:s15] =	ssyncadd.s32 $0xFFFF9C00  }
0xca: {  	[hbm4b:s1+s2] =	stream.linear.scatter [tilespmem:s11], [sflag:$0x7], $0x6400, $0x38;
	[tilespmem:$0x1A900] =	vst v63  }
0xcb: {  	_ =	swait.ge [sflag:s13], $0x6400  }
0xcc: {  	[sflag:s13] =	ssyncset.done $0x0  }
0xcd: {  	s23 =	rddreg [dreg:$0x1a];
	[sflag:s13] =	ssyncadd.s32 $0xFFFF9C00  }
0xce: {  	[hbm4b:s23+s2] =	stream.linear.scatter [tilespmem:s6], [sflag:$0x9], $0x6400, $0x38;
	[tilespmem:$0x1A900] =	vst v63  }
0xcf: {  	_ =	swait.ge [sflag:s9], $0x6400  }
0xd0: {  	[sflag:s9] =	ssyncset.done $0x0  }
0xd1: {  	[sflag:s9] =	ssyncadd.s32 $0xFFFF9C00  }
0xd2: {  	_ =	swait.ge [sflag:s5], $0x6400  }
0xd3: {  	[sflag:s5] =	ssyncset.done $0x0  }
0xd4: {  	[sflag:s5] =	ssyncadd.s32 $0xFFFF9C00  }
0xd5: {  	[tilespmem:s11], [sflag:$0x3] =	stream.indirect.gather [hbm4b:s3+s7], $0x40, s24, s7, $0xb8;
	[tilespmem:$0x1A900] =	vst v63  }
0xd6: {  	_ = 	snop  }
0xd7: {  	[tilespmem:s6], [sflag:$0x5] =	stream.indirect.gather [hbm4b:s4+s7], $0x40, s24, s7, $0xb8;
	[tilespmem:$0x1A900] =	vst v63  }
0xd8: {  	_ =	swait.ge [sflag:s18], $0x6400  }
0xd9: {  	[sflag:s18] =	ssyncset.done $0x0  }
0xda: {  	s25 =	rddreg [dreg:$0x1b];
	[sflag:s18] =	ssyncadd.s32 $0xFFFF9C00  }
0xdb: {  	[hbm4b:s25+s2] =	stream.linear.scatter [tilespmem:s14], [sflag:$0x6], $0x6400, $0x38;
	[tilespmem:$0x1A900] =	vst v63  }
0xdc: {  	_ =	swait.ge [sflag:s17], $0x6400  }
0xdd: {  	[sflag:s17] =	ssyncset.done $0x0  }
0xde: {  	s1 =	rddreg [dreg:$0x1c];
	[sflag:s17] =	ssyncadd.s32 $0xFFFF9C00  }
0xdf: {  	[hbm4b:s1+s2] =	stream.linear.scatter [tilespmem:s12], [sflag:$0x8], $0x6400, $0x38;
	[tilespmem:$0x1A900] =	vst v63  }
0xe0: {  	_ =	swait.ge [sflag:s10], $0x6400  }
0xe1: {  	[sflag:s10] =	ssyncset.done $0x0  }
0xe2: {  	[sflag:s10] =	ssyncadd.s32 $0xFFFF9C00  }
0xe3: {  	_ =	swait.ge [sflag:s8], $0x6400  }
0xe4: {  	[sflag:s8] =	ssyncset.done $0x0  }
0xe5: {  	[sflag:s8] =	ssyncadd.s32 $0xFFFF9C00  }
0xe6: {  	[tilespmem:s14], [sflag:$0x2] =	stream.indirect.gather [hbm4b:s3+s7], $0x40, s22, s7, $0xb8;
	[tilespmem:$0x1A900] =	vst v63  }
0xe7: {  	_ = 	snop  }
0xe8: {  	[tilespmem:s12], [sflag:$0x4] =	stream.indirect.gather [hbm4b:s4+s7], $0x40, s22, s7, $0xb8;
	[tilespmem:$0x1A900] =	vst v63  }
0xe9: {  	_ =	swait.ge [sflag:s15], $0x6400  }
0xea: {  	[sflag:s15] =	ssyncset.done $0x0  }
0xeb: {  	s22 =	rddreg [dreg:$0x1d];
	[sflag:s15] =	ssyncadd.s32 $0xFFFF9C00  }
0xec: {  	[hbm4b:s22+s2] =	stream.linear.scatter [tilespmem:s11], [sflag:$0x7], $0x6400, $0x38;
	[tilespmem:$0x1A900] =	vst v63  }
0xed: {  	_ =	swait.ge [sflag:s13], $0x6400  }
0xee: {  	[sflag:s13] =	ssyncset.done $0x0  }
0xef: {  	s23 =	rddreg [dreg:$0x1e];
	[sflag:s13] =	ssyncadd.s32 $0xFFFF9C00  }
0xf0: {  	[hbm4b:s23+s2] =	stream.linear.scatter [tilespmem:s6], [sflag:$0x9], $0x6400, $0x38;
	[tilespmem:$0x1A900] =	vst v63  }
0xf1: {  	_ =	swait.ge [sflag:s9], $0x6400  }
0xf2: {  	[sflag:s9] =	ssyncset.done $0x0  }
0xf3: {  	[sflag:s9] =	ssyncadd.s32 $0xFFFF9C00  }
0xf4: {  	_ =	swait.ge [sflag:s5], $0x6400  }
0xf5: {  	[sflag:s5] =	ssyncset.done $0x0  }
0xf6: {  	[sflag:s5] =	ssyncadd.s32 $0xFFFF9C00  }
0xf7: {  	[tilespmem:s11], [sflag:$0x3] =	stream.indirect.gather [hbm4b:s3+s7], $0x40, s31, s7, $0xb8;
	[tilespmem:$0x1A900] =	vst v63  }
0xf8: {  	_ = 	snop  }
0xf9: {  	[tilespmem:s6], [sflag:$0x5] =	stream.indirect.gather [hbm4b:s4+s7], $0x40, s31, s7, $0xb8;
	[tilespmem:$0x1A900] =	vst v63  }
0xfa: {  	_ =	swait.ge [sflag:s18], $0x6400  }
0xfb: {  	[sflag:s18] =	ssyncset.done $0x0  }
0xfc: {  	s24 =	rddreg [dreg:$0x1f];
	[sflag:s18] =	ssyncadd.s32 $0xFFFF9C00  }
0xfd: {  	[hbm4b:s24+s2] =	stream.linear.scatter [tilespmem:s14], [sflag:$0x6], $0x6400, $0x38;
	[tilespmem:$0x1A900] =	vst v63  }
0xfe: {  	_ =	swait.ge [sflag:s17], $0x6400  }
0xff: {  	s25 =	sld [smem:$0x7EB]  }
0x100: {  	[sflag:s17] =	ssyncset.done $0x0  }
0x101: {  	[sflag:s17] =	ssyncadd.s32 $0xFFFF9C00  }
0x102: {  	[hbm4b:s25+s2] =	stream.linear.scatter [tilespmem:s12], [sflag:$0x8], $0x6400, $0x38;
	[tilespmem:$0x1A900] =	vst v63  }
0x103: {  	_ =	swait.ge [sflag:s10], $0x6400  }
0x104: {  	[sflag:s10] =	ssyncset.done $0x0  }
0x105: {  	[sflag:s10] =	ssyncadd.s32 $0xFFFF9C00  }
0x106: {  	_ =	swait.ge [sflag:s8], $0x6400  }
0x107: {  	[sflag:s8] =	ssyncset.done $0x0  }
0x108: {  	[sflag:s8] =	ssyncadd.s32 $0xFFFF9C00  }
0x109: {  	[tilespmem:s14], [sflag:$0x2] =	stream.indirect.gather [hbm4b:s3+s7], $0x40, s30, s7, $0xb8;
	[tilespmem:$0x1A900] =	vst v63  }
0x10a: {  	_ = 	snop  }
0x10b: {  	[tilespmem:s12], [sflag:$0x4] =	stream.indirect.gather [hbm4b:s4+s7], $0x40, s30, s7, $0xb8;
	[tilespmem:$0x1A900] =	vst v63  }
0x10c: {  	_ =	swait.ge [sflag:s15], $0x6400  }
0x10d: {  	s31 =	sld [smem:$0x7EC]  }
0x10e: {  	[sflag:s15] =	ssyncset.done $0x0  }
0x10f: {  	[sflag:s15] =	ssyncadd.s32 $0xFFFF9C00  }
0x110: {  	[hbm4b:s31+s2] =	stream.linear.scatter [tilespmem:s11], [sflag:$0x7], $0x6400, $0x38;
	[tilespmem:$0x1A900] =	vst v63  }
0x111: {  	_ =	swait.ge [sflag:s13], $0x6400  }
0x112: {  	s1 =	sld [smem:$0x7ED]  }
0x113: {  	[sflag:s13] =	ssyncset.done $0x0  }
0x114: {  	[sflag:s13] =	ssyncadd.s32 $0xFFFF9C00  }
0x115: {  	[hbm4b:s1+s2] =	stream.linear.scatter [tilespmem:s6], [sflag:$0x9], $0x6400, $0x38;
	[tilespmem:$0x1A900] =	vst v63  }
0x116: {  	_ =	swait.ge [sflag:s9], $0x6400  }
0x117: {  	[sflag:s9] =	ssyncset.done $0x0  }
0x118: {  	[sflag:s9] =	ssyncadd.s32 $0xFFFF9C00  }
0x119: {  	_ =	swait.ge [sflag:s5], $0x6400  }
0x11a: {  	[sflag:s5] =	ssyncset.done $0x0  }
0x11b: {  	[sflag:s5] =	ssyncadd.s32 $0xFFFF9C00  }
0x11c: {  	[tilespmem:s11], [sflag:$0x3] =	stream.indirect.gather [hbm4b:s3+s7], $0x40, s29, s7, $0xb8;
	[tilespmem:$0x1A900] =	vst v63  }
0x11d: {  	_ = 	snop  }
0x11e: {  	[tilespmem:s6], [sflag:$0x5] =	stream.indirect.gather [hbm4b:s4+s7], $0x40, s29, s7, $0xb8;
	[tilespmem:$0x1A900] =	vst v63  }
0x11f: {  	_ =	swait.ge [sflag:s18], $0x6400  }
0x120: {  	s22 =	sld [smem:$0x7EE]  }
0x121: {  	[sflag:s18] =	ssyncset.done $0x0  }
0x122: {  	[sflag:s18] =	ssyncadd.s32 $0xFFFF9C00  }
0x123: {  	[hbm4b:s22+s2] =	stream.linear.scatter [tilespmem:s14], [sflag:$0x6], $0x6400, $0x38;
	[tilespmem:$0x1A900] =	vst v63  }
0x124: {  	_ =	swait.ge [sflag:s17], $0x6400  }
0x125: {  	s23 =	sld [smem:$0x7EF]  }
0x126: {  	[sflag:s17] =	ssyncset.done $0x0  }
0x127: {  	[sflag:s17] =	ssyncadd.s32 $0xFFFF9C00  }
0x128: {  	[hbm4b:s23+s2] =	stream.linear.scatter [tilespmem:s12], [sflag:$0x8], $0x6400, $0x38;
	[tilespmem:$0x1A900] =	vst v63  }
0x129: {  	_ =	swait.ge [sflag:s10], $0x6400  }
0x12a: {  	[sflag:s10] =	ssyncset.done $0x0  }
0x12b: {  	[sflag:s10] =	ssyncadd.s32 $0xFFFF9C00  }
0x12c: {  	_ =	swait.ge [sflag:s8], $0x6400  }
0x12d: {  	[sflag:s8] =	ssyncset.done $0x0  }
0x12e: {  	[sflag:s8] =	ssyncadd.s32 $0xFFFF9C00  }
0x12f: {  	[tilespmem:s14], [sflag:$0x2] =	stream.indirect.gather [hbm4b:s3+s7], $0x40, s28, s7, $0xb8;
	[tilespmem:$0x1A900] =	vst v63  }
0x130: {  	_ = 	snop  }
0x131: {  	[tilespmem:s12], [sflag:$0x4] =	stream.indirect.gather [hbm4b:s4+s7], $0x40, s28, s7, $0xb8;
	[tilespmem:$0x1A900] =	vst v63  }
0x132: {  	_ =	swait.ge [sflag:s15], $0x6400  }
0x133: {  	s24 =	sld [smem:$0x7F0]  }
0x134: {  	[sflag:s15] =	ssyncset.done $0x0  }
0x135: {  	[sflag:s15] =	ssyncadd.s32 $0xFFFF9C00  }
0x136: {  	[hbm4b:s24+s2] =	stream.linear.scatter [tilespmem:s11], [sflag:$0x7], $0x6400, $0x38;
	[tilespmem:$0x1A900] =	vst v63  }
0x137: {  	_ =	swait.ge [sflag:s13], $0x6400  }
0x138: {  	s25 =	sld [smem:$0x7F1]  }
0x139: {  	[sflag:s13] =	ssyncset.done $0x0  }
0x13a: {  	[sflag:s13] =	ssyncadd.s32 $0xFFFF9C00  }
0x13b: {  	[hbm4b:s25+s2] =	stream.linear.scatter [tilespmem:s6], [sflag:$0x9], $0x6400, $0x38;
	[tilespmem:$0x1A900] =	vst v63  }
0x13c: {  	_ =	swait.ge [sflag:s9], $0x6400  }
0x13d: {  	[sflag:s9] =	ssyncset.done $0x0  }
0x13e: {  	[sflag:s9] =	ssyncadd.s32 $0xFFFF9C00  }
0x13f: {  	_ =	swait.ge [sflag:s5], $0x6400  }
0x140: {  	[sflag:s5] =	ssyncset.done $0x0  }
0x141: {  	[sflag:s5] =	ssyncadd.s32 $0xFFFF9C00  }
0x142: {  	[tilespmem:s11], [sflag:$0x3] =	stream.indirect.gather [hbm4b:s3+s7], $0x40, s26, s7, $0xb8;
	[tilespmem:$0x1A900] =	vst v63  }
0x143: {  	_ = 	snop  }
0x144: {  	[tilespmem:s6], [sflag:$0x5] =	stream.indirect.gather [hbm4b:s4+s7], $0x40, s26, s7, $0xb8;
	[tilespmem:$0x1A900] =	vst v63  }
0x145: {  	_ =	swait.ge [sflag:s18], $0x6400  }
0x146: {  	s28 =	sld [smem:$0x7F2]  }
0x147: {  	[sflag:s18] =	ssyncset.done $0x0  }
0x148: {  	[sflag:s18] =	ssyncadd.s32 $0xFFFF9C00  }
0x149: {  	[hbm4b:s28+s2] =	stream.linear.scatter [tilespmem:s14], [sflag:$0x6], $0x6400, $0x38;
	[tilespmem:$0x1A900] =	vst v63  }
0x14a: {  	_ =	swait.ge [sflag:s17], $0x6400  }
0x14b: {  	s29 =	sld [smem:$0x7F3]  }
0x14c: {  	[sflag:s17] =	ssyncset.done $0x0  }
0x14d: {  	[sflag:s17] =	ssyncadd.s32 $0xFFFF9C00  }
0x14e: {  	[hbm4b:s29+s2] =	stream.linear.scatter [tilespmem:s12], [sflag:$0x8], $0x6400, $0x38;
	[tilespmem:$0x1A900] =	vst v63  }
0x14f: {  	_ =	swait.ge [sflag:s10], $0x6400  }
0x150: {  	[sflag:s10] =	ssyncset.done $0x0  }
0x151: {  	[sflag:s10] =	ssyncadd.s32 $0xFFFF9C00  }
0x152: {  	_ =	swait.ge [sflag:s8], $0x6400  }
0x153: {  	[sflag:s8] =	ssyncset.done $0x0  }
0x154: {  	s30 =	simm.s32 $0x12C0;
	[sflag:s8] =	ssyncadd.s32 $0xFFFF9C00  }
0x155: {  	[tilespmem:s14], [sflag:$0x2] =	stream.indirect.gather [hbm4b:s3+s7], $0x40, s30, s7, $0xb8;
	[tilespmem:$0x1A900] =	vst v63  }
0x156: {  	_ = 	snop  }
0x157: {  	[tilespmem:s12], [sflag:$0x4] =	stream.indirect.gather [hbm4b:s4+s7], $0x40, s30, s7, $0xb8;
	[tilespmem:$0x1A900] =	vst v63  }
0x158: {  	_ =	swait.ge [sflag:s15], $0x6400  }
0x159: {  	s31 =	sld [smem:$0x7F4]  }
0x15a: {  	[sflag:s15] =	ssyncset.done $0x0  }
0x15b: {  	[sflag:s15] =	ssyncadd.s32 $0xFFFF9C00  }
0x15c: {  	[hbm4b:s31+s2] =	stream.linear.scatter [tilespmem:s11], [sflag:$0x7], $0x6400, $0x38;
	[tilespmem:$0x1A900] =	vst v63  }
0x15d: {  	_ =	swait.ge [sflag:s13], $0x6400  }
0x15e: {  	s1 =	sld [smem:$0x7F5]  }
0x15f: {  	[sflag:s13] =	ssyncset.done $0x0  }
0x160: {  	[sflag:s13] =	ssyncadd.s32 $0xFFFF9C00  }
0x161: {  	[hbm4b:s1+s2] =	stream.linear.scatter [tilespmem:s6], [sflag:$0x9], $0x6400, $0x38;
	[tilespmem:$0x1A900] =	vst v63  }
0x162: {  	_ =	swait.ge [sflag:s9], $0x6400  }
0x163: {  	[sflag:s9] =	ssyncset.done $0x0  }
0x164: {  	[sflag:s9] =	ssyncadd.s32 $0xFFFF9C00  }
0x165: {  	_ =	swait.ge [sflag:s5], $0x6400  }
0x166: {  	[sflag:s5] =	ssyncset.done $0x0  }
0x167: {  	s16 =	simm.s32 $0x1450;
	[sflag:s5] =	ssyncadd.s32 $0xFFFF9C00  }
0x168: {  	[tilespmem:s11], [sflag:$0x3] =	stream.indirect.gather [hbm4b:s3+s7], $0x40, s16, s7, $0xb8;
	[tilespmem:$0x1A900] =	vst v63  }
0x169: {  	_ = 	snop  }
0x16a: {  	[tilespmem:s6], [sflag:$0x5] =	stream.indirect.gather [hbm4b:s4+s7], $0x40, s16, s7, $0xb8;
	[tilespmem:$0x1A900] =	vst v63  }
0x16b: {  	_ =	swait.ge [sflag:s18], $0x6400  }
0x16c: {  	s22 =	sld [smem:$0x7F6]  }
0x16d: {  	[sflag:s18] =	ssyncset.done $0x0  }
0x16e: {  	[sflag:s18] =	ssyncadd.s32 $0xFFFF9C00  }
0x16f: {  	[hbm4b:s22+s2] =	stream.linear.scatter [tilespmem:s14], [sflag:$0x6], $0x6400, $0x38;
	[tilespmem:$0x1A900] =	vst v63  }
0x170: {  	_ =	swait.ge [sflag:s17], $0x6400  }
0x171: {  	s23 =	sld [smem:$0x7F7]  }
0x172: {  	[sflag:s17] =	ssyncset.done $0x0  }
0x173: {  	[sflag:s17] =	ssyncadd.s32 $0xFFFF9C00  }
0x174: {  	[hbm4b:s23+s2] =	stream.linear.scatter [tilespmem:s12], [sflag:$0x8], $0x6400, $0x38;
	[tilespmem:$0x1A900] =	vst v63  }
0x175: {  	_ =	swait.ge [sflag:s10], $0x6400  }
0x176: {  	[sflag:s10] =	ssyncset.done $0x0  }
0x177: {  	[sflag:s10] =	ssyncadd.s32 $0xFFFF9C00  }
0x178: {  	_ =	swait.ge [sflag:s8], $0x6400  }
0x179: {  	[sflag:s8] =	ssyncset.done $0x0  }
0x17a: {  	s24 =	simm.s32 $0x15E0;
	[sflag:s8] =	ssyncadd.s32 $0xFFFF9C00  }
0x17b: {  	[tilespmem:s14], [sflag:$0x2] =	stream.indirect.gather [hbm4b:s3+s7], $0x40, s24, s7, $0xb8;
	[tilespmem:$0x1A900] =	vst v63  }
0x17c: {  	_ = 	snop  }
0x17d: {  	[tilespmem:s12], [sflag:$0x4] =	stream.indirect.gather [hbm4b:s4+s7], $0x40, s24, s7, $0xb8;
	[tilespmem:$0x1A900] =	vst v63  }
0x17e: {  	_ =	swait.ge [sflag:s15], $0x6400  }
0x17f: {  	s25 =	sld [smem:$0x7F8]  }
0x180: {  	[sflag:s15] =	ssyncset.done $0x0  }
0x181: {  	[sflag:s15] =	ssyncadd.s32 $0xFFFF9C00  }
0x182: {  	[hbm4b:s25+s2] =	stream.linear.scatter [tilespmem:s11], [sflag:$0x7], $0x6400, $0x38;
	[tilespmem:$0x1A900] =	vst v63  }
0x183: {  	_ =	swait.ge [sflag:s13], $0x6400  }
0x184: {  	s26 =	sld [smem:$0x7F9]  }
0x185: {  	[sflag:s13] =	ssyncset.done $0x0  }
0x186: {  	[sflag:s13] =	ssyncadd.s32 $0xFFFF9C00  }
0x187: {  	[hbm4b:s26+s2] =	stream.linear.scatter [tilespmem:s6], [sflag:$0x9], $0x6400, $0x38;
	[tilespmem:$0x1A900] =	vst v63  }
0x188: {  	_ =	swait.ge [sflag:s9], $0x6400  }
0x189: {  	[sflag:s9] =	ssyncset.done $0x0  }
0x18a: {  	[sflag:s9] =	ssyncadd.s32 $0xFFFF9C00  }
0x18b: {  	_ =	swait.ge [sflag:s5], $0x6400  }
0x18c: {  	[sflag:s5] =	ssyncset.done $0x0  }
0x18d: {  	[sflag:s5] =	ssyncadd.s32 $0xFFFF9C00  }
0x18e: {  	[tilespmem:s11], [sflag:$0x3] =	stream.indirect.gather [hbm4b:s3+s7], $0x40, s19, s7, $0xb8;
	[tilespmem:$0x1A900] =	vst v63  }
0x18f: {  	_ = 	snop  }
0x190: {  	[tilespmem:s6], [sflag:$0x5] =	stream.indirect.gather [hbm4b:s4+s7], $0x40, s19, s7, $0xb8;
	[tilespmem:$0x1A900] =	vst v63  }
0x191: {  	_ =	swait.ge [sflag:s18], $0x6400  }
0x192: {  	s28 =	sld [smem:$0x7FA]  }
0x193: {  	[sflag:s18] =	ssyncset.done $0x0  }
0x194: {  	[sflag:s18] =	ssyncadd.s32 $0xFFFF9C00  }
0x195: {  	[hbm4b:s28+s2] =	stream.linear.scatter [tilespmem:s14], [sflag:$0x6], $0x6400, $0x38;
	[tilespmem:$0x1A900] =	vst v63  }
0x196: {  	_ =	swait.ge [sflag:s17], $0x6400  }
0x197: {  	s29 =	sld [smem:$0x7FB]  }
0x198: {  	[sflag:s17] =	ssyncset.done $0x0  }
0x199: {  	[sflag:s17] =	ssyncadd.s32 $0xFFFF9C00  }
0x19a: {  	[hbm4b:s29+s2] =	stream.linear.scatter [tilespmem:s12], [sflag:$0x8], $0x6400, $0x38;
	[tilespmem:$0x1A900] =	vst v63  }
0x19b: {  	_ =	swait.ge [sflag:s15], $0x6400  }
0x19c: {  	s30 =	sld [smem:$0x7FC]  }
0x19d: {  	[sflag:s15] =	ssyncset.done $0x0  }
0x19e: {  	[sflag:s15] =	ssyncadd.s32 $0xFFFF9C00  }
0x19f: {  	[hbm4b:s30+s2] =	stream.linear.scatter [tilespmem:s11], [sflag:$0x7], $0x6400, $0x38;
	[tilespmem:$0x1A900] =	vst v63  }
0x1a0: {  	_ =	swait.ge [sflag:s13], $0x6400  }
0x1a1: {  	s31 =	sld [smem:$0x7FD]  }
0x1a2: {  	[sflag:s13] =	ssyncset.done $0x0  }
0x1a3: {  	[sflag:s13] =	ssyncadd.s32 $0xFFFF9C00  }
0x1a4: {  	[hbm4b:s31+s2] =	stream.linear.scatter [tilespmem:s6], [sflag:$0x9], $0x6400, $0x38;
	[tilespmem:$0x1A900] =	vst v63  }
0x1a5: {  	_ =	swait.ge [sflag:s10], $0x6400  }
0x1a6: {  	[sflag:s10] =	ssyncset.done $0x0  }
0x1a7: {  	[sflag:s10] =	ssyncadd.s32 $0xFFFF9C00  }
0x1a8: {  	_ =	swait.ge [sflag:s8], $0x6400  }
0x1a9: {  	[sflag:s8] =	ssyncset.done $0x0  }
0x1aa: {  	p1 =	sne.s32 s21, $0x1;
	[sflag:s8] =	ssyncadd.s32 $0xFFFF9C00  }
.Ltmp1:
0x1ab: {  	_ =	swait.ge [sflag:s9], $0x6400;
	(pc) =	sbr.rel @!p1 .LBB2_4-.Ltmp1, $4  }
0x1ac: {  	[sflag:s9] =	ssyncset.done $0x0  }
0x1ad: {  	[sflag:s9] =	ssyncadd.s32 $0xFFFF9C00  }
0x1ae: {  	p0 =	por $0x1, $0x1;
	_ =	swait.ge [sflag:s5], $0x6400  }
0x1af: {  	s16 =	sadd.s32 $0xFFFFFFFF, s21;
	s19 =	rddreg [dreg:$0x3];
	[sflag:s5] =	ssyncset.done $0x0  }
0x1b0: {  	s23 =	simm.s32 $0x4B0;
	s24 =	simm.s32 $0x7D0;
	s22 =	simm.s32 $0x960  }
0x1b1: {  	s31 =	simm.s32 $0xAF0;
	s30 =	simm.s32 $0xC80;
	s29 =	simm.s32 $0xE10  }
0x1b2: {  	s28 =	simm.s32 $0xFA0;
	s26 =	simm.s32 $0x1130;
	s25 =	simm.s32 $0x12C0  }
.LBB2_3:
0x1b3: {  	[sflag:s5] =	ssyncadd.s32 $0xFFFF9C00  }
0x1b4: {  	[tilespmem:s2], [sflag:$0x1] =	stream.linear.gather [hbm4b:s19+s2], $0x190, $0x38;
	[tilespmem:$0x1A900] =	vst v63  }
0x1b5: {  	s20 =	rddreg [dreg:$0x4]  }
0x1b6: {  	[tilespmem:s7], [sflag:$0x1] =	stream.linear.gather [hbm4b:s20+s2], $0x190, $0x38;
	[tilespmem:$0x1A900] =	vst v63  }
0x1b7: {  	s1 =	simm.s32 $0x320;
	s21 =	rddreg [dreg:$0x5]  }
0x1b8: {  	[tilespmem:s1], [sflag:$0x1] =	stream.linear.gather [hbm4b:s21+s2], $0x190, $0x38;
	[tilespmem:$0x1A900] =	vst v63  }
0x1b9: {  	s20 =	rddreg [dreg:$0x6]  }
0x1ba: {  	[tilespmem:s23], [sflag:$0x1] =	stream.linear.gather [hbm4b:s20+s2], $0x190, $0x38;
	[tilespmem:$0x1A900] =	vst v63  }
0x1bb: {  	s21 =	rddreg [dreg:$0x7];
	s1 =	simm.s32 $0x640  }
0x1bc: {  	[tilespmem:s1], [sflag:$0x1] =	stream.linear.gather [hbm4b:s21+s2], $0x190, $0x38;
	[tilespmem:$0x1A900] =	vst v63  }
0x1bd: {  	s20 =	rddreg [dreg:$0x8]  }
0x1be: {  	[tilespmem:s24], [sflag:$0x1] =	stream.linear.gather [hbm4b:s20+s2], $0x190, $0x38;
	[tilespmem:$0x1A900] =	vst v63  }
0x1bf: {  	s21 =	rddreg [dreg:$0x9]  }
0x1c0: {  	[tilespmem:s22], [sflag:$0x1] =	stream.linear.gather [hbm4b:s21+s2], $0x190, $0x38;
	[tilespmem:$0x1A900] =	vst v63  }
0x1c1: {  	s20 =	rddreg [dreg:$0xa]  }
0x1c2: {  	[tilespmem:s31], [sflag:$0x1] =	stream.linear.gather [hbm4b:s20+s2], $0x190, $0x38;
	[tilespmem:$0x1A900] =	vst v63  }
0x1c3: {  	s21 =	rddreg [dreg:$0xb]  }
0x1c4: {  	[tilespmem:s30], [sflag:$0x1] =	stream.linear.gather [hbm4b:s21+s2], $0x190, $0x38;
	[tilespmem:$0x1A900] =	vst v63  }
0x1c5: {  	s20 =	rddreg [dreg:$0xc]  }
0x1c6: {  	[tilespmem:s29], [sflag:$0x1] =	stream.linear.gather [hbm4b:s20+s2], $0x190, $0x38;
	[tilespmem:$0x1A900] =	vst v63  }
0x1c7: {  	s21 =	rddreg [dreg:$0xd]  }
0x1c8: {  	[tilespmem:s28], [sflag:$0x1] =	stream.linear.gather [hbm4b:s21+s2], $0x190, $0x38;
	[tilespmem:$0x1A900] =	vst v63  }
0x1c9: {  	s20 =	rddreg [dreg:$0xe]  }
0x1ca: {  	[tilespmem:s26], [sflag:$0x1] =	stream.linear.gather [hbm4b:s20+s2], $0x190, $0x38;
	[tilespmem:$0x1A900] =	vst v63  }
0x1cb: {  	s21 =	rddreg [dreg:$0xf]  }
0x1cc: {  	[tilespmem:s25], [sflag:$0x1] =	stream.linear.gather [hbm4b:s21+s2], $0x190, $0x38;
	[tilespmem:$0x1A900] =	vst v63  }
0x1cd: {  	s20 =	rddreg [dreg:$0x10];
	s21 =	simm.s32 $0x1450  }
0x1ce: {  	[tilespmem:s21], [sflag:$0x1] =	stream.linear.gather [hbm4b:s20+s2], $0x190, $0x38;
	[tilespmem:$0x1A900] =	vst v63  }
0x1cf: {  	s19 =	rddreg [dreg:$0x11];
	s21 =	simm.s32 $0x15E0  }
0x1d0: {  	[tilespmem:s21], [sflag:$0x1] =	stream.linear.gather [hbm4b:s19+s2], $0x190, $0x38;
	[tilespmem:$0x1A900] =	vst v63  }
0x1d1: {  	s20 =	rddreg [dreg:$0x12];
	s19 =	simm.s32 $0x1770  }
0x1d2: {  	[tilespmem:s19], [sflag:$0x1] =	stream.linear.gather [hbm4b:s20+s2], $0x190, $0x38;
	[tilespmem:$0x1A900] =	vst v63  }
0x1d3: {  	_ =	swait.ge [sflag:s0], $0x190  }
0x1d4: {  	[sflag:s0] =	ssyncset.done $0x0  }
0x1d5: {  	[sflag:s0] =	ssyncadd.s32 $0xFFFFFE70  }
0x1d6: {  	_ =	swait.ge [sflag:s0], $0x190  }
0x1d7: {  	[sflag:s0] =	ssyncset.done $0x0  }
0x1d8: {  	[sflag:s0] =	ssyncadd.s32 $0xFFFFFE70  }
0x1d9: {  	_ =	swait.ge [sflag:s0], $0x190  }
0x1da: {  	[sflag:s0] =	ssyncset.done $0x0  }
0x1db: {  	[sflag:s0] =	ssyncadd.s32 $0xFFFFFE70  }
0x1dc: {  	_ =	swait.ge [sflag:s0], $0x190  }
0x1dd: {  	[sflag:s0] =	ssyncset.done $0x0  }
0x1de: {  	[sflag:s0] =	ssyncadd.s32 $0xFFFFFE70  }
0x1df: {  	_ =	swait.ge [sflag:s0], $0x190  }
0x1e0: {  	[sflag:s0] =	ssyncset.done $0x0  }
0x1e1: {  	[sflag:s0] =	ssyncadd.s32 $0xFFFFFE70  }
0x1e2: {  	_ =	swait.ge [sflag:s0], $0x190  }
0x1e3: {  	[sflag:s0] =	ssyncset.done $0x0  }
0x1e4: {  	[sflag:s0] =	ssyncadd.s32 $0xFFFFFE70  }
0x1e5: {  	_ =	swait.ge [sflag:s0], $0x190  }
0x1e6: {  	[sflag:s0] =	ssyncset.done $0x0  }
0x1e7: {  	[sflag:s0] =	ssyncadd.s32 $0xFFFFFE70  }
0x1e8: {  	_ =	swait.ge [sflag:s0], $0x190  }
0x1e9: {  	[sflag:s0] =	ssyncset.done $0x0  }
0x1ea: {  	[sflag:s0] =	ssyncadd.s32 $0xFFFFFE70  }
0x1eb: {  	_ =	swait.ge [sflag:s0], $0x190  }
0x1ec: {  	[sflag:s0] =	ssyncset.done $0x0  }
0x1ed: {  	[sflag:s0] =	ssyncadd.s32 $0xFFFFFE70  }
0x1ee: {  	_ =	swait.ge [sflag:s0], $0x190  }
0x1ef: {  	[sflag:s0] =	ssyncset.done $0x0  }
0x1f0: {  	[sflag:s0] =	ssyncadd.s32 $0xFFFFFE70  }
0x1f1: {  	_ =	swait.ge [sflag:s0], $0x190  }
0x1f2: {  	[sflag:s0] =	ssyncset.done $0x0  }
0x1f3: {  	[sflag:s0] =	ssyncadd.s32 $0xFFFFFE70  }
0x1f4: {  	_ =	swait.ge [sflag:s0], $0x190  }
0x1f5: {  	[sflag:s0] =	ssyncset.done $0x0  }
0x1f6: {  	[sflag:s0] =	ssyncadd.s32 $0xFFFFFE70  }
0x1f7: {  	_ =	swait.ge [sflag:s0], $0x190  }
0x1f8: {  	[sflag:s0] =	ssyncset.done $0x0  }
0x1f9: {  	[sflag:s0] =	ssyncadd.s32 $0xFFFFFE70  }
0x1fa: {  	_ =	swait.ge [sflag:s0], $0x190  }
0x1fb: {  	[sflag:s0] =	ssyncset.done $0x0  }
0x1fc: {  	[sflag:s0] =	ssyncadd.s32 $0xFFFFFE70  }
0x1fd: {  	_ =	swait.ge [sflag:s0], $0x190  }
0x1fe: {  	[sflag:s0] =	ssyncset.done $0x0  }
0x1ff: {  	[sflag:s0] =	ssyncadd.s32 $0xFFFFFE70  }
0x200: {  	_ =	swait.ge [sflag:s0], $0x190  }
0x201: {  	[sflag:s0] =	ssyncset.done $0x0  }
0x202: {  	[sflag:s0] =	ssyncadd.s32 $0xFFFFFE70  }
0x203: {  	[tilespmem:s14], [sflag:$0x2] =	stream.indirect.gather [hbm4b:s3+s7], $0x40, s2, s7, $0xb8;
	[tilespmem:$0x1A900] =	vst v63  }
0x204: {  	_ = 	snop  }
0x205: {  	[tilespmem:s12], [sflag:$0x4] =	stream.indirect.gather [hbm4b:s4+s7], $0x40, s2, s7, $0xb8;
	[tilespmem:$0x1A900] =	vst v63  }
0x206: {  	_ = 	snop  }
0x207: {  	[tilespmem:s11], [sflag:$0x3] =	stream.indirect.gather [hbm4b:s3+s7], $0x40, s7, s7, $0xb8;
	[tilespmem:$0x1A900] =	vst v63  }
0x208: {  	_ = 	snop  }
0x209: {  	[tilespmem:s6], [sflag:$0x5] =	stream.indirect.gather [hbm4b:s4+s7], $0x40, s7, s7, $0xb8;
	[tilespmem:$0x1A900] =	vst v63  }
0x20a: {  	_ =	swait.ge [sflag:s18], $0x6400  }
0x20b: {  	[sflag:s18] =	ssyncset.done $0x0  }
0x20c: {  	s19 =	rddreg [dreg:$0x13];
	[sflag:s18] =	ssyncadd.s32 $0xFFFF9C00  }
0x20d: {  	[hbm4b:s19+s2] =	stream.linear.scatter [tilespmem:s14], [sflag:$0x6], $0x6400, $0x38;
	[tilespmem:$0x1A900] =	vst v63  }
0x20e: {  	_ =	swait.ge [sflag:s17], $0x6400  }
0x20f: {  	[sflag:s17] =	ssyncset.done $0x0  }
0x210: {  	s19 =	rddreg [dreg:$0x14];
	[sflag:s17] =	ssyncadd.s32 $0xFFFF9C00  }
0x211: {  	[hbm4b:s19+s2] =	stream.linear.scatter [tilespmem:s12], [sflag:$0x8], $0x6400, $0x38;
	[tilespmem:$0x1A900] =	vst v63  }
0x212: {  	_ =	swait.ge [sflag:s10], $0x6400  }
0x213: {  	[sflag:s10] =	ssyncset.done $0x0  }
0x214: {  	[sflag:s10] =	ssyncadd.s32 $0xFFFF9C00  }
0x215: {  	_ =	swait.ge [sflag:s8], $0x6400  }
0x216: {  	[sflag:s8] =	ssyncset.done $0x0  }
0x217: {  	s20 =	simm.s32 $0x320;
	[sflag:s8] =	ssyncadd.s32 $0xFFFF9C00  }
0x218: {  	[tilespmem:s14], [sflag:$0x2] =	stream.indirect.gather [hbm4b:s3+s7], $0x40, s20, s7, $0xb8;
	[tilespmem:$0x1A900] =	vst v63  }
0x219: {  	_ = 	snop  }
0x21a: {  	[tilespmem:s12], [sflag:$0x4] =	stream.indirect.gather [hbm4b:s4+s7], $0x40, s20, s7, $0xb8;
	[tilespmem:$0x1A900] =	vst v63  }
0x21b: {  	_ =	swait.ge [sflag:s15], $0x6400  }
0x21c: {  	[sflag:s15] =	ssyncset.done $0x0  }
0x21d: {  	s19 =	rddreg [dreg:$0x15];
	[sflag:s15] =	ssyncadd.s32 $0xFFFF9C00  }
0x21e: {  	[hbm4b:s19+s2] =	stream.linear.scatter [tilespmem:s11], [sflag:$0x7], $0x6400, $0x38;
	[tilespmem:$0x1A900] =	vst v63  }
0x21f: {  	_ =	swait.ge [sflag:s13], $0x6400  }
0x220: {  	[sflag:s13] =	ssyncset.done $0x0  }
0x221: {  	s19 =	rddreg [dreg:$0x16];
	[sflag:s13] =	ssyncadd.s32 $0xFFFF9C00  }
0x222: {  	[hbm4b:s19+s2] =	stream.linear.scatter [tilespmem:s6], [sflag:$0x9], $0x6400, $0x38;
	[tilespmem:$0x1A900] =	vst v63  }
0x223: {  	_ =	swait.ge [sflag:s9], $0x6400  }
0x224: {  	[sflag:s9] =	ssyncset.done $0x0  }
0x225: {  	[sflag:s9] =	ssyncadd.s32 $0xFFFF9C00  }
0x226: {  	_ =	swait.ge [sflag:s5], $0x6400  }
0x227: {  	[sflag:s5] =	ssyncset.done $0x0  }
0x228: {  	[sflag:s5] =	ssyncadd.s32 $0xFFFF9C00  }
0x229: {  	[tilespmem:s11], [sflag:$0x3] =	stream.indirect.gather [hbm4b:s3+s7], $0x40, s23, s7, $0xb8;
	[tilespmem:$0x1A900] =	vst v63  }
0x22a: {  	_ = 	snop  }
0x22b: {  	[tilespmem:s6], [sflag:$0x5] =	stream.indirect.gather [hbm4b:s4+s7], $0x40, s23, s7, $0xb8;
	[tilespmem:$0x1A900] =	vst v63  }
0x22c: {  	_ =	swait.ge [sflag:s18], $0x6400  }
0x22d: {  	[sflag:s18] =	ssyncset.done $0x0  }
0x22e: {  	s19 =	rddreg [dreg:$0x17];
	[sflag:s18] =	ssyncadd.s32 $0xFFFF9C00  }
0x22f: {  	[hbm4b:s19+s2] =	stream.linear.scatter [tilespmem:s14], [sflag:$0x6], $0x6400, $0x38;
	[tilespmem:$0x1A900] =	vst v63  }
0x230: {  	_ =	swait.ge [sflag:s17], $0x6400  }
0x231: {  	[sflag:s17] =	ssyncset.done $0x0  }
0x232: {  	s19 =	rddreg [dreg:$0x18];
	[sflag:s17] =	ssyncadd.s32 $0xFFFF9C00  }
0x233: {  	[hbm4b:s19+s2] =	stream.linear.scatter [tilespmem:s12], [sflag:$0x8], $0x6400, $0x38;
	[tilespmem:$0x1A900] =	vst v63  }
0x234: {  	_ =	swait.ge [sflag:s10], $0x6400  }
0x235: {  	[sflag:s10] =	ssyncset.done $0x0  }
0x236: {  	[sflag:s10] =	ssyncadd.s32 $0xFFFF9C00  }
0x237: {  	_ =	swait.ge [sflag:s8], $0x6400  }
0x238: {  	[sflag:s8] =	ssyncset.done $0x0  }
0x239: {  	[sflag:s8] =	ssyncadd.s32 $0xFFFF9C00  }
0x23a: {  	[tilespmem:s14], [sflag:$0x2] =	stream.indirect.gather [hbm4b:s3+s7], $0x40, s1, s7, $0xb8;
	[tilespmem:$0x1A900] =	vst v63  }
0x23b: {  	_ = 	snop  }
0x23c: {  	[tilespmem:s12], [sflag:$0x4] =	stream.indirect.gather [hbm4b:s4+s7], $0x40, s1, s7, $0xb8;
	[tilespmem:$0x1A900] =	vst v63  }
0x23d: {  	_ =	swait.ge [sflag:s15], $0x6400  }
0x23e: {  	[sflag:s15] =	ssyncset.done $0x0  }
0x23f: {  	s1 =	rddreg [dreg:$0x19];
	[sflag:s15] =	ssyncadd.s32 $0xFFFF9C00  }
0x240: {  	[hbm4b:s1+s2] =	stream.linear.scatter [tilespmem:s11], [sflag:$0x7], $0x6400, $0x38;
	[tilespmem:$0x1A900] =	vst v63  }
0x241: {  	_ =	swait.ge [sflag:s13], $0x6400  }
0x242: {  	[sflag:s13] =	ssyncset.done $0x0  }
0x243: {  	s1 =	rddreg [dreg:$0x1a];
	[sflag:s13] =	ssyncadd.s32 $0xFFFF9C00  }
0x244: {  	[hbm4b:s1+s2] =	stream.linear.scatter [tilespmem:s6], [sflag:$0x9], $0x6400, $0x38;
	[tilespmem:$0x1A900] =	vst v63  }
0x245: {  	_ =	swait.ge [sflag:s9], $0x6400  }
0x246: {  	[sflag:s9] =	ssyncset.done $0x0  }
0x247: {  	[sflag:s9] =	ssyncadd.s32 $0xFFFF9C00  }
0x248: {  	_ =	swait.ge [sflag:s5], $0x6400  }
0x249: {  	[sflag:s5] =	ssyncset.done $0x0  }
0x24a: {  	[sflag:s5] =	ssyncadd.s32 $0xFFFF9C00  }
0x24b: {  	[tilespmem:s11], [sflag:$0x3] =	stream.indirect.gather [hbm4b:s3+s7], $0x40, s24, s7, $0xb8;
	[tilespmem:$0x1A900] =	vst v63  }
0x24c: {  	_ = 	snop  }
0x24d: {  	[tilespmem:s6], [sflag:$0x5] =	stream.indirect.gather [hbm4b:s4+s7], $0x40, s24, s7, $0xb8;
	[tilespmem:$0x1A900] =	vst v63  }
0x24e: {  	_ =	swait.ge [sflag:s18], $0x6400  }
0x24f: {  	[sflag:s18] =	ssyncset.done $0x0  }
0x250: {  	s1 =	rddreg [dreg:$0x1b];
	[sflag:s18] =	ssyncadd.s32 $0xFFFF9C00  }
0x251: {  	[hbm4b:s1+s2] =	stream.linear.scatter [tilespmem:s14], [sflag:$0x6], $0x6400, $0x38;
	[tilespmem:$0x1A900] =	vst v63  }
0x252: {  	_ =	swait.ge [sflag:s17], $0x6400  }
0x253: {  	[sflag:s17] =	ssyncset.done $0x0  }
0x254: {  	s1 =	rddreg [dreg:$0x1c];
	[sflag:s17] =	ssyncadd.s32 $0xFFFF9C00  }
0x255: {  	[hbm4b:s1+s2] =	stream.linear.scatter [tilespmem:s12], [sflag:$0x8], $0x6400, $0x38;
	[tilespmem:$0x1A900] =	vst v63  }
0x256: {  	_ =	swait.ge [sflag:s10], $0x6400  }
0x257: {  	[sflag:s10] =	ssyncset.done $0x0  }
0x258: {  	[sflag:s10] =	ssyncadd.s32 $0xFFFF9C00  }
0x259: {  	_ =	swait.ge [sflag:s8], $0x6400  }
0x25a: {  	[sflag:s8] =	ssyncset.done $0x0  }
0x25b: {  	[sflag:s8] =	ssyncadd.s32 $0xFFFF9C00  }
0x25c: {  	[tilespmem:s14], [sflag:$0x2] =	stream.indirect.gather [hbm4b:s3+s7], $0x40, s22, s7, $0xb8;
	[tilespmem:$0x1A900] =	vst v63  }
0x25d: {  	_ = 	snop  }
0x25e: {  	[tilespmem:s12], [sflag:$0x4] =	stream.indirect.gather [hbm4b:s4+s7], $0x40, s22, s7, $0xb8;
	[tilespmem:$0x1A900] =	vst v63  }
0x25f: {  	_ =	swait.ge [sflag:s15], $0x6400  }
0x260: {  	[sflag:s15] =	ssyncset.done $0x0  }
0x261: {  	s1 =	rddreg [dreg:$0x1d];
	[sflag:s15] =	ssyncadd.s32 $0xFFFF9C00  }
0x262: {  	[hbm4b:s1+s2] =	stream.linear.scatter [tilespmem:s11], [sflag:$0x7], $0x6400, $0x38;
	[tilespmem:$0x1A900] =	vst v63  }
0x263: {  	_ =	swait.ge [sflag:s13], $0x6400  }
0x264: {  	[sflag:s13] =	ssyncset.done $0x0  }
0x265: {  	s1 =	rddreg [dreg:$0x1e];
	[sflag:s13] =	ssyncadd.s32 $0xFFFF9C00  }
0x266: {  	[hbm4b:s1+s2] =	stream.linear.scatter [tilespmem:s6], [sflag:$0x9], $0x6400, $0x38;
	[tilespmem:$0x1A900] =	vst v63  }
0x267: {  	_ =	swait.ge [sflag:s9], $0x6400  }
0x268: {  	[sflag:s9] =	ssyncset.done $0x0  }
0x269: {  	[sflag:s9] =	ssyncadd.s32 $0xFFFF9C00  }
0x26a: {  	_ =	swait.ge [sflag:s5], $0x6400  }
0x26b: {  	[sflag:s5] =	ssyncset.done $0x0  }
0x26c: {  	[sflag:s5] =	ssyncadd.s32 $0xFFFF9C00  }
0x26d: {  	[tilespmem:s11], [sflag:$0x3] =	stream.indirect.gather [hbm4b:s3+s7], $0x40, s31, s7, $0xb8;
	[tilespmem:$0x1A900] =	vst v63  }
0x26e: {  	_ = 	snop  }
0x26f: {  	[tilespmem:s6], [sflag:$0x5] =	stream.indirect.gather [hbm4b:s4+s7], $0x40, s31, s7, $0xb8;
	[tilespmem:$0x1A900] =	vst v63  }
0x270: {  	_ =	swait.ge [sflag:s18], $0x6400  }
0x271: {  	[sflag:s18] =	ssyncset.done $0x0  }
0x272: {  	s1 =	rddreg [dreg:$0x1f];
	[sflag:s18] =	ssyncadd.s32 $0xFFFF9C00  }
0x273: {  	[hbm4b:s1+s2] =	stream.linear.scatter [tilespmem:s14], [sflag:$0x6], $0x6400, $0x38;
	[tilespmem:$0x1A900] =	vst v63  }
0x274: {  	_ =	swait.ge [sflag:s17], $0x6400  }
0x275: {  	s1 =	sld [smem:$0x7EB]  }
0x276: {  	[sflag:s17] =	ssyncset.done $0x0  }
0x277: {  	[sflag:s17] =	ssyncadd.s32 $0xFFFF9C00  }
0x278: {  	[hbm4b:s1+s2] =	stream.linear.scatter [tilespmem:s12], [sflag:$0x8], $0x6400, $0x38;
	[tilespmem:$0x1A900] =	vst v63  }
0x279: {  	_ =	swait.ge [sflag:s10], $0x6400  }
0x27a: {  	[sflag:s10] =	ssyncset.done $0x0  }
0x27b: {  	[sflag:s10] =	ssyncadd.s32 $0xFFFF9C00  }
0x27c: {  	_ =	swait.ge [sflag:s8], $0x6400  }
0x27d: {  	[sflag:s8] =	ssyncset.done $0x0  }
0x27e: {  	[sflag:s8] =	ssyncadd.s32 $0xFFFF9C00  }
0x27f: {  	[tilespmem:s14], [sflag:$0x2] =	stream.indirect.gather [hbm4b:s3+s7], $0x40, s30, s7, $0xb8;
	[tilespmem:$0x1A900] =	vst v63  }
0x280: {  	_ = 	snop  }
0x281: {  	[tilespmem:s12], [sflag:$0x4] =	stream.indirect.gather [hbm4b:s4+s7], $0x40, s30, s7, $0xb8;
	[tilespmem:$0x1A900] =	vst v63  }
0x282: {  	_ =	swait.ge [sflag:s15], $0x6400  }
0x283: {  	s1 =	sld [smem:$0x7EC]  }
0x284: {  	[sflag:s15] =	ssyncset.done $0x0  }
0x285: {  	[sflag:s15] =	ssyncadd.s32 $0xFFFF9C00  }
0x286: {  	[hbm4b:s1+s2] =	stream.linear.scatter [tilespmem:s11], [sflag:$0x7], $0x6400, $0x38;
	[tilespmem:$0x1A900] =	vst v63  }
0x287: {  	_ =	swait.ge [sflag:s13], $0x6400  }
0x288: {  	s1 =	sld [smem:$0x7ED]  }
0x289: {  	[sflag:s13] =	ssyncset.done $0x0  }
0x28a: {  	[sflag:s13] =	ssyncadd.s32 $0xFFFF9C00  }
0x28b: {  	[hbm4b:s1+s2] =	stream.linear.scatter [tilespmem:s6], [sflag:$0x9], $0x6400, $0x38;
	[tilespmem:$0x1A900] =	vst v63  }
0x28c: {  	_ =	swait.ge [sflag:s9], $0x6400  }
0x28d: {  	[sflag:s9] =	ssyncset.done $0x0  }
0x28e: {  	[sflag:s9] =	ssyncadd.s32 $0xFFFF9C00  }
0x28f: {  	_ =	swait.ge [sflag:s5], $0x6400  }
0x290: {  	[sflag:s5] =	ssyncset.done $0x0  }
0x291: {  	[sflag:s5] =	ssyncadd.s32 $0xFFFF9C00  }
0x292: {  	[tilespmem:s11], [sflag:$0x3] =	stream.indirect.gather [hbm4b:s3+s7], $0x40, s29, s7, $0xb8;
	[tilespmem:$0x1A900] =	vst v63  }
0x293: {  	_ = 	snop  }
0x294: {  	[tilespmem:s6], [sflag:$0x5] =	stream.indirect.gather [hbm4b:s4+s7], $0x40, s29, s7, $0xb8;
	[tilespmem:$0x1A900] =	vst v63  }
0x295: {  	_ =	swait.ge [sflag:s18], $0x6400  }
0x296: {  	s1 =	sld [smem:$0x7EE]  }
0x297: {  	[sflag:s18] =	ssyncset.done $0x0  }
0x298: {  	[sflag:s18] =	ssyncadd.s32 $0xFFFF9C00  }
0x299: {  	[hbm4b:s1+s2] =	stream.linear.scatter [tilespmem:s14], [sflag:$0x6], $0x6400, $0x38;
	[tilespmem:$0x1A900] =	vst v63  }
0x29a: {  	_ =	swait.ge [sflag:s17], $0x6400  }
0x29b: {  	s1 =	sld [smem:$0x7EF]  }
0x29c: {  	[sflag:s17] =	ssyncset.done $0x0  }
0x29d: {  	[sflag:s17] =	ssyncadd.s32 $0xFFFF9C00  }
0x29e: {  	[hbm4b:s1+s2] =	stream.linear.scatter [tilespmem:s12], [sflag:$0x8], $0x6400, $0x38;
	[tilespmem:$0x1A900] =	vst v63  }
0x29f: {  	_ =	swait.ge [sflag:s10], $0x6400  }
0x2a0: {  	[sflag:s10] =	ssyncset.done $0x0  }
0x2a1: {  	[sflag:s10] =	ssyncadd.s32 $0xFFFF9C00  }
0x2a2: {  	_ =	swait.ge [sflag:s8], $0x6400  }
0x2a3: {  	[sflag:s8] =	ssyncset.done $0x0  }
0x2a4: {  	[sflag:s8] =	ssyncadd.s32 $0xFFFF9C00  }
0x2a5: {  	[tilespmem:s14], [sflag:$0x2] =	stream.indirect.gather [hbm4b:s3+s7], $0x40, s28, s7, $0xb8;
	[tilespmem:$0x1A900] =	vst v63  }
0x2a6: {  	_ = 	snop  }
0x2a7: {  	[tilespmem:s12], [sflag:$0x4] =	stream.indirect.gather [hbm4b:s4+s7], $0x40, s28, s7, $0xb8;
	[tilespmem:$0x1A900] =	vst v63  }
0x2a8: {  	_ =	swait.ge [sflag:s15], $0x6400  }
0x2a9: {  	s1 =	sld [smem:$0x7F0]  }
0x2aa: {  	[sflag:s15] =	ssyncset.done $0x0  }
0x2ab: {  	[sflag:s15] =	ssyncadd.s32 $0xFFFF9C00  }
0x2ac: {  	[hbm4b:s1+s2] =	stream.linear.scatter [tilespmem:s11], [sflag:$0x7], $0x6400, $0x38;
	[tilespmem:$0x1A900] =	vst v63  }
0x2ad: {  	_ =	swait.ge [sflag:s13], $0x6400  }
0x2ae: {  	s1 =	sld [smem:$0x7F1]  }
0x2af: {  	[sflag:s13] =	ssyncset.done $0x0  }
0x2b0: {  	[sflag:s13] =	ssyncadd.s32 $0xFFFF9C00  }
0x2b1: {  	[hbm4b:s1+s2] =	stream.linear.scatter [tilespmem:s6], [sflag:$0x9], $0x6400, $0x38;
	[tilespmem:$0x1A900] =	vst v63  }
0x2b2: {  	_ =	swait.ge [sflag:s9], $0x6400  }
0x2b3: {  	[sflag:s9] =	ssyncset.done $0x0  }
0x2b4: {  	[sflag:s9] =	ssyncadd.s32 $0xFFFF9C00  }
0x2b5: {  	_ =	swait.ge [sflag:s5], $0x6400  }
0x2b6: {  	[sflag:s5] =	ssyncset.done $0x0  }
0x2b7: {  	[sflag:s5] =	ssyncadd.s32 $0xFFFF9C00  }
0x2b8: {  	[tilespmem:s11], [sflag:$0x3] =	stream.indirect.gather [hbm4b:s3+s7], $0x40, s26, s7, $0xb8;
	[tilespmem:$0x1A900] =	vst v63  }
0x2b9: {  	_ = 	snop  }
0x2ba: {  	[tilespmem:s6], [sflag:$0x5] =	stream.indirect.gather [hbm4b:s4+s7], $0x40, s26, s7, $0xb8;
	[tilespmem:$0x1A900] =	vst v63  }
0x2bb: {  	_ =	swait.ge [sflag:s18], $0x6400  }
0x2bc: {  	s1 =	sld [smem:$0x7F2]  }
0x2bd: {  	[sflag:s18] =	ssyncset.done $0x0  }
0x2be: {  	[sflag:s18] =	ssyncadd.s32 $0xFFFF9C00  }
0x2bf: {  	[hbm4b:s1+s2] =	stream.linear.scatter [tilespmem:s14], [sflag:$0x6], $0x6400, $0x38;
	[tilespmem:$0x1A900] =	vst v63  }
0x2c0: {  	_ =	swait.ge [sflag:s17], $0x6400  }
0x2c1: {  	s1 =	sld [smem:$0x7F3]  }
0x2c2: {  	[sflag:s17] =	ssyncset.done $0x0  }
0x2c3: {  	[sflag:s17] =	ssyncadd.s32 $0xFFFF9C00  }
0x2c4: {  	[hbm4b:s1+s2] =	stream.linear.scatter [tilespmem:s12], [sflag:$0x8], $0x6400, $0x38;
	[tilespmem:$0x1A900] =	vst v63  }
0x2c5: {  	_ =	swait.ge [sflag:s10], $0x6400  }
0x2c6: {  	[sflag:s10] =	ssyncset.done $0x0  }
0x2c7: {  	[sflag:s10] =	ssyncadd.s32 $0xFFFF9C00  }
0x2c8: {  	_ =	swait.ge [sflag:s8], $0x6400  }
0x2c9: {  	[sflag:s8] =	ssyncset.done $0x0  }
0x2ca: {  	[sflag:s8] =	ssyncadd.s32 $0xFFFF9C00  }
0x2cb: {  	[tilespmem:s14], [sflag:$0x2] =	stream.indirect.gather [hbm4b:s3+s7], $0x40, s25, s7, $0xb8;
	[tilespmem:$0x1A900] =	vst v63  }
0x2cc: {  	_ = 	snop  }
0x2cd: {  	[tilespmem:s12], [sflag:$0x4] =	stream.indirect.gather [hbm4b:s4+s7], $0x40, s25, s7, $0xb8;
	[tilespmem:$0x1A900] =	vst v63  }
0x2ce: {  	_ =	swait.ge [sflag:s15], $0x6400  }
0x2cf: {  	s1 =	sld [smem:$0x7F4]  }
0x2d0: {  	[sflag:s15] =	ssyncset.done $0x0  }
0x2d1: {  	[sflag:s15] =	ssyncadd.s32 $0xFFFF9C00  }
0x2d2: {  	[hbm4b:s1+s2] =	stream.linear.scatter [tilespmem:s11], [sflag:$0x7], $0x6400, $0x38;
	[tilespmem:$0x1A900] =	vst v63  }
0x2d3: {  	_ =	swait.ge [sflag:s13], $0x6400  }
0x2d4: {  	s1 =	sld [smem:$0x7F5]  }
0x2d5: {  	[sflag:s13] =	ssyncset.done $0x0  }
0x2d6: {  	[sflag:s13] =	ssyncadd.s32 $0xFFFF9C00  }
0x2d7: {  	[hbm4b:s1+s2] =	stream.linear.scatter [tilespmem:s6], [sflag:$0x9], $0x6400, $0x38;
	[tilespmem:$0x1A900] =	vst v63  }
0x2d8: {  	_ =	swait.ge [sflag:s9], $0x6400  }
0x2d9: {  	[sflag:s9] =	ssyncset.done $0x0  }
0x2da: {  	[sflag:s9] =	ssyncadd.s32 $0xFFFF9C00  }
0x2db: {  	_ =	swait.ge [sflag:s5], $0x6400  }
0x2dc: {  	[sflag:s5] =	ssyncset.done $0x0  }
0x2dd: {  	s19 =	simm.s32 $0x1450;
	[sflag:s5] =	ssyncadd.s32 $0xFFFF9C00  }
0x2de: {  	[tilespmem:s11], [sflag:$0x3] =	stream.indirect.gather [hbm4b:s3+s7], $0x40, s19, s7, $0xb8;
	[tilespmem:$0x1A900] =	vst v63  }
0x2df: {  	_ = 	snop  }
0x2e0: {  	[tilespmem:s6], [sflag:$0x5] =	stream.indirect.gather [hbm4b:s4+s7], $0x40, s19, s7, $0xb8;
	[tilespmem:$0x1A900] =	vst v63  }
0x2e1: {  	_ =	swait.ge [sflag:s18], $0x6400  }
0x2e2: {  	s1 =	sld [smem:$0x7F6]  }
0x2e3: {  	[sflag:s18] =	ssyncset.done $0x0  }
0x2e4: {  	[sflag:s18] =	ssyncadd.s32 $0xFFFF9C00  }
0x2e5: {  	[hbm4b:s1+s2] =	stream.linear.scatter [tilespmem:s14], [sflag:$0x6], $0x6400, $0x38;
	[tilespmem:$0x1A900] =	vst v63  }
0x2e6: {  	_ =	swait.ge [sflag:s17], $0x6400  }
0x2e7: {  	s1 =	sld [smem:$0x7F7]  }
0x2e8: {  	[sflag:s17] =	ssyncset.done $0x0  }
0x2e9: {  	[sflag:s17] =	ssyncadd.s32 $0xFFFF9C00  }
0x2ea: {  	[hbm4b:s1+s2] =	stream.linear.scatter [tilespmem:s12], [sflag:$0x8], $0x6400, $0x38;
	[tilespmem:$0x1A900] =	vst v63  }
0x2eb: {  	_ =	swait.ge [sflag:s10], $0x6400  }
0x2ec: {  	[sflag:s10] =	ssyncset.done $0x0  }
0x2ed: {  	[sflag:s10] =	ssyncadd.s32 $0xFFFF9C00  }
0x2ee: {  	_ =	swait.ge [sflag:s8], $0x6400  }
0x2ef: {  	[sflag:s8] =	ssyncset.done $0x0  }
0x2f0: {  	s21 =	simm.s32 $0x15E0;
	[sflag:s8] =	ssyncadd.s32 $0xFFFF9C00  }
0x2f1: {  	[tilespmem:s14], [sflag:$0x2] =	stream.indirect.gather [hbm4b:s3+s7], $0x40, s21, s7, $0xb8;
	[tilespmem:$0x1A900] =	vst v63  }
0x2f2: {  	_ = 	snop  }
0x2f3: {  	[tilespmem:s12], [sflag:$0x4] =	stream.indirect.gather [hbm4b:s4+s7], $0x40, s21, s7, $0xb8;
	[tilespmem:$0x1A900] =	vst v63  }
0x2f4: {  	_ =	swait.ge [sflag:s15], $0x6400  }
0x2f5: {  	s21 =	sld [smem:$0x7F8]  }
0x2f6: {  	[sflag:s15] =	ssyncset.done $0x0  }
0x2f7: {  	[sflag:s15] =	ssyncadd.s32 $0xFFFF9C00  }
0x2f8: {  	[hbm4b:s21+s2] =	stream.linear.scatter [tilespmem:s11], [sflag:$0x7], $0x6400, $0x38;
	[tilespmem:$0x1A900] =	vst v63  }
0x2f9: {  	_ =	swait.ge [sflag:s13], $0x6400  }
0x2fa: {  	s1 =	sld [smem:$0x7F9]  }
0x2fb: {  	[sflag:s13] =	ssyncset.done $0x0  }
0x2fc: {  	[sflag:s13] =	ssyncadd.s32 $0xFFFF9C00  }
0x2fd: {  	[hbm4b:s1+s2] =	stream.linear.scatter [tilespmem:s6], [sflag:$0x9], $0x6400, $0x38;
	[tilespmem:$0x1A900] =	vst v63  }
0x2fe: {  	_ =	swait.ge [sflag:s9], $0x6400  }
0x2ff: {  	[sflag:s9] =	ssyncset.done $0x0  }
0x300: {  	[sflag:s9] =	ssyncadd.s32 $0xFFFF9C00  }
0x301: {  	_ =	swait.ge [sflag:s5], $0x6400  }
0x302: {  	[sflag:s5] =	ssyncset.done $0x0  }
0x303: {  	s21 =	simm.s32 $0x1770;
	[sflag:s5] =	ssyncadd.s32 $0xFFFF9C00  }
0x304: {  	[tilespmem:s11], [sflag:$0x3] =	stream.indirect.gather [hbm4b:s3+s7], $0x40, s21, s7, $0xb8;
	[tilespmem:$0x1A900] =	vst v63  }
0x305: {  	_ = 	snop  }
0x306: {  	[tilespmem:s6], [sflag:$0x5] =	stream.indirect.gather [hbm4b:s4+s7], $0x40, s21, s7, $0xb8;
	[tilespmem:$0x1A900] =	vst v63  }
0x307: {  	_ =	swait.ge [sflag:s18], $0x6400  }
0x308: {  	s1 =	sld [smem:$0x7FA]  }
0x309: {  	[sflag:s18] =	ssyncset.done $0x0  }
0x30a: {  	[sflag:s18] =	ssyncadd.s32 $0xFFFF9C00  }
0x30b: {  	[hbm4b:s1+s2] =	stream.linear.scatter [tilespmem:s14], [sflag:$0x6], $0x6400, $0x38;
	[tilespmem:$0x1A900] =	vst v63  }
0x30c: {  	_ =	swait.ge [sflag:s17], $0x6400  }
0x30d: {  	s21 =	sld [smem:$0x7FB]  }
0x30e: {  	[sflag:s17] =	ssyncset.done $0x0  }
0x30f: {  	[sflag:s17] =	ssyncadd.s32 $0xFFFF9C00  }
0x310: {  	[hbm4b:s21+s2] =	stream.linear.scatter [tilespmem:s12], [sflag:$0x8], $0x6400, $0x38;
	[tilespmem:$0x1A900] =	vst v63  }
0x311: {  	_ =	swait.ge [sflag:s15], $0x6400  }
0x312: {  	s1 =	sld [smem:$0x7FC]  }
0x313: {  	[sflag:s15] =	ssyncset.done $0x0  }
0x314: {  	[sflag:s15] =	ssyncadd.s32 $0xFFFF9C00  }
0x315: {  	[hbm4b:s1+s2] =	stream.linear.scatter [tilespmem:s11], [sflag:$0x7], $0x6400, $0x38;
	[tilespmem:$0x1A900] =	vst v63  }
0x316: {  	_ =	swait.ge [sflag:s13], $0x6400  }
0x317: {  	s21 =	sld [smem:$0x7FD]  }
0x318: {  	[sflag:s13] =	ssyncset.done $0x0  }
0x319: {  	[sflag:s13] =	ssyncadd.s32 $0xFFFF9C00  }
0x31a: {  	[hbm4b:s21+s2] =	stream.linear.scatter [tilespmem:s6], [sflag:$0x9], $0x6400, $0x38;
	[tilespmem:$0x1A900] =	vst v63  }
0x31b: {  	_ =	swait.ge [sflag:s10], $0x6400  }
0x31c: {  	[sflag:s10] =	ssyncset.done $0x0  }
0x31d: {  	[sflag:s10] =	ssyncadd.s32 $0xFFFF9C00  }
0x31e: {  	_ =	swait.ge [sflag:s8], $0x6400  }
0x31f: {  	[sflag:s8] =	ssyncset.done $0x0  }
0x320: {  	p1 =	sne.s32 s16, $0x1;
	[sflag:s8] =	ssyncadd.s32 $0xFFFF9C00  }
.Ltmp2:
0x321: {  	_ =	swait.ge [sflag:s9], $0x6400;
	(pc) =	sbr.rel @p1 .LBB2_3-.Ltmp2, $4  }
0x322: {  	[sflag:s9] =	ssyncset.done $0x0  }
0x323: {  	[sflag:s9] =	ssyncadd.s32 $0xFFFF9C00  }
0x324: {  	_ =	swait.ge [sflag:s5], $0x6400  }
0x325: {  	s16 =	sadd.s32 $0xFFFFFFFF, s16;
	s19 =	rddreg [dreg:$0x3];
	[sflag:s5] =	ssyncset.done $0x0  }
.LBB2_4:
0x326: {  	[sflag:s5] =	ssyncadd.s32 @p0 $0xFFFF9C00  }
0x327: {  	[tilespmem:s2], [sflag:$0x1] =	stream.linear.gather [hbm4b:s19+s2], $0x190, $0x38;
	[tilespmem:$0x1A900] =	vst v63  }
0x328: {  	s16 =	rddreg [dreg:$0x4]  }
0x329: {  	[tilespmem:s7], [sflag:$0x1] =	stream.linear.gather [hbm4b:s16+s2], $0x190, $0x38;
	[tilespmem:$0x1A900] =	vst v63  }
0x32a: {  	s26 =	rddreg [dreg:$0x5]  }
0x32b: {  	[tilespmem:s20], [sflag:$0x1] =	stream.linear.gather [hbm4b:s26+s2], $0x190, $0x38;
	[tilespmem:$0x1A900] =	vst v63  }
0x32c: {  	s28 =	rddreg [dreg:$0x6];
	s20 =	simm.s32 $0x4B0  }
0x32d: {  	[tilespmem:s20], [sflag:$0x1] =	stream.linear.gather [hbm4b:s28+s2], $0x190, $0x38;
	[tilespmem:$0x1A900] =	vst v63  }
0x32e: {  	s29 =	rddreg [dreg:$0x7];
	s31 =	simm.s32 $0x640  }
0x32f: {  	[tilespmem:s31], [sflag:$0x1] =	stream.linear.gather [hbm4b:s29+s2], $0x190, $0x38;
	[tilespmem:$0x1A900] =	vst v63  }
0x330: {  	s30 =	rddreg [dreg:$0x8];
	s21 =	simm.s32 $0x7D0  }
0x331: {  	[tilespmem:s21], [sflag:$0x1] =	stream.linear.gather [hbm4b:s30+s2], $0x190, $0x38;
	[tilespmem:$0x1A900] =	vst v63  }
0x332: {  	s22 =	rddreg [dreg:$0x9];
	s30 =	simm.s32 $0x960  }
0x333: {  	[tilespmem:s30], [sflag:$0x1] =	stream.linear.gather [hbm4b:s22+s2], $0x190, $0x38;
	[tilespmem:$0x1A900] =	vst v63  }
0x334: {  	s23 =	rddreg [dreg:$0xa];
	s29 =	simm.s32 $0xAF0  }
0x335: {  	[tilespmem:s29], [sflag:$0x1] =	stream.linear.gather [hbm4b:s23+s2], $0x190, $0x38;
	[tilespmem:$0x1A900] =	vst v63  }
0x336: {  	s24 =	rddreg [dreg:$0xb];
	s28 =	simm.s32 $0xC80  }
0x337: {  	[tilespmem:s28], [sflag:$0x1] =	stream.linear.gather [hbm4b:s24+s2], $0x190, $0x38;
	[tilespmem:$0x1A900] =	vst v63  }
0x338: {  	s25 =	rddreg [dreg:$0xc];
	s26 =	simm.s32 $0xE10  }
0x339: {  	[tilespmem:s26], [sflag:$0x1] =	stream.linear.gather [hbm4b:s25+s2], $0x190, $0x38;
	[tilespmem:$0x1A900] =	vst v63  }
0x33a: {  	s22 =	rddreg [dreg:$0xd];
	s25 =	simm.s32 $0xFA0  }
0x33b: {  	[tilespmem:s25], [sflag:$0x1] =	stream.linear.gather [hbm4b:s22+s2], $0x190, $0x38;
	[tilespmem:$0x1A900] =	vst v63  }
0x33c: {  	s23 =	rddreg [dreg:$0xe];
	s24 =	simm.s32 $0x1130  }
0x33d: {  	[tilespmem:s24], [sflag:$0x1] =	stream.linear.gather [hbm4b:s23+s2], $0x190, $0x38;
	[tilespmem:$0x1A900] =	vst v63  }
0x33e: {  	s22 =	rddreg [dreg:$0xf];
	s23 =	simm.s32 $0x12C0  }
0x33f: {  	[tilespmem:s23], [sflag:$0x1] =	stream.linear.gather [hbm4b:s22+s2], $0x190, $0x38;
	[tilespmem:$0x1A900] =	vst v63  }
0x340: {  	s16 =	rddreg [dreg:$0x10];
	s22 =	simm.s32 $0x1450  }
0x341: {  	[tilespmem:s22], [sflag:$0x1] =	stream.linear.gather [hbm4b:s16+s2], $0x190, $0x38;
	[tilespmem:$0x1A900] =	vst v63  }
0x342: {  	s19 =	rddreg [dreg:$0x11];
	s22 =	simm.s32 $0x15E0  }
0x343: {  	[tilespmem:s22], [sflag:$0x1] =	stream.linear.gather [hbm4b:s19+s2], $0x190, $0x38;
	[tilespmem:$0x1A900] =	vst v63  }
0x344: {  	s16 =	rddreg [dreg:$0x12];
	s19 =	simm.s32 $0x1770  }
0x345: {  	[tilespmem:s19], [sflag:$0x1] =	stream.linear.gather [hbm4b:s16+s2], $0x190, $0x38;
	[tilespmem:$0x1A900] =	vst v63  }
0x346: {  	_ =	swait.ge [sflag:s0], $0x190  }
0x347: {  	[sflag:s0] =	ssyncset.done $0x0  }
0x348: {  	[sflag:s0] =	ssyncadd.s32 $0xFFFFFE70  }
0x349: {  	_ =	swait.ge [sflag:s0], $0x190  }
0x34a: {  	[sflag:s0] =	ssyncset.done $0x0  }
0x34b: {  	[sflag:s0] =	ssyncadd.s32 $0xFFFFFE70  }
0x34c: {  	_ =	swait.ge [sflag:s0], $0x190  }
0x34d: {  	[sflag:s0] =	ssyncset.done $0x0  }
0x34e: {  	[sflag:s0] =	ssyncadd.s32 $0xFFFFFE70  }
0x34f: {  	_ =	swait.ge [sflag:s0], $0x190  }
0x350: {  	[sflag:s0] =	ssyncset.done $0x0  }
0x351: {  	[sflag:s0] =	ssyncadd.s32 $0xFFFFFE70  }
0x352: {  	_ =	swait.ge [sflag:s0], $0x190  }
0x353: {  	[sflag:s0] =	ssyncset.done $0x0  }
0x354: {  	[sflag:s0] =	ssyncadd.s32 $0xFFFFFE70  }
0x355: {  	_ =	swait.ge [sflag:s0], $0x190  }
0x356: {  	[sflag:s0] =	ssyncset.done $0x0  }
0x357: {  	[sflag:s0] =	ssyncadd.s32 $0xFFFFFE70  }
0x358: {  	_ =	swait.ge [sflag:s0], $0x190  }
0x359: {  	[sflag:s0] =	ssyncset.done $0x0  }
0x35a: {  	[sflag:s0] =	ssyncadd.s32 $0xFFFFFE70  }
0x35b: {  	_ =	swait.ge [sflag:s0], $0x190  }
0x35c: {  	[sflag:s0] =	ssyncset.done $0x0  }
0x35d: {  	[sflag:s0] =	ssyncadd.s32 $0xFFFFFE70  }
0x35e: {  	_ =	swait.ge [sflag:s0], $0x190  }
0x35f: {  	[sflag:s0] =	ssyncset.done $0x0  }
0x360: {  	[sflag:s0] =	ssyncadd.s32 $0xFFFFFE70  }
0x361: {  	_ =	swait.ge [sflag:s0], $0x190  }
0x362: {  	[sflag:s0] =	ssyncset.done $0x0  }
0x363: {  	[sflag:s0] =	ssyncadd.s32 $0xFFFFFE70  }
0x364: {  	_ =	swait.ge [sflag:s0], $0x190  }
0x365: {  	[sflag:s0] =	ssyncset.done $0x0  }
0x366: {  	[sflag:s0] =	ssyncadd.s32 $0xFFFFFE70  }
0x367: {  	_ =	swait.ge [sflag:s0], $0x190  }
0x368: {  	[sflag:s0] =	ssyncset.done $0x0  }
0x369: {  	[sflag:s0] =	ssyncadd.s32 $0xFFFFFE70  }
0x36a: {  	_ =	swait.ge [sflag:s0], $0x190  }
0x36b: {  	[sflag:s0] =	ssyncset.done $0x0  }
0x36c: {  	[sflag:s0] =	ssyncadd.s32 $0xFFFFFE70  }
0x36d: {  	_ =	swait.ge [sflag:s0], $0x190  }
0x36e: {  	[sflag:s0] =	ssyncset.done $0x0  }
0x36f: {  	[sflag:s0] =	ssyncadd.s32 $0xFFFFFE70  }
0x370: {  	_ =	swait.ge [sflag:s0], $0x190  }
0x371: {  	[sflag:s0] =	ssyncset.done $0x0  }
0x372: {  	[sflag:s0] =	ssyncadd.s32 $0xFFFFFE70  }
0x373: {  	_ =	swait.ge [sflag:s0], $0x190  }
0x374: {  	[sflag:s0] =	ssyncset.done $0x0  }
0x375: {  	[sflag:s0] =	ssyncadd.s32 $0xFFFFFE70  }
0x376: {  	[tilespmem:s14], [sflag:$0x2] =	stream.indirect.gather [hbm4b:s3+s7], $0x40, s2, s7, $0xb8;
	[tilespmem:$0x1A900] =	vst v63  }
0x377: {  	_ = 	snop  }
0x378: {  	[tilespmem:s12], [sflag:$0x4] =	stream.indirect.gather [hbm4b:s4+s7], $0x40, s2, s7, $0xb8;
	[tilespmem:$0x1A900] =	vst v63  }
0x379: {  	_ = 	snop  }
0x37a: {  	[tilespmem:s11], [sflag:$0x3] =	stream.indirect.gather [hbm4b:s3+s7], $0x40, s7, s7, $0xb8;
	[tilespmem:$0x1A900] =	vst v63  }
0x37b: {  	_ = 	snop  }
0x37c: {  	[tilespmem:s6], [sflag:$0x5] =	stream.indirect.gather [hbm4b:s4+s7], $0x40, s7, s7, $0xb8;
	[tilespmem:$0x1A900] =	vst v63  }
0x37d: {  	_ =	swait.ge [sflag:s18], $0x6400  }
0x37e: {  	[sflag:s18] =	ssyncset.done $0x0  }
0x37f: {  	s16 =	rddreg [dreg:$0x13];
	[sflag:s18] =	ssyncadd.s32 $0xFFFF9C00  }
0x380: {  	[hbm4b:s16+s2] =	stream.linear.scatter [tilespmem:s14], [sflag:$0x6], $0x6400, $0x38;
	[tilespmem:$0x1A900] =	vst v63  }
0x381: {  	_ =	swait.ge [sflag:s17], $0x6400  }
0x382: {  	[sflag:s17] =	ssyncset.done $0x0  }
0x383: {  	s22 =	rddreg [dreg:$0x14];
	[sflag:s17] =	ssyncadd.s32 $0xFFFF9C00  }
0x384: {  	[hbm4b:s22+s2] =	stream.linear.scatter [tilespmem:s12], [sflag:$0x8], $0x6400, $0x38;
	[tilespmem:$0x1A900] =	vst v63  }
0x385: {  	_ =	swait.ge [sflag:s10], $0x6400  }
0x386: {  	[sflag:s10] =	ssyncset.done $0x0  }
0x387: {  	[sflag:s10] =	ssyncadd.s32 $0xFFFF9C00  }
0x388: {  	_ =	swait.ge [sflag:s8], $0x6400  }
0x389: {  	[sflag:s8] =	ssyncset.done $0x0  }
0x38a: {  	s1 =	simm.s32 $0x320;
	[sflag:s8] =	ssyncadd.s32 $0xFFFF9C00  }
0x38b: {  	[tilespmem:s14], [sflag:$0x2] =	stream.indirect.gather [hbm4b:s3+s7], $0x40, s1, s7, $0xb8;
	[tilespmem:$0x1A900] =	vst v63  }
0x38c: {  	_ = 	snop  }
0x38d: {  	[tilespmem:s12], [sflag:$0x4] =	stream.indirect.gather [hbm4b:s4+s7], $0x40, s1, s7, $0xb8;
	[tilespmem:$0x1A900] =	vst v63  }
0x38e: {  	_ =	swait.ge [sflag:s15], $0x6400  }
0x38f: {  	[sflag:s15] =	ssyncset.done $0x0  }
0x390: {  	s1 =	rddreg [dreg:$0x15];
	[sflag:s15] =	ssyncadd.s32 $0xFFFF9C00  }
0x391: {  	[hbm4b:s1+s2] =	stream.linear.scatter [tilespmem:s11], [sflag:$0x7], $0x6400, $0x38;
	[tilespmem:$0x1A900] =	vst v63  }
0x392: {  	_ =	swait.ge [sflag:s13], $0x6400  }
0x393: {  	[sflag:s13] =	ssyncset.done $0x0  }
0x394: {  	s16 =	rddreg [dreg:$0x16];
	[sflag:s13] =	ssyncadd.s32 $0xFFFF9C00  }
0x395: {  	[hbm4b:s16+s2] =	stream.linear.scatter [tilespmem:s6], [sflag:$0x9], $0x6400, $0x38;
	[tilespmem:$0x1A900] =	vst v63  }
0x396: {  	_ =	swait.ge [sflag:s9], $0x6400  }
0x397: {  	[sflag:s9] =	ssyncset.done $0x0  }
0x398: {  	[sflag:s9] =	ssyncadd.s32 $0xFFFF9C00  }
0x399: {  	_ =	swait.ge [sflag:s5], $0x6400  }
0x39a: {  	[sflag:s5] =	ssyncset.done $0x0  }
0x39b: {  	[sflag:s5] =	ssyncadd.s32 $0xFFFF9C00  }
0x39c: {  	[tilespmem:s11], [sflag:$0x3] =	stream.indirect.gather [hbm4b:s3+s7], $0x40, s20, s7, $0xb8;
	[tilespmem:$0x1A900] =	vst v63  }
0x39d: {  	_ = 	snop  }
0x39e: {  	[tilespmem:s6], [sflag:$0x5] =	stream.indirect.gather [hbm4b:s4+s7], $0x40, s20, s7, $0xb8;
	[tilespmem:$0x1A900] =	vst v63  }
0x39f: {  	_ =	swait.ge [sflag:s18], $0x6400  }
0x3a0: {  	[sflag:s18] =	ssyncset.done $0x0  }
0x3a1: {  	s22 =	rddreg [dreg:$0x17];
	[sflag:s18] =	ssyncadd.s32 $0xFFFF9C00  }
0x3a2: {  	[hbm4b:s22+s2] =	stream.linear.scatter [tilespmem:s14], [sflag:$0x6], $0x6400, $0x38;
	[tilespmem:$0x1A900] =	vst v63  }
0x3a3: {  	_ =	swait.ge [sflag:s17], $0x6400  }
0x3a4: {  	[sflag:s17] =	ssyncset.done $0x0  }
0x3a5: {  	s1 =	rddreg [dreg:$0x18];
	[sflag:s17] =	ssyncadd.s32 $0xFFFF9C00  }
0x3a6: {  	[hbm4b:s1+s2] =	stream.linear.scatter [tilespmem:s12], [sflag:$0x8], $0x6400, $0x38;
	[tilespmem:$0x1A900] =	vst v63  }
0x3a7: {  	_ =	swait.ge [sflag:s10], $0x6400  }
0x3a8: {  	[sflag:s10] =	ssyncset.done $0x0  }
0x3a9: {  	[sflag:s10] =	ssyncadd.s32 $0xFFFF9C00  }
0x3aa: {  	_ =	swait.ge [sflag:s8], $0x6400  }
0x3ab: {  	[sflag:s8] =	ssyncset.done $0x0  }
0x3ac: {  	[sflag:s8] =	ssyncadd.s32 $0xFFFF9C00  }
0x3ad: {  	[tilespmem:s14], [sflag:$0x2] =	stream.indirect.gather [hbm4b:s3+s7], $0x40, s31, s7, $0xb8;
	[tilespmem:$0x1A900] =	vst v63  }
0x3ae: {  	_ = 	snop  }
0x3af: {  	[tilespmem:s12], [sflag:$0x4] =	stream.indirect.gather [hbm4b:s4+s7], $0x40, s31, s7, $0xb8;
	[tilespmem:$0x1A900] =	vst v63  }
0x3b0: {  	_ =	swait.ge [sflag:s15], $0x6400  }
0x3b1: {  	[sflag:s15] =	ssyncset.done $0x0  }
0x3b2: {  	s16 =	rddreg [dreg:$0x19];
	[sflag:s15] =	ssyncadd.s32 $0xFFFF9C00  }
0x3b3: {  	[hbm4b:s16+s2] =	stream.linear.scatter [tilespmem:s11], [sflag:$0x7], $0x6400, $0x38;
	[tilespmem:$0x1A900] =	vst v63  }
0x3b4: {  	_ =	swait.ge [sflag:s13], $0x6400  }
0x3b5: {  	[sflag:s13] =	ssyncset.done $0x0  }
0x3b6: {  	s20 =	rddreg [dreg:$0x1a];
	[sflag:s13] =	ssyncadd.s32 $0xFFFF9C00  }
0x3b7: {  	[hbm4b:s20+s2] =	stream.linear.scatter [tilespmem:s6], [sflag:$0x9], $0x6400, $0x38;
	[tilespmem:$0x1A900] =	vst v63  }
0x3b8: {  	_ =	swait.ge [sflag:s9], $0x6400  }
0x3b9: {  	[sflag:s9] =	ssyncset.done $0x0  }
0x3ba: {  	[sflag:s9] =	ssyncadd.s32 $0xFFFF9C00  }
0x3bb: {  	_ =	swait.ge [sflag:s5], $0x6400  }
0x3bc: {  	[sflag:s5] =	ssyncset.done $0x0  }
0x3bd: {  	[sflag:s5] =	ssyncadd.s32 $0xFFFF9C00  }
0x3be: {  	[tilespmem:s11], [sflag:$0x3] =	stream.indirect.gather [hbm4b:s3+s7], $0x40, s21, s7, $0xb8;
	[tilespmem:$0x1A900] =	vst v63  }
0x3bf: {  	_ = 	snop  }
0x3c0: {  	[tilespmem:s6], [sflag:$0x5] =	stream.indirect.gather [hbm4b:s4+s7], $0x40, s21, s7, $0xb8;
	[tilespmem:$0x1A900] =	vst v63  }
0x3c1: {  	_ =	swait.ge [sflag:s18], $0x6400  }
0x3c2: {  	[sflag:s18] =	ssyncset.done $0x0  }
0x3c3: {  	s21 =	rddreg [dreg:$0x1b];
	[sflag:s18] =	ssyncadd.s32 $0xFFFF9C00  }
0x3c4: {  	[hbm4b:s21+s2] =	stream.linear.scatter [tilespmem:s14], [sflag:$0x6], $0x6400, $0x38;
	[tilespmem:$0x1A900] =	vst v63  }
0x3c5: {  	_ =	swait.ge [sflag:s17], $0x6400  }
0x3c6: {  	[sflag:s17] =	ssyncset.done $0x0  }
0x3c7: {  	s22 =	rddreg [dreg:$0x1c];
	[sflag:s17] =	ssyncadd.s32 $0xFFFF9C00  }
0x3c8: {  	[hbm4b:s22+s2] =	stream.linear.scatter [tilespmem:s12], [sflag:$0x8], $0x6400, $0x38;
	[tilespmem:$0x1A900] =	vst v63  }
0x3c9: {  	_ =	swait.ge [sflag:s10], $0x6400  }
0x3ca: {  	[sflag:s10] =	ssyncset.done $0x0  }
0x3cb: {  	[sflag:s10] =	ssyncadd.s32 $0xFFFF9C00  }
0x3cc: {  	_ =	swait.ge [sflag:s8], $0x6400  }
0x3cd: {  	[sflag:s8] =	ssyncset.done $0x0  }
0x3ce: {  	[sflag:s8] =	ssyncadd.s32 $0xFFFF9C00  }
0x3cf: {  	[tilespmem:s14], [sflag:$0x2] =	stream.indirect.gather [hbm4b:s3+s7], $0x40, s30, s7, $0xb8;
	[tilespmem:$0x1A900] =	vst v63  }
0x3d0: {  	_ = 	snop  }
0x3d1: {  	[tilespmem:s12], [sflag:$0x4] =	stream.indirect.gather [hbm4b:s4+s7], $0x40, s30, s7, $0xb8;
	[tilespmem:$0x1A900] =	vst v63  }
0x3d2: {  	_ =	swait.ge [sflag:s15], $0x6400  }
0x3d3: {  	[sflag:s15] =	ssyncset.done $0x0  }
0x3d4: {  	s30 =	rddreg [dreg:$0x1d];
	[sflag:s15] =	ssyncadd.s32 $0xFFFF9C00  }
0x3d5: {  	[hbm4b:s30+s2] =	stream.linear.scatter [tilespmem:s11], [sflag:$0x7], $0x6400, $0x38;
	[tilespmem:$0x1A900] =	vst v63  }
0x3d6: {  	_ =	swait.ge [sflag:s13], $0x6400  }
0x3d7: {  	[sflag:s13] =	ssyncset.done $0x0  }
0x3d8: {  	s31 =	rddreg [dreg:$0x1e];
	[sflag:s13] =	ssyncadd.s32 $0xFFFF9C00  }
0x3d9: {  	[hbm4b:s31+s2] =	stream.linear.scatter [tilespmem:s6], [sflag:$0x9], $0x6400, $0x38;
	[tilespmem:$0x1A900] =	vst v63  }
0x3da: {  	_ =	swait.ge [sflag:s9], $0x6400  }
0x3db: {  	[sflag:s9] =	ssyncset.done $0x0  }
0x3dc: {  	[sflag:s9] =	ssyncadd.s32 $0xFFFF9C00  }
0x3dd: {  	_ =	swait.ge [sflag:s5], $0x6400  }
0x3de: {  	[sflag:s5] =	ssyncset.done $0x0  }
0x3df: {  	[sflag:s5] =	ssyncadd.s32 $0xFFFF9C00  }
0x3e0: {  	[tilespmem:s11], [sflag:$0x3] =	stream.indirect.gather [hbm4b:s3+s7], $0x40, s29, s7, $0xb8;
	[tilespmem:$0x1A900] =	vst v63  }
0x3e1: {  	_ = 	snop  }
0x3e2: {  	[tilespmem:s6], [sflag:$0x5] =	stream.indirect.gather [hbm4b:s4+s7], $0x40, s29, s7, $0xb8;
	[tilespmem:$0x1A900] =	vst v63  }
0x3e3: {  	_ =	swait.ge [sflag:s18], $0x6400  }
0x3e4: {  	[sflag:s18] =	ssyncset.done $0x0  }
0x3e5: {  	s1 =	rddreg [dreg:$0x1f];
	[sflag:s18] =	ssyncadd.s32 $0xFFFF9C00  }
0x3e6: {  	[hbm4b:s1+s2] =	stream.linear.scatter [tilespmem:s14], [sflag:$0x6], $0x6400, $0x38;
	[tilespmem:$0x1A900] =	vst v63  }
0x3e7: {  	_ =	swait.ge [sflag:s17], $0x6400  }
0x3e8: {  	s16 =	sld [smem:$0x7EB]  }
0x3e9: {  	[sflag:s17] =	ssyncset.done $0x0  }
0x3ea: {  	[sflag:s17] =	ssyncadd.s32 $0xFFFF9C00  }
0x3eb: {  	[hbm4b:s16+s2] =	stream.linear.scatter [tilespmem:s12], [sflag:$0x8], $0x6400, $0x38;
	[tilespmem:$0x1A900] =	vst v63  }
0x3ec: {  	_ =	swait.ge [sflag:s10], $0x6400  }
0x3ed: {  	[sflag:s10] =	ssyncset.done $0x0  }
0x3ee: {  	[sflag:s10] =	ssyncadd.s32 $0xFFFF9C00  }
0x3ef: {  	_ =	swait.ge [sflag:s8], $0x6400  }
0x3f0: {  	[sflag:s8] =	ssyncset.done $0x0  }
0x3f1: {  	[sflag:s8] =	ssyncadd.s32 $0xFFFF9C00  }
0x3f2: {  	[tilespmem:s14], [sflag:$0x2] =	stream.indirect.gather [hbm4b:s3+s7], $0x40, s28, s7, $0xb8;
	[tilespmem:$0x1A900] =	vst v63  }
0x3f3: {  	_ = 	snop  }
0x3f4: {  	[tilespmem:s12], [sflag:$0x4] =	stream.indirect.gather [hbm4b:s4+s7], $0x40, s28, s7, $0xb8;
	[tilespmem:$0x1A900] =	vst v63  }
0x3f5: {  	_ =	swait.ge [sflag:s15], $0x6400  }
0x3f6: {  	s20 =	sld [smem:$0x7EC]  }
0x3f7: {  	[sflag:s15] =	ssyncset.done $0x0  }
0x3f8: {  	[sflag:s15] =	ssyncadd.s32 $0xFFFF9C00  }
0x3f9: {  	[hbm4b:s20+s2] =	stream.linear.scatter [tilespmem:s11], [sflag:$0x7], $0x6400, $0x38;
	[tilespmem:$0x1A900] =	vst v63  }
0x3fa: {  	_ =	swait.ge [sflag:s13], $0x6400  }
0x3fb: {  	s21 =	sld [smem:$0x7ED]  }
0x3fc: {  	[sflag:s13] =	ssyncset.done $0x0  }
0x3fd: {  	[sflag:s13] =	ssyncadd.s32 $0xFFFF9C00  }
0x3fe: {  	[hbm4b:s21+s2] =	stream.linear.scatter [tilespmem:s6], [sflag:$0x9], $0x6400, $0x38;
	[tilespmem:$0x1A900] =	vst v63  }
0x3ff: {  	_ =	swait.ge [sflag:s9], $0x6400  }
0x400: {  	[sflag:s9] =	ssyncset.done $0x0  }
0x401: {  	[sflag:s9] =	ssyncadd.s32 $0xFFFF9C00  }
0x402: {  	_ =	swait.ge [sflag:s5], $0x6400  }
0x403: {  	[sflag:s5] =	ssyncset.done $0x0  }
0x404: {  	[sflag:s5] =	ssyncadd.s32 $0xFFFF9C00  }
0x405: {  	[tilespmem:s11], [sflag:$0x3] =	stream.indirect.gather [hbm4b:s3+s7], $0x40, s26, s7, $0xb8;
	[tilespmem:$0x1A900] =	vst v63  }
0x406: {  	_ = 	snop  }
0x407: {  	[tilespmem:s6], [sflag:$0x5] =	stream.indirect.gather [hbm4b:s4+s7], $0x40, s26, s7, $0xb8;
	[tilespmem:$0x1A900] =	vst v63  }
0x408: {  	_ =	swait.ge [sflag:s18], $0x6400  }
0x409: {  	s22 =	sld [smem:$0x7EE]  }
0x40a: {  	[sflag:s18] =	ssyncset.done $0x0  }
0x40b: {  	[sflag:s18] =	ssyncadd.s32 $0xFFFF9C00  }
0x40c: {  	[hbm4b:s22+s2] =	stream.linear.scatter [tilespmem:s14], [sflag:$0x6], $0x6400, $0x38;
	[tilespmem:$0x1A900] =	vst v63  }
0x40d: {  	_ =	swait.ge [sflag:s17], $0x6400  }
0x40e: {  	s26 =	sld [smem:$0x7EF]  }
0x40f: {  	[sflag:s17] =	ssyncset.done $0x0  }
0x410: {  	[sflag:s17] =	ssyncadd.s32 $0xFFFF9C00  }
0x411: {  	[hbm4b:s26+s2] =	stream.linear.scatter [tilespmem:s12], [sflag:$0x8], $0x6400, $0x38;
	[tilespmem:$0x1A900] =	vst v63  }
0x412: {  	_ =	swait.ge [sflag:s10], $0x6400  }
0x413: {  	[sflag:s10] =	ssyncset.done $0x0  }
0x414: {  	[sflag:s10] =	ssyncadd.s32 $0xFFFF9C00  }
0x415: {  	_ =	swait.ge [sflag:s8], $0x6400  }
0x416: {  	[sflag:s8] =	ssyncset.done $0x0  }
0x417: {  	[sflag:s8] =	ssyncadd.s32 $0xFFFF9C00  }
0x418: {  	[tilespmem:s14], [sflag:$0x2] =	stream.indirect.gather [hbm4b:s3+s7], $0x40, s25, s7, $0xb8;
	[tilespmem:$0x1A900] =	vst v63  }
0x419: {  	_ = 	snop  }
0x41a: {  	[tilespmem:s12], [sflag:$0x4] =	stream.indirect.gather [hbm4b:s4+s7], $0x40, s25, s7, $0xb8;
	[tilespmem:$0x1A900] =	vst v63  }
0x41b: {  	_ =	swait.ge [sflag:s15], $0x6400  }
0x41c: {  	s28 =	sld [smem:$0x7F0]  }
0x41d: {  	[sflag:s15] =	ssyncset.done $0x0  }
0x41e: {  	[sflag:s15] =	ssyncadd.s32 $0xFFFF9C00  }
0x41f: {  	[hbm4b:s28+s2] =	stream.linear.scatter [tilespmem:s11], [sflag:$0x7], $0x6400, $0x38;
	[tilespmem:$0x1A900] =	vst v63  }
0x420: {  	_ =	swait.ge [sflag:s13], $0x6400  }
0x421: {  	s29 =	sld [smem:$0x7F1]  }
0x422: {  	[sflag:s13] =	ssyncset.done $0x0  }
0x423: {  	[sflag:s13] =	ssyncadd.s32 $0xFFFF9C00  }
0x424: {  	[hbm4b:s29+s2] =	stream.linear.scatter [tilespmem:s6], [sflag:$0x9], $0x6400, $0x38;
	[tilespmem:$0x1A900] =	vst v63  }
0x425: {  	_ =	swait.ge [sflag:s9], $0x6400  }
0x426: {  	[sflag:s9] =	ssyncset.done $0x0  }
0x427: {  	[sflag:s9] =	ssyncadd.s32 $0xFFFF9C00  }
0x428: {  	_ =	swait.ge [sflag:s5], $0x6400  }
0x429: {  	[sflag:s5] =	ssyncset.done $0x0  }
0x42a: {  	[sflag:s5] =	ssyncadd.s32 $0xFFFF9C00  }
0x42b: {  	[tilespmem:s11], [sflag:$0x3] =	stream.indirect.gather [hbm4b:s3+s7], $0x40, s24, s7, $0xb8;
	[tilespmem:$0x1A900] =	vst v63  }
0x42c: {  	_ = 	snop  }
0x42d: {  	[tilespmem:s6], [sflag:$0x5] =	stream.indirect.gather [hbm4b:s4+s7], $0x40, s24, s7, $0xb8;
	[tilespmem:$0x1A900] =	vst v63  }
0x42e: {  	_ =	swait.ge [sflag:s18], $0x6400  }
0x42f: {  	s30 =	sld [smem:$0x7F2]  }
0x430: {  	[sflag:s18] =	ssyncset.done $0x0  }
0x431: {  	[sflag:s18] =	ssyncadd.s32 $0xFFFF9C00  }
0x432: {  	[hbm4b:s30+s2] =	stream.linear.scatter [tilespmem:s14], [sflag:$0x6], $0x6400, $0x38;
	[tilespmem:$0x1A900] =	vst v63  }
0x433: {  	_ =	swait.ge [sflag:s17], $0x6400  }
0x434: {  	s31 =	sld [smem:$0x7F3]  }
0x435: {  	[sflag:s17] =	ssyncset.done $0x0  }
0x436: {  	[sflag:s17] =	ssyncadd.s32 $0xFFFF9C00  }
0x437: {  	[hbm4b:s31+s2] =	stream.linear.scatter [tilespmem:s12], [sflag:$0x8], $0x6400, $0x38;
	[tilespmem:$0x1A900] =	vst v63  }
0x438: {  	_ =	swait.ge [sflag:s10], $0x6400  }
0x439: {  	[sflag:s10] =	ssyncset.done $0x0  }
0x43a: {  	[sflag:s10] =	ssyncadd.s32 $0xFFFF9C00  }
0x43b: {  	_ =	swait.ge [sflag:s8], $0x6400  }
0x43c: {  	[sflag:s8] =	ssyncset.done $0x0  }
0x43d: {  	[sflag:s8] =	ssyncadd.s32 $0xFFFF9C00  }
0x43e: {  	[tilespmem:s14], [sflag:$0x2] =	stream.indirect.gather [hbm4b:s3+s7], $0x40, s23, s7, $0xb8;
	[tilespmem:$0x1A900] =	vst v63  }
0x43f: {  	_ = 	snop  }
0x440: {  	[tilespmem:s12], [sflag:$0x4] =	stream.indirect.gather [hbm4b:s4+s7], $0x40, s23, s7, $0xb8;
	[tilespmem:$0x1A900] =	vst v63  }
0x441: {  	_ =	swait.ge [sflag:s15], $0x6400  }
0x442: {  	s1 =	sld [smem:$0x7F4]  }
0x443: {  	[sflag:s15] =	ssyncset.done $0x0  }
0x444: {  	[sflag:s15] =	ssyncadd.s32 $0xFFFF9C00  }
0x445: {  	[hbm4b:s1+s2] =	stream.linear.scatter [tilespmem:s11], [sflag:$0x7], $0x6400, $0x38;
	[tilespmem:$0x1A900] =	vst v63  }
0x446: {  	_ =	swait.ge [sflag:s13], $0x6400  }
0x447: {  	s16 =	sld [smem:$0x7F5]  }
0x448: {  	[sflag:s13] =	ssyncset.done $0x0  }
0x449: {  	[sflag:s13] =	ssyncadd.s32 $0xFFFF9C00  }
0x44a: {  	[hbm4b:s16+s2] =	stream.linear.scatter [tilespmem:s6], [sflag:$0x9], $0x6400, $0x38;
	[tilespmem:$0x1A900] =	vst v63  }
0x44b: {  	_ =	swait.ge [sflag:s9], $0x6400  }
0x44c: {  	[sflag:s9] =	ssyncset.done $0x0  }
0x44d: {  	[sflag:s9] =	ssyncadd.s32 $0xFFFF9C00  }
0x44e: {  	_ =	swait.ge [sflag:s5], $0x6400  }
0x44f: {  	[sflag:s5] =	ssyncset.done $0x0  }
0x450: {  	s20 =	simm.s32 $0x1450;
	[sflag:s5] =	ssyncadd.s32 $0xFFFF9C00  }
0x451: {  	[tilespmem:s11], [sflag:$0x3] =	stream.indirect.gather [hbm4b:s3+s7], $0x40, s20, s7, $0xb8;
	[tilespmem:$0x1A900] =	vst v63  }
0x452: {  	_ = 	snop  }
0x453: {  	[tilespmem:s6], [sflag:$0x5] =	stream.indirect.gather [hbm4b:s4+s7], $0x40, s20, s7, $0xb8;
	[tilespmem:$0x1A900] =	vst v63  }
0x454: {  	_ =	swait.ge [sflag:s18], $0x6400  }
0x455: {  	s21 =	sld [smem:$0x7F6]  }
0x456: {  	[sflag:s18] =	ssyncset.done $0x0  }
0x457: {  	[sflag:s18] =	ssyncadd.s32 $0xFFFF9C00  }
0x458: {  	[hbm4b:s21+s2] =	stream.linear.scatter [tilespmem:s14], [sflag:$0x6], $0x6400, $0x38;
	[tilespmem:$0x1A900] =	vst v63  }
0x459: {  	_ =	swait.ge [sflag:s17], $0x6400  }
0x45a: {  	s22 =	sld [smem:$0x7F7]  }
0x45b: {  	[sflag:s17] =	ssyncset.done $0x0  }
0x45c: {  	[sflag:s17] =	ssyncadd.s32 $0xFFFF9C00  }
0x45d: {  	[hbm4b:s22+s2] =	stream.linear.scatter [tilespmem:s12], [sflag:$0x8], $0x6400, $0x38;
	[tilespmem:$0x1A900] =	vst v63  }
0x45e: {  	_ =	swait.ge [sflag:s10], $0x6400  }
0x45f: {  	[sflag:s10] =	ssyncset.done $0x0  }
0x460: {  	[sflag:s10] =	ssyncadd.s32 $0xFFFF9C00  }
0x461: {  	_ =	swait.ge [sflag:s8], $0x6400  }
0x462: {  	[sflag:s8] =	ssyncset.done $0x0  }
0x463: {  	s23 =	simm.s32 $0x15E0;
	[sflag:s8] =	ssyncadd.s32 $0xFFFF9C00  }
0x464: {  	[tilespmem:s14], [sflag:$0x2] =	stream.indirect.gather [hbm4b:s3+s7], $0x40, s23, s7, $0xb8;
	[tilespmem:$0x1A900] =	vst v63  }
0x465: {  	_ = 	snop  }
0x466: {  	[tilespmem:s12], [sflag:$0x4] =	stream.indirect.gather [hbm4b:s4+s7], $0x40, s23, s7, $0xb8;
	[tilespmem:$0x1A900] =	vst v63  }
0x467: {  	_ =	swait.ge [sflag:s15], $0x6400  }
0x468: {  	s24 =	sld [smem:$0x7F8]  }
0x469: {  	[sflag:s15] =	ssyncset.done $0x0  }
0x46a: {  	[sflag:s15] =	ssyncadd.s32 $0xFFFF9C00  }
0x46b: {  	[hbm4b:s24+s2] =	stream.linear.scatter [tilespmem:s11], [sflag:$0x7], $0x6400, $0x38;
	[tilespmem:$0x1A900] =	vst v63  }
0x46c: {  	_ =	swait.ge [sflag:s13], $0x6400  }
0x46d: {  	s25 =	sld [smem:$0x7F9]  }
0x46e: {  	[sflag:s13] =	ssyncset.done $0x0  }
0x46f: {  	[sflag:s13] =	ssyncadd.s32 $0xFFFF9C00  }
0x470: {  	[hbm4b:s25+s2] =	stream.linear.scatter [tilespmem:s6], [sflag:$0x9], $0x6400, $0x38;
	[tilespmem:$0x1A900] =	vst v63  }
0x471: {  	_ =	swait.ge [sflag:s9], $0x6400  }
0x472: {  	[sflag:s9] =	ssyncset.done $0x0  }
0x473: {  	[sflag:s9] =	ssyncadd.s32 $0xFFFF9C00  }
0x474: {  	_ =	swait.ge [sflag:s5], $0x6400  }
0x475: {  	[sflag:s5] =	ssyncset.done $0x0  }
0x476: {  	[sflag:s5] =	ssyncadd.s32 $0xFFFF9C00  }
0x477: {  	[tilespmem:s11], [sflag:$0x3] =	stream.indirect.gather [hbm4b:s3+s7], $0x40, s19, s7, $0xb8;
	[tilespmem:$0x1A900] =	vst v63  }
0x478: {  	_ = 	snop  }
0x479: {  	[tilespmem:s6], [sflag:$0x5] =	stream.indirect.gather [hbm4b:s4+s7], $0x40, s19, s7, $0xb8;
	[tilespmem:$0x1A900] =	vst v63  }
0x47a: {  	_ =	swait.ge [sflag:s18], $0x6400  }
0x47b: {  	s26 =	sld [smem:$0x7FA]  }
0x47c: {  	[sflag:s18] =	ssyncset.done $0x0  }
0x47d: {  	[sflag:s18] =	ssyncadd.s32 $0xFFFF9C00  }
0x47e: {  	[hbm4b:s26+s2] =	stream.linear.scatter [tilespmem:s14], [sflag:$0x6], $0x6400, $0x38;
	[tilespmem:$0x1A900] =	vst v63  }
0x47f: {  	_ =	swait.ge [sflag:s17], $0x6400  }
0x480: {  	s28 =	sld [smem:$0x7FB]  }
0x481: {  	[sflag:s17] =	ssyncset.done $0x0  }
0x482: {  	[sflag:s17] =	ssyncadd.s32 $0xFFFF9C00  }
0x483: {  	[hbm4b:s28+s2] =	stream.linear.scatter [tilespmem:s12], [sflag:$0x8], $0x6400, $0x38;
	[tilespmem:$0x1A900] =	vst v63  }
0x484: {  	_ =	swait.ge [sflag:s15], $0x6400  }
0x485: {  	s29 =	sld [smem:$0x7FC]  }
0x486: {  	[sflag:s15] =	ssyncset.done $0x0  }
0x487: {  	[sflag:s15] =	ssyncadd.s32 $0xFFFF9C00  }
0x488: {  	[hbm4b:s29+s2] =	stream.linear.scatter [tilespmem:s11], [sflag:$0x7], $0x6400, $0x38;
	[tilespmem:$0x1A900] =	vst v63  }
0x489: {  	_ =	swait.ge [sflag:s13], $0x6400  }
0x48a: {  	s30 =	sld [smem:$0x7FD]  }
0x48b: {  	[sflag:s13] =	ssyncset.done $0x0  }
0x48c: {  	[sflag:s13] =	ssyncadd.s32 $0xFFFF9C00  }
0x48d: {  	[hbm4b:s30+s2] =	stream.linear.scatter [tilespmem:s6], [sflag:$0x9], $0x6400, $0x38;
	[tilespmem:$0x1A900] =	vst v63  }
0x48e: {  	_ =	swait.ge [sflag:s10], $0x6400  }
0x48f: {  	[sflag:s10] =	ssyncset.done $0x0  }
0x490: {  	[sflag:s10] =	ssyncadd.s32 $0xFFFF9C00  }
0x491: {  	_ =	swait.ge [sflag:s8], $0x6400  }
0x492: {  	[sflag:s8] =	ssyncset.done $0x0  }
0x493: {  	[sflag:s8] =	ssyncadd.s32 $0xFFFF9C00  }
0x494: {  	_ =	swait.ge [sflag:s9], $0x6400  }
0x495: {  	[sflag:s9] =	ssyncset.done $0x0  }
0x496: {  	[sflag:s9] =	ssyncadd.s32 $0xFFFF9C00  }
0x497: {  	_ =	swait.ge [sflag:s5], $0x6400  }
0x498: {  	[sflag:s5] =	ssyncset.done $0x0  }
0x499: {  	[sflag:s5] =	ssyncadd.s32 $0xFFFF9C00  }
0x49a: {  	_ =	sfence.sel $0x180000  }
0x49b: {  	[bflag:$0x0] =	sbarrier.arrive $0xFFFF  }
0x49c: {  	_ =	strace $0x90000047  }
0x49d: {  	s31 =	stileid.u32;
	[bflag:$0x2] =	sbarrier.arrive $0xFFFF  }
0x49e: {  	p0 =	sne.s32 s31, $0x0;
	s0 =	rddreg [dreg:$0x2]  }
0x49f: {  	s0 =	sadd.s32 @!p0 $0x100000, s0  }
0x4a0: {  	[sflag:s0] =	ssyncadd.tile.s32 @!p0 $0x1;
	_ =	shalt  }
.Lfunc_end2:
_tile_overlayer_lowered:
.L_overlay_start_2:
0x4a1: {  	(tag) =	ssettag $0x2  }
0x4a2: {  	s0 =	rddreg [dreg:$0x0];
	s2 =	stileid.u32  }
0x4a3: {  	s1 =	rddreg [dreg:$0x1];
	p0 =	sne.s32 s2, $0x0  }
0x4a4: {  	s3 =	rddreg [dreg:$0x2];
	[bflag:$0x3] =	sbarrier.arrive $0xFFFF;
	s2 =	simm.s32 @!p0 $0x1C0A  }
0x4a5: {  	[timem:s3], [sflag:s2] =	dma.local @!p0 [hbm:s0], s1  }
0x4a6: {  	s0 =	simm.s32 @!p0 $0xA  }
0x4a7: {  	_ =	swait.ge @!p0 [sflag:s0], s1  }
0x4a8: {  	s1 =	ssub.s32 @!p0 $0x0, s1;
	[sflag:s0] =	ssyncset.done @!p0 $0x0  }
0x4a9: {  	[sflag:s0] =	ssyncadd.s32 @!p0 s1  }
0x4aa: {  	[bflag:$0x3] =	sbarrier.arrive $0xFFFF  }
0x4ab: {  	_ =	shalt  }

// kernel: sparse-core-data-format-call.cloned.1.call-start
scs
called_computation_lowered:
.L_overlay_start_0:
0x0: {  	s2 =	sld [smem:$0x3FD9]  }
0x1: {  	s3 =	sld [smem:$0x3FFE];
	_ =	sdelay $0x1  }
0x2: {  	s1 =	srdreg.scid  }
0x3: {  	s0 =	sand.u32 $0x1, s1  }
0x4: {  	s18 =	sshll.u32 s0, $0xA;
	s2 =	sadd.s32 s3, s2  }
0x5: {  	s2 =	sadd.s32 s2, s18  }
0x6: {  	[smem:$0x3FC5] =	sst s2  }
0x7: {  	_ = 	snop  }
0x8: {  	s2 =	sld [smem:$0x3FD0];
	(tm) =	ssettm $0x1  }
0x9: {  	s19 =	sld [smem:$0x3FFB];
	_ =	sdelay $0x3  }
0xa: {  	_ =	strace s19  }
0xb: {  	s3 =	sld [smem:$0x3FFC];
	_ =	sdelay $0x3  }
0xc: {  	_ =	strace s3  }
0xd: {  	s3 =	sld [smem:$0x3FFD];
	_ =	sdelay $0x3  }
0xe: {  	_ =	strace s3  }
0xf: {  	_ =	strace $0x8FFFFFFF  }
0x10: {  	s20 =	sld [smem:$0x3FDB];
	_ =	sdelay $0x1  }
0x11: {  	s4 =	simm.s32 $_scs_section_size  }
0x12: {  	s5 =	simm.s32 $_size__tile_overlayer_lowered;
	s6 =	simm.s32 $_tile_overlayer_lowered  }
0x13: {  	s23 =	simm.s32 $0x1BFF;
	s22 =	sshll.u32 s6, $0x1;
	s3 =	sadd.s32 s4, s20  }
0x14: {  	s7 =	simm.s32 $0x0;
	s21 =	sshll.u32 s5, $0x1;
	s5 =	sadd.s32 s22, s3  }
0x15: {  	[timem:s7], [sflag:s23] =	dma.local [hbm:s5], s21  }
0x16: {  	_ =	swait.ge [sflag:s23], s21  }
0x17: {  	s4 =	ssub.s32 $0x0, s21;
	[sflag:s23] =	ssyncset.done $0x0  }
0x18: {  	[sflag:s23] =	ssyncadd.s32 s4;
	_ =	sdelay $0x1  }
0x19: {  	s24 =	simm.s32 $0x1B8B  }
0x1a: {  	_ =	swait.ge [sflag:s24], $0x1  }
0x1b: {  	[sflag:s24] =	ssyncset.done $0x0  }
0x1c: {  	s26 =	simm.s32 $0x1B8E;
	s25 =	sld [smem:$0x3FFE];
	[sflag:s24] =	ssyncadd.s32 $0xFFFFFFFF  }
0x1d: {  	s27 =	simm.s32 $execute0_lowered;
	[smem:$0x3FD2] =	sst s26  }
0x1e: {  	s5 =	sshll.u32 s27, $0x1;
	_ =	strace $0x80000049;
	[dreg:$0x1] =	wrdreg $0xFFFFFFFF  }
0x1f: {  	s28 =	simm.s32 $_size_execute0_lowered;
	s3 =	sadd.s32 s3, s5;
	[dreg:$0x0] =	wrdreg $0x0  }
0x20: {  	s5 =	sshll.u32 s28, $0x1;
	[dreg:$0x2] =	wrdreg s3  }
0x21: {  	[dreg:$0x3] =	wrdreg s5  }
0x22: {  	[dreg:$0x4] =	wrdreg $0xC0  }
0x23: {  	_ =	task [dreg:s7], $0x5FFFF  }
0x24: {  	[dreg:$0x1] =	wrdreg $0xFFFFFFFF  }
0x25: {  	[dreg:$0x0] =	wrdreg $0x60  }
0x26: {  	[dreg:$0x2] =	wrdreg s25  }
0x27: {  	[dreg:$0x3] =	wrdreg s2  }
0x28: {  	[dreg:$0x4] =	wrdreg $0x9  }
0x29: {  	_ =	task.clear_ibuf [dreg:s7], $0x5FFFF;
	_ =	strace $0x90000049  }
0x2a: {  	s29 =	simm.s32 $0x9;
	_ =	strace $0x8000004B  }
0x2b: {  	_ =	swait.ge [sflag:s29], $0x1  }
0x2c: {  	[sflag:s29] =	ssyncadd.s32 $0xFFFFFFFF  }
0x2d: {  	_ =	strace $0x9000004B  }
0x2e: {  	_ =	sfence  }
0x2f: {  	s30 =	sld [smem:$0x0];
	_ =	sdelay $0x2  }
0x30: {  	s31 =	sshll.u32 s1, $0xD;
	s1 =	sshrl.u32 s1, $0x2  }
0x31: {  	s3 =	sand.u32 $0x4000, s31;
	s1 =	sadd.s32 s1, s30  }
0x32: {  	s0 =	sor.u32 s3, s0;
	s1 =	sshll.u32 s1, $0x11  }
0x33: {  	s0 =	sor.u32 s1, s0  }
0x34: {  	s0 =	sadd.s32 $0x8F2B, s0  }
0x35: {  	[sflag:s0] =	ssyncadd.remote.s32 $0x1  }
0x36: {  	_ =	sfence.sel $0xFFFF  }
0x37: {  	[dreg:$0x0] =	wrdreg $0xFFFFFFFF;
	(pc) =	sbr.abs _section_cstart, $3  }
0x38: {  	[dreg:$0x1] =	wrdreg $0xFFFFFFFF  }
0x39: {  	_ =	task.clear_ibuf [dreg:s7], $0x2FFFF;
	_ =	strace $0x9FFFFFFF  }
0x3a: {  	(tm) =	ssettm $0x7FFFFFFF  }
0x3b: {  	_ =	shalt  }
tec
execute0_lowered:
.L_overlay_start_1:
0x0: {  	(tag) =	ssettag $0x1  }
0x1: {  	s0 =	stileid.u32;
	s1 =	srdreg.scid  }
0x2: {  	s2 =	sshll.u32 s0, $0x6;
	s1 =	sshll.u32 s1, $0xA  }
0x3: {  	s1 =	sor.u32 s2, s1  }
0x4: {  	s7 =	rddreg [dreg:$0x0];
	s1 =	sand.u32 $0x780, s1  }
0x5: {  	s8 =	simm.s32 $0x2;
	s2 =	sand.u32 $0x1, s0;
	s3 =	ssub.s32 $0x1000, s1  }
0x6: {  	s14 =	simm.s32 $0x0;
	s4 =	ssub.s32 $0x2, s2;
	s5 =	sand.u32 $0x780, s3  }
0x7: {  	s6 =	sshrl.u32 s4, $0x1;
	p0 =	sne.s32 s5, $0x0;
	s5 =	simm.s32 $0x1  }
0x8: {  	s4 =	sand.u32 $0x1, s4;
	s3 =	sshrl.u32 s3, $0xB;
	s5 =	simm.s32 @!p0 $0x0  }
0x9: {  	s9 =	simm.s32 $0x8000;
	s6 =	sadd.s32 s4, s6;
	s3 =	sadd.s32 s5, s3  }
0xa: {  	s15 =	simm.s32 $0x0;
	s16 =	simm.s32 $0x0;
	s6 =	smul.u32 s3, s6  }
.Ltmp0:
0xb: {  	s10 =	simm.s32 $0x0;
	s13 =	simm.s32 $0x0;
	(pc) =	sbr.rel .LBB1_1-.Ltmp0, $4  }
0xc: {  	s7 =	sadd.s32 $0xA00, s7;
	s4 =	rddreg [dreg:$0x1];
	s5 =	simm.s32 $0x1  }
0xd: {  	s3 =	rddreg [dreg:$0x2];
	_ =	strace $0x8000004A;
	s6 =	smul.u32 $0x32, s6  }
0xe: {  	s12 =	smov.u32 s2;
	s11 =	smov.u32 s1;
	[sflag:s5] =	ssyncpa.u1 $0x0  }
0xf: {  	p0 =	por $0x0, $0x0;
	[sflag:s8] =	ssyncpa.u1 $0x0;
	s8 =	sor.u32 $0x1, s6  }
.LBB1_4:
0x10: {  	s16 =	smul.u32 $0x190000, s16  }
0x11: {  	s19 =	sshll.u32 s15, $0x3;
	s20 =	sand.u32 $0x78, s15;
	s30 =	sand.u32 $0x7E00, s15  }
0x12: {  	s14 =	sshll.u32 s14, $0xF;
	s19 =	sand.u32 $0xC00, s19;
	s16 =	sadd.s32 s4, s16  }
0x13: {  	[tilespmem:s18+$0x810 ss:$0x81] =	vst.msk $0xffff, v2;
	s31 =	sand.u32 $0x7, s15;
	s19 =	sor.u32 s20, s19;
	s16 =	sadd.s32 s30, s16  }
0x14: {  	[tilespmem:s18+$0x1020 ss:$0x81] =	vst.msk $0xffff, v0;
	s15 =	sshll.u32 s31, $0x12;
	s19 =	sshrl.u32 s19, $0x3;
	s14 =	sadd.s32 s14, s16  }
0x15: {  	[tilespmem:s18+$0x0 ss:$0x81] =	vst.msk $0xffff, v1;
	s15 =	sor.u32 $0x400, s15;
	s14 =	sadd.s32 s19, s14  }
0x16: {  	[hbm4b:s14+s15] =	stream.strided.scatter [tilespmem:s17], [sflag:$0x2], $0x2000, s9, s15, $0x20;
	[tilespmem:$0x8080] =	vst v63  }
.LBB1_5:
0x17: {  	s17 =	sadd.s32 $0x1, s10  }
0x18: {  	s14 =	sadd.s32 $0x800, s11;
	s18 =	smov.u32 s11;
	p2 =	sgt.s32 s17, $0x31  }
0x19: {  	s18 =	smov.u32 @p2 s14  }
0x1a: {  	s20 =	smov.u32 s12;
	s14 =	sadd.s32 $0x2, s12;
	p3 =	sgt.s32 s18, $0xFFF  }
0x1b: {  	s20 =	smov.u32 @p3 s14  }
0x1c: {  	s17 =	simm.s32 @p2 $0x0;
	p2 =	sgt.s32 s20, $0x1  }
0x1d: {  	p1 =	slt.u32 s13, $0x2;
	s20 =	smov.u32 @p2 s2;
	p2 =	sne.s32 s13, s8  }
.Ltmp1:
0x1e: {  	s19 =	simm.s32 @!p1 $0x2;
	(pc) =	sbr.rel @!p2 .LBB1_6-.Ltmp1, $4  }
0x1f: {  	s15 =	smov.u32 s11;
	s16 =	smov.u32 s12;
	_ =	swait.ge @!p1 [sflag:s19], $0x2000  }
0x20: {  	p0 =	por !p0, !p0;
	[sflag:s19] =	ssyncset.done @!p1 $0x0;
	s18 =	smov.u32 @p3 s1  }
0x21: {  	s14 =	smov.u32 s10;
	[sflag:s19] =	ssyncadd.s32 @!p1 $0xFFFFE000;
	s10 =	smov.u32 s17  }
0x22: {  	s11 =	smov.u32 s18;
	s13 =	sadd.s32 $0x1, s13;
	s12 =	smov.u32 s20  }
.LBB1_1:
0x23: {  	p1 =	sge.u32 s13, s6  }
0x24: {  	s17 =	sand.u32 @!p1 $0x1FFFFFF, s10;
	s19 =	smul.u32 @!p1 $0x380000, s12  }
0x25: {  	s18 =	smulhi.u32 @!p1 $0x4924925, s17  }
0x26: {  	s21 =	smul.u32 @!p1 $0x380, s11  }
0x27: {  	s18 =	smul.u32 @!p1 $0x38, s18  }
0x28: {  	s31 =	sadd.s32 $0xFFFFFFFF, s13;
	s19 =	sadd.s32 @!p1 s7, s19  }
0x29: {  	s20 =	sxor.u32 @!p1 $0xFFFFFFFF, s13;
	s19 =	sadd.s32 @!p1 s21, s19;
	s17 =	ssub.s32 @!p1 s17, s18  }
0x2a: {  	s18 =	sshll.u32 @!p1 s20, $0xD;
	s20 =	simm.s32 @!p1 $0x1C00;
	s17 =	sshll.u32 @!p1 s17, $0x4  }
0x2b: {  	s18 =	sand.u32 @!p1 $0x2000, s18;
	s17 =	sadd.s32 @!p1 s17, s19;
	s19 =	simm.s32 @!p1 $0x40  }
0x2c: {  	[tilespmem:s18], [sflag:$0x1] =	stream.strided.gather @!p1 [hbm4b:s17+s19], $0x2000, s20, s19, $0x38;
	[tilespmem:$0x8080] =	vst v63  }
0x2d: {  	p1 =	sge.u32 s31, s6  }
.Ltmp2:
0x2e: {  	_ = 	snop;
	(pc) =	sbr.rel @p1 .LBB1_5-.Ltmp2, $1  }
0x2f: {  	_ =	sdelay $0x3  }
0x30: {  	s17 =	simm.s32 $0x1  }
0x31: {  	_ =	swait.ge [sflag:s5], $0x2000;
	s17 =	simm.s32 @!p0 $0x0  }
0x32: {  	[sflag:s5] =	ssyncset.done $0x0;
	s18 =	sshll.u32 s17, $0xD  }
0x33: {  	[sflag:s5] =	ssyncadd.s32 $0xFFFFE000;
	s21 =	sor.u32 $0x20, s18  }
0x34: {  	s17 =	smul.u32 $0x8100, s17;
	v3 =	vld [tilespmem:s21+$0x10]  }
0x35: {  	s30 =	sand.u32 $0x1, s13;
	v2 =	vld [tilespmem:s21+$0xFFFFFFF0]  }
0x36: {  	s18 =	smul.u32 $0x8100, s30;
	s17 =	sshrl.u32 s17, $0x2;
	v0 =	vld [tilespmem:s21+$0x0]  }
0x37: {  	v1 =	vld [tilespmem:s21+$0xFFFFFFE0];
	s19 =	sor.u32 $0x4000, s17  }
0x38: {  	s31 =	sshrl.u32 s18, $0x2;
	s18 =	sadd.s32 $0x0, s19  }
0x39: {  	s20 =	simm.s32 $0x4;
	s21 =	sadd.s32 $0x40, s21;
	s17 =	sor.u32 $0x4000, s31;
	[tilespmem:s18+$0x1830 ss:$0x81] =	vst.msk $0xffff, v3  }
.LBB1_3:
0x3a: {  	v3 =	vld [tilespmem:s21+$0x10];
	p1 =	sne.s32 s20, $0x1FC;
	[tilespmem:s18+$0x810 ss:$0x81] =	vst.msk $0xffff, v2;
	s22 =	smov.u32 s20;
	s20 =	sadd.s32 $0x4, s20  }
.Ltmp3:
0x3b: {  	v2 =	vld [tilespmem:s21+$0xFFFFFFF0];
	[tilespmem:s18+$0x1020 ss:$0x81] =	vst.msk $0xffff, v0;
	(pc) =	sbr.rel @p1 .LBB1_3-.Ltmp3, $4  }
0x3c: {  	v0 =	vld [tilespmem:s21+$0x0];
	[tilespmem:s18+$0x0 ss:$0x81] =	vst.msk $0xffff, v1  }
0x3d: {  	s18 =	sshra.s32 s22, $0x2;
	v1 =	vld [tilespmem:s21+$0xFFFFFFE0]  }
0x3e: {  	s18 =	sadd.s32 s18, s19  }
0x3f: {  	s21 =	sadd.s32 $0x40, s21;
	[tilespmem:s18+$0x1830 ss:$0x81] =	vst.msk $0xffff, v3  }
.Ltmp4:
0x40: {  	_ = 	snop;
	(pc) =	sbr.rel .LBB1_4-.Ltmp4, $1  }
0x41: {  	_ =	sdelay $0x3  }
.LBB1_6:
0x42: {  	_ =	sfence.sel $0x180000  }
0x43: {  	s1 =	simm.s32 $0x1;
	[bflag:$0x0] =	sbarrier.arrive $0xFFFF  }
0x44: {  	s31 =	simm.s32 $0x2;
	[sflag:s1] =	ssyncpa.u1 $0x1  }
0x45: {  	[sflag:s31] =	ssyncpa.u1 $0x1  }
0x46: {  	p0 =	sne.s32 s0, $0x0;
	_ =	strace $0x9000004A  }
0x47: {  	s0 =	sadd.s32 @!p0 $0x100000, s3;
	[bflag:$0x2] =	sbarrier.arrive $0xFFFF  }
0x48: {  	[sflag:s0] =	ssyncadd.tile.s32 @!p0 $0x1;
	_ =	shalt  }
.Lfunc_end1:
_tile_overlayer_lowered:
.L_overlay_start_2:
0x49: {  	(tag) =	ssettag $0x2  }
0x4a: {  	s0 =	rddreg [dreg:$0x0];
	s2 =	stileid.u32  }
0x4b: {  	s1 =	rddreg [dreg:$0x1];
	p0 =	sne.s32 s2, $0x0  }
0x4c: {  	s3 =	rddreg [dreg:$0x2];
	[bflag:$0x3] =	sbarrier.arrive $0xFFFF;
	s2 =	simm.s32 @!p0 $0x1C01  }
0x4d: {  	[timem:s3], [sflag:s2] =	dma.local @!p0 [hbm:s0], s1  }
0x4e: {  	s0 =	simm.s32 @!p0 $0x1  }
0x4f: {  	_ =	swait.ge @!p0 [sflag:s0], s1  }
0x50: {  	s1 =	ssub.s32 @!p0 $0x0, s1;
	[sflag:s0] =	ssyncset.done @!p0 $0x0  }
0x51: {  	[sflag:s0] =	ssyncadd.s32 @!p0 s1  }
0x52: {  	[bflag:$0x3] =	sbarrier.arrive $0xFFFF  }
0x53: {  	_ =	shalt  }

</sc_bundles>
